<compile_context>
chip_gen: v7x
topology: tpu7x:2x2x1
jax: 0.10.2.dev20260603
libtpu: 0.0.44.dev20260713+nightly
codegen_flags: <defaults>
</compile_context>

<pallas_src>
import jax
import jax.numpy as jnp
from jax import lax
from jax.experimental import pallas as pl
from jax.experimental.pallas import tpu as pltpu
from jax.experimental.pallas import tpu_sc as plsc

VOCAB = 1000000
EMBED_DIM = 64
BATCH = 16384
TITLE_LEN = 20

NUM_CORES = 2
NUM_SUBCORES = 16
LANES = 16
NUM_WORKERS = NUM_CORES * NUM_SUBCORES

LINE_W = 128
B_PER_W = BATCH // NUM_WORKERS
TOK_PER_W = B_PER_W * TITLE_LEN
GATHER_N = 64
CB = 16
TOK_PER_CHUNK = CB * TITLE_LEN
GATHERS_PER_CHUNK = TOK_PER_CHUNK // GATHER_N
NSTEPS = B_PER_W // CB
D_SLICES = EMBED_DIM // LANES

TCHUNK = 4096
H = TCHUNK // 2
NBLK = pl.cdiv(VOCAB, TCHUNK)
NLINES = NBLK * H


def _t_body(tT_ref, out_ref):
    x = tT_ref[...].astype(jnp.bfloat16)
    c = jnp.concatenate([x[:, 0:H], x[:, H:TCHUNK]], axis=0)
    eye = (lax.broadcasted_iota(jnp.int32, (LINE_W, LINE_W), 0) ==
           lax.broadcasted_iota(jnp.int32, (LINE_W, LINE_W), 1)
           ).astype(jnp.bfloat16)
    dn = (((0,), (0,)), ((), ()))
    out_ref[...] = lax.dot_general(c, eye, dn,
                                   preferred_element_type=jnp.float32)


def _to_packed_lines(tableT):
    return pl.pallas_call(
        _t_body,
        grid=(NBLK,),
        in_specs=[pl.BlockSpec((EMBED_DIM, TCHUNK), lambda i: (0, i))],
        out_specs=pl.BlockSpec((H, LINE_W), lambda i: (i, 0)),
        out_shape=jax.ShapeDtypeStruct((NLINES, LINE_W), jnp.float32),
    )(tableT)


def _body(titleT_hbm, table_hbm, out_hbm, tv_v, idx_v, rows_v, out_v,
          gsem0, gsem1):
    wid = lax.axis_index("s") * NUM_CORES + lax.axis_index("c")

    pltpu.sync_copy(titleT_hbm.at[:, pl.ds(wid * B_PER_W, B_PER_W)], tv_v)

    lane20 = lax.iota(jnp.int32, LANES) * TITLE_LEN

    def idx_body(g, carry):
        t = g // (B_PER_W // LANES)
        c0 = (g % (B_PER_W // LANES)) * LANES
        v = tv_v[t, pl.ds(c0, LANES)]
        packed = (((v >> 12) << 12) | ((v & (H - 1)) << 1) | ((v >> 11) & 1))
        pos = lane20 + (c0 * TITLE_LEN + t)
        plsc.store_scatter(idx_v, [pos], packed)
        return carry

    lax.fori_loop(0, TOK_PER_W // LANES, idx_body, 0)

    gsems = (gsem0, gsem1)

    def start_chunk(s, buf):
        for g in range(GATHERS_PER_CHUNK):
            pltpu.async_copy(
                table_hbm.at[idx_v.at[pl.ds(s * TOK_PER_CHUNK + g * GATHER_N,
                                            GATHER_N)]],
                rows_v.at[buf, pl.ds(g * GATHER_N, GATHER_N), :],
                gsems[buf])

    def wait_chunk(buf):
        for g in range(GATHERS_PER_CHUNK):
            pltpu.make_async_copy(
                table_hbm.at[idx_v.at[pl.ds(0, GATHER_N)]],
                rows_v.at[buf, pl.ds(g * GATHER_N, GATHER_N), :],
                gsems[buf]).wait()

    def reduce_chunk(s, buf):
        rows = rows_v.at[buf]
        inv_l = jnp.float32(1.0 / TITLE_LEN)

        def body(b, carry):
            tok = b * TITLE_LEN
            for d in range(D_SLICES):
                sl = pl.ds(d * LANES, LANES)
                vals = [rows[tok + t, sl] for t in range(TITLE_LEN)]
                while len(vals) > 1:
                    nxt = [vals[i] + vals[i + 1] for i in range(0, len(vals) - 1, 2)]
                    if len(vals) % 2:
                        nxt.append(vals[-1])
                    vals = nxt
                out_v[s * CB + b, sl] = vals[0] * inv_l
            return carry

        lax.fori_loop(0, CB, body, 0)

    start_chunk(0, 0)
    start_chunk(1, 1)
    wait_chunk(0)
    reduce_chunk(0, 0)
    start_chunk(2, 0)
    wait_chunk(1)
    reduce_chunk(1, 1)

    def outer(k, carry):
        s0 = 2 * k
        start_chunk(s0 + 1, 1)
        wait_chunk(0)
        reduce_chunk(s0, 0)

        @pl.when(k < NSTEPS // 2 - 1)
        def _():
            start_chunk(s0 + 2, 0)
        wait_chunk(1)
        reduce_chunk(s0 + 1, 1)
        return carry

    lax.fori_loop(1, NSTEPS // 2, outer, 0)

    pltpu.sync_copy(out_v, out_hbm.at[pl.ds(wid * B_PER_W, B_PER_W), :])


@jax.jit
def kernel(title, word_emb_table):
    titleT = jnp.transpose(title.astype(jnp.int32))
    table_rm = _to_packed_lines(word_emb_table.T).reshape(2 * NLINES, EMBED_DIM)
    mesh = plsc.VectorSubcoreMesh(core_axis_name="c", subcore_axis_name="s")
    f = pl.kernel(
        _body,
        out_type=jax.ShapeDtypeStruct((BATCH, EMBED_DIM), jnp.float32),
        mesh=mesh,
        scratch_types=[
            pltpu.VMEM((TITLE_LEN, B_PER_W), jnp.int32),
            pltpu.VMEM((TOK_PER_W,), jnp.int32),
            pltpu.VMEM((2, TOK_PER_CHUNK, EMBED_DIM), jnp.float32),
            pltpu.VMEM((B_PER_W, EMBED_DIM), jnp.float32),
            pltpu.SemaphoreType.DMA,
            pltpu.SemaphoreType.DMA,
        ],
        compiler_params=pltpu.CompilerParams(use_tc_tiling_on_sc=False,
                                             needs_layout_passes=False),
    )
    return f(titleT, table_rm)

# --- scband reference (transcript-rebuilt; emitter-appended) ---
"""Pipeline reference for scband-title-encoder-72404558676682 (READ-ONLY COPY).

The authoritative reference and input builder live on the scoring server;
editing this copy changes nothing except your own understanding.
"""

import jax, jax.numpy as jnp
import numpy as np

VOCAB = 1000000
EMBED_DIM = 64
BATCH = 16384
TITLE_LEN = 20


def setup_inputs(seed: int = 0) -> dict:
    key = jax.random.key(seed)
    k1, k2 = jax.random.split(key)
    title = jax.random.randint(k1, (BATCH, TITLE_LEN), 0, VOCAB, dtype=jnp.int64 if jax.config.jax_enable_x64 else jnp.int32)
    word_emb_table = jax.random.normal(k2, (VOCAB, EMBED_DIM), dtype=jnp.float32) * 0.02
    return {"title": title, "word_emb_table": word_emb_table}


def reference(title, word_emb_table):
    # word_emb(title): embedding lookup [B, L] -> [B, L, D]
    emb = jnp.take(word_emb_table, title, axis=0)
    # melt.layers.Pooling('mean'): mean-pool over token axis -> [B, D]
    out = jnp.mean(emb, axis=1)
    return out

if __name__ == "__main__":
    import jax
    _d = setup_inputs()
    print(jax.jit(kernel)(*tuple(_d.values())))

</pallas_src>

<mosaic_0001>
#map = affine_map<(d0, d1) -> (0, 0)>
module attributes {stable_mosaic.version = 14 : i64} {
  func.func @_body(%arg0: i32, %arg1: i32, %arg2: memref<20x16384xi32, #tpu.memory_space<hbm>>, %arg3: memref<1003520x64xf32, #tpu.memory_space<hbm>>, %arg4: memref<16384x64xf32, #tpu.memory_space<hbm>>, %arg5: memref<20x512xi32, #tpu.memory_space<vmem>>, %arg6: memref<10240xi32, #tpu.memory_space<vmem>>, %arg7: memref<2x320x64xf32, #tpu.memory_space<vmem>>, %arg8: memref<512x64xf32, #tpu.memory_space<vmem>>, %arg9: memref<!tpu.dma_semaphore, #tpu.memory_space<semaphore_mem>>, %arg10: memref<!tpu.dma_semaphore, #tpu.memory_space<semaphore_mem>>) attributes {dimension_semantics = [#tpu.dimension_semantics<core_parallel>, #tpu.dimension_semantics<subcore_parallel>], iteration_bounds = array<i64: 2, 16>, scalar_prefetch = 0 : i64, scratch_operands = 6 : i64, tpu.core_type = #tpu.core_type<sc_vector_subcore>, window_params = [{transform_indices = #map}, {transform_indices = #map}, {transform_indices = #map}]} {
    %mul3A = arith.constant 2 : i32
    %mul3A_0 = arith.muli %arg1, %mul3A : i32
    %add3A = arith.addi %mul3A_0, %arg0 : i32
    %mul3A_1 = arith.constant 512 : i32
    %mul3A_2 = arith.muli %add3A, %mul3A_1 : i32
    "tpu.region"() ({
      %run_scoped3A = tpu.sem_alloc : memref<!tpu.dma_semaphore, #tpu.memory_space<semaphore_mem>>
      %dma_start3A_283 = arith.constant 0 : i32
      %dma_start3A_284 = tpu.memref_slice %arg2[%dma_start3A_283, %mul3A_2] : memref<20x16384xi32, #tpu.memory_space<hbm>> -> memref<20x512xi32, #tpu.memory_space<hbm>>
      %dma_start3A_285 = arith.constant 0 : i32
      %dma_start3A_286 = tpu.memref_slice %arg2[%dma_start3A_285, %mul3A_2] : memref<20x16384xi32, #tpu.memory_space<hbm>> -> memref<20x512xi32, #tpu.memory_space<hbm>>
      tpu.enqueue_dma source(%dma_start3A_286 : memref<20x512xi32, #tpu.memory_space<hbm>>) target(%arg5 : memref<20x512xi32, #tpu.memory_space<vmem>>) target_semaphore(%run_scoped3A : memref<!tpu.dma_semaphore, #tpu.memory_space<semaphore_mem>>)
      %dma_wait3A_287 = arith.constant 0 : i32
      %dma_wait3A_288 = tpu.memref_slice %arg2[%dma_wait3A_287, %mul3A_2] : memref<20x16384xi32, #tpu.memory_space<hbm>> -> memref<20x512xi32, #tpu.memory_space<hbm>>
      %dma_wait3A_289 = arith.constant 0 : i32
      %dma_wait3A_290 = tpu.memref_slice %arg2[%dma_wait3A_289, %mul3A_2] : memref<20x16384xi32, #tpu.memory_space<hbm>> -> memref<20x512xi32, #tpu.memory_space<hbm>>
      tpu.wait_dma2 semaphore(%run_scoped3A : memref<!tpu.dma_semaphore, #tpu.memory_space<semaphore_mem>>) src(%dma_wait3A_290 : memref<20x512xi32, #tpu.memory_space<hbm>>) dst(%arg5 : memref<20x512xi32, #tpu.memory_space<vmem>>)
      tpu.yield
    }) : () -> ()
    %iota3A = tpu.iota {dimensions = array<i32: 0>} : vector<16xi32>
    %mul3A_3 = arith.constant 20 : i32
    %mul3A_4 = vector.broadcast %mul3A_3 : i32 to vector<16xi32>
    %mul3A_5 = arith.muli %iota3A, %mul3A_4 : vector<16xi32>
    %scan3A = arith.constant 0 : i32
    %scan3A_6 = arith.constant 0 : i32
    %scan3A_7 = arith.constant 640 : i32
    %scan3A_8 = arith.addi %scan3A_6, %scan3A_7 : i32
    %scan3A_9 = arith.constant 1 : i32
    scf.for %scan3A_283 = %scan3A_6 to %scan3A_8 step %scan3A_9  : i32 {
      %jit3A = arith.constant 32 : i32
      %div3A = arith.divsi %scan3A_283, %jit3A : i32
      %sign3A = arith.constant 0 : i32
      %sign3A_284 = arith.cmpi sgt, %scan3A_283, %sign3A : i32
      %sign3A_285 = arith.extui %sign3A_284 : i1 to i32
      %sign3A_286 = arith.constant 0 : i32
      %sign3A_287 = arith.cmpi slt, %scan3A_283, %sign3A_286 : i32
      %sign3A_288 = arith.extui %sign3A_287 : i1 to i32
      %sign3A_289 = arith.subi %sign3A_285, %sign3A_288 : i32
      %sign3A_290 = arith.constant 0 : i32
      %sign3A_291 = arith.cmpi sgt, %jit3A, %sign3A_290 : i32
      %sign3A_292 = arith.extui %sign3A_291 : i1 to i32
      %sign3A_293 = arith.constant 0 : i32
      %sign3A_294 = arith.cmpi slt, %jit3A, %sign3A_293 : i32
      %sign3A_295 = arith.extui %sign3A_294 : i1 to i32
      %sign3A_296 = arith.subi %sign3A_292, %sign3A_295 : i32
      %ne3A = arith.cmpi ne, %sign3A_289, %sign3A_296 : i32
      %rem3A = arith.remsi %scan3A_283, %jit3A : i32
      %ne3A_297 = arith.constant 0 : i32
      %ne3A_298 = arith.cmpi ne, %rem3A, %ne3A_297 : i32
      %and3A = arith.andi %ne3A, %ne3A_298 : i1
      %sub3A = arith.constant 1 : i32
      %sub3A_299 = arith.subi %div3A, %sub3A : i32
      %select_n3A = arith.select %and3A, %sub3A_299, %div3A : i32
      %jit3A_300 = arith.constant 32 : i32
      %eq3A = arith.constant 0 : i32
      %eq3A_301 = arith.cmpi eq, %jit3A_300, %eq3A : i32
      %jit3A_302 = arith.constant 1 : i32
      %select_n3A_303 = arith.select %eq3A_301, %jit3A_302, %jit3A_300 : i32
      %rem3A_304 = arith.remsi %scan3A_283, %select_n3A_303 : i32
      %ne3A_305 = arith.constant 0 : i32
      %ne3A_306 = arith.cmpi ne, %rem3A_304, %ne3A_305 : i32
      %lt3A = arith.constant 0 : i32
      %lt3A_307 = arith.cmpi slt, %rem3A_304, %lt3A : i32
      %lt3A_308 = arith.constant 0 : i32
      %lt3A_309 = arith.cmpi slt, %select_n3A_303, %lt3A_308 : i32
      %ne3A_310 = arith.xori %lt3A_307, %lt3A_309 : i1
      %and3A_311 = arith.andi %ne3A_310, %ne3A_306 : i1
      %add3A_312 = arith.addi %rem3A_304, %select_n3A_303 : i32
      %select_n3A_313 = arith.select %and3A_311, %add3A_312, %rem3A_304 : i32
      %mul3A_314 = arith.constant 16 : i32
      %mul3A_315 = arith.muli %select_n3A_313, %mul3A_314 : i32
      %get3A = arith.index_cast %select_n3A : i32 to index
      %get3A_316 = arith.index_cast %mul3A_315 : i32 to index
      %get3A_317 = tpu.vector_load %arg5[%get3A, %get3A_316] {strides = array<i32>} : memref<20x512xi32, #tpu.memory_space<vmem>>, vector<16xi32>,
      %shift_right_arithmetic3A = arith.constant 12 : i32
      %shift_right_arithmetic3A_318 = vector.broadcast %shift_right_arithmetic3A : i32 to vector<16xi32>
      %shift_right_arithmetic3A_319 = arith.shrsi %get3A_317, %shift_right_arithmetic3A_318 : vector<16xi32>
      %shift_left3A = arith.constant 12 : i32
      %shift_left3A_320 = vector.broadcast %shift_left3A : i32 to vector<16xi32>
      %shift_left3A_321 = arith.shli %shift_right_arithmetic3A_319, %shift_left3A_320 : vector<16xi32>
      %and3A_322 = arith.constant 2047 : i32
      %and3A_323 = vector.broadcast %and3A_322 : i32 to vector<16xi32>
      %and3A_324 = arith.andi %get3A_317, %and3A_323 : vector<16xi32>
      %shift_left3A_325 = arith.constant 1 : i32
      %shift_left3A_326 = vector.broadcast %shift_left3A_325 : i32 to vector<16xi32>
      %shift_left3A_327 = arith.shli %and3A_324, %shift_left3A_326 : vector<16xi32>
      %or3A = arith.ori %shift_left3A_321, %shift_left3A_327 : vector<16xi32>
      %shift_right_arithmetic3A_328 = arith.constant 11 : i32
      %shift_right_arithmetic3A_329 = vector.broadcast %shift_right_arithmetic3A_328 : i32 to vector<16xi32>
      %shift_right_arithmetic3A_330 = arith.shrsi %get3A_317, %shift_right_arithmetic3A_329 : vector<16xi32>
      %and3A_331 = arith.constant 1 : i32
      %and3A_332 = vector.broadcast %and3A_331 : i32 to vector<16xi32>
      %and3A_333 = arith.andi %shift_right_arithmetic3A_330, %and3A_332 : vector<16xi32>
      %or3A_334 = arith.ori %or3A, %and3A_333 : vector<16xi32>
      %mul3A_335 = arith.constant 20 : i32
      %mul3A_336 = arith.muli %mul3A_315, %mul3A_335 : i32
      %add3A_337 = arith.addi %mul3A_336, %select_n3A : i32
      %add3A_338 = vector.broadcast %add3A_337 : i32 to vector<16xi32>
      %add3A_339 = arith.addi %mul3A_5, %add3A_338 : vector<16xi32>
      tpu.vector_store_idx %arg6[%add3A_339], %or3A_334 : memref<10240xi32, #tpu.memory_space<vmem>>[vector<16xi32>], vector<16xi32>,
    }
    %scan3A_10 = arith.constant 640 : i32
    %dma_start3A = arith.constant 0 : i32
    %dma_start3A_11 = arith.constant 0 : i32
    %dma_start3A_12 = arith.constant 0 : i32
    %dma_start3A_13 = tpu.memref_slice %arg7[%dma_start3A, %dma_start3A_11, %dma_start3A_12] : memref<2x320x64xf32, #tpu.memory_space<vmem>> -> memref<1x64x64xf32, #tpu.memory_space<vmem>>
    %dma_start3A_14 = tpu.memref_squeeze %dma_start3A_13 : memref<1x64x64xf32, #tpu.memory_space<vmem>> -> memref<64x64xf32, #tpu.memory_space<vmem>>
    %dma_start3A_15 = arith.constant 0 : i32
    %dma_start3A_16 = tpu.memref_slice %arg6[%dma_start3A_15] : memref<10240xi32, #tpu.memory_space<vmem>> -> memref<64xi32, #tpu.memory_space<vmem>>
    %dma_start3A_17 = arith.constant 0 : i32
    %dma_start3A_18 = arith.constant 0 : i32
    %dma_start3A_19 = tpu.memref_slice %arg3[%dma_start3A_17, %dma_start3A_18] : memref<1003520x64xf32, #tpu.memory_space<hbm>> -> memref<1003520x64xf32, #tpu.memory_space<hbm>>
    tpu.enqueue_indirect_dma source(%dma_start3A_19 : memref<1003520x64xf32, #tpu.memory_space<hbm>>) target(%dma_start3A_14 : memref<64x64xf32, #tpu.memory_space<vmem>>) offsets(%dma_start3A_16 : memref<64xi32, #tpu.memory_space<vmem>>) semaphore(%arg9 : memref<!tpu.dma_semaphore, #tpu.memory_space<semaphore_mem>>)
    %dma_start3A_20 = arith.constant 0 : i32
    %dma_start3A_21 = arith.constant 64 : i32
    %dma_start3A_22 = arith.constant 0 : i32
    %dma_start3A_23 = tpu.memref_slice %arg7[%dma_start3A_20, %dma_start3A_21, %dma_start3A_22] : memref<2x320x64xf32, #tpu.memory_space<vmem>> -> memref<1x64x64xf32, #tpu.memory_space<vmem>>
    %dma_start3A_24 = tpu.memref_squeeze %dma_start3A_23 : memref<1x64x64xf32, #tpu.memory_space<vmem>> -> memref<64x64xf32, #tpu.memory_space<vmem>>
    %dma_start3A_25 = arith.constant 64 : i32
    %dma_start3A_26 = tpu.memref_slice %arg6[%dma_start3A_25] : memref<10240xi32, #tpu.memory_space<vmem>> -> memref<64xi32, #tpu.memory_space<vmem>>
    %dma_start3A_27 = arith.constant 0 : i32
    %dma_start3A_28 = arith.constant 0 : i32
    %dma_start3A_29 = tpu.memref_slice %arg3[%dma_start3A_27, %dma_start3A_28] : memref<1003520x64xf32, #tpu.memory_space<hbm>> -> memref<1003520x64xf32, #tpu.memory_space<hbm>>
    tpu.enqueue_indirect_dma source(%dma_start3A_29 : memref<1003520x64xf32, #tpu.memory_space<hbm>>) target(%dma_start3A_24 : memref<64x64xf32, #tpu.memory_space<vmem>>) offsets(%dma_start3A_26 : memref<64xi32, #tpu.memory_space<vmem>>) semaphore(%arg9 : memref<!tpu.dma_semaphore, #tpu.memory_space<semaphore_mem>>)
    %dma_start3A_30 = arith.constant 0 : i32
    %dma_start3A_31 = arith.constant 128 : i32
    %dma_start3A_32 = arith.constant 0 : i32
    %dma_start3A_33 = tpu.memref_slice %arg7[%dma_start3A_30, %dma_start3A_31, %dma_start3A_32] : memref<2x320x64xf32, #tpu.memory_space<vmem>> -> memref<1x64x64xf32, #tpu.memory_space<vmem>>
    %dma_start3A_34 = tpu.memref_squeeze %dma_start3A_33 : memref<1x64x64xf32, #tpu.memory_space<vmem>> -> memref<64x64xf32, #tpu.memory_space<vmem>>
    %dma_start3A_35 = arith.constant 128 : i32
    %dma_start3A_36 = tpu.memref_slice %arg6[%dma_start3A_35] : memref<10240xi32, #tpu.memory_space<vmem>> -> memref<64xi32, #tpu.memory_space<vmem>>
    %dma_start3A_37 = arith.constant 0 : i32
    %dma_start3A_38 = arith.constant 0 : i32
    %dma_start3A_39 = tpu.memref_slice %arg3[%dma_start3A_37, %dma_start3A_38] : memref<1003520x64xf32, #tpu.memory_space<hbm>> -> memref<1003520x64xf32, #tpu.memory_space<hbm>>
    tpu.enqueue_indirect_dma source(%dma_start3A_39 : memref<1003520x64xf32, #tpu.memory_space<hbm>>) target(%dma_start3A_34 : memref<64x64xf32, #tpu.memory_space<vmem>>) offsets(%dma_start3A_36 : memref<64xi32, #tpu.memory_space<vmem>>) semaphore(%arg9 : memref<!tpu.dma_semaphore, #tpu.memory_space<semaphore_mem>>)
    %dma_start3A_40 = arith.constant 0 : i32
    %dma_start3A_41 = arith.constant 192 : i32
    %dma_start3A_42 = arith.constant 0 : i32
    %dma_start3A_43 = tpu.memref_slice %arg7[%dma_start3A_40, %dma_start3A_41, %dma_start3A_42] : memref<2x320x64xf32, #tpu.memory_space<vmem>> -> memref<1x64x64xf32, #tpu.memory_space<vmem>>
    %dma_start3A_44 = tpu.memref_squeeze %dma_start3A_43 : memref<1x64x64xf32, #tpu.memory_space<vmem>> -> memref<64x64xf32, #tpu.memory_space<vmem>>
    %dma_start3A_45 = arith.constant 192 : i32
    %dma_start3A_46 = tpu.memref_slice %arg6[%dma_start3A_45] : memref<10240xi32, #tpu.memory_space<vmem>> -> memref<64xi32, #tpu.memory_space<vmem>>
    %dma_start3A_47 = arith.constant 0 : i32
    %dma_start3A_48 = arith.constant 0 : i32
    %dma_start3A_49 = tpu.memref_slice %arg3[%dma_start3A_47, %dma_start3A_48] : memref<1003520x64xf32, #tpu.memory_space<hbm>> -> memref<1003520x64xf32, #tpu.memory_space<hbm>>
    tpu.enqueue_indirect_dma source(%dma_start3A_49 : memref<1003520x64xf32, #tpu.memory_space<hbm>>) target(%dma_start3A_44 : memref<64x64xf32, #tpu.memory_space<vmem>>) offsets(%dma_start3A_46 : memref<64xi32, #tpu.memory_space<vmem>>) semaphore(%arg9 : memref<!tpu.dma_semaphore, #tpu.memory_space<semaphore_mem>>)
    %dma_start3A_50 = arith.constant 0 : i32
    %dma_start3A_51 = arith.constant 256 : i32
    %dma_start3A_52 = arith.constant 0 : i32
    %dma_start3A_53 = tpu.memref_slice %arg7[%dma_start3A_50, %dma_start3A_51, %dma_start3A_52] : memref<2x320x64xf32, #tpu.memory_space<vmem>> -> memref<1x64x64xf32, #tpu.memory_space<vmem>>
    %dma_start3A_54 = tpu.memref_squeeze %dma_start3A_53 : memref<1x64x64xf32, #tpu.memory_space<vmem>> -> memref<64x64xf32, #tpu.memory_space<vmem>>
    %dma_start3A_55 = arith.constant 256 : i32
    %dma_start3A_56 = tpu.memref_slice %arg6[%dma_start3A_55] : memref<10240xi32, #tpu.memory_space<vmem>> -> memref<64xi32, #tpu.memory_space<vmem>>
    %dma_start3A_57 = arith.constant 0 : i32
    %dma_start3A_58 = arith.constant 0 : i32
    %dma_start3A_59 = tpu.memref_slice %arg3[%dma_start3A_57, %dma_start3A_58] : memref<1003520x64xf32, #tpu.memory_space<hbm>> -> memref<1003520x64xf32, #tpu.memory_space<hbm>>
    tpu.enqueue_indirect_dma source(%dma_start3A_59 : memref<1003520x64xf32, #tpu.memory_space<hbm>>) target(%dma_start3A_54 : memref<64x64xf32, #tpu.memory_space<vmem>>) offsets(%dma_start3A_56 : memref<64xi32, #tpu.memory_space<vmem>>) semaphore(%arg9 : memref<!tpu.dma_semaphore, #tpu.memory_space<semaphore_mem>>)
    %dma_start3A_60 = arith.constant 1 : i32
    %dma_start3A_61 = arith.constant 0 : i32
    %dma_start3A_62 = arith.constant 0 : i32
    %dma_start3A_63 = tpu.memref_slice %arg7[%dma_start3A_60, %dma_start3A_61, %dma_start3A_62] : memref<2x320x64xf32, #tpu.memory_space<vmem>> -> memref<1x64x64xf32, #tpu.memory_space<vmem>>
    %dma_start3A_64 = tpu.memref_squeeze %dma_start3A_63 : memref<1x64x64xf32, #tpu.memory_space<vmem>> -> memref<64x64xf32, #tpu.memory_space<vmem>>
    %dma_start3A_65 = arith.constant 320 : i32
    %dma_start3A_66 = tpu.memref_slice %arg6[%dma_start3A_65] : memref<10240xi32, #tpu.memory_space<vmem>> -> memref<64xi32, #tpu.memory_space<vmem>>
    %dma_start3A_67 = arith.constant 0 : i32
    %dma_start3A_68 = arith.constant 0 : i32
    %dma_start3A_69 = tpu.memref_slice %arg3[%dma_start3A_67, %dma_start3A_68] : memref<1003520x64xf32, #tpu.memory_space<hbm>> -> memref<1003520x64xf32, #tpu.memory_space<hbm>>
    tpu.enqueue_indirect_dma source(%dma_start3A_69 : memref<1003520x64xf32, #tpu.memory_space<hbm>>) target(%dma_start3A_64 : memref<64x64xf32, #tpu.memory_space<vmem>>) offsets(%dma_start3A_66 : memref<64xi32, #tpu.memory_space<vmem>>) semaphore(%arg10 : memref<!tpu.dma_semaphore, #tpu.memory_space<semaphore_mem>>)
    %dma_start3A_70 = arith.constant 1 : i32
    %dma_start3A_71 = arith.constant 64 : i32
    %dma_start3A_72 = arith.constant 0 : i32
    %dma_start3A_73 = tpu.memref_slice %arg7[%dma_start3A_70, %dma_start3A_71, %dma_start3A_72] : memref<2x320x64xf32, #tpu.memory_space<vmem>> -> memref<1x64x64xf32, #tpu.memory_space<vmem>>
    %dma_start3A_74 = tpu.memref_squeeze %dma_start3A_73 : memref<1x64x64xf32, #tpu.memory_space<vmem>> -> memref<64x64xf32, #tpu.memory_space<vmem>>
    %dma_start3A_75 = arith.constant 384 : i32
    %dma_start3A_76 = tpu.memref_slice %arg6[%dma_start3A_75] : memref<10240xi32, #tpu.memory_space<vmem>> -> memref<64xi32, #tpu.memory_space<vmem>>
    %dma_start3A_77 = arith.constant 0 : i32
    %dma_start3A_78 = arith.constant 0 : i32
    %dma_start3A_79 = tpu.memref_slice %arg3[%dma_start3A_77, %dma_start3A_78] : memref<1003520x64xf32, #tpu.memory_space<hbm>> -> memref<1003520x64xf32, #tpu.memory_space<hbm>>
    tpu.enqueue_indirect_dma source(%dma_start3A_79 : memref<1003520x64xf32, #tpu.memory_space<hbm>>) target(%dma_start3A_74 : memref<64x64xf32, #tpu.memory_space<vmem>>) offsets(%dma_start3A_76 : memref<64xi32, #tpu.memory_space<vmem>>) semaphore(%arg10 : memref<!tpu.dma_semaphore, #tpu.memory_space<semaphore_mem>>)
    %dma_start3A_80 = arith.constant 1 : i32
    %dma_start3A_81 = arith.constant 128 : i32
    %dma_start3A_82 = arith.constant 0 : i32
    %dma_start3A_83 = tpu.memref_slice %arg7[%dma_start3A_80, %dma_start3A_81, %dma_start3A_82] : memref<2x320x64xf32, #tpu.memory_space<vmem>> -> memref<1x64x64xf32, #tpu.memory_space<vmem>>
    %dma_start3A_84 = tpu.memref_squeeze %dma_start3A_83 : memref<1x64x64xf32, #tpu.memory_space<vmem>> -> memref<64x64xf32, #tpu.memory_space<vmem>>
    %dma_start3A_85 = arith.constant 448 : i32
    %dma_start3A_86 = tpu.memref_slice %arg6[%dma_start3A_85] : memref<10240xi32, #tpu.memory_space<vmem>> -> memref<64xi32, #tpu.memory_space<vmem>>
    %dma_start3A_87 = arith.constant 0 : i32
    %dma_start3A_88 = arith.constant 0 : i32
    %dma_start3A_89 = tpu.memref_slice %arg3[%dma_start3A_87, %dma_start3A_88] : memref<1003520x64xf32, #tpu.memory_space<hbm>> -> memref<1003520x64xf32, #tpu.memory_space<hbm>>
    tpu.enqueue_indirect_dma source(%dma_start3A_89 : memref<1003520x64xf32, #tpu.memory_space<hbm>>) target(%dma_start3A_84 : memref<64x64xf32, #tpu.memory_space<vmem>>) offsets(%dma_start3A_86 : memref<64xi32, #tpu.memory_space<vmem>>) semaphore(%arg10 : memref<!tpu.dma_semaphore, #tpu.memory_space<semaphore_mem>>)
    %dma_start3A_90 = arith.constant 1 : i32
    %dma_start3A_91 = arith.constant 192 : i32
    %dma_start3A_92 = arith.constant 0 : i32
    %dma_start3A_93 = tpu.memref_slice %arg7[%dma_start3A_90, %dma_start3A_91, %dma_start3A_92] : memref<2x320x64xf32, #tpu.memory_space<vmem>> -> memref<1x64x64xf32, #tpu.memory_space<vmem>>
    %dma_start3A_94 = tpu.memref_squeeze %dma_start3A_93 : memref<1x64x64xf32, #tpu.memory_space<vmem>> -> memref<64x64xf32, #tpu.memory_space<vmem>>
    %dma_start3A_95 = arith.constant 512 : i32
    %dma_start3A_96 = tpu.memref_slice %arg6[%dma_start3A_95] : memref<10240xi32, #tpu.memory_space<vmem>> -> memref<64xi32, #tpu.memory_space<vmem>>
    %dma_start3A_97 = arith.constant 0 : i32
    %dma_start3A_98 = arith.constant 0 : i32
    %dma_start3A_99 = tpu.memref_slice %arg3[%dma_start3A_97, %dma_start3A_98] : memref<1003520x64xf32, #tpu.memory_space<hbm>> -> memref<1003520x64xf32, #tpu.memory_space<hbm>>
    tpu.enqueue_indirect_dma source(%dma_start3A_99 : memref<1003520x64xf32, #tpu.memory_space<hbm>>) target(%dma_start3A_94 : memref<64x64xf32, #tpu.memory_space<vmem>>) offsets(%dma_start3A_96 : memref<64xi32, #tpu.memory_space<vmem>>) semaphore(%arg10 : memref<!tpu.dma_semaphore, #tpu.memory_space<semaphore_mem>>)
    %dma_start3A_100 = arith.constant 1 : i32
    %dma_start3A_101 = arith.constant 256 : i32
    %dma_start3A_102 = arith.constant 0 : i32
    %dma_start3A_103 = tpu.memref_slice %arg7[%dma_start3A_100, %dma_start3A_101, %dma_start3A_102] : memref<2x320x64xf32, #tpu.memory_space<vmem>> -> memref<1x64x64xf32, #tpu.memory_space<vmem>>
    %dma_start3A_104 = tpu.memref_squeeze %dma_start3A_103 : memref<1x64x64xf32, #tpu.memory_space<vmem>> -> memref<64x64xf32, #tpu.memory_space<vmem>>
    %dma_start3A_105 = arith.constant 576 : i32
    %dma_start3A_106 = tpu.memref_slice %arg6[%dma_start3A_105] : memref<10240xi32, #tpu.memory_space<vmem>> -> memref<64xi32, #tpu.memory_space<vmem>>
    %dma_start3A_107 = arith.constant 0 : i32
    %dma_start3A_108 = arith.constant 0 : i32
    %dma_start3A_109 = tpu.memref_slice %arg3[%dma_start3A_107, %dma_start3A_108] : memref<1003520x64xf32, #tpu.memory_space<hbm>> -> memref<1003520x64xf32, #tpu.memory_space<hbm>>
    tpu.enqueue_indirect_dma source(%dma_start3A_109 : memref<1003520x64xf32, #tpu.memory_space<hbm>>) target(%dma_start3A_104 : memref<64x64xf32, #tpu.memory_space<vmem>>) offsets(%dma_start3A_106 : memref<64xi32, #tpu.memory_space<vmem>>) semaphore(%arg10 : memref<!tpu.dma_semaphore, #tpu.memory_space<semaphore_mem>>)
    %dma_wait3A = arith.constant 0 : i32
    %dma_wait3A_110 = arith.constant 0 : i32
    %dma_wait3A_111 = arith.constant 0 : i32
    %dma_wait3A_112 = tpu.memref_slice %arg7[%dma_wait3A, %dma_wait3A_110, %dma_wait3A_111] : memref<2x320x64xf32, #tpu.memory_space<vmem>> -> memref<1x64x64xf32, #tpu.memory_space<vmem>>
    %dma_wait3A_113 = tpu.memref_squeeze %dma_wait3A_112 : memref<1x64x64xf32, #tpu.memory_space<vmem>> -> memref<64x64xf32, #tpu.memory_space<vmem>>
    %dma_wait3A_114 = arith.constant 0 : i32
    %dma_wait3A_115 = tpu.memref_slice %arg6[%dma_wait3A_114] : memref<10240xi32, #tpu.memory_space<vmem>> -> memref<64xi32, #tpu.memory_space<vmem>>
    %dma_wait3A_116 = arith.constant 0 : i32
    %dma_wait3A_117 = arith.constant 0 : i32
    %dma_wait3A_118 = tpu.memref_slice %arg3[%dma_wait3A_116, %dma_wait3A_117] : memref<1003520x64xf32, #tpu.memory_space<hbm>> -> memref<1003520x64xf32, #tpu.memory_space<hbm>>
    tpu.wait_indirect_dma semaphore(%arg9 : memref<!tpu.dma_semaphore, #tpu.memory_space<semaphore_mem>>) src(%dma_wait3A_118 : memref<1003520x64xf32, #tpu.memory_space<hbm>>) dst(%dma_wait3A_113 : memref<64x64xf32, #tpu.memory_space<vmem>>)
    %dma_wait3A_119 = arith.constant 0 : i32
    %dma_wait3A_120 = arith.constant 64 : i32
    %dma_wait3A_121 = arith.constant 0 : i32
    %dma_wait3A_122 = tpu.memref_slice %arg7[%dma_wait3A_119, %dma_wait3A_120, %dma_wait3A_121] : memref<2x320x64xf32, #tpu.memory_space<vmem>> -> memref<1x64x64xf32, #tpu.memory_space<vmem>>
    %dma_wait3A_123 = tpu.memref_squeeze %dma_wait3A_122 : memref<1x64x64xf32, #tpu.memory_space<vmem>> -> memref<64x64xf32, #tpu.memory_space<vmem>>
    %dma_wait3A_124 = arith.constant 0 : i32
    %dma_wait3A_125 = tpu.memref_slice %arg6[%dma_wait3A_124] : memref<10240xi32, #tpu.memory_space<vmem>> -> memref<64xi32, #tpu.memory_space<vmem>>
    %dma_wait3A_126 = arith.constant 0 : i32
    %dma_wait3A_127 = arith.constant 0 : i32
    %dma_wait3A_128 = tpu.memref_slice %arg3[%dma_wait3A_126, %dma_wait3A_127] : memref<1003520x64xf32, #tpu.memory_space<hbm>> -> memref<1003520x64xf32, #tpu.memory_space<hbm>>
    tpu.wait_indirect_dma semaphore(%arg9 : memref<!tpu.dma_semaphore, #tpu.memory_space<semaphore_mem>>) src(%dma_wait3A_128 : memref<1003520x64xf32, #tpu.memory_space<hbm>>) dst(%dma_wait3A_123 : memref<64x64xf32, #tpu.memory_space<vmem>>)
    %dma_wait3A_129 = arith.constant 0 : i32
    %dma_wait3A_130 = arith.constant 128 : i32
    %dma_wait3A_131 = arith.constant 0 : i32
    %dma_wait3A_132 = tpu.memref_slice %arg7[%dma_wait3A_129, %dma_wait3A_130, %dma_wait3A_131] : memref<2x320x64xf32, #tpu.memory_space<vmem>> -> memref<1x64x64xf32, #tpu.memory_space<vmem>>
    %dma_wait3A_133 = tpu.memref_squeeze %dma_wait3A_132 : memref<1x64x64xf32, #tpu.memory_space<vmem>> -> memref<64x64xf32, #tpu.memory_space<vmem>>
    %dma_wait3A_134 = arith.constant 0 : i32
    %dma_wait3A_135 = tpu.memref_slice %arg6[%dma_wait3A_134] : memref<10240xi32, #tpu.memory_space<vmem>> -> memref<64xi32, #tpu.memory_space<vmem>>
    %dma_wait3A_136 = arith.constant 0 : i32
    %dma_wait3A_137 = arith.constant 0 : i32
    %dma_wait3A_138 = tpu.memref_slice %arg3[%dma_wait3A_136, %dma_wait3A_137] : memref<1003520x64xf32, #tpu.memory_space<hbm>> -> memref<1003520x64xf32, #tpu.memory_space<hbm>>
    tpu.wait_indirect_dma semaphore(%arg9 : memref<!tpu.dma_semaphore, #tpu.memory_space<semaphore_mem>>) src(%dma_wait3A_138 : memref<1003520x64xf32, #tpu.memory_space<hbm>>) dst(%dma_wait3A_133 : memref<64x64xf32, #tpu.memory_space<vmem>>)
    %dma_wait3A_139 = arith.constant 0 : i32
    %dma_wait3A_140 = arith.constant 192 : i32
    %dma_wait3A_141 = arith.constant 0 : i32
    %dma_wait3A_142 = tpu.memref_slice %arg7[%dma_wait3A_139, %dma_wait3A_140, %dma_wait3A_141] : memref<2x320x64xf32, #tpu.memory_space<vmem>> -> memref<1x64x64xf32, #tpu.memory_space<vmem>>
    %dma_wait3A_143 = tpu.memref_squeeze %dma_wait3A_142 : memref<1x64x64xf32, #tpu.memory_space<vmem>> -> memref<64x64xf32, #tpu.memory_space<vmem>>
    %dma_wait3A_144 = arith.constant 0 : i32
    %dma_wait3A_145 = tpu.memref_slice %arg6[%dma_wait3A_144] : memref<10240xi32, #tpu.memory_space<vmem>> -> memref<64xi32, #tpu.memory_space<vmem>>
    %dma_wait3A_146 = arith.constant 0 : i32
    %dma_wait3A_147 = arith.constant 0 : i32
    %dma_wait3A_148 = tpu.memref_slice %arg3[%dma_wait3A_146, %dma_wait3A_147] : memref<1003520x64xf32, #tpu.memory_space<hbm>> -> memref<1003520x64xf32, #tpu.memory_space<hbm>>
    tpu.wait_indirect_dma semaphore(%arg9 : memref<!tpu.dma_semaphore, #tpu.memory_space<semaphore_mem>>) src(%dma_wait3A_148 : memref<1003520x64xf32, #tpu.memory_space<hbm>>) dst(%dma_wait3A_143 : memref<64x64xf32, #tpu.memory_space<vmem>>)
    %dma_wait3A_149 = arith.constant 0 : i32
    %dma_wait3A_150 = arith.constant 256 : i32
    %dma_wait3A_151 = arith.constant 0 : i32
    %dma_wait3A_152 = tpu.memref_slice %arg7[%dma_wait3A_149, %dma_wait3A_150, %dma_wait3A_151] : memref<2x320x64xf32, #tpu.memory_space<vmem>> -> memref<1x64x64xf32, #tpu.memory_space<vmem>>
    %dma_wait3A_153 = tpu.memref_squeeze %dma_wait3A_152 : memref<1x64x64xf32, #tpu.memory_space<vmem>> -> memref<64x64xf32, #tpu.memory_space<vmem>>
    %dma_wait3A_154 = arith.constant 0 : i32
    %dma_wait3A_155 = tpu.memref_slice %arg6[%dma_wait3A_154] : memref<10240xi32, #tpu.memory_space<vmem>> -> memref<64xi32, #tpu.memory_space<vmem>>
    %dma_wait3A_156 = arith.constant 0 : i32
    %dma_wait3A_157 = arith.constant 0 : i32
    %dma_wait3A_158 = tpu.memref_slice %arg3[%dma_wait3A_156, %dma_wait3A_157] : memref<1003520x64xf32, #tpu.memory_space<hbm>> -> memref<1003520x64xf32, #tpu.memory_space<hbm>>
    tpu.wait_indirect_dma semaphore(%arg9 : memref<!tpu.dma_semaphore, #tpu.memory_space<semaphore_mem>>) src(%dma_wait3A_158 : memref<1003520x64xf32, #tpu.memory_space<hbm>>) dst(%dma_wait3A_153 : memref<64x64xf32, #tpu.memory_space<vmem>>)
    %scan3A_159 = arith.constant 0 : i32
    %scan3A_160 = arith.constant 0 : i32
    %scan3A_161 = arith.constant 5.000000e-02 : f32
    %scan3A_162 = arith.constant 0 : i32
    %scan3A_163 = arith.constant 16 : i32
    %scan3A_164 = arith.addi %scan3A_162, %scan3A_163 : i32
    %scan3A_165 = arith.constant 1 : i32
    scf.for %scan3A_283 = %scan3A_162 to %scan3A_164 step %scan3A_165  : i32 {
      %mul3A_284 = arith.constant 20 : i32
      %mul3A_285 = arith.muli %scan3A_283, %mul3A_284 : i32
      %add3A_286 = arith.constant 0 : i32
      %add3A_287 = arith.addi %mul3A_285, %add3A_286 : i32
      %get3A = arith.constant 0 : i32
      %get3A_288 = arith.constant 0 : i32
      %get3A_289 = tpu.memref_slice %arg7[%scan3A_160, %get3A, %get3A_288] : memref<2x320x64xf32, #tpu.memory_space<vmem>> -> memref<1x320x64xf32, #tpu.memory_space<vmem>>
      %get3A_290 = tpu.memref_squeeze %get3A_289 : memref<1x320x64xf32, #tpu.memory_space<vmem>> -> memref<320x64xf32, #tpu.memory_space<vmem>>
      %get3A_291 = arith.index_cast %add3A_287 : i32 to index
      %get3A_292 = arith.constant 0 : index
      %get3A_293 = tpu.vector_load %get3A_290[%get3A_291, %get3A_292] {strides = array<i32>} : memref<320x64xf32, #tpu.memory_space<vmem>>, vector<16xf32>,
      %add3A_294 = arith.constant 1 : i32
      %add3A_295 = arith.addi %mul3A_285, %add3A_294 : i32
      %get3A_296 = arith.constant 0 : i32
      %get3A_297 = arith.constant 0 : i32
      %get3A_298 = tpu.memref_slice %arg7[%scan3A_160, %get3A_296, %get3A_297] : memref<2x320x64xf32, #tpu.memory_space<vmem>> -> memref<1x320x64xf32, #tpu.memory_space<vmem>>
      %get3A_299 = tpu.memref_squeeze %get3A_298 : memref<1x320x64xf32, #tpu.memory_space<vmem>> -> memref<320x64xf32, #tpu.memory_space<vmem>>
      %get3A_300 = arith.index_cast %add3A_295 : i32 to index
      %get3A_301 = arith.constant 0 : index
      %get3A_302 = tpu.vector_load %get3A_299[%get3A_300, %get3A_301] {strides = array<i32>} : memref<320x64xf32, #tpu.memory_space<vmem>>, vector<16xf32>,
      %add3A_303 = arith.constant 2 : i32
      %add3A_304 = arith.addi %mul3A_285, %add3A_303 : i32
      %get3A_305 = arith.constant 0 : i32
      %get3A_306 = arith.constant 0 : i32
      %get3A_307 = tpu.memref_slice %arg7[%scan3A_160, %get3A_305, %get3A_306] : memref<2x320x64xf32, #tpu.memory_space<vmem>> -> memref<1x320x64xf32, #tpu.memory_space<vmem>>
      %get3A_308 = tpu.memref_squeeze %get3A_307 : memref<1x320x64xf32, #tpu.memory_space<vmem>> -> memref<320x64xf32, #tpu.memory_space<vmem>>
      %get3A_309 = arith.index_cast %add3A_304 : i32 to index
      %get3A_310 = arith.constant 0 : index
      %get3A_311 = tpu.vector_load %get3A_308[%get3A_309, %get3A_310] {strides = array<i32>} : memref<320x64xf32, #tpu.memory_space<vmem>>, vector<16xf32>,
      %add3A_312 = arith.constant 3 : i32
      %add3A_313 = arith.addi %mul3A_285, %add3A_312 : i32
      %get3A_314 = arith.constant 0 : i32
      %get3A_315 = arith.constant 0 : i32
      %get3A_316 = tpu.memref_slice %arg7[%scan3A_160, %get3A_314, %get3A_315] : memref<2x320x64xf32, #tpu.memory_space<vmem>> -> memref<1x320x64xf32, #tpu.memory_space<vmem>>
      %get3A_317 = tpu.memref_squeeze %get3A_316 : memref<1x320x64xf32, #tpu.memory_space<vmem>> -> memref<320x64xf32, #tpu.memory_space<vmem>>
      %get3A_318 = arith.index_cast %add3A_313 : i32 to index
      %get3A_319 = arith.constant 0 : index
      %get3A_320 = tpu.vector_load %get3A_317[%get3A_318, %get3A_319] {strides = array<i32>} : memref<320x64xf32, #tpu.memory_space<vmem>>, vector<16xf32>,
      %add3A_321 = arith.constant 4 : i32
      %add3A_322 = arith.addi %mul3A_285, %add3A_321 : i32
      %get3A_323 = arith.constant 0 : i32
      %get3A_324 = arith.constant 0 : i32
      %get3A_325 = tpu.memref_slice %arg7[%scan3A_160, %get3A_323, %get3A_324] : memref<2x320x64xf32, #tpu.memory_space<vmem>> -> memref<1x320x64xf32, #tpu.memory_space<vmem>>
      %get3A_326 = tpu.memref_squeeze %get3A_325 : memref<1x320x64xf32, #tpu.memory_space<vmem>> -> memref<320x64xf32, #tpu.memory_space<vmem>>
      %get3A_327 = arith.index_cast %add3A_322 : i32 to index
      %get3A_328 = arith.constant 0 : index
      %get3A_329 = tpu.vector_load %get3A_326[%get3A_327, %get3A_328] {strides = array<i32>} : memref<320x64xf32, #tpu.memory_space<vmem>>, vector<16xf32>,
      %add3A_330 = arith.constant 5 : i32
      %add3A_331 = arith.addi %mul3A_285, %add3A_330 : i32
      %get3A_332 = arith.constant 0 : i32
      %get3A_333 = arith.constant 0 : i32
      %get3A_334 = tpu.memref_slice %arg7[%scan3A_160, %get3A_332, %get3A_333] : memref<2x320x64xf32, #tpu.memory_space<vmem>> -> memref<1x320x64xf32, #tpu.memory_space<vmem>>
      %get3A_335 = tpu.memref_squeeze %get3A_334 : memref<1x320x64xf32, #tpu.memory_space<vmem>> -> memref<320x64xf32, #tpu.memory_space<vmem>>
      %get3A_336 = arith.index_cast %add3A_331 : i32 to index
      %get3A_337 = arith.constant 0 : index
      %get3A_338 = tpu.vector_load %get3A_335[%get3A_336, %get3A_337] {strides = array<i32>} : memref<320x64xf32, #tpu.memory_space<vmem>>, vector<16xf32>,
      %add3A_339 = arith.constant 6 : i32
      %add3A_340 = arith.addi %mul3A_285, %add3A_339 : i32
      %get3A_341 = arith.constant 0 : i32
      %get3A_342 = arith.constant 0 : i32
      %get3A_343 = tpu.memref_slice %arg7[%scan3A_160, %get3A_341, %get3A_342] : memref<2x320x64xf32, #tpu.memory_space<vmem>> -> memref<1x320x64xf32, #tpu.memory_space<vmem>>
      %get3A_344 = tpu.memref_squeeze %get3A_343 : memref<1x320x64xf32, #tpu.memory_space<vmem>> -> memref<320x64xf32, #tpu.memory_space<vmem>>
      %get3A_345 = arith.index_cast %add3A_340 : i32 to index
      %get3A_346 = arith.constant 0 : index
      %get3A_347 = tpu.vector_load %get3A_344[%get3A_345, %get3A_346] {strides = array<i32>} : memref<320x64xf32, #tpu.memory_space<vmem>>, vector<16xf32>,
      %add3A_348 = arith.constant 7 : i32
      %add3A_349 = arith.addi %mul3A_285, %add3A_348 : i32
      %get3A_350 = arith.constant 0 : i32
      %get3A_351 = arith.constant 0 : i32
      %get3A_352 = tpu.memref_slice %arg7[%scan3A_160, %get3A_350, %get3A_351] : memref<2x320x64xf32, #tpu.memory_space<vmem>> -> memref<1x320x64xf32, #tpu.memory_space<vmem>>
      %get3A_353 = tpu.memref_squeeze %get3A_352 : memref<1x320x64xf32, #tpu.memory_space<vmem>> -> memref<320x64xf32, #tpu.memory_space<vmem>>
      %get3A_354 = arith.index_cast %add3A_349 : i32 to index
      %get3A_355 = arith.constant 0 : index
      %get3A_356 = tpu.vector_load %get3A_353[%get3A_354, %get3A_355] {strides = array<i32>} : memref<320x64xf32, #tpu.memory_space<vmem>>, vector<16xf32>,
      %add3A_357 = arith.constant 8 : i32
      %add3A_358 = arith.addi %mul3A_285, %add3A_357 : i32
      %get3A_359 = arith.constant 0 : i32
      %get3A_360 = arith.constant 0 : i32
      %get3A_361 = tpu.memref_slice %arg7[%scan3A_160, %get3A_359, %get3A_360] : memref<2x320x64xf32, #tpu.memory_space<vmem>> -> memref<1x320x64xf32, #tpu.memory_space<vmem>>
      %get3A_362 = tpu.memref_squeeze %get3A_361 : memref<1x320x64xf32, #tpu.memory_space<vmem>> -> memref<320x64xf32, #tpu.memory_space<vmem>>
      %get3A_363 = arith.index_cast %add3A_358 : i32 to index
      %get3A_364 = arith.constant 0 : index
      %get3A_365 = tpu.vector_load %get3A_362[%get3A_363, %get3A_364] {strides = array<i32>} : memref<320x64xf32, #tpu.memory_space<vmem>>, vector<16xf32>,
      %add3A_366 = arith.constant 9 : i32
      %add3A_367 = arith.addi %mul3A_285, %add3A_366 : i32
      %get3A_368 = arith.constant 0 : i32
      %get3A_369 = arith.constant 0 : i32
      %get3A_370 = tpu.memref_slice %arg7[%scan3A_160, %get3A_368, %get3A_369] : memref<2x320x64xf32, #tpu.memory_space<vmem>> -> memref<1x320x64xf32, #tpu.memory_space<vmem>>
      %get3A_371 = tpu.memref_squeeze %get3A_370 : memref<1x320x64xf32, #tpu.memory_space<vmem>> -> memref<320x64xf32, #tpu.memory_space<vmem>>
      %get3A_372 = arith.index_cast %add3A_367 : i32 to index
      %get3A_373 = arith.constant 0 : index
      %get3A_374 = tpu.vector_load %get3A_371[%get3A_372, %get3A_373] {strides = array<i32>} : memref<320x64xf32, #tpu.memory_space<vmem>>, vector<16xf32>,
      %add3A_375 = arith.constant 10 : i32
      %add3A_376 = arith.addi %mul3A_285, %add3A_375 : i32
      %get3A_377 = arith.constant 0 : i32
      %get3A_378 = arith.constant 0 : i32
      %get3A_379 = tpu.memref_slice %arg7[%scan3A_160, %get3A_377, %get3A_378] : memref<2x320x64xf32, #tpu.memory_space<vmem>> -> memref<1x320x64xf32, #tpu.memory_space<vmem>>
      %get3A_380 = tpu.memref_squeeze %get3A_379 : memref<1x320x64xf32, #tpu.memory_space<vmem>> -> memref<320x64xf32, #tpu.memory_space<vmem>>
      %get3A_381 = arith.index_cast %add3A_376 : i32 to index
      %get3A_382 = arith.constant 0 : index
      %get3A_383 = tpu.vector_load %get3A_380[%get3A_381, %get3A_382] {strides = array<i32>} : memref<320x64xf32, #tpu.memory_space<vmem>>, vector<16xf32>,
      %add3A_384 = arith.constant 11 : i32
      %add3A_385 = arith.addi %mul3A_285, %add3A_384 : i32
      %get3A_386 = arith.constant 0 : i32
      %get3A_387 = arith.constant 0 : i32
      %get3A_388 = tpu.memref_slice %arg7[%scan3A_160, %get3A_386, %get3A_387] : memref<2x320x64xf32, #tpu.memory_space<vmem>> -> memref<1x320x64xf32, #tpu.memory_space<vmem>>
      %get3A_389 = tpu.memref_squeeze %get3A_388 : memref<1x320x64xf32, #tpu.memory_space<vmem>> -> memref<320x64xf32, #tpu.memory_space<vmem>>
      %get3A_390 = arith.index_cast %add3A_385 : i32 to index
      %get3A_391 = arith.constant 0 : index
      %get3A_392 = tpu.vector_load %get3A_389[%get3A_390, %get3A_391] {strides = array<i32>} : memref<320x64xf32, #tpu.memory_space<vmem>>, vector<16xf32>,
      %add3A_393 = arith.constant 12 : i32
      %add3A_394 = arith.addi %mul3A_285, %add3A_393 : i32
      %get3A_395 = arith.constant 0 : i32
      %get3A_396 = arith.constant 0 : i32
      %get3A_397 = tpu.memref_slice %arg7[%scan3A_160, %get3A_395, %get3A_396] : memref<2x320x64xf32, #tpu.memory_space<vmem>> -> memref<1x320x64xf32, #tpu.memory_space<vmem>>
      %get3A_398 = tpu.memref_squeeze %get3A_397 : memref<1x320x64xf32, #tpu.memory_space<vmem>> -> memref<320x64xf32, #tpu.memory_space<vmem>>
      %get3A_399 = arith.index_cast %add3A_394 : i32 to index
      %get3A_400 = arith.constant 0 : index
      %get3A_401 = tpu.vector_load %get3A_398[%get3A_399, %get3A_400] {strides = array<i32>} : memref<320x64xf32, #tpu.memory_space<vmem>>, vector<16xf32>,
      %add3A_402 = arith.constant 13 : i32
      %add3A_403 = arith.addi %mul3A_285, %add3A_402 : i32
      %get3A_404 = arith.constant 0 : i32
      %get3A_405 = arith.constant 0 : i32
      %get3A_406 = tpu.memref_slice %arg7[%scan3A_160, %get3A_404, %get3A_405] : memref<2x320x64xf32, #tpu.memory_space<vmem>> -> memref<1x320x64xf32, #tpu.memory_space<vmem>>
      %get3A_407 = tpu.memref_squeeze %get3A_406 : memref<1x320x64xf32, #tpu.memory_space<vmem>> -> memref<320x64xf32, #tpu.memory_space<vmem>>
      %get3A_408 = arith.index_cast %add3A_403 : i32 to index
      %get3A_409 = arith.constant 0 : index
      %get3A_410 = tpu.vector_load %get3A_407[%get3A_408, %get3A_409] {strides = array<i32>} : memref<320x64xf32, #tpu.memory_space<vmem>>, vector<16xf32>,
      %add3A_411 = arith.constant 14 : i32
      %add3A_412 = arith.addi %mul3A_285, %add3A_411 : i32
      %get3A_413 = arith.constant 0 : i32
      %get3A_414 = arith.constant 0 : i32
      %get3A_415 = tpu.memref_slice %arg7[%scan3A_160, %get3A_413, %get3A_414] : memref<2x320x64xf32, #tpu.memory_space<vmem>> -> memref<1x320x64xf32, #tpu.memory_space<vmem>>
      %get3A_416 = tpu.memref_squeeze %get3A_415 : memref<1x320x64xf32, #tpu.memory_space<vmem>> -> memref<320x64xf32, #tpu.memory_space<vmem>>
      %get3A_417 = arith.index_cast %add3A_412 : i32 to index
      %get3A_418 = arith.constant 0 : index
      %get3A_419 = tpu.vector_load %get3A_416[%get3A_417, %get3A_418] {strides = array<i32>} : memref<320x64xf32, #tpu.memory_space<vmem>>, vector<16xf32>,
      %add3A_420 = arith.constant 15 : i32
      %add3A_421 = arith.addi %mul3A_285, %add3A_420 : i32
      %get3A_422 = arith.constant 0 : i32
      %get3A_423 = arith.constant 0 : i32
      %get3A_424 = tpu.memref_slice %arg7[%scan3A_160, %get3A_422, %get3A_423] : memref<2x320x64xf32, #tpu.memory_space<vmem>> -> memref<1x320x64xf32, #tpu.memory_space<vmem>>
      %get3A_425 = tpu.memref_squeeze %get3A_424 : memref<1x320x64xf32, #tpu.memory_space<vmem>> -> memref<320x64xf32, #tpu.memory_space<vmem>>
      %get3A_426 = arith.index_cast %add3A_421 : i32 to index
      %get3A_427 = arith.constant 0 : index
      %get3A_428 = tpu.vector_load %get3A_425[%get3A_426, %get3A_427] {strides = array<i32>} : memref<320x64xf32, #tpu.memory_space<vmem>>, vector<16xf32>,
      %add3A_429 = arith.constant 16 : i32
      %add3A_430 = arith.addi %mul3A_285, %add3A_429 : i32
      %get3A_431 = arith.constant 0 : i32
      %get3A_432 = arith.constant 0 : i32
      %get3A_433 = tpu.memref_slice %arg7[%scan3A_160, %get3A_431, %get3A_432] : memref<2x320x64xf32, #tpu.memory_space<vmem>> -> memref<1x320x64xf32, #tpu.memory_space<vmem>>
      %get3A_434 = tpu.memref_squeeze %get3A_433 : memref<1x320x64xf32, #tpu.memory_space<vmem>> -> memref<320x64xf32, #tpu.memory_space<vmem>>
      %get3A_435 = arith.index_cast %add3A_430 : i32 to index
      %get3A_436 = arith.constant 0 : index
      %get3A_437 = tpu.vector_load %get3A_434[%get3A_435, %get3A_436] {strides = array<i32>} : memref<320x64xf32, #tpu.memory_space<vmem>>, vector<16xf32>,
      %add3A_438 = arith.constant 17 : i32
      %add3A_439 = arith.addi %mul3A_285, %add3A_438 : i32
      %get3A_440 = arith.constant 0 : i32
      %get3A_441 = arith.constant 0 : i32
      %get3A_442 = tpu.memref_slice %arg7[%scan3A_160, %get3A_440, %get3A_441] : memref<2x320x64xf32, #tpu.memory_space<vmem>> -> memref<1x320x64xf32, #tpu.memory_space<vmem>>
      %get3A_443 = tpu.memref_squeeze %get3A_442 : memref<1x320x64xf32, #tpu.memory_space<vmem>> -> memref<320x64xf32, #tpu.memory_space<vmem>>
      %get3A_444 = arith.index_cast %add3A_439 : i32 to index
      %get3A_445 = arith.constant 0 : index
      %get3A_446 = tpu.vector_load %get3A_443[%get3A_444, %get3A_445] {strides = array<i32>} : memref<320x64xf32, #tpu.memory_space<vmem>>, vector<16xf32>,
      %add3A_447 = arith.constant 18 : i32
      %add3A_448 = arith.addi %mul3A_285, %add3A_447 : i32
      %get3A_449 = arith.constant 0 : i32
      %get3A_450 = arith.constant 0 : i32
      %get3A_451 = tpu.memref_slice %arg7[%scan3A_160, %get3A_449, %get3A_450] : memref<2x320x64xf32, #tpu.memory_space<vmem>> -> memref<1x320x64xf32, #tpu.memory_space<vmem>>
      %get3A_452 = tpu.memref_squeeze %get3A_451 : memref<1x320x64xf32, #tpu.memory_space<vmem>> -> memref<320x64xf32, #tpu.memory_space<vmem>>
      %get3A_453 = arith.index_cast %add3A_448 : i32 to index
      %get3A_454 = arith.constant 0 : index
      %get3A_455 = tpu.vector_load %get3A_452[%get3A_453, %get3A_454] {strides = array<i32>} : memref<320x64xf32, #tpu.memory_space<vmem>>, vector<16xf32>,
      %add3A_456 = arith.constant 19 : i32
      %add3A_457 = arith.addi %mul3A_285, %add3A_456 : i32
      %get3A_458 = arith.constant 0 : i32
      %get3A_459 = arith.constant 0 : i32
      %get3A_460 = tpu.memref_slice %arg7[%scan3A_160, %get3A_458, %get3A_459] : memref<2x320x64xf32, #tpu.memory_space<vmem>> -> memref<1x320x64xf32, #tpu.memory_space<vmem>>
      %get3A_461 = tpu.memref_squeeze %get3A_460 : memref<1x320x64xf32, #tpu.memory_space<vmem>> -> memref<320x64xf32, #tpu.memory_space<vmem>>
      %get3A_462 = arith.index_cast %add3A_457 : i32 to index
      %get3A_463 = arith.constant 0 : index
      %get3A_464 = tpu.vector_load %get3A_461[%get3A_462, %get3A_463] {strides = array<i32>} : memref<320x64xf32, #tpu.memory_space<vmem>>, vector<16xf32>,
      %add3A_465 = arith.addf %get3A_293, %get3A_302 : vector<16xf32>
      %add3A_466 = arith.addf %get3A_311, %get3A_320 : vector<16xf32>
      %add3A_467 = arith.addf %get3A_329, %get3A_338 : vector<16xf32>
      %add3A_468 = arith.addf %get3A_347, %get3A_356 : vector<16xf32>
      %add3A_469 = arith.addf %get3A_365, %get3A_374 : vector<16xf32>
      %add3A_470 = arith.addf %get3A_383, %get3A_392 : vector<16xf32>
      %add3A_471 = arith.addf %get3A_401, %get3A_410 : vector<16xf32>
      %add3A_472 = arith.addf %get3A_419, %get3A_428 : vector<16xf32>
      %add3A_473 = arith.addf %get3A_437, %get3A_446 : vector<16xf32>
      %add3A_474 = arith.addf %get3A_455, %get3A_464 : vector<16xf32>
      %add3A_475 = arith.addf %add3A_465, %add3A_466 : vector<16xf32>
      %add3A_476 = arith.addf %add3A_467, %add3A_468 : vector<16xf32>
      %add3A_477 = arith.addf %add3A_469, %add3A_470 : vector<16xf32>
      %add3A_478 = arith.addf %add3A_471, %add3A_472 : vector<16xf32>
      %add3A_479 = arith.addf %add3A_473, %add3A_474 : vector<16xf32>
      %add3A_480 = arith.addf %add3A_475, %add3A_476 : vector<16xf32>
      %add3A_481 = arith.addf %add3A_477, %add3A_478 : vector<16xf32>
      %add3A_482 = arith.addf %add3A_480, %add3A_481 : vector<16xf32>
      %add3A_483 = arith.addf %add3A_482, %add3A_479 : vector<16xf32>
      %mul3A_484 = vector.broadcast %scan3A_161 : f32 to vector<16xf32>
      %mul3A_485 = arith.mulf %add3A_483, %mul3A_484 : vector<16xf32>
      %add3A_486 = arith.constant 0 : i32
      %add3A_487 = arith.addi %add3A_486, %scan3A_283 : i32
      %swap3A = arith.index_cast %add3A_487 : i32 to index
      %swap3A_488 = arith.constant 0 : index
      %swap3A_489 = tpu.vector_load %arg8[%swap3A, %swap3A_488] {strides = array<i32>} : memref<512x64xf32, #tpu.memory_space<vmem>>, vector<16xf32>,
      tpu.vector_store %arg8[%swap3A, %swap3A_488], %mul3A_485 {strides = array<i32>} : memref<512x64xf32, #tpu.memory_space<vmem>>, vector<16xf32>,
      %add3A_490 = arith.constant 0 : i32
      %add3A_491 = arith.addi %mul3A_285, %add3A_490 : i32
      %get3A_492 = arith.constant 0 : i32
      %get3A_493 = arith.constant 0 : i32
      %get3A_494 = tpu.memref_slice %arg7[%scan3A_160, %get3A_492, %get3A_493] : memref<2x320x64xf32, #tpu.memory_space<vmem>> -> memref<1x320x64xf32, #tpu.memory_space<vmem>>
      %get3A_495 = tpu.memref_squeeze %get3A_494 : memref<1x320x64xf32, #tpu.memory_space<vmem>> -> memref<320x64xf32, #tpu.memory_space<vmem>>
      %get3A_496 = arith.index_cast %add3A_491 : i32 to index
      %get3A_497 = arith.constant 16 : index
      %get3A_498 = tpu.vector_load %get3A_495[%get3A_496, %get3A_497] {strides = array<i32>} : memref<320x64xf32, #tpu.memory_space<vmem>>, vector<16xf32>,
      %add3A_499 = arith.constant 1 : i32
      %add3A_500 = arith.addi %mul3A_285, %add3A_499 : i32
      %get3A_501 = arith.constant 0 : i32
      %get3A_502 = arith.constant 0 : i32
      %get3A_503 = tpu.memref_slice %arg7[%scan3A_160, %get3A_501, %get3A_502] : memref<2x320x64xf32, #tpu.memory_space<vmem>> -> memref<1x320x64xf32, #tpu.memory_space<vmem>>
      %get3A_504 = tpu.memref_squeeze %get3A_503 : memref<1x320x64xf32, #tpu.memory_space<vmem>> -> memref<320x64xf32, #tpu.memory_space<vmem>>
      %get3A_505 = arith.index_cast %add3A_500 : i32 to index
      %get3A_506 = arith.constant 16 : index
      %get3A_507 = tpu.vector_load %get3A_504[%get3A_505, %get3A_506] {strides = array<i32>} : memref<320x64xf32, #tpu.memory_space<vmem>>, vector<16xf32>,
      %add3A_508 = arith.constant 2 : i32
      %add3A_509 = arith.addi %mul3A_285, %add3A_508 : i32
      %get3A_510 = arith.constant 0 : i32
      %get3A_511 = arith.constant 0 : i32
      %get3A_512 = tpu.memref_slice %arg7[%scan3A_160, %get3A_510, %get3A_511] : memref<2x320x64xf32, #tpu.memory_space<vmem>> -> memref<1x320x64xf32, #tpu.memory_space<vmem>>
      %get3A_513 = tpu.memref_squeeze %get3A_512 : memref<1x320x64xf32, #tpu.memory_space<vmem>> -> memref<320x64xf32, #tpu.memory_space<vmem>>
      %get3A_514 = arith.index_cast %add3A_509 : i32 to index
      %get3A_515 = arith.constant 16 : index
      %get3A_516 = tpu.vector_load %get3A_513[%get3A_514, %get3A_515] {strides = array<i32>} : memref<320x64xf32, #tpu.memory_space<vmem>>, vector<16xf32>,
      %add3A_517 = arith.constant 3 : i32
      %add3A_518 = arith.addi %mul3A_285, %add3A_517 : i32
      %get3A_519 = arith.constant 0 : i32
      %get3A_520 = arith.constant 0 : i32
      %get3A_521 = tpu.memref_slice %arg7[%scan3A_160, %get3A_519, %get3A_520] : memref<2x320x64xf32, #tpu.memory_space<vmem>> -> memref<1x320x64xf32, #tpu.memory_space<vmem>>
      %get3A_522 = tpu.memref_squeeze %get3A_521 : memref<1x320x64xf32, #tpu.memory_space<vmem>> -> memref<320x64xf32, #tpu.memory_space<vmem>>
      %get3A_523 = arith.index_cast %add3A_518 : i32 to index
      %get3A_524 = arith.constant 16 : index
      %get3A_525 = tpu.vector_load %get3A_522[%get3A_523, %get3A_524] {strides = array<i32>} : memref<320x64xf32, #tpu.memory_space<vmem>>, vector<16xf32>,
      %add3A_526 = arith.constant 4 : i32
      %add3A_527 = arith.addi %mul3A_285, %add3A_526 : i32
      %get3A_528 = arith.constant 0 : i32
      %get3A_529 = arith.constant 0 : i32
      %get3A_530 = tpu.memref_slice %arg7[%scan3A_160, %get3A_528, %get3A_529] : memref<2x320x64xf32, #tpu.memory_space<vmem>> -> memref<1x320x64xf32, #tpu.memory_space<vmem>>
      %get3A_531 = tpu.memref_squeeze %get3A_530 : memref<1x320x64xf32, #tpu.memory_space<vmem>> -> memref<320x64xf32, #tpu.memory_space<vmem>>
      %get3A_532 = arith.index_cast %add3A_527 : i32 to index
      %get3A_533 = arith.constant 16 : index
      %get3A_534 = tpu.vector_load %get3A_531[%get3A_532, %get3A_533] {strides = array<i32>} : memref<320x64xf32, #tpu.memory_space<vmem>>, vector<16xf32>,
      %add3A_535 = arith.constant 5 : i32
      %add3A_536 = arith.addi %mul3A_285, %add3A_535 : i32
      %get3A_537 = arith.constant 0 : i32
      %get3A_538 = arith.constant 0 : i32
      %get3A_539 = tpu.memref_slice %arg7[%scan3A_160, %get3A_537, %get3A_538] : memref<2x320x64xf32, #tpu.memory_space<vmem>> -> memref<1x320x64xf32, #tpu.memory_space<vmem>>
      %get3A_540 = tpu.memref_squeeze %get3A_539 : memref<1x320x64xf32, #tpu.memory_space<vmem>> -> memref<320x64xf32, #tpu.memory_space<vmem>>
      %get3A_541 = arith.index_cast %add3A_536 : i32 to index
      %get3A_542 = arith.constant 16 : index
      %get3A_543 = tpu.vector_load %get3A_540[%get3A_541, %get3A_542] {strides = array<i32>} : memref<320x64xf32, #tpu.memory_space<vmem>>, vector<16xf32>,
      %add3A_544 = arith.constant 6 : i32
      %add3A_545 = arith.addi %mul3A_285, %add3A_544 : i32
      %get3A_546 = arith.constant 0 : i32
      %get3A_547 = arith.constant 0 : i32
      %get3A_548 = tpu.memref_slice %arg7[%scan3A_160, %get3A_546, %get3A_547] : memref<2x320x64xf32, #tpu.memory_space<vmem>> -> memref<1x320x64xf32, #tpu.memory_space<vmem>>
      %get3A_549 = tpu.memref_squeeze %get3A_548 : memref<1x320x64xf32, #tpu.memory_space<vmem>> -> memref<320x64xf32, #tpu.memory_space<vmem>>
      %get3A_550 = arith.index_cast %add3A_545 : i32 to index
      %get3A_551 = arith.constant 16 : index
      %get3A_552 = tpu.vector_load %get3A_549[%get3A_550, %get3A_551] {strides = array<i32>} : memref<320x64xf32, #tpu.memory_space<vmem>>, vector<16xf32>,
      %add3A_553 = arith.constant 7 : i32
      %add3A_554 = arith.addi %mul3A_285, %add3A_553 : i32
      %get3A_555 = arith.constant 0 : i32
      %get3A_556 = arith.constant 0 : i32
      %get3A_557 = tpu.memref_slice %arg7[%scan3A_160, %get3A_555, %get3A_556] : memref<2x320x64xf32, #tpu.memory_space<vmem>> -> memref<1x320x64xf32, #tpu.memory_space<vmem>>
      %get3A_558 = tpu.memref_squeeze %get3A_557 : memref<1x320x64xf32, #tpu.memory_space<vmem>> -> memref<320x64xf32, #tpu.memory_space<vmem>>
      %get3A_559 = arith.index_cast %add3A_554 : i32 to index
      %get3A_560 = arith.constant 16 : index
      %get3A_561 = tpu.vector_load %get3A_558[%get3A_559, %get3A_560] {strides = array<i32>} : memref<320x64xf32, #tpu.memory_space<vmem>>, vector<16xf32>,
      %add3A_562 = arith.constant 8 : i32
      %add3A_563 = arith.addi %mul3A_285, %add3A_562 : i32
      %get3A_564 = arith.constant 0 : i32
      %get3A_565 = arith.constant 0 : i32
      %get3A_566 = tpu.memref_slice %arg7[%scan3A_160, %get3A_564, %get3A_565] : memref<2x320x64xf32, #tpu.memory_space<vmem>> -> memref<1x320x64xf32, #tpu.memory_space<vmem>>
      %get3A_567 = tpu.memref_squeeze %get3A_566 : memref<1x320x64xf32, #tpu.memory_space<vmem>> -> memref<320x64xf32, #tpu.memory_space<vmem>>
      %get3A_568 = arith.index_cast %add3A_563 : i32 to index
      %get3A_569 = arith.constant 16 : index
      %get3A_570 = tpu.vector_load %get3A_567[%get3A_568, %get3A_569] {strides = array<i32>} : memref<320x64xf32, #tpu.memory_space<vmem>>, vector<16xf32>,
      %add3A_571 = arith.constant 9 : i32
      %add3A_572 = arith.addi %mul3A_285, %add3A_571 : i32
      %get3A_573 = arith.constant 0 : i32
      %get3A_574 = arith.constant 0 : i32
      %get3A_575 = tpu.memref_slice %arg7[%scan3A_160, %get3A_573, %get3A_574] : memref<2x320x64xf32, #tpu.memory_space<vmem>> -> memref<1x320x64xf32, #tpu.memory_space<vmem>>
      %get3A_576 = tpu.memref_squeeze %get3A_575 : memref<1x320x64xf32, #tpu.memory_space<vmem>> -> memref<320x64xf32, #tpu.memory_space<vmem>>
      %get3A_577 = arith.index_cast %add3A_572 : i32 to index
      %get3A_578 = arith.constant 16 : index
      %get3A_579 = tpu.vector_load %get3A_576[%get3A_577, %get3A_578] {strides = array<i32>} : memref<320x64xf32, #tpu.memory_space<vmem>>, vector<16xf32>,
      %add3A_580 = arith.constant 10 : i32
      %add3A_581 = arith.addi %mul3A_285, %add3A_580 : i32
      %get3A_582 = arith.constant 0 : i32
      %get3A_583 = arith.constant 0 : i32
      %get3A_584 = tpu.memref_slice %arg7[%scan3A_160, %get3A_582, %get3A_583] : memref<2x320x64xf32, #tpu.memory_space<vmem>> -> memref<1x320x64xf32, #tpu.memory_space<vmem>>
      %get3A_585 = tpu.memref_squeeze %get3A_584 : memref<1x320x64xf32, #tpu.memory_space<vmem>> -> memref<320x64xf32, #tpu.memory_space<vmem>>
      %get3A_586 = arith.index_cast %add3A_581 : i32 to index
      %get3A_587 = arith.constant 16 : index
      %get3A_588 = tpu.vector_load %get3A_585[%get3A_586, %get3A_587] {strides = array<i32>} : memref<320x64xf32, #tpu.memory_space<vmem>>, vector<16xf32>,
      %add3A_589 = arith.constant 11 : i32
      %add3A_590 = arith.addi %mul3A_285, %add3A_589 : i32
      %get3A_591 = arith.constant 0 : i32
      %get3A_592 = arith.constant 0 : i32
      %get3A_593 = tpu.memref_slice %arg7[%scan3A_160, %get3A_591, %get3A_592] : memref<2x320x64xf32, #tpu.memory_space<vmem>> -> memref<1x320x64xf32, #tpu.memory_space<vmem>>
      %get3A_594 = tpu.memref_squeeze %get3A_593 : memref<1x320x64xf32, #tpu.memory_space<vmem>> -> memref<320x64xf32, #tpu.memory_space<vmem>>
      %get3A_595 = arith.index_cast %add3A_590 : i32 to index
      %get3A_596 = arith.constant 16 : index
      %get3A_597 = tpu.vector_load %get3A_594[%get3A_595, %get3A_596] {strides = array<i32>} : memref<320x64xf32, #tpu.memory_space<vmem>>, vector<16xf32>,
      %add3A_598 = arith.constant 12 : i32
      %add3A_599 = arith.addi %mul3A_285, %add3A_598 : i32
      %get3A_600 = arith.constant 0 : i32
      %get3A_601 = arith.constant 0 : i32
      %get3A_602 = tpu.memref_slice %arg7[%scan3A_160, %get3A_600, %get3A_601] : memref<2x320x64xf32, #tpu.memory_space<vmem>> -> memref<1x320x64xf32, #tpu.memory_space<vmem>>
      %get3A_603 = tpu.memref_squeeze %get3A_602 : memref<1x320x64xf32, #tpu.memory_space<vmem>> -> memref<320x64xf32, #tpu.memory_space<vmem>>
      %get3A_604 = arith.index_cast %add3A_599 : i32 to index
      %get3A_605 = arith.constant 16 : index
      %get3A_606 = tpu.vector_load %get3A_603[%get3A_604, %get3A_605] {strides = array<i32>} : memref<320x64xf32, #tpu.memory_space<vmem>>, vector<16xf32>,
      %add3A_607 = arith.constant 13 : i32
      %add3A_608 = arith.addi %mul3A_285, %add3A_607 : i32
      %get3A_609 = arith.constant 0 : i32
      %get3A_610 = arith.constant 0 : i32
      %get3A_611 = tpu.memref_slice %arg7[%scan3A_160, %get3A_609, %get3A_610] : memref<2x320x64xf32, #tpu.memory_space<vmem>> -> memref<1x320x64xf32, #tpu.memory_space<vmem>>
      %get3A_612 = tpu.memref_squeeze %get3A_611 : memref<1x320x64xf32, #tpu.memory_space<vmem>> -> memref<320x64xf32, #tpu.memory_space<vmem>>
      %get3A_613 = arith.index_cast %add3A_608 : i32 to index
      %get3A_614 = arith.constant 16 : index
      %get3A_615 = tpu.vector_load %get3A_612[%get3A_613, %get3A_614] {strides = array<i32>} : memref<320x64xf32, #tpu.memory_space<vmem>>, vector<16xf32>,
      %add3A_616 = arith.constant 14 : i32
      %add3A_617 = arith.addi %mul3A_285, %add3A_616 : i32
      %get3A_618 = arith.constant 0 : i32
      %get3A_619 = arith.constant 0 : i32
      %get3A_620 = tpu.memref_slice %arg7[%scan3A_160, %get3A_618, %get3A_619] : memref<2x320x64xf32, #tpu.memory_space<vmem>> -> memref<1x320x64xf32, #tpu.memory_space<vmem>>
      %get3A_621 = tpu.memref_squeeze %get3A_620 : memref<1x320x64xf32, #tpu.memory_space<vmem>> -> memref<320x64xf32, #tpu.memory_space<vmem>>
      %get3A_622 = arith.index_cast %add3A_617 : i32 to index
      %get3A_623 = arith.constant 16 : index
      %get3A_624 = tpu.vector_load %get3A_621[%get3A_622, %get3A_623] {strides = array<i32>} : memref<320x64xf32, #tpu.memory_space<vmem>>, vector<16xf32>,
      %add3A_625 = arith.constant 15 : i32
      %add3A_626 = arith.addi %mul3A_285, %add3A_625 : i32
      %get3A_627 = arith.constant 0 : i32
      %get3A_628 = arith.constant 0 : i32
      %get3A_629 = tpu.memref_slice %arg7[%scan3A_160, %get3A_627, %get3A_628] : memref<2x320x64xf32, #tpu.memory_space<vmem>> -> memref<1x320x64xf32, #tpu.memory_space<vmem>>
      %get3A_630 = tpu.memref_squeeze %get3A_629 : memref<1x320x64xf32, #tpu.memory_space<vmem>> -> memref<320x64xf32, #tpu.memory_space<vmem>>
      %get3A_631 = arith.index_cast %add3A_626 : i32 to index
      %get3A_632 = arith.constant 16 : index
      %get3A_633 = tpu.vector_load %get3A_630[%get3A_631, %get3A_632] {strides = array<i32>} : memref<320x64xf32, #tpu.memory_space<vmem>>, vector<16xf32>,
      %add3A_634 = arith.constant 16 : i32
      %add3A_635 = arith.addi %mul3A_285, %add3A_634 : i32
      %get3A_636 = arith.constant 0 : i32
      %get3A_637 = arith.constant 0 : i32
      %get3A_638 = tpu.memref_slice %arg7[%scan3A_160, %get3A_636, %get3A_637] : memref<2x320x64xf32, #tpu.memory_space<vmem>> -> memref<1x320x64xf32, #tpu.memory_space<vmem>>
      %get3A_639 = tpu.memref_squeeze %get3A_638 : memref<1x320x64xf32, #tpu.memory_space<vmem>> -> memref<320x64xf32, #tpu.memory_space<vmem>>
      %get3A_640 = arith.index_cast %add3A_635 : i32 to index
      %get3A_641 = arith.constant 16 : index
      %get3A_642 = tpu.vector_load %get3A_639[%get3A_640, %get3A_641] {strides = array<i32>} : memref<320x64xf32, #tpu.memory_space<vmem>>, vector<16xf32>,
      %add3A_643 = arith.constant 17 : i32
      %add3A_644 = arith.addi %mul3A_285, %add3A_643 : i32
      %get3A_645 = arith.constant 0 : i32
      %get3A_646 = arith.constant 0 : i32
      %get3A_647 = tpu.memref_slice %arg7[%scan3A_160, %get3A_645, %get3A_646] : memref<2x320x64xf32, #tpu.memory_space<vmem>> -> memref<1x320x64xf32, #tpu.memory_space<vmem>>
      %get3A_648 = tpu.memref_squeeze %get3A_647 : memref<1x320x64xf32, #tpu.memory_space<vmem>> -> memref<320x64xf32, #tpu.memory_space<vmem>>
      %get3A_649 = arith.index_cast %add3A_644 : i32 to index
      %get3A_650 = arith.constant 16 : index
      %get3A_651 = tpu.vector_load %get3A_648[%get3A_649, %get3A_650] {strides = array<i32>} : memref<320x64xf32, #tpu.memory_space<vmem>>, vector<16xf32>,
      %add3A_652 = arith.constant 18 : i32
      %add3A_653 = arith.addi %mul3A_285, %add3A_652 : i32
      %get3A_654 = arith.constant 0 : i32
      %get3A_655 = arith.constant 0 : i32
      %get3A_656 = tpu.memref_slice %arg7[%scan3A_160, %get3A_654, %get3A_655] : memref<2x320x64xf32, #tpu.memory_space<vmem>> -> memref<1x320x64xf32, #tpu.memory_space<vmem>>
      %get3A_657 = tpu.memref_squeeze %get3A_656 : memref<1x320x64xf32, #tpu.memory_space<vmem>> -> memref<320x64xf32, #tpu.memory_space<vmem>>
      %get3A_658 = arith.index_cast %add3A_653 : i32 to index
      %get3A_659 = arith.constant 16 : index
      %get3A_660 = tpu.vector_load %get3A_657[%get3A_658, %get3A_659] {strides = array<i32>} : memref<320x64xf32, #tpu.memory_space<vmem>>, vector<16xf32>,
      %add3A_661 = arith.constant 19 : i32
      %add3A_662 = arith.addi %mul3A_285, %add3A_661 : i32
      %get3A_663 = arith.constant 0 : i32
      %get3A_664 = arith.constant 0 : i32
      %get3A_665 = tpu.memref_slice %arg7[%scan3A_160, %get3A_663, %get3A_664] : memref<2x320x64xf32, #tpu.memory_space<vmem>> -> memref<1x320x64xf32, #tpu.memory_space<vmem>>
      %get3A_666 = tpu.memref_squeeze %get3A_665 : memref<1x320x64xf32, #tpu.memory_space<vmem>> -> memref<320x64xf32, #tpu.memory_space<vmem>>
      %get3A_667 = arith.index_cast %add3A_662 : i32 to index
      %get3A_668 = arith.constant 16 : index
      %get3A_669 = tpu.vector_load %get3A_666[%get3A_667, %get3A_668] {strides = array<i32>} : memref<320x64xf32, #tpu.memory_space<vmem>>, vector<16xf32>,
      %add3A_670 = arith.addf %get3A_498, %get3A_507 : vector<16xf32>
      %add3A_671 = arith.addf %get3A_516, %get3A_525 : vector<16xf32>
      %add3A_672 = arith.addf %get3A_534, %get3A_543 : vector<16xf32>
      %add3A_673 = arith.addf %get3A_552, %get3A_561 : vector<16xf32>
      %add3A_674 = arith.addf %get3A_570, %get3A_579 : vector<16xf32>
      %add3A_675 = arith.addf %get3A_588, %get3A_597 : vector<16xf32>
      %add3A_676 = arith.addf %get3A_606, %get3A_615 : vector<16xf32>
      %add3A_677 = arith.addf %get3A_624, %get3A_633 : vector<16xf32>
      %add3A_678 = arith.addf %get3A_642, %get3A_651 : vector<16xf32>
      %add3A_679 = arith.addf %get3A_660, %get3A_669 : vector<16xf32>
      %add3A_680 = arith.addf %add3A_670, %add3A_671 : vector<16xf32>
      %add3A_681 = arith.addf %add3A_672, %add3A_673 : vector<16xf32>
      %add3A_682 = arith.addf %add3A_674, %add3A_675 : vector<16xf32>
      %add3A_683 = arith.addf %add3A_676, %add3A_677 : vector<16xf32>
      %add3A_684 = arith.addf %add3A_678, %add3A_679 : vector<16xf32>
      %add3A_685 = arith.addf %add3A_680, %add3A_681 : vector<16xf32>
      %add3A_686 = arith.addf %add3A_682, %add3A_683 : vector<16xf32>
      %add3A_687 = arith.addf %add3A_685, %add3A_686 : vector<16xf32>
      %add3A_688 = arith.addf %add3A_687, %add3A_684 : vector<16xf32>
      %mul3A_689 = vector.broadcast %scan3A_161 : f32 to vector<16xf32>
      %mul3A_690 = arith.mulf %add3A_688, %mul3A_689 : vector<16xf32>
      %add3A_691 = arith.constant 0 : i32
      %add3A_692 = arith.addi %add3A_691, %scan3A_283 : i32
      %swap3A_693 = arith.index_cast %add3A_692 : i32 to index
      %swap3A_694 = arith.constant 16 : index
      %swap3A_695 = tpu.vector_load %arg8[%swap3A_693, %swap3A_694] {strides = array<i32>} : memref<512x64xf32, #tpu.memory_space<vmem>>, vector<16xf32>,
      tpu.vector_store %arg8[%swap3A_693, %swap3A_694], %mul3A_690 {strides = array<i32>} : memref<512x64xf32, #tpu.memory_space<vmem>>, vector<16xf32>,
      %add3A_696 = arith.constant 0 : i32
      %add3A_697 = arith.addi %mul3A_285, %add3A_696 : i32
      %get3A_698 = arith.constant 0 : i32
      %get3A_699 = arith.constant 0 : i32
      %get3A_700 = tpu.memref_slice %arg7[%scan3A_160, %get3A_698, %get3A_699] : memref<2x320x64xf32, #tpu.memory_space<vmem>> -> memref<1x320x64xf32, #tpu.memory_space<vmem>>
      %get3A_701 = tpu.memref_squeeze %get3A_700 : memref<1x320x64xf32, #tpu.memory_space<vmem>> -> memref<320x64xf32, #tpu.memory_space<vmem>>
      %get3A_702 = arith.index_cast %add3A_697 : i32 to index
      %get3A_703 = arith.constant 32 : index
      %get3A_704 = tpu.vector_load %get3A_701[%get3A_702, %get3A_703] {strides = array<i32>} : memref<320x64xf32, #tpu.memory_space<vmem>>, vector<16xf32>,
      %add3A_705 = arith.constant 1 : i32
      %add3A_706 = arith.addi %mul3A_285, %add3A_705 : i32
      %get3A_707 = arith.constant 0 : i32
      %get3A_708 = arith.constant 0 : i32
      %get3A_709 = tpu.memref_slice %arg7[%scan3A_160, %get3A_707, %get3A_708] : memref<2x320x64xf32, #tpu.memory_space<vmem>> -> memref<1x320x64xf32, #tpu.memory_space<vmem>>
      %get3A_710 = tpu.memref_squeeze %get3A_709 : memref<1x320x64xf32, #tpu.memory_space<vmem>> -> memref<320x64xf32, #tpu.memory_space<vmem>>
      %get3A_711 = arith.index_cast %add3A_706 : i32 to index
      %get3A_712 = arith.constant 32 : index
      %get3A_713 = tpu.vector_load %get3A_710[%get3A_711, %get3A_712] {strides = array<i32>} : memref<320x64xf32, #tpu.memory_space<vmem>>, vector<16xf32>,
      %add3A_714 = arith.constant 2 : i32
      %add3A_715 = arith.addi %mul3A_285, %add3A_714 : i32
      %get3A_716 = arith.constant 0 : i32
      %get3A_717 = arith.constant 0 : i32
      %get3A_718 = tpu.memref_slice %arg7[%scan3A_160, %get3A_716, %get3A_717] : memref<2x320x64xf32, #tpu.memory_space<vmem>> -> memref<1x320x64xf32, #tpu.memory_space<vmem>>
      %get3A_719 = tpu.memref_squeeze %get3A_718 : memref<1x320x64xf32, #tpu.memory_space<vmem>> -> memref<320x64xf32, #tpu.memory_space<vmem>>
      %get3A_720 = arith.index_cast %add3A_715 : i32 to index
      %get3A_721 = arith.constant 32 : index
      %get3A_722 = tpu.vector_load %get3A_719[%get3A_720, %get3A_721] {strides = array<i32>} : memref<320x64xf32, #tpu.memory_space<vmem>>, vector<16xf32>,
      %add3A_723 = arith.constant 3 : i32
      %add3A_724 = arith.addi %mul3A_285, %add3A_723 : i32
      %get3A_725 = arith.constant 0 : i32
      %get3A_726 = arith.constant 0 : i32
      %get3A_727 = tpu.memref_slice %arg7[%scan3A_160, %get3A_725, %get3A_726] : memref<2x320x64xf32, #tpu.memory_space<vmem>> -> memref<1x320x64xf32, #tpu.memory_space<vmem>>
      %get3A_728 = tpu.memref_squeeze %get3A_727 : memref<1x320x64xf32, #tpu.memory_space<vmem>> -> memref<320x64xf32, #tpu.memory_space<vmem>>
      %get3A_729 = arith.index_cast %add3A_724 : i32 to index
      %get3A_730 = arith.constant 32 : index
      %get3A_731 = tpu.vector_load %get3A_728[%get3A_729, %get3A_730] {strides = array<i32>} : memref<320x64xf32, #tpu.memory_space<vmem>>, vector<16xf32>,
      %add3A_732 = arith.constant 4 : i32
      %add3A_733 = arith.addi %mul3A_285, %add3A_732 : i32
      %get3A_734 = arith.constant 0 : i32
      %get3A_735 = arith.constant 0 : i32
      %get3A_736 = tpu.memref_slice %arg7[%scan3A_160, %get3A_734, %get3A_735] : memref<2x320x64xf32, #tpu.memory_space<vmem>> -> memref<1x320x64xf32, #tpu.memory_space<vmem>>
      %get3A_737 = tpu.memref_squeeze %get3A_736 : memref<1x320x64xf32, #tpu.memory_space<vmem>> -> memref<320x64xf32, #tpu.memory_space<vmem>>
      %get3A_738 = arith.index_cast %add3A_733 : i32 to index
      %get3A_739 = arith.constant 32 : index
      %get3A_740 = tpu.vector_load %get3A_737[%get3A_738, %get3A_739] {strides = array<i32>} : memref<320x64xf32, #tpu.memory_space<vmem>>, vector<16xf32>,
      %add3A_741 = arith.constant 5 : i32
      %add3A_742 = arith.addi %mul3A_285, %add3A_741 : i32
      %get3A_743 = arith.constant 0 : i32
      %get3A_744 = arith.constant 0 : i32
      %get3A_745 = tpu.memref_slice %arg7[%scan3A_160, %get3A_743, %get3A_744] : memref<2x320x64xf32, #tpu.memory_space<vmem>> -> memref<1x320x64xf32, #tpu.memory_space<vmem>>
      %get3A_746 = tpu.memref_squeeze %get3A_745 : memref<1x320x64xf32, #tpu.memory_space<vmem>> -> memref<320x64xf32, #tpu.memory_space<vmem>>
      %get3A_747 = arith.index_cast %add3A_742 : i32 to index
      %get3A_748 = arith.constant 32 : index
      %get3A_749 = tpu.vector_load %get3A_746[%get3A_747, %get3A_748] {strides = array<i32>} : memref<320x64xf32, #tpu.memory_space<vmem>>, vector<16xf32>,
      %add3A_750 = arith.constant 6 : i32
      %add3A_751 = arith.addi %mul3A_285, %add3A_750 : i32
      %get3A_752 = arith.constant 0 : i32
      %get3A_753 = arith.constant 0 : i32
      %get3A_754 = tpu.memref_slice %arg7[%scan3A_160, %get3A_752, %get3A_753] : memref<2x320x64xf32, #tpu.memory_space<vmem>> -> memref<1x320x64xf32, #tpu.memory_space<vmem>>
      %get3A_755 = tpu.memref_squeeze %get3A_754 : memref<1x320x64xf32, #tpu.memory_space<vmem>> -> memref<320x64xf32, #tpu.memory_space<vmem>>
      %get3A_756 = arith.index_cast %add3A_751 : i32 to index
      %get3A_757 = arith.constant 32 : index
      %get3A_758 = tpu.vector_load %get3A_755[%get3A_756, %get3A_757] {strides = array<i32>} : memref<320x64xf32, #tpu.memory_space<vmem>>, vector<16xf32>,
      %add3A_759 = arith.constant 7 : i32
      %add3A_760 = arith.addi %mul3A_285, %add3A_759 : i32
      %get3A_761 = arith.constant 0 : i32
      %get3A_762 = arith.constant 0 : i32
      %get3A_763 = tpu.memref_slice %arg7[%scan3A_160, %get3A_761, %get3A_762] : memref<2x320x64xf32, #tpu.memory_space<vmem>> -> memref<1x320x64xf32, #tpu.memory_space<vmem>>
      %get3A_764 = tpu.memref_squeeze %get3A_763 : memref<1x320x64xf32, #tpu.memory_space<vmem>> -> memref<320x64xf32, #tpu.memory_space<vmem>>
      %get3A_765 = arith.index_cast %add3A_760 : i32 to index
      %get3A_766 = arith.constant 32 : index
      %get3A_767 = tpu.vector_load %get3A_764[%get3A_765, %get3A_766] {strides = array<i32>} : memref<320x64xf32, #tpu.memory_space<vmem>>, vector<16xf32>,
      %add3A_768 = arith.constant 8 : i32
      %add3A_769 = arith.addi %mul3A_285, %add3A_768 : i32
      %get3A_770 = arith.constant 0 : i32
      %get3A_771 = arith.constant 0 : i32
      %get3A_772 = tpu.memref_slice %arg7[%scan3A_160, %get3A_770, %get3A_771] : memref<2x320x64xf32, #tpu.memory_space<vmem>> -> memref<1x320x64xf32, #tpu.memory_space<vmem>>
      %get3A_773 = tpu.memref_squeeze %get3A_772 : memref<1x320x64xf32, #tpu.memory_space<vmem>> -> memref<320x64xf32, #tpu.memory_space<vmem>>
      %get3A_774 = arith.index_cast %add3A_769 : i32 to index
      %get3A_775 = arith.constant 32 : index
      %get3A_776 = tpu.vector_load %get3A_773[%get3A_774, %get3A_775] {strides = array<i32>} : memref<320x64xf32, #tpu.memory_space<vmem>>, vector<16xf32>,
      %add3A_777 = arith.constant 9 : i32
      %add3A_778 = arith.addi %mul3A_285, %add3A_777 : i32
      %get3A_779 = arith.constant 0 : i32
      %get3A_780 = arith.constant 0 : i32
      %get3A_781 = tpu.memref_slice %arg7[%scan3A_160, %get3A_779, %get3A_780] : memref<2x320x64xf32, #tpu.memory_space<vmem>> -> memref<1x320x64xf32, #tpu.memory_space<vmem>>
      %get3A_782 = tpu.memref_squeeze %get3A_781 : memref<1x320x64xf32, #tpu.memory_space<vmem>> -> memref<320x64xf32, #tpu.memory_space<vmem>>
      %get3A_783 = arith.index_cast %add3A_778 : i32 to index
      %get3A_784 = arith.constant 32 : index
      %get3A_785 = tpu.vector_load %get3A_782[%get3A_783, %get3A_784] {strides = array<i32>} : memref<320x64xf32, #tpu.memory_space<vmem>>, vector<16xf32>,
      %add3A_786 = arith.constant 10 : i32
      %add3A_787 = arith.addi %mul3A_285, %add3A_786 : i32
      %get3A_788 = arith.constant 0 : i32
      %get3A_789 = arith.constant 0 : i32
      %get3A_790 = tpu.memref_slice %arg7[%scan3A_160, %get3A_788, %get3A_789] : memref<2x320x64xf32, #tpu.memory_space<vmem>> -> memref<1x320x64xf32, #tpu.memory_space<vmem>>
      %get3A_791 = tpu.memref_squeeze %get3A_790 : memref<1x320x64xf32, #tpu.memory_space<vmem>> -> memref<320x64xf32, #tpu.memory_space<vmem>>
      %get3A_792 = arith.index_cast %add3A_787 : i32 to index
      %get3A_793 = arith.constant 32 : index
      %get3A_794 = tpu.vector_load %get3A_791[%get3A_792, %get3A_793] {strides = array<i32>} : memref<320x64xf32, #tpu.memory_space<vmem>>, vector<16xf32>,
      %add3A_795 = arith.constant 11 : i32
      %add3A_796 = arith.addi %mul3A_285, %add3A_795 : i32
      %get3A_797 = arith.constant 0 : i32
      %get3A_798 = arith.constant 0 : i32
      %get3A_799 = tpu.memref_slice %arg7[%scan3A_160, %get3A_797, %get3A_798] : memref<2x320x64xf32, #tpu.memory_space<vmem>> -> memref<1x320x64xf32, #tpu.memory_space<vmem>>
      %get3A_800 = tpu.memref_squeeze %get3A_799 : memref<1x320x64xf32, #tpu.memory_space<vmem>> -> memref<320x64xf32, #tpu.memory_space<vmem>>
      %get3A_801 = arith.index_cast %add3A_796 : i32 to index
      %get3A_802 = arith.constant 32 : index
      %get3A_803 = tpu.vector_load %get3A_800[%get3A_801, %get3A_802] {strides = array<i32>} : memref<320x64xf32, #tpu.memory_space<vmem>>, vector<16xf32>,
      %add3A_804 = arith.constant 12 : i32
      %add3A_805 = arith.addi %mul3A_285, %add3A_804 : i32
      %get3A_806 = arith.constant 0 : i32
      %get3A_807 = arith.constant 0 : i32
      %get3A_808 = tpu.memref_slice %arg7[%scan3A_160, %get3A_806, %get3A_807] : memref<2x320x64xf32, #tpu.memory_space<vmem>> -> memref<1x320x64xf32, #tpu.memory_space<vmem>>
      %get3A_809 = tpu.memref_squeeze %get3A_808 : memref<1x320x64xf32, #tpu.memory_space<vmem>> -> memref<320x64xf32, #tpu.memory_space<vmem>>
      %get3A_810 = arith.index_cast %add3A_805 : i32 to index
      %get3A_811 = arith.constant 32 : index
      %get3A_812 = tpu.vector_load %get3A_809[%get3A_810, %get3A_811] {strides = array<i32>} : memref<320x64xf32, #tpu.memory_space<vmem>>, vector<16xf32>,
      %add3A_813 = arith.constant 13 : i32
      %add3A_814 = arith.addi %mul3A_285, %add3A_813 : i32
      %get3A_815 = arith.constant 0 : i32
      %get3A_816 = arith.constant 0 : i32
      %get3A_817 = tpu.memref_slice %arg7[%scan3A_160, %get3A_815, %get3A_816] : memref<2x320x64xf32, #tpu.memory_space<vmem>> -> memref<1x320x64xf32, #tpu.memory_space<vmem>>
      %get3A_818 = tpu.memref_squeeze %get3A_817 : memref<1x320x64xf32, #tpu.memory_space<vmem>> -> memref<320x64xf32, #tpu.memory_space<vmem>>
      %get3A_819 = arith.index_cast %add3A_814 : i32 to index
      %get3A_820 = arith.constant 32 : index
      %get3A_821 = tpu.vector_load %get3A_818[%get3A_819, %get3A_820] {strides = array<i32>} : memref<320x64xf32, #tpu.memory_space<vmem>>, vector<16xf32>,
      %add3A_822 = arith.constant 14 : i32
      %add3A_823 = arith.addi %mul3A_285, %add3A_822 : i32
      %get3A_824 = arith.constant 0 : i32
      %get3A_825 = arith.constant 0 : i32
      %get3A_826 = tpu.memref_slice %arg7[%scan3A_160, %get3A_824, %get3A_825] : memref<2x320x64xf32, #tpu.memory_space<vmem>> -> memref<1x320x64xf32, #tpu.memory_space<vmem>>
      %get3A_827 = tpu.memref_squeeze %get3A_826 : memref<1x320x64xf32, #tpu.memory_space<vmem>> -> memref<320x64xf32, #tpu.memory_space<vmem>>
      %get3A_828 = arith.index_cast %add3A_823 : i32 to index
      %get3A_829 = arith.constant 32 : index
      %get3A_830 = tpu.vector_load %get3A_827[%get3A_828, %get3A_829] {strides = array<i32>} : memref<320x64xf32, #tpu.memory_space<vmem>>, vector<16xf32>,
      %add3A_831 = arith.constant 15 : i32
      %add3A_832 = arith.addi %mul3A_285, %add3A_831 : i32
      %get3A_833 = arith.constant 0 : i32
      %get3A_834 = arith.constant 0 : i32
      %get3A_835 = tpu.memref_slice %arg7[%scan3A_160, %get3A_833, %get3A_834] : memref<2x320x64xf32, #tpu.memory_space<vmem>> -> memref<1x320x64xf32, #tpu.memory_space<vmem>>
      %get3A_836 = tpu.memref_squeeze %get3A_835 : memref<1x320x64xf32, #tpu.memory_space<vmem>> -> memref<320x64xf32, #tpu.memory_space<vmem>>
      %get3A_837 = arith.index_cast %add3A_832 : i32 to index
      %get3A_838 = arith.constant 32 : index
      %get3A_839 = tpu.vector_load %get3A_836[%get3A_837, %get3A_838] {strides = array<i32>} : memref<320x64xf32, #tpu.memory_space<vmem>>, vector<16xf32>,
      %add3A_840 = arith.constant 16 : i32
      %add3A_841 = arith.addi %mul3A_285, %add3A_840 : i32
      %get3A_842 = arith.constant 0 : i32
      %get3A_843 = arith.constant 0 : i32
      %get3A_844 = tpu.memref_slice %arg7[%scan3A_160, %get3A_842, %get3A_843] : memref<2x320x64xf32, #tpu.memory_space<vmem>> -> memref<1x320x64xf32, #tpu.memory_space<vmem>>
      %get3A_845 = tpu.memref_squeeze %get3A_844 : memref<1x320x64xf32, #tpu.memory_space<vmem>> -> memref<320x64xf32, #tpu.memory_space<vmem>>
      %get3A_846 = arith.index_cast %add3A_841 : i32 to index
      %get3A_847 = arith.constant 32 : index
      %get3A_848 = tpu.vector_load %get3A_845[%get3A_846, %get3A_847] {strides = array<i32>} : memref<320x64xf32, #tpu.memory_space<vmem>>, vector<16xf32>,
      %add3A_849 = arith.constant 17 : i32
      %add3A_850 = arith.addi %mul3A_285, %add3A_849 : i32
      %get3A_851 = arith.constant 0 : i32
      %get3A_852 = arith.constant 0 : i32
      %get3A_853 = tpu.memref_slice %arg7[%scan3A_160, %get3A_851, %get3A_852] : memref<2x320x64xf32, #tpu.memory_space<vmem>> -> memref<1x320x64xf32, #tpu.memory_space<vmem>>
      %get3A_854 = tpu.memref_squeeze %get3A_853 : memref<1x320x64xf32, #tpu.memory_space<vmem>> -> memref<320x64xf32, #tpu.memory_space<vmem>>
      %get3A_855 = arith.index_cast %add3A_850 : i32 to index
      %get3A_856 = arith.constant 32 : index
      %get3A_857 = tpu.vector_load %get3A_854[%get3A_855, %get3A_856] {strides = array<i32>} : memref<320x64xf32, #tpu.memory_space<vmem>>, vector<16xf32>,
      %add3A_858 = arith.constant 18 : i32
      %add3A_859 = arith.addi %mul3A_285, %add3A_858 : i32
      %get3A_860 = arith.constant 0 : i32
      %get3A_861 = arith.constant 0 : i32
      %get3A_862 = tpu.memref_slice %arg7[%scan3A_160, %get3A_860, %get3A_861] : memref<2x320x64xf32, #tpu.memory_space<vmem>> -> memref<1x320x64xf32, #tpu.memory_space<vmem>>
      %get3A_863 = tpu.memref_squeeze %get3A_862 : memref<1x320x64xf32, #tpu.memory_space<vmem>> -> memref<320x64xf32, #tpu.memory_space<vmem>>
      %get3A_864 = arith.index_cast %add3A_859 : i32 to index
      %get3A_865 = arith.constant 32 : index
      %get3A_866 = tpu.vector_load %get3A_863[%get3A_864, %get3A_865] {strides = array<i32>} : memref<320x64xf32, #tpu.memory_space<vmem>>, vector<16xf32>,
      %add3A_867 = arith.constant 19 : i32
      %add3A_868 = arith.addi %mul3A_285, %add3A_867 : i32
      %get3A_869 = arith.constant 0 : i32
      %get3A_870 = arith.constant 0 : i32
      %get3A_871 = tpu.memref_slice %arg7[%scan3A_160, %get3A_869, %get3A_870] : memref<2x320x64xf32, #tpu.memory_space<vmem>> -> memref<1x320x64xf32, #tpu.memory_space<vmem>>
      %get3A_872 = tpu.memref_squeeze %get3A_871 : memref<1x320x64xf32, #tpu.memory_space<vmem>> -> memref<320x64xf32, #tpu.memory_space<vmem>>
      %get3A_873 = arith.index_cast %add3A_868 : i32 to index
      %get3A_874 = arith.constant 32 : index
      %get3A_875 = tpu.vector_load %get3A_872[%get3A_873, %get3A_874] {strides = array<i32>} : memref<320x64xf32, #tpu.memory_space<vmem>>, vector<16xf32>,
      %add3A_876 = arith.addf %get3A_704, %get3A_713 : vector<16xf32>
      %add3A_877 = arith.addf %get3A_722, %get3A_731 : vector<16xf32>
      %add3A_878 = arith.addf %get3A_740, %get3A_749 : vector<16xf32>
      %add3A_879 = arith.addf %get3A_758, %get3A_767 : vector<16xf32>
      %add3A_880 = arith.addf %get3A_776, %get3A_785 : vector<16xf32>
      %add3A_881 = arith.addf %get3A_794, %get3A_803 : vector<16xf32>
      %add3A_882 = arith.addf %get3A_812, %get3A_821 : vector<16xf32>
      %add3A_883 = arith.addf %get3A_830, %get3A_839 : vector<16xf32>
      %add3A_884 = arith.addf %get3A_848, %get3A_857 : vector<16xf32>
      %add3A_885 = arith.addf %get3A_866, %get3A_875 : vector<16xf32>
      %add3A_886 = arith.addf %add3A_876, %add3A_877 : vector<16xf32>
      %add3A_887 = arith.addf %add3A_878, %add3A_879 : vector<16xf32>
      %add3A_888 = arith.addf %add3A_880, %add3A_881 : vector<16xf32>
      %add3A_889 = arith.addf %add3A_882, %add3A_883 : vector<16xf32>
      %add3A_890 = arith.addf %add3A_884, %add3A_885 : vector<16xf32>
      %add3A_891 = arith.addf %add3A_886, %add3A_887 : vector<16xf32>
      %add3A_892 = arith.addf %add3A_888, %add3A_889 : vector<16xf32>
      %add3A_893 = arith.addf %add3A_891, %add3A_892 : vector<16xf32>
      %add3A_894 = arith.addf %add3A_893, %add3A_890 : vector<16xf32>
      %mul3A_895 = vector.broadcast %scan3A_161 : f32 to vector<16xf32>
      %mul3A_896 = arith.mulf %add3A_894, %mul3A_895 : vector<16xf32>
      %add3A_897 = arith.constant 0 : i32
      %add3A_898 = arith.addi %add3A_897, %scan3A_283 : i32
      %swap3A_899 = arith.index_cast %add3A_898 : i32 to index
      %swap3A_900 = arith.constant 32 : index
      %swap3A_901 = tpu.vector_load %arg8[%swap3A_899, %swap3A_900] {strides = array<i32>} : memref<512x64xf32, #tpu.memory_space<vmem>>, vector<16xf32>,
      tpu.vector_store %arg8[%swap3A_899, %swap3A_900], %mul3A_896 {strides = array<i32>} : memref<512x64xf32, #tpu.memory_space<vmem>>, vector<16xf32>,
      %add3A_902 = arith.constant 0 : i32
      %add3A_903 = arith.addi %mul3A_285, %add3A_902 : i32
      %get3A_904 = arith.constant 0 : i32
      %get3A_905 = arith.constant 0 : i32
      %get3A_906 = tpu.memref_slice %arg7[%scan3A_160, %get3A_904, %get3A_905] : memref<2x320x64xf32, #tpu.memory_space<vmem>> -> memref<1x320x64xf32, #tpu.memory_space<vmem>>
      %get3A_907 = tpu.memref_squeeze %get3A_906 : memref<1x320x64xf32, #tpu.memory_space<vmem>> -> memref<320x64xf32, #tpu.memory_space<vmem>>
      %get3A_908 = arith.index_cast %add3A_903 : i32 to index
      %get3A_909 = arith.constant 48 : index
      %get3A_910 = tpu.vector_load %get3A_907[%get3A_908, %get3A_909] {strides = array<i32>} : memref<320x64xf32, #tpu.memory_space<vmem>>, vector<16xf32>,
      %add3A_911 = arith.constant 1 : i32
      %add3A_912 = arith.addi %mul3A_285, %add3A_911 : i32
      %get3A_913 = arith.constant 0 : i32
      %get3A_914 = arith.constant 0 : i32
      %get3A_915 = tpu.memref_slice %arg7[%scan3A_160, %get3A_913, %get3A_914] : memref<2x320x64xf32, #tpu.memory_space<vmem>> -> memref<1x320x64xf32, #tpu.memory_space<vmem>>
      %get3A_916 = tpu.memref_squeeze %get3A_915 : memref<1x320x64xf32, #tpu.memory_space<vmem>> -> memref<320x64xf32, #tpu.memory_space<vmem>>
      %get3A_917 = arith.index_cast %add3A_912 : i32 to index
      %get3A_918 = arith.constant 48 : index
      %get3A_919 = tpu.vector_load %get3A_916[%get3A_917, %get3A_918] {strides = array<i32>} : memref<320x64xf32, #tpu.memory_space<vmem>>, vector<16xf32>,
      %add3A_920 = arith.constant 2 : i32
      %add3A_921 = arith.addi %mul3A_285, %add3A_920 : i32
      %get3A_922 = arith.constant 0 : i32
      %get3A_923 = arith.constant 0 : i32
      %get3A_924 = tpu.memref_slice %arg7[%scan3A_160, %get3A_922, %get3A_923] : memref<2x320x64xf32, #tpu.memory_space<vmem>> -> memref<1x320x64xf32, #tpu.memory_space<vmem>>
      %get3A_925 = tpu.memref_squeeze %get3A_924 : memref<1x320x64xf32, #tpu.memory_space<vmem>> -> memref<320x64xf32, #tpu.memory_space<vmem>>
      %get3A_926 = arith.index_cast %add3A_921 : i32 to index
      %get3A_927 = arith.constant 48 : index
      %get3A_928 = tpu.vector_load %get3A_925[%get3A_926, %get3A_927] {strides = array<i32>} : memref<320x64xf32, #tpu.memory_space<vmem>>, vector<16xf32>,
      %add3A_929 = arith.constant 3 : i32
      %add3A_930 = arith.addi %mul3A_285, %add3A_929 : i32
      %get3A_931 = arith.constant 0 : i32
      %get3A_932 = arith.constant 0 : i32
      %get3A_933 = tpu.memref_slice %arg7[%scan3A_160, %get3A_931, %get3A_932] : memref<2x320x64xf32, #tpu.memory_space<vmem>> -> memref<1x320x64xf32, #tpu.memory_space<vmem>>
      %get3A_934 = tpu.memref_squeeze %get3A_933 : memref<1x320x64xf32, #tpu.memory_space<vmem>> -> memref<320x64xf32, #tpu.memory_space<vmem>>
      %get3A_935 = arith.index_cast %add3A_930 : i32 to index
      %get3A_936 = arith.constant 48 : index
      %get3A_937 = tpu.vector_load %get3A_934[%get3A_935, %get3A_936] {strides = array<i32>} : memref<320x64xf32, #tpu.memory_space<vmem>>, vector<16xf32>,
      %add3A_938 = arith.constant 4 : i32
      %add3A_939 = arith.addi %mul3A_285, %add3A_938 : i32
      %get3A_940 = arith.constant 0 : i32
      %get3A_941 = arith.constant 0 : i32
      %get3A_942 = tpu.memref_slice %arg7[%scan3A_160, %get3A_940, %get3A_941] : memref<2x320x64xf32, #tpu.memory_space<vmem>> -> memref<1x320x64xf32, #tpu.memory_space<vmem>>
      %get3A_943 = tpu.memref_squeeze %get3A_942 : memref<1x320x64xf32, #tpu.memory_space<vmem>> -> memref<320x64xf32, #tpu.memory_space<vmem>>
      %get3A_944 = arith.index_cast %add3A_939 : i32 to index
      %get3A_945 = arith.constant 48 : index
      %get3A_946 = tpu.vector_load %get3A_943[%get3A_944, %get3A_945] {strides = array<i32>} : memref<320x64xf32, #tpu.memory_space<vmem>>, vector<16xf32>,
      %add3A_947 = arith.constant 5 : i32
      %add3A_948 = arith.addi %mul3A_285, %add3A_947 : i32
      %get3A_949 = arith.constant 0 : i32
      %get3A_950 = arith.constant 0 : i32
      %get3A_951 = tpu.memref_slice %arg7[%scan3A_160, %get3A_949, %get3A_950] : memref<2x320x64xf32, #tpu.memory_space<vmem>> -> memref<1x320x64xf32, #tpu.memory_space<vmem>>
      %get3A_952 = tpu.memref_squeeze %get3A_951 : memref<1x320x64xf32, #tpu.memory_space<vmem>> -> memref<320x64xf32, #tpu.memory_space<vmem>>
      %get3A_953 = arith.index_cast %add3A_948 : i32 to index
      %get3A_954 = arith.constant 48 : index
      %get3A_955 = tpu.vector_load %get3A_952[%get3A_953, %get3A_954] {strides = array<i32>} : memref<320x64xf32, #tpu.memory_space<vmem>>, vector<16xf32>,
      %add3A_956 = arith.constant 6 : i32
      %add3A_957 = arith.addi %mul3A_285, %add3A_956 : i32
      %get3A_958 = arith.constant 0 : i32
      %get3A_959 = arith.constant 0 : i32
      %get3A_960 = tpu.memref_slice %arg7[%scan3A_160, %get3A_958, %get3A_959] : memref<2x320x64xf32, #tpu.memory_space<vmem>> -> memref<1x320x64xf32, #tpu.memory_space<vmem>>
      %get3A_961 = tpu.memref_squeeze %get3A_960 : memref<1x320x64xf32, #tpu.memory_space<vmem>> -> memref<320x64xf32, #tpu.memory_space<vmem>>
      %get3A_962 = arith.index_cast %add3A_957 : i32 to index
      %get3A_963 = arith.constant 48 : index
      %get3A_964 = tpu.vector_load %get3A_961[%get3A_962, %get3A_963] {strides = array<i32>} : memref<320x64xf32, #tpu.memory_space<vmem>>, vector<16xf32>,
      %add3A_965 = arith.constant 7 : i32
      %add3A_966 = arith.addi %mul3A_285, %add3A_965 : i32
      %get3A_967 = arith.constant 0 : i32
      %get3A_968 = arith.constant 0 : i32
      %get3A_969 = tpu.memref_slice %arg7[%scan3A_160, %get3A_967, %get3A_968] : memref<2x320x64xf32, #tpu.memory_space<vmem>> -> memref<1x320x64xf32, #tpu.memory_space<vmem>>
      %get3A_970 = tpu.memref_squeeze %get3A_969 : memref<1x320x64xf32, #tpu.memory_space<vmem>> -> memref<320x64xf32, #tpu.memory_space<vmem>>
      %get3A_971 = arith.index_cast %add3A_966 : i32 to index
      %get3A_972 = arith.constant 48 : index
      %get3A_973 = tpu.vector_load %get3A_970[%get3A_971, %get3A_972] {strides = array<i32>} : memref<320x64xf32, #tpu.memory_space<vmem>>, vector<16xf32>,
      %add3A_974 = arith.constant 8 : i32
      %add3A_975 = arith.addi %mul3A_285, %add3A_974 : i32
      %get3A_976 = arith.constant 0 : i32
      %get3A_977 = arith.constant 0 : i32
      %get3A_978 = tpu.memref_slice %arg7[%scan3A_160, %get3A_976, %get3A_977] : memref<2x320x64xf32, #tpu.memory_space<vmem>> -> memref<1x320x64xf32, #tpu.memory_space<vmem>>
      %get3A_979 = tpu.memref_squeeze %get3A_978 : memref<1x320x64xf32, #tpu.memory_space<vmem>> -> memref<320x64xf32, #tpu.memory_space<vmem>>
      %get3A_980 = arith.index_cast %add3A_975 : i32 to index
      %get3A_981 = arith.constant 48 : index
      %get3A_982 = tpu.vector_load %get3A_979[%get3A_980, %get3A_981] {strides = array<i32>} : memref<320x64xf32, #tpu.memory_space<vmem>>, vector<16xf32>,
      %add3A_983 = arith.constant 9 : i32
      %add3A_984 = arith.addi %mul3A_285, %add3A_983 : i32
      %get3A_985 = arith.constant 0 : i32
      %get3A_986 = arith.constant 0 : i32
      %get3A_987 = tpu.memref_slice %arg7[%scan3A_160, %get3A_985, %get3A_986] : memref<2x320x64xf32, #tpu.memory_space<vmem>> -> memref<1x320x64xf32, #tpu.memory_space<vmem>>
      %get3A_988 = tpu.memref_squeeze %get3A_987 : memref<1x320x64xf32, #tpu.memory_space<vmem>> -> memref<320x64xf32, #tpu.memory_space<vmem>>
      %get3A_989 = arith.index_cast %add3A_984 : i32 to index
      %get3A_990 = arith.constant 48 : index
      %get3A_991 = tpu.vector_load %get3A_988[%get3A_989, %get3A_990] {strides = array<i32>} : memref<320x64xf32, #tpu.memory_space<vmem>>, vector<16xf32>,
      %add3A_992 = arith.constant 10 : i32
      %add3A_993 = arith.addi %mul3A_285, %add3A_992 : i32
      %get3A_994 = arith.constant 0 : i32
      %get3A_995 = arith.constant 0 : i32
      %get3A_996 = tpu.memref_slice %arg7[%scan3A_160, %get3A_994, %get3A_995] : memref<2x320x64xf32, #tpu.memory_space<vmem>> -> memref<1x320x64xf32, #tpu.memory_space<vmem>>
      %get3A_997 = tpu.memref_squeeze %get3A_996 : memref<1x320x64xf32, #tpu.memory_space<vmem>> -> memref<320x64xf32, #tpu.memory_space<vmem>>
      %get3A_998 = arith.index_cast %add3A_993 : i32 to index
      %get3A_999 = arith.constant 48 : index
      %get3A_1000 = tpu.vector_load %get3A_997[%get3A_998, %get3A_999] {strides = array<i32>} : memref<320x64xf32, #tpu.memory_space<vmem>>, vector<16xf32>,
      %add3A_1001 = arith.constant 11 : i32
      %add3A_1002 = arith.addi %mul3A_285, %add3A_1001 : i32
      %get3A_1003 = arith.constant 0 : i32
      %get3A_1004 = arith.constant 0 : i32
      %get3A_1005 = tpu.memref_slice %arg7[%scan3A_160, %get3A_1003, %get3A_1004] : memref<2x320x64xf32, #tpu.memory_space<vmem>> -> memref<1x320x64xf32, #tpu.memory_space<vmem>>
      %get3A_1006 = tpu.memref_squeeze %get3A_1005 : memref<1x320x64xf32, #tpu.memory_space<vmem>> -> memref<320x64xf32, #tpu.memory_space<vmem>>
      %get3A_1007 = arith.index_cast %add3A_1002 : i32 to index
      %get3A_1008 = arith.constant 48 : index
      %get3A_1009 = tpu.vector_load %get3A_1006[%get3A_1007, %get3A_1008] {strides = array<i32>} : memref<320x64xf32, #tpu.memory_space<vmem>>, vector<16xf32>,
      %add3A_1010 = arith.constant 12 : i32
      %add3A_1011 = arith.addi %mul3A_285, %add3A_1010 : i32
      %get3A_1012 = arith.constant 0 : i32
      %get3A_1013 = arith.constant 0 : i32
      %get3A_1014 = tpu.memref_slice %arg7[%scan3A_160, %get3A_1012, %get3A_1013] : memref<2x320x64xf32, #tpu.memory_space<vmem>> -> memref<1x320x64xf32, #tpu.memory_space<vmem>>
      %get3A_1015 = tpu.memref_squeeze %get3A_1014 : memref<1x320x64xf32, #tpu.memory_space<vmem>> -> memref<320x64xf32, #tpu.memory_space<vmem>>
      %get3A_1016 = arith.index_cast %add3A_1011 : i32 to index
      %get3A_1017 = arith.constant 48 : index
      %get3A_1018 = tpu.vector_load %get3A_1015[%get3A_1016, %get3A_1017] {strides = array<i32>} : memref<320x64xf32, #tpu.memory_space<vmem>>, vector<16xf32>,
      %add3A_1019 = arith.constant 13 : i32
      %add3A_1020 = arith.addi %mul3A_285, %add3A_1019 : i32
      %get3A_1021 = arith.constant 0 : i32
      %get3A_1022 = arith.constant 0 : i32
      %get3A_1023 = tpu.memref_slice %arg7[%scan3A_160, %get3A_1021, %get3A_1022] : memref<2x320x64xf32, #tpu.memory_space<vmem>> -> memref<1x320x64xf32, #tpu.memory_space<vmem>>
      %get3A_1024 = tpu.memref_squeeze %get3A_1023 : memref<1x320x64xf32, #tpu.memory_space<vmem>> -> memref<320x64xf32, #tpu.memory_space<vmem>>
      %get3A_1025 = arith.index_cast %add3A_1020 : i32 to index
      %get3A_1026 = arith.constant 48 : index
      %get3A_1027 = tpu.vector_load %get3A_1024[%get3A_1025, %get3A_1026] {strides = array<i32>} : memref<320x64xf32, #tpu.memory_space<vmem>>, vector<16xf32>,
      %add3A_1028 = arith.constant 14 : i32
      %add3A_1029 = arith.addi %mul3A_285, %add3A_1028 : i32
      %get3A_1030 = arith.constant 0 : i32
      %get3A_1031 = arith.constant 0 : i32
      %get3A_1032 = tpu.memref_slice %arg7[%scan3A_160, %get3A_1030, %get3A_1031] : memref<2x320x64xf32, #tpu.memory_space<vmem>> -> memref<1x320x64xf32, #tpu.memory_space<vmem>>
      %get3A_1033 = tpu.memref_squeeze %get3A_1032 : memref<1x320x64xf32, #tpu.memory_space<vmem>> -> memref<320x64xf32, #tpu.memory_space<vmem>>
      %get3A_1034 = arith.index_cast %add3A_1029 : i32 to index
      %get3A_1035 = arith.constant 48 : index
      %get3A_1036 = tpu.vector_load %get3A_1033[%get3A_1034, %get3A_1035] {strides = array<i32>} : memref<320x64xf32, #tpu.memory_space<vmem>>, vector<16xf32>,
      %add3A_1037 = arith.constant 15 : i32
      %add3A_1038 = arith.addi %mul3A_285, %add3A_1037 : i32
      %get3A_1039 = arith.constant 0 : i32
      %get3A_1040 = arith.constant 0 : i32
      %get3A_1041 = tpu.memref_slice %arg7[%scan3A_160, %get3A_1039, %get3A_1040] : memref<2x320x64xf32, #tpu.memory_space<vmem>> -> memref<1x320x64xf32, #tpu.memory_space<vmem>>
      %get3A_1042 = tpu.memref_squeeze %get3A_1041 : memref<1x320x64xf32, #tpu.memory_space<vmem>> -> memref<320x64xf32, #tpu.memory_space<vmem>>
      %get3A_1043 = arith.index_cast %add3A_1038 : i32 to index
      %get3A_1044 = arith.constant 48 : index
      %get3A_1045 = tpu.vector_load %get3A_1042[%get3A_1043, %get3A_1044] {strides = array<i32>} : memref<320x64xf32, #tpu.memory_space<vmem>>, vector<16xf32>,
      %add3A_1046 = arith.constant 16 : i32
      %add3A_1047 = arith.addi %mul3A_285, %add3A_1046 : i32
      %get3A_1048 = arith.constant 0 : i32
      %get3A_1049 = arith.constant 0 : i32
      %get3A_1050 = tpu.memref_slice %arg7[%scan3A_160, %get3A_1048, %get3A_1049] : memref<2x320x64xf32, #tpu.memory_space<vmem>> -> memref<1x320x64xf32, #tpu.memory_space<vmem>>
      %get3A_1051 = tpu.memref_squeeze %get3A_1050 : memref<1x320x64xf32, #tpu.memory_space<vmem>> -> memref<320x64xf32, #tpu.memory_space<vmem>>
      %get3A_1052 = arith.index_cast %add3A_1047 : i32 to index
      %get3A_1053 = arith.constant 48 : index
      %get3A_1054 = tpu.vector_load %get3A_1051[%get3A_1052, %get3A_1053] {strides = array<i32>} : memref<320x64xf32, #tpu.memory_space<vmem>>, vector<16xf32>,
      %add3A_1055 = arith.constant 17 : i32
      %add3A_1056 = arith.addi %mul3A_285, %add3A_1055 : i32
      %get3A_1057 = arith.constant 0 : i32
      %get3A_1058 = arith.constant 0 : i32
      %get3A_1059 = tpu.memref_slice %arg7[%scan3A_160, %get3A_1057, %get3A_1058] : memref<2x320x64xf32, #tpu.memory_space<vmem>> -> memref<1x320x64xf32, #tpu.memory_space<vmem>>
      %get3A_1060 = tpu.memref_squeeze %get3A_1059 : memref<1x320x64xf32, #tpu.memory_space<vmem>> -> memref<320x64xf32, #tpu.memory_space<vmem>>
      %get3A_1061 = arith.index_cast %add3A_1056 : i32 to index
      %get3A_1062 = arith.constant 48 : index
      %get3A_1063 = tpu.vector_load %get3A_1060[%get3A_1061, %get3A_1062] {strides = array<i32>} : memref<320x64xf32, #tpu.memory_space<vmem>>, vector<16xf32>,
      %add3A_1064 = arith.constant 18 : i32
      %add3A_1065 = arith.addi %mul3A_285, %add3A_1064 : i32
      %get3A_1066 = arith.constant 0 : i32
      %get3A_1067 = arith.constant 0 : i32
      %get3A_1068 = tpu.memref_slice %arg7[%scan3A_160, %get3A_1066, %get3A_1067] : memref<2x320x64xf32, #tpu.memory_space<vmem>> -> memref<1x320x64xf32, #tpu.memory_space<vmem>>
      %get3A_1069 = tpu.memref_squeeze %get3A_1068 : memref<1x320x64xf32, #tpu.memory_space<vmem>> -> memref<320x64xf32, #tpu.memory_space<vmem>>
      %get3A_1070 = arith.index_cast %add3A_1065 : i32 to index
      %get3A_1071 = arith.constant 48 : index
      %get3A_1072 = tpu.vector_load %get3A_1069[%get3A_1070, %get3A_1071] {strides = array<i32>} : memref<320x64xf32, #tpu.memory_space<vmem>>, vector<16xf32>,
      %add3A_1073 = arith.constant 19 : i32
      %add3A_1074 = arith.addi %mul3A_285, %add3A_1073 : i32
      %get3A_1075 = arith.constant 0 : i32
      %get3A_1076 = arith.constant 0 : i32
      %get3A_1077 = tpu.memref_slice %arg7[%scan3A_160, %get3A_1075, %get3A_1076] : memref<2x320x64xf32, #tpu.memory_space<vmem>> -> memref<1x320x64xf32, #tpu.memory_space<vmem>>
      %get3A_1078 = tpu.memref_squeeze %get3A_1077 : memref<1x320x64xf32, #tpu.memory_space<vmem>> -> memref<320x64xf32, #tpu.memory_space<vmem>>
      %get3A_1079 = arith.index_cast %add3A_1074 : i32 to index
      %get3A_1080 = arith.constant 48 : index
      %get3A_1081 = tpu.vector_load %get3A_1078[%get3A_1079, %get3A_1080] {strides = array<i32>} : memref<320x64xf32, #tpu.memory_space<vmem>>, vector<16xf32>,
      %add3A_1082 = arith.addf %get3A_910, %get3A_919 : vector<16xf32>
      %add3A_1083 = arith.addf %get3A_928, %get3A_937 : vector<16xf32>
      %add3A_1084 = arith.addf %get3A_946, %get3A_955 : vector<16xf32>
      %add3A_1085 = arith.addf %get3A_964, %get3A_973 : vector<16xf32>
      %add3A_1086 = arith.addf %get3A_982, %get3A_991 : vector<16xf32>
      %add3A_1087 = arith.addf %get3A_1000, %get3A_1009 : vector<16xf32>
      %add3A_1088 = arith.addf %get3A_1018, %get3A_1027 : vector<16xf32>
      %add3A_1089 = arith.addf %get3A_1036, %get3A_1045 : vector<16xf32>
      %add3A_1090 = arith.addf %get3A_1054, %get3A_1063 : vector<16xf32>
      %add3A_1091 = arith.addf %get3A_1072, %get3A_1081 : vector<16xf32>
      %add3A_1092 = arith.addf %add3A_1082, %add3A_1083 : vector<16xf32>
      %add3A_1093 = arith.addf %add3A_1084, %add3A_1085 : vector<16xf32>
      %add3A_1094 = arith.addf %add3A_1086, %add3A_1087 : vector<16xf32>
      %add3A_1095 = arith.addf %add3A_1088, %add3A_1089 : vector<16xf32>
      %add3A_1096 = arith.addf %add3A_1090, %add3A_1091 : vector<16xf32>
      %add3A_1097 = arith.addf %add3A_1092, %add3A_1093 : vector<16xf32>
      %add3A_1098 = arith.addf %add3A_1094, %add3A_1095 : vector<16xf32>
      %add3A_1099 = arith.addf %add3A_1097, %add3A_1098 : vector<16xf32>
      %add3A_1100 = arith.addf %add3A_1099, %add3A_1096 : vector<16xf32>
      %mul3A_1101 = vector.broadcast %scan3A_161 : f32 to vector<16xf32>
      %mul3A_1102 = arith.mulf %add3A_1100, %mul3A_1101 : vector<16xf32>
      %add3A_1103 = arith.constant 0 : i32
      %add3A_1104 = arith.addi %add3A_1103, %scan3A_283 : i32
      %swap3A_1105 = arith.index_cast %add3A_1104 : i32 to index
      %swap3A_1106 = arith.constant 48 : index
      %swap3A_1107 = tpu.vector_load %arg8[%swap3A_1105, %swap3A_1106] {strides = array<i32>} : memref<512x64xf32, #tpu.memory_space<vmem>>, vector<16xf32>,
      tpu.vector_store %arg8[%swap3A_1105, %swap3A_1106], %mul3A_1102 {strides = array<i32>} : memref<512x64xf32, #tpu.memory_space<vmem>>, vector<16xf32>,
    }
    %scan3A_166 = arith.constant 16 : i32
    %dma_start3A_167 = arith.constant 0 : i32
    %dma_start3A_168 = arith.constant 0 : i32
    %dma_start3A_169 = arith.constant 0 : i32
    %dma_start3A_170 = tpu.memref_slice %arg7[%dma_start3A_167, %dma_start3A_168, %dma_start3A_169] : memref<2x320x64xf32, #tpu.memory_space<vmem>> -> memref<1x64x64xf32, #tpu.memory_space<vmem>>
    %dma_start3A_171 = tpu.memref_squeeze %dma_start3A_170 : memref<1x64x64xf32, #tpu.memory_space<vmem>> -> memref<64x64xf32, #tpu.memory_space<vmem>>
    %dma_start3A_172 = arith.constant 640 : i32
    %dma_start3A_173 = tpu.memref_slice %arg6[%dma_start3A_172] : memref<10240xi32, #tpu.memory_space<vmem>> -> memref<64xi32, #tpu.memory_space<vmem>>
    %dma_start3A_174 = arith.constant 0 : i32
    %dma_start3A_175 = arith.constant 0 : i32
    %dma_start3A_176 = tpu.memref_slice %arg3[%dma_start3A_174, %dma_start3A_175] : memref<1003520x64xf32, #tpu.memory_space<hbm>> -> memref<1003520x64xf32, #tpu.memory_space<hbm>>
    tpu.enqueue_indirect_dma source(%dma_start3A_176 : memref<1003520x64xf32, #tpu.memory_space<hbm>>) target(%dma_start3A_171 : memref<64x64xf32, #tpu.memory_space<vmem>>) offsets(%dma_start3A_173 : memref<64xi32, #tpu.memory_space<vmem>>) semaphore(%arg9 : memref<!tpu.dma_semaphore, #tpu.memory_space<semaphore_mem>>)
    %dma_start3A_177 = arith.constant 0 : i32
    %dma_start3A_178 = arith.constant 64 : i32
    %dma_start3A_179 = arith.constant 0 : i32
    %dma_start3A_180 = tpu.memref_slice %arg7[%dma_start3A_177, %dma_start3A_178, %dma_start3A_179] : memref<2x320x64xf32, #tpu.memory_space<vmem>> -> memref<1x64x64xf32, #tpu.memory_space<vmem>>
    %dma_start3A_181 = tpu.memref_squeeze %dma_start3A_180 : memref<1x64x64xf32, #tpu.memory_space<vmem>> -> memref<64x64xf32, #tpu.memory_space<vmem>>
    %dma_start3A_182 = arith.constant 704 : i32
    %dma_start3A_183 = tpu.memref_slice %arg6[%dma_start3A_182] : memref<10240xi32, #tpu.memory_space<vmem>> -> memref<64xi32, #tpu.memory_space<vmem>>
    %dma_start3A_184 = arith.constant 0 : i32
    %dma_start3A_185 = arith.constant 0 : i32
    %dma_start3A_186 = tpu.memref_slice %arg3[%dma_start3A_184, %dma_start3A_185] : memref<1003520x64xf32, #tpu.memory_space<hbm>> -> memref<1003520x64xf32, #tpu.memory_space<hbm>>
    tpu.enqueue_indirect_dma source(%dma_start3A_186 : memref<1003520x64xf32, #tpu.memory_space<hbm>>) target(%dma_start3A_181 : memref<64x64xf32, #tpu.memory_space<vmem>>) offsets(%dma_start3A_183 : memref<64xi32, #tpu.memory_space<vmem>>) semaphore(%arg9 : memref<!tpu.dma_semaphore, #tpu.memory_space<semaphore_mem>>)
    %dma_start3A_187 = arith.constant 0 : i32
    %dma_start3A_188 = arith.constant 128 : i32
    %dma_start3A_189 = arith.constant 0 : i32
    %dma_start3A_190 = tpu.memref_slice %arg7[%dma_start3A_187, %dma_start3A_188, %dma_start3A_189] : memref<2x320x64xf32, #tpu.memory_space<vmem>> -> memref<1x64x64xf32, #tpu.memory_space<vmem>>
    %dma_start3A_191 = tpu.memref_squeeze %dma_start3A_190 : memref<1x64x64xf32, #tpu.memory_space<vmem>> -> memref<64x64xf32, #tpu.memory_space<vmem>>
    %dma_start3A_192 = arith.constant 768 : i32
    %dma_start3A_193 = tpu.memref_slice %arg6[%dma_start3A_192] : memref<10240xi32, #tpu.memory_space<vmem>> -> memref<64xi32, #tpu.memory_space<vmem>>
    %dma_start3A_194 = arith.constant 0 : i32
    %dma_start3A_195 = arith.constant 0 : i32
    %dma_start3A_196 = tpu.memref_slice %arg3[%dma_start3A_194, %dma_start3A_195] : memref<1003520x64xf32, #tpu.memory_space<hbm>> -> memref<1003520x64xf32, #tpu.memory_space<hbm>>
    tpu.enqueue_indirect_dma source(%dma_start3A_196 : memref<1003520x64xf32, #tpu.memory_space<hbm>>) target(%dma_start3A_191 : memref<64x64xf32, #tpu.memory_space<vmem>>) offsets(%dma_start3A_193 : memref<64xi32, #tpu.memory_space<vmem>>) semaphore(%arg9 : memref<!tpu.dma_semaphore, #tpu.memory_space<semaphore_mem>>)
    %dma_start3A_197 = arith.constant 0 : i32
    %dma_start3A_198 = arith.constant 192 : i32
    %dma_start3A_199 = arith.constant 0 : i32
    %dma_start3A_200 = tpu.memref_slice %arg7[%dma_start3A_197, %dma_start3A_198, %dma_start3A_199] : memref<2x320x64xf32, #tpu.memory_space<vmem>> -> memref<1x64x64xf32, #tpu.memory_space<vmem>>
    %dma_start3A_201 = tpu.memref_squeeze %dma_start3A_200 : memref<1x64x64xf32, #tpu.memory_space<vmem>> -> memref<64x64xf32, #tpu.memory_space<vmem>>
    %dma_start3A_202 = arith.constant 832 : i32
    %dma_start3A_203 = tpu.memref_slice %arg6[%dma_start3A_202] : memref<10240xi32, #tpu.memory_space<vmem>> -> memref<64xi32, #tpu.memory_space<vmem>>
    %dma_start3A_204 = arith.constant 0 : i32
    %dma_start3A_205 = arith.constant 0 : i32
    %dma_start3A_206 = tpu.memref_slice %arg3[%dma_start3A_204, %dma_start3A_205] : memref<1003520x64xf32, #tpu.memory_space<hbm>> -> memref<1003520x64xf32, #tpu.memory_space<hbm>>
    tpu.enqueue_indirect_dma source(%dma_start3A_206 : memref<1003520x64xf32, #tpu.memory_space<hbm>>) target(%dma_start3A_201 : memref<64x64xf32, #tpu.memory_space<vmem>>) offsets(%dma_start3A_203 : memref<64xi32, #tpu.memory_space<vmem>>) semaphore(%arg9 : memref<!tpu.dma_semaphore, #tpu.memory_space<semaphore_mem>>)
    %dma_start3A_207 = arith.constant 0 : i32
    %dma_start3A_208 = arith.constant 256 : i32
    %dma_start3A_209 = arith.constant 0 : i32
    %dma_start3A_210 = tpu.memref_slice %arg7[%dma_start3A_207, %dma_start3A_208, %dma_start3A_209] : memref<2x320x64xf32, #tpu.memory_space<vmem>> -> memref<1x64x64xf32, #tpu.memory_space<vmem>>
    %dma_start3A_211 = tpu.memref_squeeze %dma_start3A_210 : memref<1x64x64xf32, #tpu.memory_space<vmem>> -> memref<64x64xf32, #tpu.memory_space<vmem>>
    %dma_start3A_212 = arith.constant 896 : i32
    %dma_start3A_213 = tpu.memref_slice %arg6[%dma_start3A_212] : memref<10240xi32, #tpu.memory_space<vmem>> -> memref<64xi32, #tpu.memory_space<vmem>>
    %dma_start3A_214 = arith.constant 0 : i32
    %dma_start3A_215 = arith.constant 0 : i32
    %dma_start3A_216 = tpu.memref_slice %arg3[%dma_start3A_214, %dma_start3A_215] : memref<1003520x64xf32, #tpu.memory_space<hbm>> -> memref<1003520x64xf32, #tpu.memory_space<hbm>>
    tpu.enqueue_indirect_dma source(%dma_start3A_216 : memref<1003520x64xf32, #tpu.memory_space<hbm>>) target(%dma_start3A_211 : memref<64x64xf32, #tpu.memory_space<vmem>>) offsets(%dma_start3A_213 : memref<64xi32, #tpu.memory_space<vmem>>) semaphore(%arg9 : memref<!tpu.dma_semaphore, #tpu.memory_space<semaphore_mem>>)
    %dma_wait3A_217 = arith.constant 1 : i32
    %dma_wait3A_218 = arith.constant 0 : i32
    %dma_wait3A_219 = arith.constant 0 : i32
    %dma_wait3A_220 = tpu.memref_slice %arg7[%dma_wait3A_217, %dma_wait3A_218, %dma_wait3A_219] : memref<2x320x64xf32, #tpu.memory_space<vmem>> -> memref<1x64x64xf32, #tpu.memory_space<vmem>>
    %dma_wait3A_221 = tpu.memref_squeeze %dma_wait3A_220 : memref<1x64x64xf32, #tpu.memory_space<vmem>> -> memref<64x64xf32, #tpu.memory_space<vmem>>
    %dma_wait3A_222 = arith.constant 0 : i32
    %dma_wait3A_223 = tpu.memref_slice %arg6[%dma_wait3A_222] : memref<10240xi32, #tpu.memory_space<vmem>> -> memref<64xi32, #tpu.memory_space<vmem>>
    %dma_wait3A_224 = arith.constant 0 : i32
    %dma_wait3A_225 = arith.constant 0 : i32
    %dma_wait3A_226 = tpu.memref_slice %arg3[%dma_wait3A_224, %dma_wait3A_225] : memref<1003520x64xf32, #tpu.memory_space<hbm>> -> memref<1003520x64xf32, #tpu.memory_space<hbm>>
    tpu.wait_indirect_dma semaphore(%arg10 : memref<!tpu.dma_semaphore, #tpu.memory_space<semaphore_mem>>) src(%dma_wait3A_226 : memref<1003520x64xf32, #tpu.memory_space<hbm>>) dst(%dma_wait3A_221 : memref<64x64xf32, #tpu.memory_space<vmem>>)
    %dma_wait3A_227 = arith.constant 1 : i32
    %dma_wait3A_228 = arith.constant 64 : i32
    %dma_wait3A_229 = arith.constant 0 : i32
    %dma_wait3A_230 = tpu.memref_slice %arg7[%dma_wait3A_227, %dma_wait3A_228, %dma_wait3A_229] : memref<2x320x64xf32, #tpu.memory_space<vmem>> -> memref<1x64x64xf32, #tpu.memory_space<vmem>>
    %dma_wait3A_231 = tpu.memref_squeeze %dma_wait3A_230 : memref<1x64x64xf32, #tpu.memory_space<vmem>> -> memref<64x64xf32, #tpu.memory_space<vmem>>
    %dma_wait3A_232 = arith.constant 0 : i32
    %dma_wait3A_233 = tpu.memref_slice %arg6[%dma_wait3A_232] : memref<10240xi32, #tpu.memory_space<vmem>> -> memref<64xi32, #tpu.memory_space<vmem>>
    %dma_wait3A_234 = arith.constant 0 : i32
    %dma_wait3A_235 = arith.constant 0 : i32
    %dma_wait3A_236 = tpu.memref_slice %arg3[%dma_wait3A_234, %dma_wait3A_235] : memref<1003520x64xf32, #tpu.memory_space<hbm>> -> memref<1003520x64xf32, #tpu.memory_space<hbm>>
    tpu.wait_indirect_dma semaphore(%arg10 : memref<!tpu.dma_semaphore, #tpu.memory_space<semaphore_mem>>) src(%dma_wait3A_236 : memref<1003520x64xf32, #tpu.memory_space<hbm>>) dst(%dma_wait3A_231 : memref<64x64xf32, #tpu.memory_space<vmem>>)
    %dma_wait3A_237 = arith.constant 1 : i32
    %dma_wait3A_238 = arith.constant 128 : i32
    %dma_wait3A_239 = arith.constant 0 : i32
    %dma_wait3A_240 = tpu.memref_slice %arg7[%dma_wait3A_237, %dma_wait3A_238, %dma_wait3A_239] : memref<2x320x64xf32, #tpu.memory_space<vmem>> -> memref<1x64x64xf32, #tpu.memory_space<vmem>>
    %dma_wait3A_241 = tpu.memref_squeeze %dma_wait3A_240 : memref<1x64x64xf32, #tpu.memory_space<vmem>> -> memref<64x64xf32, #tpu.memory_space<vmem>>
    %dma_wait3A_242 = arith.constant 0 : i32
    %dma_wait3A_243 = tpu.memref_slice %arg6[%dma_wait3A_242] : memref<10240xi32, #tpu.memory_space<vmem>> -> memref<64xi32, #tpu.memory_space<vmem>>
    %dma_wait3A_244 = arith.constant 0 : i32
    %dma_wait3A_245 = arith.constant 0 : i32
    %dma_wait3A_246 = tpu.memref_slice %arg3[%dma_wait3A_244, %dma_wait3A_245] : memref<1003520x64xf32, #tpu.memory_space<hbm>> -> memref<1003520x64xf32, #tpu.memory_space<hbm>>
    tpu.wait_indirect_dma semaphore(%arg10 : memref<!tpu.dma_semaphore, #tpu.memory_space<semaphore_mem>>) src(%dma_wait3A_246 : memref<1003520x64xf32, #tpu.memory_space<hbm>>) dst(%dma_wait3A_241 : memref<64x64xf32, #tpu.memory_space<vmem>>)
    %dma_wait3A_247 = arith.constant 1 : i32
    %dma_wait3A_248 = arith.constant 192 : i32
    %dma_wait3A_249 = arith.constant 0 : i32
    %dma_wait3A_250 = tpu.memref_slice %arg7[%dma_wait3A_247, %dma_wait3A_248, %dma_wait3A_249] : memref<2x320x64xf32, #tpu.memory_space<vmem>> -> memref<1x64x64xf32, #tpu.memory_space<vmem>>
    %dma_wait3A_251 = tpu.memref_squeeze %dma_wait3A_250 : memref<1x64x64xf32, #tpu.memory_space<vmem>> -> memref<64x64xf32, #tpu.memory_space<vmem>>
    %dma_wait3A_252 = arith.constant 0 : i32
    %dma_wait3A_253 = tpu.memref_slice %arg6[%dma_wait3A_252] : memref<10240xi32, #tpu.memory_space<vmem>> -> memref<64xi32, #tpu.memory_space<vmem>>
    %dma_wait3A_254 = arith.constant 0 : i32
    %dma_wait3A_255 = arith.constant 0 : i32
    %dma_wait3A_256 = tpu.memref_slice %arg3[%dma_wait3A_254, %dma_wait3A_255] : memref<1003520x64xf32, #tpu.memory_space<hbm>> -> memref<1003520x64xf32, #tpu.memory_space<hbm>>
    tpu.wait_indirect_dma semaphore(%arg10 : memref<!tpu.dma_semaphore, #tpu.memory_space<semaphore_mem>>) src(%dma_wait3A_256 : memref<1003520x64xf32, #tpu.memory_space<hbm>>) dst(%dma_wait3A_251 : memref<64x64xf32, #tpu.memory_space<vmem>>)
    %dma_wait3A_257 = arith.constant 1 : i32
    %dma_wait3A_258 = arith.constant 256 : i32
    %dma_wait3A_259 = arith.constant 0 : i32
    %dma_wait3A_260 = tpu.memref_slice %arg7[%dma_wait3A_257, %dma_wait3A_258, %dma_wait3A_259] : memref<2x320x64xf32, #tpu.memory_space<vmem>> -> memref<1x64x64xf32, #tpu.memory_space<vmem>>
    %dma_wait3A_261 = tpu.memref_squeeze %dma_wait3A_260 : memref<1x64x64xf32, #tpu.memory_space<vmem>> -> memref<64x64xf32, #tpu.memory_space<vmem>>
    %dma_wait3A_262 = arith.constant 0 : i32
    %dma_wait3A_263 = tpu.memref_slice %arg6[%dma_wait3A_262] : memref<10240xi32, #tpu.memory_space<vmem>> -> memref<64xi32, #tpu.memory_space<vmem>>
    %dma_wait3A_264 = arith.constant 0 : i32
    %dma_wait3A_265 = arith.constant 0 : i32
    %dma_wait3A_266 = tpu.memref_slice %arg3[%dma_wait3A_264, %dma_wait3A_265] : memref<1003520x64xf32, #tpu.memory_space<hbm>> -> memref<1003520x64xf32, #tpu.memory_space<hbm>>
    tpu.wait_indirect_dma semaphore(%arg10 : memref<!tpu.dma_semaphore, #tpu.memory_space<semaphore_mem>>) src(%dma_wait3A_266 : memref<1003520x64xf32, #tpu.memory_space<hbm>>) dst(%dma_wait3A_261 : memref<64x64xf32, #tpu.memory_space<vmem>>)
    %scan3A_267 = arith.constant 0 : i32
    %scan3A_268 = arith.constant 1 : i32
    %scan3A_269 = arith.constant 5.000000e-02 : f32
    %scan3A_270 = arith.constant 0 : i32
    %scan3A_271 = arith.constant 16 : i32
    %scan3A_272 = arith.addi %scan3A_270, %scan3A_271 : i32
    %scan3A_273 = arith.constant 1 : i32
    scf.for %scan3A_283 = %scan3A_270 to %scan3A_272 step %scan3A_273  : i32 {
      %mul3A_284 = arith.constant 20 : i32
      %mul3A_285 = arith.muli %scan3A_283, %mul3A_284 : i32
      %add3A_286 = arith.constant 0 : i32
      %add3A_287 = arith.addi %mul3A_285, %add3A_286 : i32
      %get3A = arith.constant 0 : i32
      %get3A_288 = arith.constant 0 : i32
      %get3A_289 = tpu.memref_slice %arg7[%scan3A_268, %get3A, %get3A_288] : memref<2x320x64xf32, #tpu.memory_space<vmem>> -> memref<1x320x64xf32, #tpu.memory_space<vmem>>
      %get3A_290 = tpu.memref_squeeze %get3A_289 : memref<1x320x64xf32, #tpu.memory_space<vmem>> -> memref<320x64xf32, #tpu.memory_space<vmem>>
      %get3A_291 = arith.index_cast %add3A_287 : i32 to index
      %get3A_292 = arith.constant 0 : index
      %get3A_293 = tpu.vector_load %get3A_290[%get3A_291, %get3A_292] {strides = array<i32>} : memref<320x64xf32, #tpu.memory_space<vmem>>, vector<16xf32>,
      %add3A_294 = arith.constant 1 : i32
      %add3A_295 = arith.addi %mul3A_285, %add3A_294 : i32
      %get3A_296 = arith.constant 0 : i32
      %get3A_297 = arith.constant 0 : i32
      %get3A_298 = tpu.memref_slice %arg7[%scan3A_268, %get3A_296, %get3A_297] : memref<2x320x64xf32, #tpu.memory_space<vmem>> -> memref<1x320x64xf32, #tpu.memory_space<vmem>>
      %get3A_299 = tpu.memref_squeeze %get3A_298 : memref<1x320x64xf32, #tpu.memory_space<vmem>> -> memref<320x64xf32, #tpu.memory_space<vmem>>
      %get3A_300 = arith.index_cast %add3A_295 : i32 to index
      %get3A_301 = arith.constant 0 : index
      %get3A_302 = tpu.vector_load %get3A_299[%get3A_300, %get3A_301] {strides = array<i32>} : memref<320x64xf32, #tpu.memory_space<vmem>>, vector<16xf32>,
      %add3A_303 = arith.constant 2 : i32
      %add3A_304 = arith.addi %mul3A_285, %add3A_303 : i32
      %get3A_305 = arith.constant 0 : i32
      %get3A_306 = arith.constant 0 : i32
      %get3A_307 = tpu.memref_slice %arg7[%scan3A_268, %get3A_305, %get3A_306] : memref<2x320x64xf32, #tpu.memory_space<vmem>> -> memref<1x320x64xf32, #tpu.memory_space<vmem>>
      %get3A_308 = tpu.memref_squeeze %get3A_307 : memref<1x320x64xf32, #tpu.memory_space<vmem>> -> memref<320x64xf32, #tpu.memory_space<vmem>>
      %get3A_309 = arith.index_cast %add3A_304 : i32 to index
      %get3A_310 = arith.constant 0 : index
      %get3A_311 = tpu.vector_load %get3A_308[%get3A_309, %get3A_310] {strides = array<i32>} : memref<320x64xf32, #tpu.memory_space<vmem>>, vector<16xf32>,
      %add3A_312 = arith.constant 3 : i32
      %add3A_313 = arith.addi %mul3A_285, %add3A_312 : i32
      %get3A_314 = arith.constant 0 : i32
      %get3A_315 = arith.constant 0 : i32
      %get3A_316 = tpu.memref_slice %arg7[%scan3A_268, %get3A_314, %get3A_315] : memref<2x320x64xf32, #tpu.memory_space<vmem>> -> memref<1x320x64xf32, #tpu.memory_space<vmem>>
      %get3A_317 = tpu.memref_squeeze %get3A_316 : memref<1x320x64xf32, #tpu.memory_space<vmem>> -> memref<320x64xf32, #tpu.memory_space<vmem>>
      %get3A_318 = arith.index_cast %add3A_313 : i32 to index
      %get3A_319 = arith.constant 0 : index
      %get3A_320 = tpu.vector_load %get3A_317[%get3A_318, %get3A_319] {strides = array<i32>} : memref<320x64xf32, #tpu.memory_space<vmem>>, vector<16xf32>,
      %add3A_321 = arith.constant 4 : i32
      %add3A_322 = arith.addi %mul3A_285, %add3A_321 : i32
      %get3A_323 = arith.constant 0 : i32
      %get3A_324 = arith.constant 0 : i32
      %get3A_325 = tpu.memref_slice %arg7[%scan3A_268, %get3A_323, %get3A_324] : memref<2x320x64xf32, #tpu.memory_space<vmem>> -> memref<1x320x64xf32, #tpu.memory_space<vmem>>
      %get3A_326 = tpu.memref_squeeze %get3A_325 : memref<1x320x64xf32, #tpu.memory_space<vmem>> -> memref<320x64xf32, #tpu.memory_space<vmem>>
      %get3A_327 = arith.index_cast %add3A_322 : i32 to index
      %get3A_328 = arith.constant 0 : index
      %get3A_329 = tpu.vector_load %get3A_326[%get3A_327, %get3A_328] {strides = array<i32>} : memref<320x64xf32, #tpu.memory_space<vmem>>, vector<16xf32>,
      %add3A_330 = arith.constant 5 : i32
      %add3A_331 = arith.addi %mul3A_285, %add3A_330 : i32
      %get3A_332 = arith.constant 0 : i32
      %get3A_333 = arith.constant 0 : i32
      %get3A_334 = tpu.memref_slice %arg7[%scan3A_268, %get3A_332, %get3A_333] : memref<2x320x64xf32, #tpu.memory_space<vmem>> -> memref<1x320x64xf32, #tpu.memory_space<vmem>>
      %get3A_335 = tpu.memref_squeeze %get3A_334 : memref<1x320x64xf32, #tpu.memory_space<vmem>> -> memref<320x64xf32, #tpu.memory_space<vmem>>
      %get3A_336 = arith.index_cast %add3A_331 : i32 to index
      %get3A_337 = arith.constant 0 : index
      %get3A_338 = tpu.vector_load %get3A_335[%get3A_336, %get3A_337] {strides = array<i32>} : memref<320x64xf32, #tpu.memory_space<vmem>>, vector<16xf32>,
      %add3A_339 = arith.constant 6 : i32
      %add3A_340 = arith.addi %mul3A_285, %add3A_339 : i32
      %get3A_341 = arith.constant 0 : i32
      %get3A_342 = arith.constant 0 : i32
      %get3A_343 = tpu.memref_slice %arg7[%scan3A_268, %get3A_341, %get3A_342] : memref<2x320x64xf32, #tpu.memory_space<vmem>> -> memref<1x320x64xf32, #tpu.memory_space<vmem>>
      %get3A_344 = tpu.memref_squeeze %get3A_343 : memref<1x320x64xf32, #tpu.memory_space<vmem>> -> memref<320x64xf32, #tpu.memory_space<vmem>>
      %get3A_345 = arith.index_cast %add3A_340 : i32 to index
      %get3A_346 = arith.constant 0 : index
      %get3A_347 = tpu.vector_load %get3A_344[%get3A_345, %get3A_346] {strides = array<i32>} : memref<320x64xf32, #tpu.memory_space<vmem>>, vector<16xf32>,
      %add3A_348 = arith.constant 7 : i32
      %add3A_349 = arith.addi %mul3A_285, %add3A_348 : i32
      %get3A_350 = arith.constant 0 : i32
      %get3A_351 = arith.constant 0 : i32
      %get3A_352 = tpu.memref_slice %arg7[%scan3A_268, %get3A_350, %get3A_351] : memref<2x320x64xf32, #tpu.memory_space<vmem>> -> memref<1x320x64xf32, #tpu.memory_space<vmem>>
      %get3A_353 = tpu.memref_squeeze %get3A_352 : memref<1x320x64xf32, #tpu.memory_space<vmem>> -> memref<320x64xf32, #tpu.memory_space<vmem>>
      %get3A_354 = arith.index_cast %add3A_349 : i32 to index
      %get3A_355 = arith.constant 0 : index
      %get3A_356 = tpu.vector_load %get3A_353[%get3A_354, %get3A_355] {strides = array<i32>} : memref<320x64xf32, #tpu.memory_space<vmem>>, vector<16xf32>,
      %add3A_357 = arith.constant 8 : i32
      %add3A_358 = arith.addi %mul3A_285, %add3A_357 : i32
      %get3A_359 = arith.constant 0 : i32
      %get3A_360 = arith.constant 0 : i32
      %get3A_361 = tpu.memref_slice %arg7[%scan3A_268, %get3A_359, %get3A_360] : memref<2x320x64xf32, #tpu.memory_space<vmem>> -> memref<1x320x64xf32, #tpu.memory_space<vmem>>
      %get3A_362 = tpu.memref_squeeze %get3A_361 : memref<1x320x64xf32, #tpu.memory_space<vmem>> -> memref<320x64xf32, #tpu.memory_space<vmem>>
      %get3A_363 = arith.index_cast %add3A_358 : i32 to index
      %get3A_364 = arith.constant 0 : index
      %get3A_365 = tpu.vector_load %get3A_362[%get3A_363, %get3A_364] {strides = array<i32>} : memref<320x64xf32, #tpu.memory_space<vmem>>, vector<16xf32>,
      %add3A_366 = arith.constant 9 : i32
      %add3A_367 = arith.addi %mul3A_285, %add3A_366 : i32
      %get3A_368 = arith.constant 0 : i32
      %get3A_369 = arith.constant 0 : i32
      %get3A_370 = tpu.memref_slice %arg7[%scan3A_268, %get3A_368, %get3A_369] : memref<2x320x64xf32, #tpu.memory_space<vmem>> -> memref<1x320x64xf32, #tpu.memory_space<vmem>>
      %get3A_371 = tpu.memref_squeeze %get3A_370 : memref<1x320x64xf32, #tpu.memory_space<vmem>> -> memref<320x64xf32, #tpu.memory_space<vmem>>
      %get3A_372 = arith.index_cast %add3A_367 : i32 to index
      %get3A_373 = arith.constant 0 : index
      %get3A_374 = tpu.vector_load %get3A_371[%get3A_372, %get3A_373] {strides = array<i32>} : memref<320x64xf32, #tpu.memory_space<vmem>>, vector<16xf32>,
      %add3A_375 = arith.constant 10 : i32
      %add3A_376 = arith.addi %mul3A_285, %add3A_375 : i32
      %get3A_377 = arith.constant 0 : i32
      %get3A_378 = arith.constant 0 : i32
      %get3A_379 = tpu.memref_slice %arg7[%scan3A_268, %get3A_377, %get3A_378] : memref<2x320x64xf32, #tpu.memory_space<vmem>> -> memref<1x320x64xf32, #tpu.memory_space<vmem>>
      %get3A_380 = tpu.memref_squeeze %get3A_379 : memref<1x320x64xf32, #tpu.memory_space<vmem>> -> memref<320x64xf32, #tpu.memory_space<vmem>>
      %get3A_381 = arith.index_cast %add3A_376 : i32 to index
      %get3A_382 = arith.constant 0 : index
      %get3A_383 = tpu.vector_load %get3A_380[%get3A_381, %get3A_382] {strides = array<i32>} : memref<320x64xf32, #tpu.memory_space<vmem>>, vector<16xf32>,
      %add3A_384 = arith.constant 11 : i32
      %add3A_385 = arith.addi %mul3A_285, %add3A_384 : i32
      %get3A_386 = arith.constant 0 : i32
      %get3A_387 = arith.constant 0 : i32
      %get3A_388 = tpu.memref_slice %arg7[%scan3A_268, %get3A_386, %get3A_387] : memref<2x320x64xf32, #tpu.memory_space<vmem>> -> memref<1x320x64xf32, #tpu.memory_space<vmem>>
      %get3A_389 = tpu.memref_squeeze %get3A_388 : memref<1x320x64xf32, #tpu.memory_space<vmem>> -> memref<320x64xf32, #tpu.memory_space<vmem>>
      %get3A_390 = arith.index_cast %add3A_385 : i32 to index
      %get3A_391 = arith.constant 0 : index
      %get3A_392 = tpu.vector_load %get3A_389[%get3A_390, %get3A_391] {strides = array<i32>} : memref<320x64xf32, #tpu.memory_space<vmem>>, vector<16xf32>,
      %add3A_393 = arith.constant 12 : i32
      %add3A_394 = arith.addi %mul3A_285, %add3A_393 : i32
      %get3A_395 = arith.constant 0 : i32
      %get3A_396 = arith.constant 0 : i32
      %get3A_397 = tpu.memref_slice %arg7[%scan3A_268, %get3A_395, %get3A_396] : memref<2x320x64xf32, #tpu.memory_space<vmem>> -> memref<1x320x64xf32, #tpu.memory_space<vmem>>
      %get3A_398 = tpu.memref_squeeze %get3A_397 : memref<1x320x64xf32, #tpu.memory_space<vmem>> -> memref<320x64xf32, #tpu.memory_space<vmem>>
      %get3A_399 = arith.index_cast %add3A_394 : i32 to index
      %get3A_400 = arith.constant 0 : index
      %get3A_401 = tpu.vector_load %get3A_398[%get3A_399, %get3A_400] {strides = array<i32>} : memref<320x64xf32, #tpu.memory_space<vmem>>, vector<16xf32>,
      %add3A_402 = arith.constant 13 : i32
      %add3A_403 = arith.addi %mul3A_285, %add3A_402 : i32
      %get3A_404 = arith.constant 0 : i32
      %get3A_405 = arith.constant 0 : i32
      %get3A_406 = tpu.memref_slice %arg7[%scan3A_268, %get3A_404, %get3A_405] : memref<2x320x64xf32, #tpu.memory_space<vmem>> -> memref<1x320x64xf32, #tpu.memory_space<vmem>>
      %get3A_407 = tpu.memref_squeeze %get3A_406 : memref<1x320x64xf32, #tpu.memory_space<vmem>> -> memref<320x64xf32, #tpu.memory_space<vmem>>
      %get3A_408 = arith.index_cast %add3A_403 : i32 to index
      %get3A_409 = arith.constant 0 : index
      %get3A_410 = tpu.vector_load %get3A_407[%get3A_408, %get3A_409] {strides = array<i32>} : memref<320x64xf32, #tpu.memory_space<vmem>>, vector<16xf32>,
      %add3A_411 = arith.constant 14 : i32
      %add3A_412 = arith.addi %mul3A_285, %add3A_411 : i32
      %get3A_413 = arith.constant 0 : i32
      %get3A_414 = arith.constant 0 : i32
      %get3A_415 = tpu.memref_slice %arg7[%scan3A_268, %get3A_413, %get3A_414] : memref<2x320x64xf32, #tpu.memory_space<vmem>> -> memref<1x320x64xf32, #tpu.memory_space<vmem>>
      %get3A_416 = tpu.memref_squeeze %get3A_415 : memref<1x320x64xf32, #tpu.memory_space<vmem>> -> memref<320x64xf32, #tpu.memory_space<vmem>>
      %get3A_417 = arith.index_cast %add3A_412 : i32 to index
      %get3A_418 = arith.constant 0 : index
      %get3A_419 = tpu.vector_load %get3A_416[%get3A_417, %get3A_418] {strides = array<i32>} : memref<320x64xf32, #tpu.memory_space<vmem>>, vector<16xf32>,
      %add3A_420 = arith.constant 15 : i32
      %add3A_421 = arith.addi %mul3A_285, %add3A_420 : i32
      %get3A_422 = arith.constant 0 : i32
      %get3A_423 = arith.constant 0 : i32
      %get3A_424 = tpu.memref_slice %arg7[%scan3A_268, %get3A_422, %get3A_423] : memref<2x320x64xf32, #tpu.memory_space<vmem>> -> memref<1x320x64xf32, #tpu.memory_space<vmem>>
      %get3A_425 = tpu.memref_squeeze %get3A_424 : memref<1x320x64xf32, #tpu.memory_space<vmem>> -> memref<320x64xf32, #tpu.memory_space<vmem>>
      %get3A_426 = arith.index_cast %add3A_421 : i32 to index
      %get3A_427 = arith.constant 0 : index
      %get3A_428 = tpu.vector_load %get3A_425[%get3A_426, %get3A_427] {strides = array<i32>} : memref<320x64xf32, #tpu.memory_space<vmem>>, vector<16xf32>,
      %add3A_429 = arith.constant 16 : i32
      %add3A_430 = arith.addi %mul3A_285, %add3A_429 : i32
      %get3A_431 = arith.constant 0 : i32
      %get3A_432 = arith.constant 0 : i32
      %get3A_433 = tpu.memref_slice %arg7[%scan3A_268, %get3A_431, %get3A_432] : memref<2x320x64xf32, #tpu.memory_space<vmem>> -> memref<1x320x64xf32, #tpu.memory_space<vmem>>
      %get3A_434 = tpu.memref_squeeze %get3A_433 : memref<1x320x64xf32, #tpu.memory_space<vmem>> -> memref<320x64xf32, #tpu.memory_space<vmem>>
      %get3A_435 = arith.index_cast %add3A_430 : i32 to index
      %get3A_436 = arith.constant 0 : index
      %get3A_437 = tpu.vector_load %get3A_434[%get3A_435, %get3A_436] {strides = array<i32>} : memref<320x64xf32, #tpu.memory_space<vmem>>, vector<16xf32>,
      %add3A_438 = arith.constant 17 : i32
      %add3A_439 = arith.addi %mul3A_285, %add3A_438 : i32
      %get3A_440 = arith.constant 0 : i32
      %get3A_441 = arith.constant 0 : i32
      %get3A_442 = tpu.memref_slice %arg7[%scan3A_268, %get3A_440, %get3A_441] : memref<2x320x64xf32, #tpu.memory_space<vmem>> -> memref<1x320x64xf32, #tpu.memory_space<vmem>>
      %get3A_443 = tpu.memref_squeeze %get3A_442 : memref<1x320x64xf32, #tpu.memory_space<vmem>> -> memref<320x64xf32, #tpu.memory_space<vmem>>
      %get3A_444 = arith.index_cast %add3A_439 : i32 to index
      %get3A_445 = arith.constant 0 : index
      %get3A_446 = tpu.vector_load %get3A_443[%get3A_444, %get3A_445] {strides = array<i32>} : memref<320x64xf32, #tpu.memory_space<vmem>>, vector<16xf32>,
      %add3A_447 = arith.constant 18 : i32
      %add3A_448 = arith.addi %mul3A_285, %add3A_447 : i32
      %get3A_449 = arith.constant 0 : i32
      %get3A_450 = arith.constant 0 : i32
      %get3A_451 = tpu.memref_slice %arg7[%scan3A_268, %get3A_449, %get3A_450] : memref<2x320x64xf32, #tpu.memory_space<vmem>> -> memref<1x320x64xf32, #tpu.memory_space<vmem>>
      %get3A_452 = tpu.memref_squeeze %get3A_451 : memref<1x320x64xf32, #tpu.memory_space<vmem>> -> memref<320x64xf32, #tpu.memory_space<vmem>>
      %get3A_453 = arith.index_cast %add3A_448 : i32 to index
      %get3A_454 = arith.constant 0 : index
      %get3A_455 = tpu.vector_load %get3A_452[%get3A_453, %get3A_454] {strides = array<i32>} : memref<320x64xf32, #tpu.memory_space<vmem>>, vector<16xf32>,
      %add3A_456 = arith.constant 19 : i32
      %add3A_457 = arith.addi %mul3A_285, %add3A_456 : i32
      %get3A_458 = arith.constant 0 : i32
      %get3A_459 = arith.constant 0 : i32
      %get3A_460 = tpu.memref_slice %arg7[%scan3A_268, %get3A_458, %get3A_459] : memref<2x320x64xf32, #tpu.memory_space<vmem>> -> memref<1x320x64xf32, #tpu.memory_space<vmem>>
      %get3A_461 = tpu.memref_squeeze %get3A_460 : memref<1x320x64xf32, #tpu.memory_space<vmem>> -> memref<320x64xf32, #tpu.memory_space<vmem>>
      %get3A_462 = arith.index_cast %add3A_457 : i32 to index
      %get3A_463 = arith.constant 0 : index
      %get3A_464 = tpu.vector_load %get3A_461[%get3A_462, %get3A_463] {strides = array<i32>} : memref<320x64xf32, #tpu.memory_space<vmem>>, vector<16xf32>,
      %add3A_465 = arith.addf %get3A_293, %get3A_302 : vector<16xf32>
      %add3A_466 = arith.addf %get3A_311, %get3A_320 : vector<16xf32>
      %add3A_467 = arith.addf %get3A_329, %get3A_338 : vector<16xf32>
      %add3A_468 = arith.addf %get3A_347, %get3A_356 : vector<16xf32>
      %add3A_469 = arith.addf %get3A_365, %get3A_374 : vector<16xf32>
      %add3A_470 = arith.addf %get3A_383, %get3A_392 : vector<16xf32>
      %add3A_471 = arith.addf %get3A_401, %get3A_410 : vector<16xf32>
      %add3A_472 = arith.addf %get3A_419, %get3A_428 : vector<16xf32>
      %add3A_473 = arith.addf %get3A_437, %get3A_446 : vector<16xf32>
      %add3A_474 = arith.addf %get3A_455, %get3A_464 : vector<16xf32>
      %add3A_475 = arith.addf %add3A_465, %add3A_466 : vector<16xf32>
      %add3A_476 = arith.addf %add3A_467, %add3A_468 : vector<16xf32>
      %add3A_477 = arith.addf %add3A_469, %add3A_470 : vector<16xf32>
      %add3A_478 = arith.addf %add3A_471, %add3A_472 : vector<16xf32>
      %add3A_479 = arith.addf %add3A_473, %add3A_474 : vector<16xf32>
      %add3A_480 = arith.addf %add3A_475, %add3A_476 : vector<16xf32>
      %add3A_481 = arith.addf %add3A_477, %add3A_478 : vector<16xf32>
      %add3A_482 = arith.addf %add3A_480, %add3A_481 : vector<16xf32>
      %add3A_483 = arith.addf %add3A_482, %add3A_479 : vector<16xf32>
      %mul3A_484 = vector.broadcast %scan3A_269 : f32 to vector<16xf32>
      %mul3A_485 = arith.mulf %add3A_483, %mul3A_484 : vector<16xf32>
      %add3A_486 = arith.constant 16 : i32
      %add3A_487 = arith.addi %add3A_486, %scan3A_283 : i32
      %swap3A = arith.index_cast %add3A_487 : i32 to index
      %swap3A_488 = arith.constant 0 : index
      %swap3A_489 = tpu.vector_load %arg8[%swap3A, %swap3A_488] {strides = array<i32>} : memref<512x64xf32, #tpu.memory_space<vmem>>, vector<16xf32>,
      tpu.vector_store %arg8[%swap3A, %swap3A_488], %mul3A_485 {strides = array<i32>} : memref<512x64xf32, #tpu.memory_space<vmem>>, vector<16xf32>,
      %add3A_490 = arith.constant 0 : i32
      %add3A_491 = arith.addi %mul3A_285, %add3A_490 : i32
      %get3A_492 = arith.constant 0 : i32
      %get3A_493 = arith.constant 0 : i32
      %get3A_494 = tpu.memref_slice %arg7[%scan3A_268, %get3A_492, %get3A_493] : memref<2x320x64xf32, #tpu.memory_space<vmem>> -> memref<1x320x64xf32, #tpu.memory_space<vmem>>
      %get3A_495 = tpu.memref_squeeze %get3A_494 : memref<1x320x64xf32, #tpu.memory_space<vmem>> -> memref<320x64xf32, #tpu.memory_space<vmem>>
      %get3A_496 = arith.index_cast %add3A_491 : i32 to index
      %get3A_497 = arith.constant 16 : index
      %get3A_498 = tpu.vector_load %get3A_495[%get3A_496, %get3A_497] {strides = array<i32>} : memref<320x64xf32, #tpu.memory_space<vmem>>, vector<16xf32>,
      %add3A_499 = arith.constant 1 : i32
      %add3A_500 = arith.addi %mul3A_285, %add3A_499 : i32
      %get3A_501 = arith.constant 0 : i32
      %get3A_502 = arith.constant 0 : i32
      %get3A_503 = tpu.memref_slice %arg7[%scan3A_268, %get3A_501, %get3A_502] : memref<2x320x64xf32, #tpu.memory_space<vmem>> -> memref<1x320x64xf32, #tpu.memory_space<vmem>>
      %get3A_504 = tpu.memref_squeeze %get3A_503 : memref<1x320x64xf32, #tpu.memory_space<vmem>> -> memref<320x64xf32, #tpu.memory_space<vmem>>
      %get3A_505 = arith.index_cast %add3A_500 : i32 to index
      %get3A_506 = arith.constant 16 : index
      %get3A_507 = tpu.vector_load %get3A_504[%get3A_505, %get3A_506] {strides = array<i32>} : memref<320x64xf32, #tpu.memory_space<vmem>>, vector<16xf32>,
      %add3A_508 = arith.constant 2 : i32
      %add3A_509 = arith.addi %mul3A_285, %add3A_508 : i32
      %get3A_510 = arith.constant 0 : i32
      %get3A_511 = arith.constant 0 : i32
      %get3A_512 = tpu.memref_slice %arg7[%scan3A_268, %get3A_510, %get3A_511] : memref<2x320x64xf32, #tpu.memory_space<vmem>> -> memref<1x320x64xf32, #tpu.memory_space<vmem>>
      %get3A_513 = tpu.memref_squeeze %get3A_512 : memref<1x320x64xf32, #tpu.memory_space<vmem>> -> memref<320x64xf32, #tpu.memory_space<vmem>>
      %get3A_514 = arith.index_cast %add3A_509 : i32 to index
      %get3A_515 = arith.constant 16 : index
      %get3A_516 = tpu.vector_load %get3A_513[%get3A_514, %get3A_515] {strides = array<i32>} : memref<320x64xf32, #tpu.memory_space<vmem>>, vector<16xf32>,
      %add3A_517 = arith.constant 3 : i32
      %add3A_518 = arith.addi %mul3A_285, %add3A_517 : i32
      %get3A_519 = arith.constant 0 : i32
      %get3A_520 = arith.constant 0 : i32
      %get3A_521 = tpu.memref_slice %arg7[%scan3A_268, %get3A_519, %get3A_520] : memref<2x320x64xf32, #tpu.memory_space<vmem>> -> memref<1x320x64xf32, #tpu.memory_space<vmem>>
      %get3A_522 = tpu.memref_squeeze %get3A_521 : memref<1x320x64xf32, #tpu.memory_space<vmem>> -> memref<320x64xf32, #tpu.memory_space<vmem>>
      %get3A_523 = arith.index_cast %add3A_518 : i32 to index
      %get3A_524 = arith.constant 16 : index
      %get3A_525 = tpu.vector_load %get3A_522[%get3A_523, %get3A_524] {strides = array<i32>} : memref<320x64xf32, #tpu.memory_space<vmem>>, vector<16xf32>,
      %add3A_526 = arith.constant 4 : i32
      %add3A_527 = arith.addi %mul3A_285, %add3A_526 : i32
      %get3A_528 = arith.constant 0 : i32
      %get3A_529 = arith.constant 0 : i32
      %get3A_530 = tpu.memref_slice %arg7[%scan3A_268, %get3A_528, %get3A_529] : memref<2x320x64xf32, #tpu.memory_space<vmem>> -> memref<1x320x64xf32, #tpu.memory_space<vmem>>
      %get3A_531 = tpu.memref_squeeze %get3A_530 : memref<1x320x64xf32, #tpu.memory_space<vmem>> -> memref<320x64xf32, #tpu.memory_space<vmem>>
      %get3A_532 = arith.index_cast %add3A_527 : i32 to index
      %get3A_533 = arith.constant 16 : index
      %get3A_534 = tpu.vector_load %get3A_531[%get3A_532, %get3A_533] {strides = array<i32>} : memref<320x64xf32, #tpu.memory_space<vmem>>, vector<16xf32>,
      %add3A_535 = arith.constant 5 : i32
      %add3A_536 = arith.addi %mul3A_285, %add3A_535 : i32
      %get3A_537 = arith.constant 0 : i32
      %get3A_538 = arith.constant 0 : i32
      %get3A_539 = tpu.memref_slice %arg7[%scan3A_268, %get3A_537, %get3A_538] : memref<2x320x64xf32, #tpu.memory_space<vmem>> -> memref<1x320x64xf32, #tpu.memory_space<vmem>>
      %get3A_540 = tpu.memref_squeeze %get3A_539 : memref<1x320x64xf32, #tpu.memory_space<vmem>> -> memref<320x64xf32, #tpu.memory_space<vmem>>
      %get3A_541 = arith.index_cast %add3A_536 : i32 to index
      %get3A_542 = arith.constant 16 : index
      %get3A_543 = tpu.vector_load %get3A_540[%get3A_541, %get3A_542] {strides = array<i32>} : memref<320x64xf32, #tpu.memory_space<vmem>>, vector<16xf32>,
      %add3A_544 = arith.constant 6 : i32
      %add3A_545 = arith.addi %mul3A_285, %add3A_544 : i32
      %get3A_546 = arith.constant 0 : i32
      %get3A_547 = arith.constant 0 : i32
      %get3A_548 = tpu.memref_slice %arg7[%scan3A_268, %get3A_546, %get3A_547] : memref<2x320x64xf32, #tpu.memory_space<vmem>> -> memref<1x320x64xf32, #tpu.memory_space<vmem>>
      %get3A_549 = tpu.memref_squeeze %get3A_548 : memref<1x320x64xf32, #tpu.memory_space<vmem>> -> memref<320x64xf32, #tpu.memory_space<vmem>>
      %get3A_550 = arith.index_cast %add3A_545 : i32 to index
      %get3A_551 = arith.constant 16 : index
      %get3A_552 = tpu.vector_load %get3A_549[%get3A_550, %get3A_551] {strides = array<i32>} : memref<320x64xf32, #tpu.memory_space<vmem>>, vector<16xf32>,
      %add3A_553 = arith.constant 7 : i32
      %add3A_554 = arith.addi %mul3A_285, %add3A_553 : i32
      %get3A_555 = arith.constant 0 : i32
      %get3A_556 = arith.constant 0 : i32
      %get3A_557 = tpu.memref_slice %arg7[%scan3A_268, %get3A_555, %get3A_556] : memref<2x320x64xf32, #tpu.memory_space<vmem>> -> memref<1x320x64xf32, #tpu.memory_space<vmem>>
      %get3A_558 = tpu.memref_squeeze %get3A_557 : memref<1x320x64xf32, #tpu.memory_space<vmem>> -> memref<320x64xf32, #tpu.memory_space<vmem>>
      %get3A_559 = arith.index_cast %add3A_554 : i32 to index
      %get3A_560 = arith.constant 16 : index
      %get3A_561 = tpu.vector_load %get3A_558[%get3A_559, %get3A_560] {strides = array<i32>} : memref<320x64xf32, #tpu.memory_space<vmem>>, vector<16xf32>,
      %add3A_562 = arith.constant 8 : i32
      %add3A_563 = arith.addi %mul3A_285, %add3A_562 : i32
      %get3A_564 = arith.constant 0 : i32
      %get3A_565 = arith.constant 0 : i32
      %get3A_566 = tpu.memref_slice %arg7[%scan3A_268, %get3A_564, %get3A_565] : memref<2x320x64xf32, #tpu.memory_space<vmem>> -> memref<1x320x64xf32, #tpu.memory_space<vmem>>
      %get3A_567 = tpu.memref_squeeze %get3A_566 : memref<1x320x64xf32, #tpu.memory_space<vmem>> -> memref<320x64xf32, #tpu.memory_space<vmem>>
      %get3A_568 = arith.index_cast %add3A_563 : i32 to index
      %get3A_569 = arith.constant 16 : index
      %get3A_570 = tpu.vector_load %get3A_567[%get3A_568, %get3A_569] {strides = array<i32>} : memref<320x64xf32, #tpu.memory_space<vmem>>, vector<16xf32>,
      %add3A_571 = arith.constant 9 : i32
      %add3A_572 = arith.addi %mul3A_285, %add3A_571 : i32
      %get3A_573 = arith.constant 0 : i32
      %get3A_574 = arith.constant 0 : i32
      %get3A_575 = tpu.memref_slice %arg7[%scan3A_268, %get3A_573, %get3A_574] : memref<2x320x64xf32, #tpu.memory_space<vmem>> -> memref<1x320x64xf32, #tpu.memory_space<vmem>>
      %get3A_576 = tpu.memref_squeeze %get3A_575 : memref<1x320x64xf32, #tpu.memory_space<vmem>> -> memref<320x64xf32, #tpu.memory_space<vmem>>
      %get3A_577 = arith.index_cast %add3A_572 : i32 to index
      %get3A_578 = arith.constant 16 : index
      %get3A_579 = tpu.vector_load %get3A_576[%get3A_577, %get3A_578] {strides = array<i32>} : memref<320x64xf32, #tpu.memory_space<vmem>>, vector<16xf32>,
      %add3A_580 = arith.constant 10 : i32
      %add3A_581 = arith.addi %mul3A_285, %add3A_580 : i32
      %get3A_582 = arith.constant 0 : i32
      %get3A_583 = arith.constant 0 : i32
      %get3A_584 = tpu.memref_slice %arg7[%scan3A_268, %get3A_582, %get3A_583] : memref<2x320x64xf32, #tpu.memory_space<vmem>> -> memref<1x320x64xf32, #tpu.memory_space<vmem>>
      %get3A_585 = tpu.memref_squeeze %get3A_584 : memref<1x320x64xf32, #tpu.memory_space<vmem>> -> memref<320x64xf32, #tpu.memory_space<vmem>>
      %get3A_586 = arith.index_cast %add3A_581 : i32 to index
      %get3A_587 = arith.constant 16 : index
      %get3A_588 = tpu.vector_load %get3A_585[%get3A_586, %get3A_587] {strides = array<i32>} : memref<320x64xf32, #tpu.memory_space<vmem>>, vector<16xf32>,
      %add3A_589 = arith.constant 11 : i32
      %add3A_590 = arith.addi %mul3A_285, %add3A_589 : i32
      %get3A_591 = arith.constant 0 : i32
      %get3A_592 = arith.constant 0 : i32
      %get3A_593 = tpu.memref_slice %arg7[%scan3A_268, %get3A_591, %get3A_592] : memref<2x320x64xf32, #tpu.memory_space<vmem>> -> memref<1x320x64xf32, #tpu.memory_space<vmem>>
      %get3A_594 = tpu.memref_squeeze %get3A_593 : memref<1x320x64xf32, #tpu.memory_space<vmem>> -> memref<320x64xf32, #tpu.memory_space<vmem>>
      %get3A_595 = arith.index_cast %add3A_590 : i32 to index
      %get3A_596 = arith.constant 16 : index
      %get3A_597 = tpu.vector_load %get3A_594[%get3A_595, %get3A_596] {strides = array<i32>} : memref<320x64xf32, #tpu.memory_space<vmem>>, vector<16xf32>,
      %add3A_598 = arith.constant 12 : i32
      %add3A_599 = arith.addi %mul3A_285, %add3A_598 : i32
      %get3A_600 = arith.constant 0 : i32
      %get3A_601 = arith.constant 0 : i32
      %get3A_602 = tpu.memref_slice %arg7[%scan3A_268, %get3A_600, %get3A_601] : memref<2x320x64xf32, #tpu.memory_space<vmem>> -> memref<1x320x64xf32, #tpu.memory_space<vmem>>
      %get3A_603 = tpu.memref_squeeze %get3A_602 : memref<1x320x64xf32, #tpu.memory_space<vmem>> -> memref<320x64xf32, #tpu.memory_space<vmem>>
      %get3A_604 = arith.index_cast %add3A_599 : i32 to index
      %get3A_605 = arith.constant 16 : index
      %get3A_606 = tpu.vector_load %get3A_603[%get3A_604, %get3A_605] {strides = array<i32>} : memref<320x64xf32, #tpu.memory_space<vmem>>, vector<16xf32>,
      %add3A_607 = arith.constant 13 : i32
      %add3A_608 = arith.addi %mul3A_285, %add3A_607 : i32
      %get3A_609 = arith.constant 0 : i32
      %get3A_610 = arith.constant 0 : i32
      %get3A_611 = tpu.memref_slice %arg7[%scan3A_268, %get3A_609, %get3A_610] : memref<2x320x64xf32, #tpu.memory_space<vmem>> -> memref<1x320x64xf32, #tpu.memory_space<vmem>>
      %get3A_612 = tpu.memref_squeeze %get3A_611 : memref<1x320x64xf32, #tpu.memory_space<vmem>> -> memref<320x64xf32, #tpu.memory_space<vmem>>
      %get3A_613 = arith.index_cast %add3A_608 : i32 to index
      %get3A_614 = arith.constant 16 : index
      %get3A_615 = tpu.vector_load %get3A_612[%get3A_613, %get3A_614] {strides = array<i32>} : memref<320x64xf32, #tpu.memory_space<vmem>>, vector<16xf32>,
      %add3A_616 = arith.constant 14 : i32
      %add3A_617 = arith.addi %mul3A_285, %add3A_616 : i32
      %get3A_618 = arith.constant 0 : i32
      %get3A_619 = arith.constant 0 : i32
      %get3A_620 = tpu.memref_slice %arg7[%scan3A_268, %get3A_618, %get3A_619] : memref<2x320x64xf32, #tpu.memory_space<vmem>> -> memref<1x320x64xf32, #tpu.memory_space<vmem>>
      %get3A_621 = tpu.memref_squeeze %get3A_620 : memref<1x320x64xf32, #tpu.memory_space<vmem>> -> memref<320x64xf32, #tpu.memory_space<vmem>>
      %get3A_622 = arith.index_cast %add3A_617 : i32 to index
      %get3A_623 = arith.constant 16 : index
      %get3A_624 = tpu.vector_load %get3A_621[%get3A_622, %get3A_623] {strides = array<i32>} : memref<320x64xf32, #tpu.memory_space<vmem>>, vector<16xf32>,
      %add3A_625 = arith.constant 15 : i32
      %add3A_626 = arith.addi %mul3A_285, %add3A_625 : i32
      %get3A_627 = arith.constant 0 : i32
      %get3A_628 = arith.constant 0 : i32
      %get3A_629 = tpu.memref_slice %arg7[%scan3A_268, %get3A_627, %get3A_628] : memref<2x320x64xf32, #tpu.memory_space<vmem>> -> memref<1x320x64xf32, #tpu.memory_space<vmem>>
      %get3A_630 = tpu.memref_squeeze %get3A_629 : memref<1x320x64xf32, #tpu.memory_space<vmem>> -> memref<320x64xf32, #tpu.memory_space<vmem>>
      %get3A_631 = arith.index_cast %add3A_626 : i32 to index
      %get3A_632 = arith.constant 16 : index
      %get3A_633 = tpu.vector_load %get3A_630[%get3A_631, %get3A_632] {strides = array<i32>} : memref<320x64xf32, #tpu.memory_space<vmem>>, vector<16xf32>,
      %add3A_634 = arith.constant 16 : i32
      %add3A_635 = arith.addi %mul3A_285, %add3A_634 : i32
      %get3A_636 = arith.constant 0 : i32
      %get3A_637 = arith.constant 0 : i32
      %get3A_638 = tpu.memref_slice %arg7[%scan3A_268, %get3A_636, %get3A_637] : memref<2x320x64xf32, #tpu.memory_space<vmem>> -> memref<1x320x64xf32, #tpu.memory_space<vmem>>
      %get3A_639 = tpu.memref_squeeze %get3A_638 : memref<1x320x64xf32, #tpu.memory_space<vmem>> -> memref<320x64xf32, #tpu.memory_space<vmem>>
      %get3A_640 = arith.index_cast %add3A_635 : i32 to index
      %get3A_641 = arith.constant 16 : index
      %get3A_642 = tpu.vector_load %get3A_639[%get3A_640, %get3A_641] {strides = array<i32>} : memref<320x64xf32, #tpu.memory_space<vmem>>, vector<16xf32>,
      %add3A_643 = arith.constant 17 : i32
      %add3A_644 = arith.addi %mul3A_285, %add3A_643 : i32
      %get3A_645 = arith.constant 0 : i32
      %get3A_646 = arith.constant 0 : i32
      %get3A_647 = tpu.memref_slice %arg7[%scan3A_268, %get3A_645, %get3A_646] : memref<2x320x64xf32, #tpu.memory_space<vmem>> -> memref<1x320x64xf32, #tpu.memory_space<vmem>>
      %get3A_648 = tpu.memref_squeeze %get3A_647 : memref<1x320x64xf32, #tpu.memory_space<vmem>> -> memref<320x64xf32, #tpu.memory_space<vmem>>
      %get3A_649 = arith.index_cast %add3A_644 : i32 to index
      %get3A_650 = arith.constant 16 : index
      %get3A_651 = tpu.vector_load %get3A_648[%get3A_649, %get3A_650] {strides = array<i32>} : memref<320x64xf32, #tpu.memory_space<vmem>>, vector<16xf32>,
      %add3A_652 = arith.constant 18 : i32
      %add3A_653 = arith.addi %mul3A_285, %add3A_652 : i32
      %get3A_654 = arith.constant 0 : i32
      %get3A_655 = arith.constant 0 : i32
      %get3A_656 = tpu.memref_slice %arg7[%scan3A_268, %get3A_654, %get3A_655] : memref<2x320x64xf32, #tpu.memory_space<vmem>> -> memref<1x320x64xf32, #tpu.memory_space<vmem>>
      %get3A_657 = tpu.memref_squeeze %get3A_656 : memref<1x320x64xf32, #tpu.memory_space<vmem>> -> memref<320x64xf32, #tpu.memory_space<vmem>>
      %get3A_658 = arith.index_cast %add3A_653 : i32 to index
      %get3A_659 = arith.constant 16 : index
      %get3A_660 = tpu.vector_load %get3A_657[%get3A_658, %get3A_659] {strides = array<i32>} : memref<320x64xf32, #tpu.memory_space<vmem>>, vector<16xf32>,
      %add3A_661 = arith.constant 19 : i32
      %add3A_662 = arith.addi %mul3A_285, %add3A_661 : i32
      %get3A_663 = arith.constant 0 : i32
      %get3A_664 = arith.constant 0 : i32
      %get3A_665 = tpu.memref_slice %arg7[%scan3A_268, %get3A_663, %get3A_664] : memref<2x320x64xf32, #tpu.memory_space<vmem>> -> memref<1x320x64xf32, #tpu.memory_space<vmem>>
      %get3A_666 = tpu.memref_squeeze %get3A_665 : memref<1x320x64xf32, #tpu.memory_space<vmem>> -> memref<320x64xf32, #tpu.memory_space<vmem>>
      %get3A_667 = arith.index_cast %add3A_662 : i32 to index
      %get3A_668 = arith.constant 16 : index
      %get3A_669 = tpu.vector_load %get3A_666[%get3A_667, %get3A_668] {strides = array<i32>} : memref<320x64xf32, #tpu.memory_space<vmem>>, vector<16xf32>,
      %add3A_670 = arith.addf %get3A_498, %get3A_507 : vector<16xf32>
      %add3A_671 = arith.addf %get3A_516, %get3A_525 : vector<16xf32>
      %add3A_672 = arith.addf %get3A_534, %get3A_543 : vector<16xf32>
      %add3A_673 = arith.addf %get3A_552, %get3A_561 : vector<16xf32>
      %add3A_674 = arith.addf %get3A_570, %get3A_579 : vector<16xf32>
      %add3A_675 = arith.addf %get3A_588, %get3A_597 : vector<16xf32>
      %add3A_676 = arith.addf %get3A_606, %get3A_615 : vector<16xf32>
      %add3A_677 = arith.addf %get3A_624, %get3A_633 : vector<16xf32>
      %add3A_678 = arith.addf %get3A_642, %get3A_651 : vector<16xf32>
      %add3A_679 = arith.addf %get3A_660, %get3A_669 : vector<16xf32>
      %add3A_680 = arith.addf %add3A_670, %add3A_671 : vector<16xf32>
      %add3A_681 = arith.addf %add3A_672, %add3A_673 : vector<16xf32>
      %add3A_682 = arith.addf %add3A_674, %add3A_675 : vector<16xf32>
      %add3A_683 = arith.addf %add3A_676, %add3A_677 : vector<16xf32>
      %add3A_684 = arith.addf %add3A_678, %add3A_679 : vector<16xf32>
      %add3A_685 = arith.addf %add3A_680, %add3A_681 : vector<16xf32>
      %add3A_686 = arith.addf %add3A_682, %add3A_683 : vector<16xf32>
      %add3A_687 = arith.addf %add3A_685, %add3A_686 : vector<16xf32>
      %add3A_688 = arith.addf %add3A_687, %add3A_684 : vector<16xf32>
      %mul3A_689 = vector.broadcast %scan3A_269 : f32 to vector<16xf32>
      %mul3A_690 = arith.mulf %add3A_688, %mul3A_689 : vector<16xf32>
      %add3A_691 = arith.constant 16 : i32
      %add3A_692 = arith.addi %add3A_691, %scan3A_283 : i32
      %swap3A_693 = arith.index_cast %add3A_692 : i32 to index
      %swap3A_694 = arith.constant 16 : index
      %swap3A_695 = tpu.vector_load %arg8[%swap3A_693, %swap3A_694] {strides = array<i32>} : memref<512x64xf32, #tpu.memory_space<vmem>>, vector<16xf32>,
      tpu.vector_store %arg8[%swap3A_693, %swap3A_694], %mul3A_690 {strides = array<i32>} : memref<512x64xf32, #tpu.memory_space<vmem>>, vector<16xf32>,
      %add3A_696 = arith.constant 0 : i32
      %add3A_697 = arith.addi %mul3A_285, %add3A_696 : i32
      %get3A_698 = arith.constant 0 : i32
      %get3A_699 = arith.constant 0 : i32
      %get3A_700 = tpu.memref_slice %arg7[%scan3A_268, %get3A_698, %get3A_699] : memref<2x320x64xf32, #tpu.memory_space<vmem>> -> memref<1x320x64xf32, #tpu.memory_space<vmem>>
      %get3A_701 = tpu.memref_squeeze %get3A_700 : memref<1x320x64xf32, #tpu.memory_space<vmem>> -> memref<320x64xf32, #tpu.memory_space<vmem>>
      %get3A_702 = arith.index_cast %add3A_697 : i32 to index
      %get3A_703 = arith.constant 32 : index
      %get3A_704 = tpu.vector_load %get3A_701[%get3A_702, %get3A_703] {strides = array<i32>} : memref<320x64xf32, #tpu.memory_space<vmem>>, vector<16xf32>,
      %add3A_705 = arith.constant 1 : i32
      %add3A_706 = arith.addi %mul3A_285, %add3A_705 : i32
      %get3A_707 = arith.constant 0 : i32
      %get3A_708 = arith.constant 0 : i32
      %get3A_709 = tpu.memref_slice %arg7[%scan3A_268, %get3A_707, %get3A_708] : memref<2x320x64xf32, #tpu.memory_space<vmem>> -> memref<1x320x64xf32, #tpu.memory_space<vmem>>
      %get3A_710 = tpu.memref_squeeze %get3A_709 : memref<1x320x64xf32, #tpu.memory_space<vmem>> -> memref<320x64xf32, #tpu.memory_space<vmem>>
      %get3A_711 = arith.index_cast %add3A_706 : i32 to index
      %get3A_712 = arith.constant 32 : index
      %get3A_713 = tpu.vector_load %get3A_710[%get3A_711, %get3A_712] {strides = array<i32>} : memref<320x64xf32, #tpu.memory_space<vmem>>, vector<16xf32>,
      %add3A_714 = arith.constant 2 : i32
      %add3A_715 = arith.addi %mul3A_285, %add3A_714 : i32
      %get3A_716 = arith.constant 0 : i32
      %get3A_717 = arith.constant 0 : i32
      %get3A_718 = tpu.memref_slice %arg7[%scan3A_268, %get3A_716, %get3A_717] : memref<2x320x64xf32, #tpu.memory_space<vmem>> -> memref<1x320x64xf32, #tpu.memory_space<vmem>>
      %get3A_719 = tpu.memref_squeeze %get3A_718 : memref<1x320x64xf32, #tpu.memory_space<vmem>> -> memref<320x64xf32, #tpu.memory_space<vmem>>
      %get3A_720 = arith.index_cast %add3A_715 : i32 to index
      %get3A_721 = arith.constant 32 : index
      %get3A_722 = tpu.vector_load %get3A_719[%get3A_720, %get3A_721] {strides = array<i32>} : memref<320x64xf32, #tpu.memory_space<vmem>>, vector<16xf32>,
      %add3A_723 = arith.constant 3 : i32
      %add3A_724 = arith.addi %mul3A_285, %add3A_723 : i32
      %get3A_725 = arith.constant 0 : i32
      %get3A_726 = arith.constant 0 : i32
      %get3A_727 = tpu.memref_slice %arg7[%scan3A_268, %get3A_725, %get3A_726] : memref<2x320x64xf32, #tpu.memory_space<vmem>> -> memref<1x320x64xf32, #tpu.memory_space<vmem>>
      %get3A_728 = tpu.memref_squeeze %get3A_727 : memref<1x320x64xf32, #tpu.memory_space<vmem>> -> memref<320x64xf32, #tpu.memory_space<vmem>>
      %get3A_729 = arith.index_cast %add3A_724 : i32 to index
      %get3A_730 = arith.constant 32 : index
      %get3A_731 = tpu.vector_load %get3A_728[%get3A_729, %get3A_730] {strides = array<i32>} : memref<320x64xf32, #tpu.memory_space<vmem>>, vector<16xf32>,
      %add3A_732 = arith.constant 4 : i32
      %add3A_733 = arith.addi %mul3A_285, %add3A_732 : i32
      %get3A_734 = arith.constant 0 : i32
      %get3A_735 = arith.constant 0 : i32
      %get3A_736 = tpu.memref_slice %arg7[%scan3A_268, %get3A_734, %get3A_735] : memref<2x320x64xf32, #tpu.memory_space<vmem>> -> memref<1x320x64xf32, #tpu.memory_space<vmem>>
      %get3A_737 = tpu.memref_squeeze %get3A_736 : memref<1x320x64xf32, #tpu.memory_space<vmem>> -> memref<320x64xf32, #tpu.memory_space<vmem>>
      %get3A_738 = arith.index_cast %add3A_733 : i32 to index
      %get3A_739 = arith.constant 32 : index
      %get3A_740 = tpu.vector_load %get3A_737[%get3A_738, %get3A_739] {strides = array<i32>} : memref<320x64xf32, #tpu.memory_space<vmem>>, vector<16xf32>,
      %add3A_741 = arith.constant 5 : i32
      %add3A_742 = arith.addi %mul3A_285, %add3A_741 : i32
      %get3A_743 = arith.constant 0 : i32
      %get3A_744 = arith.constant 0 : i32
      %get3A_745 = tpu.memref_slice %arg7[%scan3A_268, %get3A_743, %get3A_744] : memref<2x320x64xf32, #tpu.memory_space<vmem>> -> memref<1x320x64xf32, #tpu.memory_space<vmem>>
      %get3A_746 = tpu.memref_squeeze %get3A_745 : memref<1x320x64xf32, #tpu.memory_space<vmem>> -> memref<320x64xf32, #tpu.memory_space<vmem>>
      %get3A_747 = arith.index_cast %add3A_742 : i32 to index
      %get3A_748 = arith.constant 32 : index
      %get3A_749 = tpu.vector_load %get3A_746[%get3A_747, %get3A_748] {strides = array<i32>} : memref<320x64xf32, #tpu.memory_space<vmem>>, vector<16xf32>,
      %add3A_750 = arith.constant 6 : i32
      %add3A_751 = arith.addi %mul3A_285, %add3A_750 : i32
      %get3A_752 = arith.constant 0 : i32
      %get3A_753 = arith.constant 0 : i32
      %get3A_754 = tpu.memref_slice %arg7[%scan3A_268, %get3A_752, %get3A_753] : memref<2x320x64xf32, #tpu.memory_space<vmem>> -> memref<1x320x64xf32, #tpu.memory_space<vmem>>
      %get3A_755 = tpu.memref_squeeze %get3A_754 : memref<1x320x64xf32, #tpu.memory_space<vmem>> -> memref<320x64xf32, #tpu.memory_space<vmem>>
      %get3A_756 = arith.index_cast %add3A_751 : i32 to index
      %get3A_757 = arith.constant 32 : index
      %get3A_758 = tpu.vector_load %get3A_755[%get3A_756, %get3A_757] {strides = array<i32>} : memref<320x64xf32, #tpu.memory_space<vmem>>, vector<16xf32>,
      %add3A_759 = arith.constant 7 : i32
      %add3A_760 = arith.addi %mul3A_285, %add3A_759 : i32
      %get3A_761 = arith.constant 0 : i32
      %get3A_762 = arith.constant 0 : i32
      %get3A_763 = tpu.memref_slice %arg7[%scan3A_268, %get3A_761, %get3A_762] : memref<2x320x64xf32, #tpu.memory_space<vmem>> -> memref<1x320x64xf32, #tpu.memory_space<vmem>>
      %get3A_764 = tpu.memref_squeeze %get3A_763 : memref<1x320x64xf32, #tpu.memory_space<vmem>> -> memref<320x64xf32, #tpu.memory_space<vmem>>
      %get3A_765 = arith.index_cast %add3A_760 : i32 to index
      %get3A_766 = arith.constant 32 : index
      %get3A_767 = tpu.vector_load %get3A_764[%get3A_765, %get3A_766] {strides = array<i32>} : memref<320x64xf32, #tpu.memory_space<vmem>>, vector<16xf32>,
      %add3A_768 = arith.constant 8 : i32
      %add3A_769 = arith.addi %mul3A_285, %add3A_768 : i32
      %get3A_770 = arith.constant 0 : i32
      %get3A_771 = arith.constant 0 : i32
      %get3A_772 = tpu.memref_slice %arg7[%scan3A_268, %get3A_770, %get3A_771] : memref<2x320x64xf32, #tpu.memory_space<vmem>> -> memref<1x320x64xf32, #tpu.memory_space<vmem>>
      %get3A_773 = tpu.memref_squeeze %get3A_772 : memref<1x320x64xf32, #tpu.memory_space<vmem>> -> memref<320x64xf32, #tpu.memory_space<vmem>>
      %get3A_774 = arith.index_cast %add3A_769 : i32 to index
      %get3A_775 = arith.constant 32 : index
      %get3A_776 = tpu.vector_load %get3A_773[%get3A_774, %get3A_775] {strides = array<i32>} : memref<320x64xf32, #tpu.memory_space<vmem>>, vector<16xf32>,
      %add3A_777 = arith.constant 9 : i32
      %add3A_778 = arith.addi %mul3A_285, %add3A_777 : i32
      %get3A_779 = arith.constant 0 : i32
      %get3A_780 = arith.constant 0 : i32
      %get3A_781 = tpu.memref_slice %arg7[%scan3A_268, %get3A_779, %get3A_780] : memref<2x320x64xf32, #tpu.memory_space<vmem>> -> memref<1x320x64xf32, #tpu.memory_space<vmem>>
      %get3A_782 = tpu.memref_squeeze %get3A_781 : memref<1x320x64xf32, #tpu.memory_space<vmem>> -> memref<320x64xf32, #tpu.memory_space<vmem>>
      %get3A_783 = arith.index_cast %add3A_778 : i32 to index
      %get3A_784 = arith.constant 32 : index
      %get3A_785 = tpu.vector_load %get3A_782[%get3A_783, %get3A_784] {strides = array<i32>} : memref<320x64xf32, #tpu.memory_space<vmem>>, vector<16xf32>,
      %add3A_786 = arith.constant 10 : i32
      %add3A_787 = arith.addi %mul3A_285, %add3A_786 : i32
      %get3A_788 = arith.constant 0 : i32
      %get3A_789 = arith.constant 0 : i32
      %get3A_790 = tpu.memref_slice %arg7[%scan3A_268, %get3A_788, %get3A_789] : memref<2x320x64xf32, #tpu.memory_space<vmem>> -> memref<1x320x64xf32, #tpu.memory_space<vmem>>
      %get3A_791 = tpu.memref_squeeze %get3A_790 : memref<1x320x64xf32, #tpu.memory_space<vmem>> -> memref<320x64xf32, #tpu.memory_space<vmem>>
      %get3A_792 = arith.index_cast %add3A_787 : i32 to index
      %get3A_793 = arith.constant 32 : index
      %get3A_794 = tpu.vector_load %get3A_791[%get3A_792, %get3A_793] {strides = array<i32>} : memref<320x64xf32, #tpu.memory_space<vmem>>, vector<16xf32>,
      %add3A_795 = arith.constant 11 : i32
      %add3A_796 = arith.addi %mul3A_285, %add3A_795 : i32
      %get3A_797 = arith.constant 0 : i32
      %get3A_798 = arith.constant 0 : i32
      %get3A_799 = tpu.memref_slice %arg7[%scan3A_268, %get3A_797, %get3A_798] : memref<2x320x64xf32, #tpu.memory_space<vmem>> -> memref<1x320x64xf32, #tpu.memory_space<vmem>>
      %get3A_800 = tpu.memref_squeeze %get3A_799 : memref<1x320x64xf32, #tpu.memory_space<vmem>> -> memref<320x64xf32, #tpu.memory_space<vmem>>
      %get3A_801 = arith.index_cast %add3A_796 : i32 to index
      %get3A_802 = arith.constant 32 : index
      %get3A_803 = tpu.vector_load %get3A_800[%get3A_801, %get3A_802] {strides = array<i32>} : memref<320x64xf32, #tpu.memory_space<vmem>>, vector<16xf32>,
      %add3A_804 = arith.constant 12 : i32
      %add3A_805 = arith.addi %mul3A_285, %add3A_804 : i32
      %get3A_806 = arith.constant 0 : i32
      %get3A_807 = arith.constant 0 : i32
      %get3A_808 = tpu.memref_slice %arg7[%scan3A_268, %get3A_806, %get3A_807] : memref<2x320x64xf32, #tpu.memory_space<vmem>> -> memref<1x320x64xf32, #tpu.memory_space<vmem>>
      %get3A_809 = tpu.memref_squeeze %get3A_808 : memref<1x320x64xf32, #tpu.memory_space<vmem>> -> memref<320x64xf32, #tpu.memory_space<vmem>>
      %get3A_810 = arith.index_cast %add3A_805 : i32 to index
      %get3A_811 = arith.constant 32 : index
      %get3A_812 = tpu.vector_load %get3A_809[%get3A_810, %get3A_811] {strides = array<i32>} : memref<320x64xf32, #tpu.memory_space<vmem>>, vector<16xf32>,
      %add3A_813 = arith.constant 13 : i32
      %add3A_814 = arith.addi %mul3A_285, %add3A_813 : i32
      %get3A_815 = arith.constant 0 : i32
      %get3A_816 = arith.constant 0 : i32
      %get3A_817 = tpu.memref_slice %arg7[%scan3A_268, %get3A_815, %get3A_816] : memref<2x320x64xf32, #tpu.memory_space<vmem>> -> memref<1x320x64xf32, #tpu.memory_space<vmem>>
      %get3A_818 = tpu.memref_squeeze %get3A_817 : memref<1x320x64xf32, #tpu.memory_space<vmem>> -> memref<320x64xf32, #tpu.memory_space<vmem>>
      %get3A_819 = arith.index_cast %add3A_814 : i32 to index
      %get3A_820 = arith.constant 32 : index
      %get3A_821 = tpu.vector_load %get3A_818[%get3A_819, %get3A_820] {strides = array<i32>} : memref<320x64xf32, #tpu.memory_space<vmem>>, vector<16xf32>,
      %add3A_822 = arith.constant 14 : i32
      %add3A_823 = arith.addi %mul3A_285, %add3A_822 : i32
      %get3A_824 = arith.constant 0 : i32
      %get3A_825 = arith.constant 0 : i32
      %get3A_826 = tpu.memref_slice %arg7[%scan3A_268, %get3A_824, %get3A_825] : memref<2x320x64xf32, #tpu.memory_space<vmem>> -> memref<1x320x64xf32, #tpu.memory_space<vmem>>
      %get3A_827 = tpu.memref_squeeze %get3A_826 : memref<1x320x64xf32, #tpu.memory_space<vmem>> -> memref<320x64xf32, #tpu.memory_space<vmem>>
      %get3A_828 = arith.index_cast %add3A_823 : i32 to index
      %get3A_829 = arith.constant 32 : index
      %get3A_830 = tpu.vector_load %get3A_827[%get3A_828, %get3A_829] {strides = array<i32>} : memref<320x64xf32, #tpu.memory_space<vmem>>, vector<16xf32>,
      %add3A_831 = arith.constant 15 : i32
      %add3A_832 = arith.addi %mul3A_285, %add3A_831 : i32
      %get3A_833 = arith.constant 0 : i32
      %get3A_834 = arith.constant 0 : i32
      %get3A_835 = tpu.memref_slice %arg7[%scan3A_268, %get3A_833, %get3A_834] : memref<2x320x64xf32, #tpu.memory_space<vmem>> -> memref<1x320x64xf32, #tpu.memory_space<vmem>>
      %get3A_836 = tpu.memref_squeeze %get3A_835 : memref<1x320x64xf32, #tpu.memory_space<vmem>> -> memref<320x64xf32, #tpu.memory_space<vmem>>
      %get3A_837 = arith.index_cast %add3A_832 : i32 to index
      %get3A_838 = arith.constant 32 : index
      %get3A_839 = tpu.vector_load %get3A_836[%get3A_837, %get3A_838] {strides = array<i32>} : memref<320x64xf32, #tpu.memory_space<vmem>>, vector<16xf32>,
      %add3A_840 = arith.constant 16 : i32
      %add3A_841 = arith.addi %mul3A_285, %add3A_840 : i32
      %get3A_842 = arith.constant 0 : i32
      %get3A_843 = arith.constant 0 : i32
      %get3A_844 = tpu.memref_slice %arg7[%scan3A_268, %get3A_842, %get3A_843] : memref<2x320x64xf32, #tpu.memory_space<vmem>> -> memref<1x320x64xf32, #tpu.memory_space<vmem>>
      %get3A_845 = tpu.memref_squeeze %get3A_844 : memref<1x320x64xf32, #tpu.memory_space<vmem>> -> memref<320x64xf32, #tpu.memory_space<vmem>>
      %get3A_846 = arith.index_cast %add3A_841 : i32 to index
      %get3A_847 = arith.constant 32 : index
      %get3A_848 = tpu.vector_load %get3A_845[%get3A_846, %get3A_847] {strides = array<i32>} : memref<320x64xf32, #tpu.memory_space<vmem>>, vector<16xf32>,
      %add3A_849 = arith.constant 17 : i32
      %add3A_850 = arith.addi %mul3A_285, %add3A_849 : i32
      %get3A_851 = arith.constant 0 : i32
      %get3A_852 = arith.constant 0 : i32
      %get3A_853 = tpu.memref_slice %arg7[%scan3A_268, %get3A_851, %get3A_852] : memref<2x320x64xf32, #tpu.memory_space<vmem>> -> memref<1x320x64xf32, #tpu.memory_space<vmem>>
      %get3A_854 = tpu.memref_squeeze %get3A_853 : memref<1x320x64xf32, #tpu.memory_space<vmem>> -> memref<320x64xf32, #tpu.memory_space<vmem>>
      %get3A_855 = arith.index_cast %add3A_850 : i32 to index
      %get3A_856 = arith.constant 32 : index
      %get3A_857 = tpu.vector_load %get3A_854[%get3A_855, %get3A_856] {strides = array<i32>} : memref<320x64xf32, #tpu.memory_space<vmem>>, vector<16xf32>,
      %add3A_858 = arith.constant 18 : i32
      %add3A_859 = arith.addi %mul3A_285, %add3A_858 : i32
      %get3A_860 = arith.constant 0 : i32
      %get3A_861 = arith.constant 0 : i32
      %get3A_862 = tpu.memref_slice %arg7[%scan3A_268, %get3A_860, %get3A_861] : memref<2x320x64xf32, #tpu.memory_space<vmem>> -> memref<1x320x64xf32, #tpu.memory_space<vmem>>
      %get3A_863 = tpu.memref_squeeze %get3A_862 : memref<1x320x64xf32, #tpu.memory_space<vmem>> -> memref<320x64xf32, #tpu.memory_space<vmem>>
      %get3A_864 = arith.index_cast %add3A_859 : i32 to index
      %get3A_865 = arith.constant 32 : index
      %get3A_866 = tpu.vector_load %get3A_863[%get3A_864, %get3A_865] {strides = array<i32>} : memref<320x64xf32, #tpu.memory_space<vmem>>, vector<16xf32>,
      %add3A_867 = arith.constant 19 : i32
      %add3A_868 = arith.addi %mul3A_285, %add3A_867 : i32
      %get3A_869 = arith.constant 0 : i32
      %get3A_870 = arith.constant 0 : i32
      %get3A_871 = tpu.memref_slice %arg7[%scan3A_268, %get3A_869, %get3A_870] : memref<2x320x64xf32, #tpu.memory_space<vmem>> -> memref<1x320x64xf32, #tpu.memory_space<vmem>>
      %get3A_872 = tpu.memref_squeeze %get3A_871 : memref<1x320x64xf32, #tpu.memory_space<vmem>> -> memref<320x64xf32, #tpu.memory_space<vmem>>
      %get3A_873 = arith.index_cast %add3A_868 : i32 to index
      %get3A_874 = arith.constant 32 : index
      %get3A_875 = tpu.vector_load %get3A_872[%get3A_873, %get3A_874] {strides = array<i32>} : memref<320x64xf32, #tpu.memory_space<vmem>>, vector<16xf32>,
      %add3A_876 = arith.addf %get3A_704, %get3A_713 : vector<16xf32>
      %add3A_877 = arith.addf %get3A_722, %get3A_731 : vector<16xf32>
      %add3A_878 = arith.addf %get3A_740, %get3A_749 : vector<16xf32>
      %add3A_879 = arith.addf %get3A_758, %get3A_767 : vector<16xf32>
      %add3A_880 = arith.addf %get3A_776, %get3A_785 : vector<16xf32>
      %add3A_881 = arith.addf %get3A_794, %get3A_803 : vector<16xf32>
      %add3A_882 = arith.addf %get3A_812, %get3A_821 : vector<16xf32>
      %add3A_883 = arith.addf %get3A_830, %get3A_839 : vector<16xf32>
      %add3A_884 = arith.addf %get3A_848, %get3A_857 : vector<16xf32>
      %add3A_885 = arith.addf %get3A_866, %get3A_875 : vector<16xf32>
      %add3A_886 = arith.addf %add3A_876, %add3A_877 : vector<16xf32>
      %add3A_887 = arith.addf %add3A_878, %add3A_879 : vector<16xf32>
      %add3A_888 = arith.addf %add3A_880, %add3A_881 : vector<16xf32>
      %add3A_889 = arith.addf %add3A_882, %add3A_883 : vector<16xf32>
      %add3A_890 = arith.addf %add3A_884, %add3A_885 : vector<16xf32>
      %add3A_891 = arith.addf %add3A_886, %add3A_887 : vector<16xf32>
      %add3A_892 = arith.addf %add3A_888, %add3A_889 : vector<16xf32>
      %add3A_893 = arith.addf %add3A_891, %add3A_892 : vector<16xf32>
      %add3A_894 = arith.addf %add3A_893, %add3A_890 : vector<16xf32>
      %mul3A_895 = vector.broadcast %scan3A_269 : f32 to vector<16xf32>
      %mul3A_896 = arith.mulf %add3A_894, %mul3A_895 : vector<16xf32>
      %add3A_897 = arith.constant 16 : i32
      %add3A_898 = arith.addi %add3A_897, %scan3A_283 : i32
      %swap3A_899 = arith.index_cast %add3A_898 : i32 to index
      %swap3A_900 = arith.constant 32 : index
      %swap3A_901 = tpu.vector_load %arg8[%swap3A_899, %swap3A_900] {strides = array<i32>} : memref<512x64xf32, #tpu.memory_space<vmem>>, vector<16xf32>,
      tpu.vector_store %arg8[%swap3A_899, %swap3A_900], %mul3A_896 {strides = array<i32>} : memref<512x64xf32, #tpu.memory_space<vmem>>, vector<16xf32>,
      %add3A_902 = arith.constant 0 : i32
      %add3A_903 = arith.addi %mul3A_285, %add3A_902 : i32
      %get3A_904 = arith.constant 0 : i32
      %get3A_905 = arith.constant 0 : i32
      %get3A_906 = tpu.memref_slice %arg7[%scan3A_268, %get3A_904, %get3A_905] : memref<2x320x64xf32, #tpu.memory_space<vmem>> -> memref<1x320x64xf32, #tpu.memory_space<vmem>>
      %get3A_907 = tpu.memref_squeeze %get3A_906 : memref<1x320x64xf32, #tpu.memory_space<vmem>> -> memref<320x64xf32, #tpu.memory_space<vmem>>
      %get3A_908 = arith.index_cast %add3A_903 : i32 to index
      %get3A_909 = arith.constant 48 : index
      %get3A_910 = tpu.vector_load %get3A_907[%get3A_908, %get3A_909] {strides = array<i32>} : memref<320x64xf32, #tpu.memory_space<vmem>>, vector<16xf32>,
      %add3A_911 = arith.constant 1 : i32
      %add3A_912 = arith.addi %mul3A_285, %add3A_911 : i32
      %get3A_913 = arith.constant 0 : i32
      %get3A_914 = arith.constant 0 : i32
      %get3A_915 = tpu.memref_slice %arg7[%scan3A_268, %get3A_913, %get3A_914] : memref<2x320x64xf32, #tpu.memory_space<vmem>> -> memref<1x320x64xf32, #tpu.memory_space<vmem>>
      %get3A_916 = tpu.memref_squeeze %get3A_915 : memref<1x320x64xf32, #tpu.memory_space<vmem>> -> memref<320x64xf32, #tpu.memory_space<vmem>>
      %get3A_917 = arith.index_cast %add3A_912 : i32 to index
      %get3A_918 = arith.constant 48 : index
      %get3A_919 = tpu.vector_load %get3A_916[%get3A_917, %get3A_918] {strides = array<i32>} : memref<320x64xf32, #tpu.memory_space<vmem>>, vector<16xf32>,
      %add3A_920 = arith.constant 2 : i32
      %add3A_921 = arith.addi %mul3A_285, %add3A_920 : i32
      %get3A_922 = arith.constant 0 : i32
      %get3A_923 = arith.constant 0 : i32
      %get3A_924 = tpu.memref_slice %arg7[%scan3A_268, %get3A_922, %get3A_923] : memref<2x320x64xf32, #tpu.memory_space<vmem>> -> memref<1x320x64xf32, #tpu.memory_space<vmem>>
      %get3A_925 = tpu.memref_squeeze %get3A_924 : memref<1x320x64xf32, #tpu.memory_space<vmem>> -> memref<320x64xf32, #tpu.memory_space<vmem>>
      %get3A_926 = arith.index_cast %add3A_921 : i32 to index
      %get3A_927 = arith.constant 48 : index
      %get3A_928 = tpu.vector_load %get3A_925[%get3A_926, %get3A_927] {strides = array<i32>} : memref<320x64xf32, #tpu.memory_space<vmem>>, vector<16xf32>,
      %add3A_929 = arith.constant 3 : i32
      %add3A_930 = arith.addi %mul3A_285, %add3A_929 : i32
      %get3A_931 = arith.constant 0 : i32
      %get3A_932 = arith.constant 0 : i32
      %get3A_933 = tpu.memref_slice %arg7[%scan3A_268, %get3A_931, %get3A_932] : memref<2x320x64xf32, #tpu.memory_space<vmem>> -> memref<1x320x64xf32, #tpu.memory_space<vmem>>
      %get3A_934 = tpu.memref_squeeze %get3A_933 : memref<1x320x64xf32, #tpu.memory_space<vmem>> -> memref<320x64xf32, #tpu.memory_space<vmem>>
      %get3A_935 = arith.index_cast %add3A_930 : i32 to index
      %get3A_936 = arith.constant 48 : index
      %get3A_937 = tpu.vector_load %get3A_934[%get3A_935, %get3A_936] {strides = array<i32>} : memref<320x64xf32, #tpu.memory_space<vmem>>, vector<16xf32>,
      %add3A_938 = arith.constant 4 : i32
      %add3A_939 = arith.addi %mul3A_285, %add3A_938 : i32
      %get3A_940 = arith.constant 0 : i32
      %get3A_941 = arith.constant 0 : i32
      %get3A_942 = tpu.memref_slice %arg7[%scan3A_268, %get3A_940, %get3A_941] : memref<2x320x64xf32, #tpu.memory_space<vmem>> -> memref<1x320x64xf32, #tpu.memory_space<vmem>>
      %get3A_943 = tpu.memref_squeeze %get3A_942 : memref<1x320x64xf32, #tpu.memory_space<vmem>> -> memref<320x64xf32, #tpu.memory_space<vmem>>
      %get3A_944 = arith.index_cast %add3A_939 : i32 to index
      %get3A_945 = arith.constant 48 : index
      %get3A_946 = tpu.vector_load %get3A_943[%get3A_944, %get3A_945] {strides = array<i32>} : memref<320x64xf32, #tpu.memory_space<vmem>>, vector<16xf32>,
      %add3A_947 = arith.constant 5 : i32
      %add3A_948 = arith.addi %mul3A_285, %add3A_947 : i32
      %get3A_949 = arith.constant 0 : i32
      %get3A_950 = arith.constant 0 : i32
      %get3A_951 = tpu.memref_slice %arg7[%scan3A_268, %get3A_949, %get3A_950] : memref<2x320x64xf32, #tpu.memory_space<vmem>> -> memref<1x320x64xf32, #tpu.memory_space<vmem>>
      %get3A_952 = tpu.memref_squeeze %get3A_951 : memref<1x320x64xf32, #tpu.memory_space<vmem>> -> memref<320x64xf32, #tpu.memory_space<vmem>>
      %get3A_953 = arith.index_cast %add3A_948 : i32 to index
      %get3A_954 = arith.constant 48 : index
      %get3A_955 = tpu.vector_load %get3A_952[%get3A_953, %get3A_954] {strides = array<i32>} : memref<320x64xf32, #tpu.memory_space<vmem>>, vector<16xf32>,
      %add3A_956 = arith.constant 6 : i32
      %add3A_957 = arith.addi %mul3A_285, %add3A_956 : i32
      %get3A_958 = arith.constant 0 : i32
      %get3A_959 = arith.constant 0 : i32
      %get3A_960 = tpu.memref_slice %arg7[%scan3A_268, %get3A_958, %get3A_959] : memref<2x320x64xf32, #tpu.memory_space<vmem>> -> memref<1x320x64xf32, #tpu.memory_space<vmem>>
      %get3A_961 = tpu.memref_squeeze %get3A_960 : memref<1x320x64xf32, #tpu.memory_space<vmem>> -> memref<320x64xf32, #tpu.memory_space<vmem>>
      %get3A_962 = arith.index_cast %add3A_957 : i32 to index
      %get3A_963 = arith.constant 48 : index
      %get3A_964 = tpu.vector_load %get3A_961[%get3A_962, %get3A_963] {strides = array<i32>} : memref<320x64xf32, #tpu.memory_space<vmem>>, vector<16xf32>,
      %add3A_965 = arith.constant 7 : i32
      %add3A_966 = arith.addi %mul3A_285, %add3A_965 : i32
      %get3A_967 = arith.constant 0 : i32
      %get3A_968 = arith.constant 0 : i32
      %get3A_969 = tpu.memref_slice %arg7[%scan3A_268, %get3A_967, %get3A_968] : memref<2x320x64xf32, #tpu.memory_space<vmem>> -> memref<1x320x64xf32, #tpu.memory_space<vmem>>
      %get3A_970 = tpu.memref_squeeze %get3A_969 : memref<1x320x64xf32, #tpu.memory_space<vmem>> -> memref<320x64xf32, #tpu.memory_space<vmem>>
      %get3A_971 = arith.index_cast %add3A_966 : i32 to index
      %get3A_972 = arith.constant 48 : index
      %get3A_973 = tpu.vector_load %get3A_970[%get3A_971, %get3A_972] {strides = array<i32>} : memref<320x64xf32, #tpu.memory_space<vmem>>, vector<16xf32>,
      %add3A_974 = arith.constant 8 : i32
      %add3A_975 = arith.addi %mul3A_285, %add3A_974 : i32
      %get3A_976 = arith.constant 0 : i32
      %get3A_977 = arith.constant 0 : i32
      %get3A_978 = tpu.memref_slice %arg7[%scan3A_268, %get3A_976, %get3A_977] : memref<2x320x64xf32, #tpu.memory_space<vmem>> -> memref<1x320x64xf32, #tpu.memory_space<vmem>>
      %get3A_979 = tpu.memref_squeeze %get3A_978 : memref<1x320x64xf32, #tpu.memory_space<vmem>> -> memref<320x64xf32, #tpu.memory_space<vmem>>
      %get3A_980 = arith.index_cast %add3A_975 : i32 to index
      %get3A_981 = arith.constant 48 : index
      %get3A_982 = tpu.vector_load %get3A_979[%get3A_980, %get3A_981] {strides = array<i32>} : memref<320x64xf32, #tpu.memory_space<vmem>>, vector<16xf32>,
      %add3A_983 = arith.constant 9 : i32
      %add3A_984 = arith.addi %mul3A_285, %add3A_983 : i32
      %get3A_985 = arith.constant 0 : i32
      %get3A_986 = arith.constant 0 : i32
      %get3A_987 = tpu.memref_slice %arg7[%scan3A_268, %get3A_985, %get3A_986] : memref<2x320x64xf32, #tpu.memory_space<vmem>> -> memref<1x320x64xf32, #tpu.memory_space<vmem>>
      %get3A_988 = tpu.memref_squeeze %get3A_987 : memref<1x320x64xf32, #tpu.memory_space<vmem>> -> memref<320x64xf32, #tpu.memory_space<vmem>>
      %get3A_989 = arith.index_cast %add3A_984 : i32 to index
      %get3A_990 = arith.constant 48 : index
      %get3A_991 = tpu.vector_load %get3A_988[%get3A_989, %get3A_990] {strides = array<i32>} : memref<320x64xf32, #tpu.memory_space<vmem>>, vector<16xf32>,
      %add3A_992 = arith.constant 10 : i32
      %add3A_993 = arith.addi %mul3A_285, %add3A_992 : i32
      %get3A_994 = arith.constant 0 : i32
      %get3A_995 = arith.constant 0 : i32
      %get3A_996 = tpu.memref_slice %arg7[%scan3A_268, %get3A_994, %get3A_995] : memref<2x320x64xf32, #tpu.memory_space<vmem>> -> memref<1x320x64xf32, #tpu.memory_space<vmem>>
      %get3A_997 = tpu.memref_squeeze %get3A_996 : memref<1x320x64xf32, #tpu.memory_space<vmem>> -> memref<320x64xf32, #tpu.memory_space<vmem>>
      %get3A_998 = arith.index_cast %add3A_993 : i32 to index
      %get3A_999 = arith.constant 48 : index
      %get3A_1000 = tpu.vector_load %get3A_997[%get3A_998, %get3A_999] {strides = array<i32>} : memref<320x64xf32, #tpu.memory_space<vmem>>, vector<16xf32>,
      %add3A_1001 = arith.constant 11 : i32
      %add3A_1002 = arith.addi %mul3A_285, %add3A_1001 : i32
      %get3A_1003 = arith.constant 0 : i32
      %get3A_1004 = arith.constant 0 : i32
      %get3A_1005 = tpu.memref_slice %arg7[%scan3A_268, %get3A_1003, %get3A_1004] : memref<2x320x64xf32, #tpu.memory_space<vmem>> -> memref<1x320x64xf32, #tpu.memory_space<vmem>>
      %get3A_1006 = tpu.memref_squeeze %get3A_1005 : memref<1x320x64xf32, #tpu.memory_space<vmem>> -> memref<320x64xf32, #tpu.memory_space<vmem>>
      %get3A_1007 = arith.index_cast %add3A_1002 : i32 to index
      %get3A_1008 = arith.constant 48 : index
      %get3A_1009 = tpu.vector_load %get3A_1006[%get3A_1007, %get3A_1008] {strides = array<i32>} : memref<320x64xf32, #tpu.memory_space<vmem>>, vector<16xf32>,
      %add3A_1010 = arith.constant 12 : i32
      %add3A_1011 = arith.addi %mul3A_285, %add3A_1010 : i32
      %get3A_1012 = arith.constant 0 : i32
      %get3A_1013 = arith.constant 0 : i32
      %get3A_1014 = tpu.memref_slice %arg7[%scan3A_268, %get3A_1012, %get3A_1013] : memref<2x320x64xf32, #tpu.memory_space<vmem>> -> memref<1x320x64xf32, #tpu.memory_space<vmem>>
      %get3A_1015 = tpu.memref_squeeze %get3A_1014 : memref<1x320x64xf32, #tpu.memory_space<vmem>> -> memref<320x64xf32, #tpu.memory_space<vmem>>
      %get3A_1016 = arith.index_cast %add3A_1011 : i32 to index
      %get3A_1017 = arith.constant 48 : index
      %get3A_1018 = tpu.vector_load %get3A_1015[%get3A_1016, %get3A_1017] {strides = array<i32>} : memref<320x64xf32, #tpu.memory_space<vmem>>, vector<16xf32>,
      %add3A_1019 = arith.constant 13 : i32
      %add3A_1020 = arith.addi %mul3A_285, %add3A_1019 : i32
      %get3A_1021 = arith.constant 0 : i32
      %get3A_1022 = arith.constant 0 : i32
      %get3A_1023 = tpu.memref_slice %arg7[%scan3A_268, %get3A_1021, %get3A_1022] : memref<2x320x64xf32, #tpu.memory_space<vmem>> -> memref<1x320x64xf32, #tpu.memory_space<vmem>>
      %get3A_1024 = tpu.memref_squeeze %get3A_1023 : memref<1x320x64xf32, #tpu.memory_space<vmem>> -> memref<320x64xf32, #tpu.memory_space<vmem>>
      %get3A_1025 = arith.index_cast %add3A_1020 : i32 to index
      %get3A_1026 = arith.constant 48 : index
      %get3A_1027 = tpu.vector_load %get3A_1024[%get3A_1025, %get3A_1026] {strides = array<i32>} : memref<320x64xf32, #tpu.memory_space<vmem>>, vector<16xf32>,
      %add3A_1028 = arith.constant 14 : i32
      %add3A_1029 = arith.addi %mul3A_285, %add3A_1028 : i32
      %get3A_1030 = arith.constant 0 : i32
      %get3A_1031 = arith.constant 0 : i32
      %get3A_1032 = tpu.memref_slice %arg7[%scan3A_268, %get3A_1030, %get3A_1031] : memref<2x320x64xf32, #tpu.memory_space<vmem>> -> memref<1x320x64xf32, #tpu.memory_space<vmem>>
      %get3A_1033 = tpu.memref_squeeze %get3A_1032 : memref<1x320x64xf32, #tpu.memory_space<vmem>> -> memref<320x64xf32, #tpu.memory_space<vmem>>
      %get3A_1034 = arith.index_cast %add3A_1029 : i32 to index
      %get3A_1035 = arith.constant 48 : index
      %get3A_1036 = tpu.vector_load %get3A_1033[%get3A_1034, %get3A_1035] {strides = array<i32>} : memref<320x64xf32, #tpu.memory_space<vmem>>, vector<16xf32>,
      %add3A_1037 = arith.constant 15 : i32
      %add3A_1038 = arith.addi %mul3A_285, %add3A_1037 : i32
      %get3A_1039 = arith.constant 0 : i32
      %get3A_1040 = arith.constant 0 : i32
      %get3A_1041 = tpu.memref_slice %arg7[%scan3A_268, %get3A_1039, %get3A_1040] : memref<2x320x64xf32, #tpu.memory_space<vmem>> -> memref<1x320x64xf32, #tpu.memory_space<vmem>>
      %get3A_1042 = tpu.memref_squeeze %get3A_1041 : memref<1x320x64xf32, #tpu.memory_space<vmem>> -> memref<320x64xf32, #tpu.memory_space<vmem>>
      %get3A_1043 = arith.index_cast %add3A_1038 : i32 to index
      %get3A_1044 = arith.constant 48 : index
      %get3A_1045 = tpu.vector_load %get3A_1042[%get3A_1043, %get3A_1044] {strides = array<i32>} : memref<320x64xf32, #tpu.memory_space<vmem>>, vector<16xf32>,
      %add3A_1046 = arith.constant 16 : i32
      %add3A_1047 = arith.addi %mul3A_285, %add3A_1046 : i32
      %get3A_1048 = arith.constant 0 : i32
      %get3A_1049 = arith.constant 0 : i32
      %get3A_1050 = tpu.memref_slice %arg7[%scan3A_268, %get3A_1048, %get3A_1049] : memref<2x320x64xf32, #tpu.memory_space<vmem>> -> memref<1x320x64xf32, #tpu.memory_space<vmem>>
      %get3A_1051 = tpu.memref_squeeze %get3A_1050 : memref<1x320x64xf32, #tpu.memory_space<vmem>> -> memref<320x64xf32, #tpu.memory_space<vmem>>
      %get3A_1052 = arith.index_cast %add3A_1047 : i32 to index
      %get3A_1053 = arith.constant 48 : index
      %get3A_1054 = tpu.vector_load %get3A_1051[%get3A_1052, %get3A_1053] {strides = array<i32>} : memref<320x64xf32, #tpu.memory_space<vmem>>, vector<16xf32>,
      %add3A_1055 = arith.constant 17 : i32
      %add3A_1056 = arith.addi %mul3A_285, %add3A_1055 : i32
      %get3A_1057 = arith.constant 0 : i32
      %get3A_1058 = arith.constant 0 : i32
      %get3A_1059 = tpu.memref_slice %arg7[%scan3A_268, %get3A_1057, %get3A_1058] : memref<2x320x64xf32, #tpu.memory_space<vmem>> -> memref<1x320x64xf32, #tpu.memory_space<vmem>>
      %get3A_1060 = tpu.memref_squeeze %get3A_1059 : memref<1x320x64xf32, #tpu.memory_space<vmem>> -> memref<320x64xf32, #tpu.memory_space<vmem>>
      %get3A_1061 = arith.index_cast %add3A_1056 : i32 to index
      %get3A_1062 = arith.constant 48 : index
      %get3A_1063 = tpu.vector_load %get3A_1060[%get3A_1061, %get3A_1062] {strides = array<i32>} : memref<320x64xf32, #tpu.memory_space<vmem>>, vector<16xf32>,
      %add3A_1064 = arith.constant 18 : i32
      %add3A_1065 = arith.addi %mul3A_285, %add3A_1064 : i32
      %get3A_1066 = arith.constant 0 : i32
      %get3A_1067 = arith.constant 0 : i32
      %get3A_1068 = tpu.memref_slice %arg7[%scan3A_268, %get3A_1066, %get3A_1067] : memref<2x320x64xf32, #tpu.memory_space<vmem>> -> memref<1x320x64xf32, #tpu.memory_space<vmem>>
      %get3A_1069 = tpu.memref_squeeze %get3A_1068 : memref<1x320x64xf32, #tpu.memory_space<vmem>> -> memref<320x64xf32, #tpu.memory_space<vmem>>
      %get3A_1070 = arith.index_cast %add3A_1065 : i32 to index
      %get3A_1071 = arith.constant 48 : index
      %get3A_1072 = tpu.vector_load %get3A_1069[%get3A_1070, %get3A_1071] {strides = array<i32>} : memref<320x64xf32, #tpu.memory_space<vmem>>, vector<16xf32>,
      %add3A_1073 = arith.constant 19 : i32
      %add3A_1074 = arith.addi %mul3A_285, %add3A_1073 : i32
      %get3A_1075 = arith.constant 0 : i32
      %get3A_1076 = arith.constant 0 : i32
      %get3A_1077 = tpu.memref_slice %arg7[%scan3A_268, %get3A_1075, %get3A_1076] : memref<2x320x64xf32, #tpu.memory_space<vmem>> -> memref<1x320x64xf32, #tpu.memory_space<vmem>>
      %get3A_1078 = tpu.memref_squeeze %get3A_1077 : memref<1x320x64xf32, #tpu.memory_space<vmem>> -> memref<320x64xf32, #tpu.memory_space<vmem>>
      %get3A_1079 = arith.index_cast %add3A_1074 : i32 to index
      %get3A_1080 = arith.constant 48 : index
      %get3A_1081 = tpu.vector_load %get3A_1078[%get3A_1079, %get3A_1080] {strides = array<i32>} : memref<320x64xf32, #tpu.memory_space<vmem>>, vector<16xf32>,
      %add3A_1082 = arith.addf %get3A_910, %get3A_919 : vector<16xf32>
      %add3A_1083 = arith.addf %get3A_928, %get3A_937 : vector<16xf32>
      %add3A_1084 = arith.addf %get3A_946, %get3A_955 : vector<16xf32>
      %add3A_1085 = arith.addf %get3A_964, %get3A_973 : vector<16xf32>
      %add3A_1086 = arith.addf %get3A_982, %get3A_991 : vector<16xf32>
      %add3A_1087 = arith.addf %get3A_1000, %get3A_1009 : vector<16xf32>
      %add3A_1088 = arith.addf %get3A_1018, %get3A_1027 : vector<16xf32>
      %add3A_1089 = arith.addf %get3A_1036, %get3A_1045 : vector<16xf32>
      %add3A_1090 = arith.addf %get3A_1054, %get3A_1063 : vector<16xf32>
      %add3A_1091 = arith.addf %get3A_1072, %get3A_1081 : vector<16xf32>
      %add3A_1092 = arith.addf %add3A_1082, %add3A_1083 : vector<16xf32>
      %add3A_1093 = arith.addf %add3A_1084, %add3A_1085 : vector<16xf32>
      %add3A_1094 = arith.addf %add3A_1086, %add3A_1087 : vector<16xf32>
      %add3A_1095 = arith.addf %add3A_1088, %add3A_1089 : vector<16xf32>
      %add3A_1096 = arith.addf %add3A_1090, %add3A_1091 : vector<16xf32>
      %add3A_1097 = arith.addf %add3A_1092, %add3A_1093 : vector<16xf32>
      %add3A_1098 = arith.addf %add3A_1094, %add3A_1095 : vector<16xf32>
      %add3A_1099 = arith.addf %add3A_1097, %add3A_1098 : vector<16xf32>
      %add3A_1100 = arith.addf %add3A_1099, %add3A_1096 : vector<16xf32>
      %mul3A_1101 = vector.broadcast %scan3A_269 : f32 to vector<16xf32>
      %mul3A_1102 = arith.mulf %add3A_1100, %mul3A_1101 : vector<16xf32>
      %add3A_1103 = arith.constant 16 : i32
      %add3A_1104 = arith.addi %add3A_1103, %scan3A_283 : i32
      %swap3A_1105 = arith.index_cast %add3A_1104 : i32 to index
      %swap3A_1106 = arith.constant 48 : index
      %swap3A_1107 = tpu.vector_load %arg8[%swap3A_1105, %swap3A_1106] {strides = array<i32>} : memref<512x64xf32, #tpu.memory_space<vmem>>, vector<16xf32>,
      tpu.vector_store %arg8[%swap3A_1105, %swap3A_1106], %mul3A_1102 {strides = array<i32>} : memref<512x64xf32, #tpu.memory_space<vmem>>, vector<16xf32>,
    }
    %scan3A_274 = arith.constant 16 : i32
    %scan3A_275 = arith.constant 0 : i32
    %scan3A_276 = arith.constant 1 : i32
    %scan3A_277 = arith.constant 15 : i32
    %scan3A_278 = arith.addi %scan3A_276, %scan3A_277 : i32
    %scan3A_279 = arith.constant 1 : i32
    scf.for %scan3A_283 = %scan3A_276 to %scan3A_278 step %scan3A_279  : i32 {
      %mul3A_284 = arith.constant 2 : i32
      %mul3A_285 = arith.muli %mul3A_284, %scan3A_283 : i32
      %add3A_286 = arith.constant 1 : i32
      %add3A_287 = arith.addi %mul3A_285, %add3A_286 : i32
      %mul3A_288 = arith.constant 320 : i32
      %mul3A_289 = arith.muli %add3A_287, %mul3A_288 : i32
      %add3A_290 = arith.constant 0 : i32
      %add3A_291 = arith.addi %mul3A_289, %add3A_290 : i32
      %dma_start3A_292 = arith.constant 1 : i32
      %dma_start3A_293 = arith.constant 0 : i32
      %dma_start3A_294 = arith.constant 0 : i32
      %dma_start3A_295 = tpu.memref_slice %arg7[%dma_start3A_292, %dma_start3A_293, %dma_start3A_294] : memref<2x320x64xf32, #tpu.memory_space<vmem>> -> memref<1x64x64xf32, #tpu.memory_space<vmem>>
      %dma_start3A_296 = tpu.memref_squeeze %dma_start3A_295 : memref<1x64x64xf32, #tpu.memory_space<vmem>> -> memref<64x64xf32, #tpu.memory_space<vmem>>
      %dma_start3A_297 = tpu.memref_slice %arg6[%add3A_291] : memref<10240xi32, #tpu.memory_space<vmem>> -> memref<64xi32, #tpu.memory_space<vmem>>
      %dma_start3A_298 = arith.constant 0 : i32
      %dma_start3A_299 = arith.constant 0 : i32
      %dma_start3A_300 = tpu.memref_slice %arg3[%dma_start3A_298, %dma_start3A_299] : memref<1003520x64xf32, #tpu.memory_space<hbm>> -> memref<1003520x64xf32, #tpu.memory_space<hbm>>
      tpu.enqueue_indirect_dma source(%dma_start3A_300 : memref<1003520x64xf32, #tpu.memory_space<hbm>>) target(%dma_start3A_296 : memref<64x64xf32, #tpu.memory_space<vmem>>) offsets(%dma_start3A_297 : memref<64xi32, #tpu.memory_space<vmem>>) semaphore(%arg10 : memref<!tpu.dma_semaphore, #tpu.memory_space<semaphore_mem>>)
      %mul3A_301 = arith.constant 320 : i32
      %mul3A_302 = arith.muli %add3A_287, %mul3A_301 : i32
      %add3A_303 = arith.constant 64 : i32
      %add3A_304 = arith.addi %mul3A_302, %add3A_303 : i32
      %dma_start3A_305 = arith.constant 1 : i32
      %dma_start3A_306 = arith.constant 64 : i32
      %dma_start3A_307 = arith.constant 0 : i32
      %dma_start3A_308 = tpu.memref_slice %arg7[%dma_start3A_305, %dma_start3A_306, %dma_start3A_307] : memref<2x320x64xf32, #tpu.memory_space<vmem>> -> memref<1x64x64xf32, #tpu.memory_space<vmem>>
      %dma_start3A_309 = tpu.memref_squeeze %dma_start3A_308 : memref<1x64x64xf32, #tpu.memory_space<vmem>> -> memref<64x64xf32, #tpu.memory_space<vmem>>
      %dma_start3A_310 = tpu.memref_slice %arg6[%add3A_304] : memref<10240xi32, #tpu.memory_space<vmem>> -> memref<64xi32, #tpu.memory_space<vmem>>
      %dma_start3A_311 = arith.constant 0 : i32
      %dma_start3A_312 = arith.constant 0 : i32
      %dma_start3A_313 = tpu.memref_slice %arg3[%dma_start3A_311, %dma_start3A_312] : memref<1003520x64xf32, #tpu.memory_space<hbm>> -> memref<1003520x64xf32, #tpu.memory_space<hbm>>
      tpu.enqueue_indirect_dma source(%dma_start3A_313 : memref<1003520x64xf32, #tpu.memory_space<hbm>>) target(%dma_start3A_309 : memref<64x64xf32, #tpu.memory_space<vmem>>) offsets(%dma_start3A_310 : memref<64xi32, #tpu.memory_space<vmem>>) semaphore(%arg10 : memref<!tpu.dma_semaphore, #tpu.memory_space<semaphore_mem>>)
      %mul3A_314 = arith.constant 320 : i32
      %mul3A_315 = arith.muli %add3A_287, %mul3A_314 : i32
      %add3A_316 = arith.constant 128 : i32
      %add3A_317 = arith.addi %mul3A_315, %add3A_316 : i32
      %dma_start3A_318 = arith.constant 1 : i32
      %dma_start3A_319 = arith.constant 128 : i32
      %dma_start3A_320 = arith.constant 0 : i32
      %dma_start3A_321 = tpu.memref_slice %arg7[%dma_start3A_318, %dma_start3A_319, %dma_start3A_320] : memref<2x320x64xf32, #tpu.memory_space<vmem>> -> memref<1x64x64xf32, #tpu.memory_space<vmem>>
      %dma_start3A_322 = tpu.memref_squeeze %dma_start3A_321 : memref<1x64x64xf32, #tpu.memory_space<vmem>> -> memref<64x64xf32, #tpu.memory_space<vmem>>
      %dma_start3A_323 = tpu.memref_slice %arg6[%add3A_317] : memref<10240xi32, #tpu.memory_space<vmem>> -> memref<64xi32, #tpu.memory_space<vmem>>
      %dma_start3A_324 = arith.constant 0 : i32
      %dma_start3A_325 = arith.constant 0 : i32
      %dma_start3A_326 = tpu.memref_slice %arg3[%dma_start3A_324, %dma_start3A_325] : memref<1003520x64xf32, #tpu.memory_space<hbm>> -> memref<1003520x64xf32, #tpu.memory_space<hbm>>
      tpu.enqueue_indirect_dma source(%dma_start3A_326 : memref<1003520x64xf32, #tpu.memory_space<hbm>>) target(%dma_start3A_322 : memref<64x64xf32, #tpu.memory_space<vmem>>) offsets(%dma_start3A_323 : memref<64xi32, #tpu.memory_space<vmem>>) semaphore(%arg10 : memref<!tpu.dma_semaphore, #tpu.memory_space<semaphore_mem>>)
      %mul3A_327 = arith.constant 320 : i32
      %mul3A_328 = arith.muli %add3A_287, %mul3A_327 : i32
      %add3A_329 = arith.constant 192 : i32
      %add3A_330 = arith.addi %mul3A_328, %add3A_329 : i32
      %dma_start3A_331 = arith.constant 1 : i32
      %dma_start3A_332 = arith.constant 192 : i32
      %dma_start3A_333 = arith.constant 0 : i32
      %dma_start3A_334 = tpu.memref_slice %arg7[%dma_start3A_331, %dma_start3A_332, %dma_start3A_333] : memref<2x320x64xf32, #tpu.memory_space<vmem>> -> memref<1x64x64xf32, #tpu.memory_space<vmem>>
      %dma_start3A_335 = tpu.memref_squeeze %dma_start3A_334 : memref<1x64x64xf32, #tpu.memory_space<vmem>> -> memref<64x64xf32, #tpu.memory_space<vmem>>
      %dma_start3A_336 = tpu.memref_slice %arg6[%add3A_330] : memref<10240xi32, #tpu.memory_space<vmem>> -> memref<64xi32, #tpu.memory_space<vmem>>
      %dma_start3A_337 = arith.constant 0 : i32
      %dma_start3A_338 = arith.constant 0 : i32
      %dma_start3A_339 = tpu.memref_slice %arg3[%dma_start3A_337, %dma_start3A_338] : memref<1003520x64xf32, #tpu.memory_space<hbm>> -> memref<1003520x64xf32, #tpu.memory_space<hbm>>
      tpu.enqueue_indirect_dma source(%dma_start3A_339 : memref<1003520x64xf32, #tpu.memory_space<hbm>>) target(%dma_start3A_335 : memref<64x64xf32, #tpu.memory_space<vmem>>) offsets(%dma_start3A_336 : memref<64xi32, #tpu.memory_space<vmem>>) semaphore(%arg10 : memref<!tpu.dma_semaphore, #tpu.memory_space<semaphore_mem>>)
      %mul3A_340 = arith.constant 320 : i32
      %mul3A_341 = arith.muli %add3A_287, %mul3A_340 : i32
      %add3A_342 = arith.constant 256 : i32
      %add3A_343 = arith.addi %mul3A_341, %add3A_342 : i32
      %dma_start3A_344 = arith.constant 1 : i32
      %dma_start3A_345 = arith.constant 256 : i32
      %dma_start3A_346 = arith.constant 0 : i32
      %dma_start3A_347 = tpu.memref_slice %arg7[%dma_start3A_344, %dma_start3A_345, %dma_start3A_346] : memref<2x320x64xf32, #tpu.memory_space<vmem>> -> memref<1x64x64xf32, #tpu.memory_space<vmem>>
      %dma_start3A_348 = tpu.memref_squeeze %dma_start3A_347 : memref<1x64x64xf32, #tpu.memory_space<vmem>> -> memref<64x64xf32, #tpu.memory_space<vmem>>
      %dma_start3A_349 = tpu.memref_slice %arg6[%add3A_343] : memref<10240xi32, #tpu.memory_space<vmem>> -> memref<64xi32, #tpu.memory_space<vmem>>
      %dma_start3A_350 = arith.constant 0 : i32
      %dma_start3A_351 = arith.constant 0 : i32
      %dma_start3A_352 = tpu.memref_slice %arg3[%dma_start3A_350, %dma_start3A_351] : memref<1003520x64xf32, #tpu.memory_space<hbm>> -> memref<1003520x64xf32, #tpu.memory_space<hbm>>
      tpu.enqueue_indirect_dma source(%dma_start3A_352 : memref<1003520x64xf32, #tpu.memory_space<hbm>>) target(%dma_start3A_348 : memref<64x64xf32, #tpu.memory_space<vmem>>) offsets(%dma_start3A_349 : memref<64xi32, #tpu.memory_space<vmem>>) semaphore(%arg10 : memref<!tpu.dma_semaphore, #tpu.memory_space<semaphore_mem>>)
      %dma_wait3A_353 = arith.constant 0 : i32
      %dma_wait3A_354 = arith.constant 0 : i32
      %dma_wait3A_355 = arith.constant 0 : i32
      %dma_wait3A_356 = tpu.memref_slice %arg7[%dma_wait3A_353, %dma_wait3A_354, %dma_wait3A_355] : memref<2x320x64xf32, #tpu.memory_space<vmem>> -> memref<1x64x64xf32, #tpu.memory_space<vmem>>
      %dma_wait3A_357 = tpu.memref_squeeze %dma_wait3A_356 : memref<1x64x64xf32, #tpu.memory_space<vmem>> -> memref<64x64xf32, #tpu.memory_space<vmem>>
      %dma_wait3A_358 = arith.constant 0 : i32
      %dma_wait3A_359 = tpu.memref_slice %arg6[%dma_wait3A_358] : memref<10240xi32, #tpu.memory_space<vmem>> -> memref<64xi32, #tpu.memory_space<vmem>>
      %dma_wait3A_360 = arith.constant 0 : i32
      %dma_wait3A_361 = arith.constant 0 : i32
      %dma_wait3A_362 = tpu.memref_slice %arg3[%dma_wait3A_360, %dma_wait3A_361] : memref<1003520x64xf32, #tpu.memory_space<hbm>> -> memref<1003520x64xf32, #tpu.memory_space<hbm>>
      tpu.wait_indirect_dma semaphore(%arg9 : memref<!tpu.dma_semaphore, #tpu.memory_space<semaphore_mem>>) src(%dma_wait3A_362 : memref<1003520x64xf32, #tpu.memory_space<hbm>>) dst(%dma_wait3A_357 : memref<64x64xf32, #tpu.memory_space<vmem>>)
      %dma_wait3A_363 = arith.constant 0 : i32
      %dma_wait3A_364 = arith.constant 64 : i32
      %dma_wait3A_365 = arith.constant 0 : i32
      %dma_wait3A_366 = tpu.memref_slice %arg7[%dma_wait3A_363, %dma_wait3A_364, %dma_wait3A_365] : memref<2x320x64xf32, #tpu.memory_space<vmem>> -> memref<1x64x64xf32, #tpu.memory_space<vmem>>
      %dma_wait3A_367 = tpu.memref_squeeze %dma_wait3A_366 : memref<1x64x64xf32, #tpu.memory_space<vmem>> -> memref<64x64xf32, #tpu.memory_space<vmem>>
      %dma_wait3A_368 = arith.constant 0 : i32
      %dma_wait3A_369 = tpu.memref_slice %arg6[%dma_wait3A_368] : memref<10240xi32, #tpu.memory_space<vmem>> -> memref<64xi32, #tpu.memory_space<vmem>>
      %dma_wait3A_370 = arith.constant 0 : i32
      %dma_wait3A_371 = arith.constant 0 : i32
      %dma_wait3A_372 = tpu.memref_slice %arg3[%dma_wait3A_370, %dma_wait3A_371] : memref<1003520x64xf32, #tpu.memory_space<hbm>> -> memref<1003520x64xf32, #tpu.memory_space<hbm>>
      tpu.wait_indirect_dma semaphore(%arg9 : memref<!tpu.dma_semaphore, #tpu.memory_space<semaphore_mem>>) src(%dma_wait3A_372 : memref<1003520x64xf32, #tpu.memory_space<hbm>>) dst(%dma_wait3A_367 : memref<64x64xf32, #tpu.memory_space<vmem>>)
      %dma_wait3A_373 = arith.constant 0 : i32
      %dma_wait3A_374 = arith.constant 128 : i32
      %dma_wait3A_375 = arith.constant 0 : i32
      %dma_wait3A_376 = tpu.memref_slice %arg7[%dma_wait3A_373, %dma_wait3A_374, %dma_wait3A_375] : memref<2x320x64xf32, #tpu.memory_space<vmem>> -> memref<1x64x64xf32, #tpu.memory_space<vmem>>
      %dma_wait3A_377 = tpu.memref_squeeze %dma_wait3A_376 : memref<1x64x64xf32, #tpu.memory_space<vmem>> -> memref<64x64xf32, #tpu.memory_space<vmem>>
      %dma_wait3A_378 = arith.constant 0 : i32
      %dma_wait3A_379 = tpu.memref_slice %arg6[%dma_wait3A_378] : memref<10240xi32, #tpu.memory_space<vmem>> -> memref<64xi32, #tpu.memory_space<vmem>>
      %dma_wait3A_380 = arith.constant 0 : i32
      %dma_wait3A_381 = arith.constant 0 : i32
      %dma_wait3A_382 = tpu.memref_slice %arg3[%dma_wait3A_380, %dma_wait3A_381] : memref<1003520x64xf32, #tpu.memory_space<hbm>> -> memref<1003520x64xf32, #tpu.memory_space<hbm>>
      tpu.wait_indirect_dma semaphore(%arg9 : memref<!tpu.dma_semaphore, #tpu.memory_space<semaphore_mem>>) src(%dma_wait3A_382 : memref<1003520x64xf32, #tpu.memory_space<hbm>>) dst(%dma_wait3A_377 : memref<64x64xf32, #tpu.memory_space<vmem>>)
      %dma_wait3A_383 = arith.constant 0 : i32
      %dma_wait3A_384 = arith.constant 192 : i32
      %dma_wait3A_385 = arith.constant 0 : i32
      %dma_wait3A_386 = tpu.memref_slice %arg7[%dma_wait3A_383, %dma_wait3A_384, %dma_wait3A_385] : memref<2x320x64xf32, #tpu.memory_space<vmem>> -> memref<1x64x64xf32, #tpu.memory_space<vmem>>
      %dma_wait3A_387 = tpu.memref_squeeze %dma_wait3A_386 : memref<1x64x64xf32, #tpu.memory_space<vmem>> -> memref<64x64xf32, #tpu.memory_space<vmem>>
      %dma_wait3A_388 = arith.constant 0 : i32
      %dma_wait3A_389 = tpu.memref_slice %arg6[%dma_wait3A_388] : memref<10240xi32, #tpu.memory_space<vmem>> -> memref<64xi32, #tpu.memory_space<vmem>>
      %dma_wait3A_390 = arith.constant 0 : i32
      %dma_wait3A_391 = arith.constant 0 : i32
      %dma_wait3A_392 = tpu.memref_slice %arg3[%dma_wait3A_390, %dma_wait3A_391] : memref<1003520x64xf32, #tpu.memory_space<hbm>> -> memref<1003520x64xf32, #tpu.memory_space<hbm>>
      tpu.wait_indirect_dma semaphore(%arg9 : memref<!tpu.dma_semaphore, #tpu.memory_space<semaphore_mem>>) src(%dma_wait3A_392 : memref<1003520x64xf32, #tpu.memory_space<hbm>>) dst(%dma_wait3A_387 : memref<64x64xf32, #tpu.memory_space<vmem>>)
      %dma_wait3A_393 = arith.constant 0 : i32
      %dma_wait3A_394 = arith.constant 256 : i32
      %dma_wait3A_395 = arith.constant 0 : i32
      %dma_wait3A_396 = tpu.memref_slice %arg7[%dma_wait3A_393, %dma_wait3A_394, %dma_wait3A_395] : memref<2x320x64xf32, #tpu.memory_space<vmem>> -> memref<1x64x64xf32, #tpu.memory_space<vmem>>
      %dma_wait3A_397 = tpu.memref_squeeze %dma_wait3A_396 : memref<1x64x64xf32, #tpu.memory_space<vmem>> -> memref<64x64xf32, #tpu.memory_space<vmem>>
      %dma_wait3A_398 = arith.constant 0 : i32
      %dma_wait3A_399 = tpu.memref_slice %arg6[%dma_wait3A_398] : memref<10240xi32, #tpu.memory_space<vmem>> -> memref<64xi32, #tpu.memory_space<vmem>>
      %dma_wait3A_400 = arith.constant 0 : i32
      %dma_wait3A_401 = arith.constant 0 : i32
      %dma_wait3A_402 = tpu.memref_slice %arg3[%dma_wait3A_400, %dma_wait3A_401] : memref<1003520x64xf32, #tpu.memory_space<hbm>> -> memref<1003520x64xf32, #tpu.memory_space<hbm>>
      tpu.wait_indirect_dma semaphore(%arg9 : memref<!tpu.dma_semaphore, #tpu.memory_space<semaphore_mem>>) src(%dma_wait3A_402 : memref<1003520x64xf32, #tpu.memory_space<hbm>>) dst(%dma_wait3A_397 : memref<64x64xf32, #tpu.memory_space<vmem>>)
      %scan3A_403 = arith.constant 0 : i32
      %scan3A_404 = arith.constant 0 : i32
      %scan3A_405 = arith.constant 5.000000e-02 : f32
      %scan3A_406 = arith.constant 0 : i32
      %scan3A_407 = arith.constant 16 : i32
      %scan3A_408 = arith.addi %scan3A_406, %scan3A_407 : i32
      %scan3A_409 = arith.constant 1 : i32
      scf.for %scan3A_473 = %scan3A_406 to %scan3A_408 step %scan3A_409  : i32 {
        %mul3A_474 = arith.constant 20 : i32
        %mul3A_475 = arith.muli %scan3A_473, %mul3A_474 : i32
        %add3A_476 = arith.constant 0 : i32
        %add3A_477 = arith.addi %mul3A_475, %add3A_476 : i32
        %get3A = arith.constant 0 : i32
        %get3A_478 = arith.constant 0 : i32
        %get3A_479 = tpu.memref_slice %arg7[%scan3A_404, %get3A, %get3A_478] : memref<2x320x64xf32, #tpu.memory_space<vmem>> -> memref<1x320x64xf32, #tpu.memory_space<vmem>>
        %get3A_480 = tpu.memref_squeeze %get3A_479 : memref<1x320x64xf32, #tpu.memory_space<vmem>> -> memref<320x64xf32, #tpu.memory_space<vmem>>
        %get3A_481 = arith.index_cast %add3A_477 : i32 to index
        %get3A_482 = arith.constant 0 : index
        %get3A_483 = tpu.vector_load %get3A_480[%get3A_481, %get3A_482] {strides = array<i32>} : memref<320x64xf32, #tpu.memory_space<vmem>>, vector<16xf32>,
        %add3A_484 = arith.constant 1 : i32
        %add3A_485 = arith.addi %mul3A_475, %add3A_484 : i32
        %get3A_486 = arith.constant 0 : i32
        %get3A_487 = arith.constant 0 : i32
        %get3A_488 = tpu.memref_slice %arg7[%scan3A_404, %get3A_486, %get3A_487] : memref<2x320x64xf32, #tpu.memory_space<vmem>> -> memref<1x320x64xf32, #tpu.memory_space<vmem>>
        %get3A_489 = tpu.memref_squeeze %get3A_488 : memref<1x320x64xf32, #tpu.memory_space<vmem>> -> memref<320x64xf32, #tpu.memory_space<vmem>>
        %get3A_490 = arith.index_cast %add3A_485 : i32 to index
        %get3A_491 = arith.constant 0 : index
        %get3A_492 = tpu.vector_load %get3A_489[%get3A_490, %get3A_491] {strides = array<i32>} : memref<320x64xf32, #tpu.memory_space<vmem>>, vector<16xf32>,
        %add3A_493 = arith.constant 2 : i32
        %add3A_494 = arith.addi %mul3A_475, %add3A_493 : i32
        %get3A_495 = arith.constant 0 : i32
        %get3A_496 = arith.constant 0 : i32
        %get3A_497 = tpu.memref_slice %arg7[%scan3A_404, %get3A_495, %get3A_496] : memref<2x320x64xf32, #tpu.memory_space<vmem>> -> memref<1x320x64xf32, #tpu.memory_space<vmem>>
        %get3A_498 = tpu.memref_squeeze %get3A_497 : memref<1x320x64xf32, #tpu.memory_space<vmem>> -> memref<320x64xf32, #tpu.memory_space<vmem>>
        %get3A_499 = arith.index_cast %add3A_494 : i32 to index
        %get3A_500 = arith.constant 0 : index
        %get3A_501 = tpu.vector_load %get3A_498[%get3A_499, %get3A_500] {strides = array<i32>} : memref<320x64xf32, #tpu.memory_space<vmem>>, vector<16xf32>,
        %add3A_502 = arith.constant 3 : i32
        %add3A_503 = arith.addi %mul3A_475, %add3A_502 : i32
        %get3A_504 = arith.constant 0 : i32
        %get3A_505 = arith.constant 0 : i32
        %get3A_506 = tpu.memref_slice %arg7[%scan3A_404, %get3A_504, %get3A_505] : memref<2x320x64xf32, #tpu.memory_space<vmem>> -> memref<1x320x64xf32, #tpu.memory_space<vmem>>
        %get3A_507 = tpu.memref_squeeze %get3A_506 : memref<1x320x64xf32, #tpu.memory_space<vmem>> -> memref<320x64xf32, #tpu.memory_space<vmem>>
        %get3A_508 = arith.index_cast %add3A_503 : i32 to index
        %get3A_509 = arith.constant 0 : index
        %get3A_510 = tpu.vector_load %get3A_507[%get3A_508, %get3A_509] {strides = array<i32>} : memref<320x64xf32, #tpu.memory_space<vmem>>, vector<16xf32>,
        %add3A_511 = arith.constant 4 : i32
        %add3A_512 = arith.addi %mul3A_475, %add3A_511 : i32
        %get3A_513 = arith.constant 0 : i32
        %get3A_514 = arith.constant 0 : i32
        %get3A_515 = tpu.memref_slice %arg7[%scan3A_404, %get3A_513, %get3A_514] : memref<2x320x64xf32, #tpu.memory_space<vmem>> -> memref<1x320x64xf32, #tpu.memory_space<vmem>>
        %get3A_516 = tpu.memref_squeeze %get3A_515 : memref<1x320x64xf32, #tpu.memory_space<vmem>> -> memref<320x64xf32, #tpu.memory_space<vmem>>
        %get3A_517 = arith.index_cast %add3A_512 : i32 to index
        %get3A_518 = arith.constant 0 : index
        %get3A_519 = tpu.vector_load %get3A_516[%get3A_517, %get3A_518] {strides = array<i32>} : memref<320x64xf32, #tpu.memory_space<vmem>>, vector<16xf32>,
        %add3A_520 = arith.constant 5 : i32
        %add3A_521 = arith.addi %mul3A_475, %add3A_520 : i32
        %get3A_522 = arith.constant 0 : i32
        %get3A_523 = arith.constant 0 : i32
        %get3A_524 = tpu.memref_slice %arg7[%scan3A_404, %get3A_522, %get3A_523] : memref<2x320x64xf32, #tpu.memory_space<vmem>> -> memref<1x320x64xf32, #tpu.memory_space<vmem>>
        %get3A_525 = tpu.memref_squeeze %get3A_524 : memref<1x320x64xf32, #tpu.memory_space<vmem>> -> memref<320x64xf32, #tpu.memory_space<vmem>>
        %get3A_526 = arith.index_cast %add3A_521 : i32 to index
        %get3A_527 = arith.constant 0 : index
        %get3A_528 = tpu.vector_load %get3A_525[%get3A_526, %get3A_527] {strides = array<i32>} : memref<320x64xf32, #tpu.memory_space<vmem>>, vector<16xf32>,
        %add3A_529 = arith.constant 6 : i32
        %add3A_530 = arith.addi %mul3A_475, %add3A_529 : i32
        %get3A_531 = arith.constant 0 : i32
        %get3A_532 = arith.constant 0 : i32
        %get3A_533 = tpu.memref_slice %arg7[%scan3A_404, %get3A_531, %get3A_532] : memref<2x320x64xf32, #tpu.memory_space<vmem>> -> memref<1x320x64xf32, #tpu.memory_space<vmem>>
        %get3A_534 = tpu.memref_squeeze %get3A_533 : memref<1x320x64xf32, #tpu.memory_space<vmem>> -> memref<320x64xf32, #tpu.memory_space<vmem>>
        %get3A_535 = arith.index_cast %add3A_530 : i32 to index
        %get3A_536 = arith.constant 0 : index
        %get3A_537 = tpu.vector_load %get3A_534[%get3A_535, %get3A_536] {strides = array<i32>} : memref<320x64xf32, #tpu.memory_space<vmem>>, vector<16xf32>,
        %add3A_538 = arith.constant 7 : i32
        %add3A_539 = arith.addi %mul3A_475, %add3A_538 : i32
        %get3A_540 = arith.constant 0 : i32
        %get3A_541 = arith.constant 0 : i32
        %get3A_542 = tpu.memref_slice %arg7[%scan3A_404, %get3A_540, %get3A_541] : memref<2x320x64xf32, #tpu.memory_space<vmem>> -> memref<1x320x64xf32, #tpu.memory_space<vmem>>
        %get3A_543 = tpu.memref_squeeze %get3A_542 : memref<1x320x64xf32, #tpu.memory_space<vmem>> -> memref<320x64xf32, #tpu.memory_space<vmem>>
        %get3A_544 = arith.index_cast %add3A_539 : i32 to index
        %get3A_545 = arith.constant 0 : index
        %get3A_546 = tpu.vector_load %get3A_543[%get3A_544, %get3A_545] {strides = array<i32>} : memref<320x64xf32, #tpu.memory_space<vmem>>, vector<16xf32>,
        %add3A_547 = arith.constant 8 : i32
        %add3A_548 = arith.addi %mul3A_475, %add3A_547 : i32
        %get3A_549 = arith.constant 0 : i32
        %get3A_550 = arith.constant 0 : i32
        %get3A_551 = tpu.memref_slice %arg7[%scan3A_404, %get3A_549, %get3A_550] : memref<2x320x64xf32, #tpu.memory_space<vmem>> -> memref<1x320x64xf32, #tpu.memory_space<vmem>>
        %get3A_552 = tpu.memref_squeeze %get3A_551 : memref<1x320x64xf32, #tpu.memory_space<vmem>> -> memref<320x64xf32, #tpu.memory_space<vmem>>
        %get3A_553 = arith.index_cast %add3A_548 : i32 to index
        %get3A_554 = arith.constant 0 : index
        %get3A_555 = tpu.vector_load %get3A_552[%get3A_553, %get3A_554] {strides = array<i32>} : memref<320x64xf32, #tpu.memory_space<vmem>>, vector<16xf32>,
        %add3A_556 = arith.constant 9 : i32
        %add3A_557 = arith.addi %mul3A_475, %add3A_556 : i32
        %get3A_558 = arith.constant 0 : i32
        %get3A_559 = arith.constant 0 : i32
        %get3A_560 = tpu.memref_slice %arg7[%scan3A_404, %get3A_558, %get3A_559] : memref<2x320x64xf32, #tpu.memory_space<vmem>> -> memref<1x320x64xf32, #tpu.memory_space<vmem>>
        %get3A_561 = tpu.memref_squeeze %get3A_560 : memref<1x320x64xf32, #tpu.memory_space<vmem>> -> memref<320x64xf32, #tpu.memory_space<vmem>>
        %get3A_562 = arith.index_cast %add3A_557 : i32 to index
        %get3A_563 = arith.constant 0 : index
        %get3A_564 = tpu.vector_load %get3A_561[%get3A_562, %get3A_563] {strides = array<i32>} : memref<320x64xf32, #tpu.memory_space<vmem>>, vector<16xf32>,
        %add3A_565 = arith.constant 10 : i32
        %add3A_566 = arith.addi %mul3A_475, %add3A_565 : i32
        %get3A_567 = arith.constant 0 : i32
        %get3A_568 = arith.constant 0 : i32
        %get3A_569 = tpu.memref_slice %arg7[%scan3A_404, %get3A_567, %get3A_568] : memref<2x320x64xf32, #tpu.memory_space<vmem>> -> memref<1x320x64xf32, #tpu.memory_space<vmem>>
        %get3A_570 = tpu.memref_squeeze %get3A_569 : memref<1x320x64xf32, #tpu.memory_space<vmem>> -> memref<320x64xf32, #tpu.memory_space<vmem>>
        %get3A_571 = arith.index_cast %add3A_566 : i32 to index
        %get3A_572 = arith.constant 0 : index
        %get3A_573 = tpu.vector_load %get3A_570[%get3A_571, %get3A_572] {strides = array<i32>} : memref<320x64xf32, #tpu.memory_space<vmem>>, vector<16xf32>,
        %add3A_574 = arith.constant 11 : i32
        %add3A_575 = arith.addi %mul3A_475, %add3A_574 : i32
        %get3A_576 = arith.constant 0 : i32
        %get3A_577 = arith.constant 0 : i32
        %get3A_578 = tpu.memref_slice %arg7[%scan3A_404, %get3A_576, %get3A_577] : memref<2x320x64xf32, #tpu.memory_space<vmem>> -> memref<1x320x64xf32, #tpu.memory_space<vmem>>
        %get3A_579 = tpu.memref_squeeze %get3A_578 : memref<1x320x64xf32, #tpu.memory_space<vmem>> -> memref<320x64xf32, #tpu.memory_space<vmem>>
        %get3A_580 = arith.index_cast %add3A_575 : i32 to index
        %get3A_581 = arith.constant 0 : index
        %get3A_582 = tpu.vector_load %get3A_579[%get3A_580, %get3A_581] {strides = array<i32>} : memref<320x64xf32, #tpu.memory_space<vmem>>, vector<16xf32>,
        %add3A_583 = arith.constant 12 : i32
        %add3A_584 = arith.addi %mul3A_475, %add3A_583 : i32
        %get3A_585 = arith.constant 0 : i32
        %get3A_586 = arith.constant 0 : i32
        %get3A_587 = tpu.memref_slice %arg7[%scan3A_404, %get3A_585, %get3A_586] : memref<2x320x64xf32, #tpu.memory_space<vmem>> -> memref<1x320x64xf32, #tpu.memory_space<vmem>>
        %get3A_588 = tpu.memref_squeeze %get3A_587 : memref<1x320x64xf32, #tpu.memory_space<vmem>> -> memref<320x64xf32, #tpu.memory_space<vmem>>
        %get3A_589 = arith.index_cast %add3A_584 : i32 to index
        %get3A_590 = arith.constant 0 : index
        %get3A_591 = tpu.vector_load %get3A_588[%get3A_589, %get3A_590] {strides = array<i32>} : memref<320x64xf32, #tpu.memory_space<vmem>>, vector<16xf32>,
        %add3A_592 = arith.constant 13 : i32
        %add3A_593 = arith.addi %mul3A_475, %add3A_592 : i32
        %get3A_594 = arith.constant 0 : i32
        %get3A_595 = arith.constant 0 : i32
        %get3A_596 = tpu.memref_slice %arg7[%scan3A_404, %get3A_594, %get3A_595] : memref<2x320x64xf32, #tpu.memory_space<vmem>> -> memref<1x320x64xf32, #tpu.memory_space<vmem>>
        %get3A_597 = tpu.memref_squeeze %get3A_596 : memref<1x320x64xf32, #tpu.memory_space<vmem>> -> memref<320x64xf32, #tpu.memory_space<vmem>>
        %get3A_598 = arith.index_cast %add3A_593 : i32 to index
        %get3A_599 = arith.constant 0 : index
        %get3A_600 = tpu.vector_load %get3A_597[%get3A_598, %get3A_599] {strides = array<i32>} : memref<320x64xf32, #tpu.memory_space<vmem>>, vector<16xf32>,
        %add3A_601 = arith.constant 14 : i32
        %add3A_602 = arith.addi %mul3A_475, %add3A_601 : i32
        %get3A_603 = arith.constant 0 : i32
        %get3A_604 = arith.constant 0 : i32
        %get3A_605 = tpu.memref_slice %arg7[%scan3A_404, %get3A_603, %get3A_604] : memref<2x320x64xf32, #tpu.memory_space<vmem>> -> memref<1x320x64xf32, #tpu.memory_space<vmem>>
        %get3A_606 = tpu.memref_squeeze %get3A_605 : memref<1x320x64xf32, #tpu.memory_space<vmem>> -> memref<320x64xf32, #tpu.memory_space<vmem>>
        %get3A_607 = arith.index_cast %add3A_602 : i32 to index
        %get3A_608 = arith.constant 0 : index
        %get3A_609 = tpu.vector_load %get3A_606[%get3A_607, %get3A_608] {strides = array<i32>} : memref<320x64xf32, #tpu.memory_space<vmem>>, vector<16xf32>,
        %add3A_610 = arith.constant 15 : i32
        %add3A_611 = arith.addi %mul3A_475, %add3A_610 : i32
        %get3A_612 = arith.constant 0 : i32
        %get3A_613 = arith.constant 0 : i32
        %get3A_614 = tpu.memref_slice %arg7[%scan3A_404, %get3A_612, %get3A_613] : memref<2x320x64xf32, #tpu.memory_space<vmem>> -> memref<1x320x64xf32, #tpu.memory_space<vmem>>
        %get3A_615 = tpu.memref_squeeze %get3A_614 : memref<1x320x64xf32, #tpu.memory_space<vmem>> -> memref<320x64xf32, #tpu.memory_space<vmem>>
        %get3A_616 = arith.index_cast %add3A_611 : i32 to index
        %get3A_617 = arith.constant 0 : index
        %get3A_618 = tpu.vector_load %get3A_615[%get3A_616, %get3A_617] {strides = array<i32>} : memref<320x64xf32, #tpu.memory_space<vmem>>, vector<16xf32>,
        %add3A_619 = arith.constant 16 : i32
        %add3A_620 = arith.addi %mul3A_475, %add3A_619 : i32
        %get3A_621 = arith.constant 0 : i32
        %get3A_622 = arith.constant 0 : i32
        %get3A_623 = tpu.memref_slice %arg7[%scan3A_404, %get3A_621, %get3A_622] : memref<2x320x64xf32, #tpu.memory_space<vmem>> -> memref<1x320x64xf32, #tpu.memory_space<vmem>>
        %get3A_624 = tpu.memref_squeeze %get3A_623 : memref<1x320x64xf32, #tpu.memory_space<vmem>> -> memref<320x64xf32, #tpu.memory_space<vmem>>
        %get3A_625 = arith.index_cast %add3A_620 : i32 to index
        %get3A_626 = arith.constant 0 : index
        %get3A_627 = tpu.vector_load %get3A_624[%get3A_625, %get3A_626] {strides = array<i32>} : memref<320x64xf32, #tpu.memory_space<vmem>>, vector<16xf32>,
        %add3A_628 = arith.constant 17 : i32
        %add3A_629 = arith.addi %mul3A_475, %add3A_628 : i32
        %get3A_630 = arith.constant 0 : i32
        %get3A_631 = arith.constant 0 : i32
        %get3A_632 = tpu.memref_slice %arg7[%scan3A_404, %get3A_630, %get3A_631] : memref<2x320x64xf32, #tpu.memory_space<vmem>> -> memref<1x320x64xf32, #tpu.memory_space<vmem>>
        %get3A_633 = tpu.memref_squeeze %get3A_632 : memref<1x320x64xf32, #tpu.memory_space<vmem>> -> memref<320x64xf32, #tpu.memory_space<vmem>>
        %get3A_634 = arith.index_cast %add3A_629 : i32 to index
        %get3A_635 = arith.constant 0 : index
        %get3A_636 = tpu.vector_load %get3A_633[%get3A_634, %get3A_635] {strides = array<i32>} : memref<320x64xf32, #tpu.memory_space<vmem>>, vector<16xf32>,
        %add3A_637 = arith.constant 18 : i32
        %add3A_638 = arith.addi %mul3A_475, %add3A_637 : i32
        %get3A_639 = arith.constant 0 : i32
        %get3A_640 = arith.constant 0 : i32
        %get3A_641 = tpu.memref_slice %arg7[%scan3A_404, %get3A_639, %get3A_640] : memref<2x320x64xf32, #tpu.memory_space<vmem>> -> memref<1x320x64xf32, #tpu.memory_space<vmem>>
        %get3A_642 = tpu.memref_squeeze %get3A_641 : memref<1x320x64xf32, #tpu.memory_space<vmem>> -> memref<320x64xf32, #tpu.memory_space<vmem>>
        %get3A_643 = arith.index_cast %add3A_638 : i32 to index
        %get3A_644 = arith.constant 0 : index
        %get3A_645 = tpu.vector_load %get3A_642[%get3A_643, %get3A_644] {strides = array<i32>} : memref<320x64xf32, #tpu.memory_space<vmem>>, vector<16xf32>,
        %add3A_646 = arith.constant 19 : i32
        %add3A_647 = arith.addi %mul3A_475, %add3A_646 : i32
        %get3A_648 = arith.constant 0 : i32
        %get3A_649 = arith.constant 0 : i32
        %get3A_650 = tpu.memref_slice %arg7[%scan3A_404, %get3A_648, %get3A_649] : memref<2x320x64xf32, #tpu.memory_space<vmem>> -> memref<1x320x64xf32, #tpu.memory_space<vmem>>
        %get3A_651 = tpu.memref_squeeze %get3A_650 : memref<1x320x64xf32, #tpu.memory_space<vmem>> -> memref<320x64xf32, #tpu.memory_space<vmem>>
        %get3A_652 = arith.index_cast %add3A_647 : i32 to index
        %get3A_653 = arith.constant 0 : index
        %get3A_654 = tpu.vector_load %get3A_651[%get3A_652, %get3A_653] {strides = array<i32>} : memref<320x64xf32, #tpu.memory_space<vmem>>, vector<16xf32>,
        %add3A_655 = arith.addf %get3A_483, %get3A_492 : vector<16xf32>
        %add3A_656 = arith.addf %get3A_501, %get3A_510 : vector<16xf32>
        %add3A_657 = arith.addf %get3A_519, %get3A_528 : vector<16xf32>
        %add3A_658 = arith.addf %get3A_537, %get3A_546 : vector<16xf32>
        %add3A_659 = arith.addf %get3A_555, %get3A_564 : vector<16xf32>
        %add3A_660 = arith.addf %get3A_573, %get3A_582 : vector<16xf32>
        %add3A_661 = arith.addf %get3A_591, %get3A_600 : vector<16xf32>
        %add3A_662 = arith.addf %get3A_609, %get3A_618 : vector<16xf32>
        %add3A_663 = arith.addf %get3A_627, %get3A_636 : vector<16xf32>
        %add3A_664 = arith.addf %get3A_645, %get3A_654 : vector<16xf32>
        %add3A_665 = arith.addf %add3A_655, %add3A_656 : vector<16xf32>
        %add3A_666 = arith.addf %add3A_657, %add3A_658 : vector<16xf32>
        %add3A_667 = arith.addf %add3A_659, %add3A_660 : vector<16xf32>
        %add3A_668 = arith.addf %add3A_661, %add3A_662 : vector<16xf32>
        %add3A_669 = arith.addf %add3A_663, %add3A_664 : vector<16xf32>
        %add3A_670 = arith.addf %add3A_665, %add3A_666 : vector<16xf32>
        %add3A_671 = arith.addf %add3A_667, %add3A_668 : vector<16xf32>
        %add3A_672 = arith.addf %add3A_670, %add3A_671 : vector<16xf32>
        %add3A_673 = arith.addf %add3A_672, %add3A_669 : vector<16xf32>
        %mul3A_674 = vector.broadcast %scan3A_405 : f32 to vector<16xf32>
        %mul3A_675 = arith.mulf %add3A_673, %mul3A_674 : vector<16xf32>
        %mul3A_676 = arith.constant 16 : i32
        %mul3A_677 = arith.muli %mul3A_285, %mul3A_676 : i32
        %add3A_678 = arith.addi %mul3A_677, %scan3A_473 : i32
        %swap3A = arith.index_cast %add3A_678 : i32 to index
        %swap3A_679 = arith.constant 0 : index
        %swap3A_680 = tpu.vector_load %arg8[%swap3A, %swap3A_679] {strides = array<i32>} : memref<512x64xf32, #tpu.memory_space<vmem>>, vector<16xf32>,
        tpu.vector_store %arg8[%swap3A, %swap3A_679], %mul3A_675 {strides = array<i32>} : memref<512x64xf32, #tpu.memory_space<vmem>>, vector<16xf32>,
        %add3A_681 = arith.constant 0 : i32
        %add3A_682 = arith.addi %mul3A_475, %add3A_681 : i32
        %get3A_683 = arith.constant 0 : i32
        %get3A_684 = arith.constant 0 : i32
        %get3A_685 = tpu.memref_slice %arg7[%scan3A_404, %get3A_683, %get3A_684] : memref<2x320x64xf32, #tpu.memory_space<vmem>> -> memref<1x320x64xf32, #tpu.memory_space<vmem>>
        %get3A_686 = tpu.memref_squeeze %get3A_685 : memref<1x320x64xf32, #tpu.memory_space<vmem>> -> memref<320x64xf32, #tpu.memory_space<vmem>>
        %get3A_687 = arith.index_cast %add3A_682 : i32 to index
        %get3A_688 = arith.constant 16 : index
        %get3A_689 = tpu.vector_load %get3A_686[%get3A_687, %get3A_688] {strides = array<i32>} : memref<320x64xf32, #tpu.memory_space<vmem>>, vector<16xf32>,
        %add3A_690 = arith.constant 1 : i32
        %add3A_691 = arith.addi %mul3A_475, %add3A_690 : i32
        %get3A_692 = arith.constant 0 : i32
        %get3A_693 = arith.constant 0 : i32
        %get3A_694 = tpu.memref_slice %arg7[%scan3A_404, %get3A_692, %get3A_693] : memref<2x320x64xf32, #tpu.memory_space<vmem>> -> memref<1x320x64xf32, #tpu.memory_space<vmem>>
        %get3A_695 = tpu.memref_squeeze %get3A_694 : memref<1x320x64xf32, #tpu.memory_space<vmem>> -> memref<320x64xf32, #tpu.memory_space<vmem>>
        %get3A_696 = arith.index_cast %add3A_691 : i32 to index
        %get3A_697 = arith.constant 16 : index
        %get3A_698 = tpu.vector_load %get3A_695[%get3A_696, %get3A_697] {strides = array<i32>} : memref<320x64xf32, #tpu.memory_space<vmem>>, vector<16xf32>,
        %add3A_699 = arith.constant 2 : i32
        %add3A_700 = arith.addi %mul3A_475, %add3A_699 : i32
        %get3A_701 = arith.constant 0 : i32
        %get3A_702 = arith.constant 0 : i32
        %get3A_703 = tpu.memref_slice %arg7[%scan3A_404, %get3A_701, %get3A_702] : memref<2x320x64xf32, #tpu.memory_space<vmem>> -> memref<1x320x64xf32, #tpu.memory_space<vmem>>
        %get3A_704 = tpu.memref_squeeze %get3A_703 : memref<1x320x64xf32, #tpu.memory_space<vmem>> -> memref<320x64xf32, #tpu.memory_space<vmem>>
        %get3A_705 = arith.index_cast %add3A_700 : i32 to index
        %get3A_706 = arith.constant 16 : index
        %get3A_707 = tpu.vector_load %get3A_704[%get3A_705, %get3A_706] {strides = array<i32>} : memref<320x64xf32, #tpu.memory_space<vmem>>, vector<16xf32>,
        %add3A_708 = arith.constant 3 : i32
        %add3A_709 = arith.addi %mul3A_475, %add3A_708 : i32
        %get3A_710 = arith.constant 0 : i32
        %get3A_711 = arith.constant 0 : i32
        %get3A_712 = tpu.memref_slice %arg7[%scan3A_404, %get3A_710, %get3A_711] : memref<2x320x64xf32, #tpu.memory_space<vmem>> -> memref<1x320x64xf32, #tpu.memory_space<vmem>>
        %get3A_713 = tpu.memref_squeeze %get3A_712 : memref<1x320x64xf32, #tpu.memory_space<vmem>> -> memref<320x64xf32, #tpu.memory_space<vmem>>
        %get3A_714 = arith.index_cast %add3A_709 : i32 to index
        %get3A_715 = arith.constant 16 : index
        %get3A_716 = tpu.vector_load %get3A_713[%get3A_714, %get3A_715] {strides = array<i32>} : memref<320x64xf32, #tpu.memory_space<vmem>>, vector<16xf32>,
        %add3A_717 = arith.constant 4 : i32
        %add3A_718 = arith.addi %mul3A_475, %add3A_717 : i32
        %get3A_719 = arith.constant 0 : i32
        %get3A_720 = arith.constant 0 : i32
        %get3A_721 = tpu.memref_slice %arg7[%scan3A_404, %get3A_719, %get3A_720] : memref<2x320x64xf32, #tpu.memory_space<vmem>> -> memref<1x320x64xf32, #tpu.memory_space<vmem>>
        %get3A_722 = tpu.memref_squeeze %get3A_721 : memref<1x320x64xf32, #tpu.memory_space<vmem>> -> memref<320x64xf32, #tpu.memory_space<vmem>>
        %get3A_723 = arith.index_cast %add3A_718 : i32 to index
        %get3A_724 = arith.constant 16 : index
        %get3A_725 = tpu.vector_load %get3A_722[%get3A_723, %get3A_724] {strides = array<i32>} : memref<320x64xf32, #tpu.memory_space<vmem>>, vector<16xf32>,
        %add3A_726 = arith.constant 5 : i32
        %add3A_727 = arith.addi %mul3A_475, %add3A_726 : i32
        %get3A_728 = arith.constant 0 : i32
        %get3A_729 = arith.constant 0 : i32
        %get3A_730 = tpu.memref_slice %arg7[%scan3A_404, %get3A_728, %get3A_729] : memref<2x320x64xf32, #tpu.memory_space<vmem>> -> memref<1x320x64xf32, #tpu.memory_space<vmem>>
        %get3A_731 = tpu.memref_squeeze %get3A_730 : memref<1x320x64xf32, #tpu.memory_space<vmem>> -> memref<320x64xf32, #tpu.memory_space<vmem>>
        %get3A_732 = arith.index_cast %add3A_727 : i32 to index
        %get3A_733 = arith.constant 16 : index
        %get3A_734 = tpu.vector_load %get3A_731[%get3A_732, %get3A_733] {strides = array<i32>} : memref<320x64xf32, #tpu.memory_space<vmem>>, vector<16xf32>,
        %add3A_735 = arith.constant 6 : i32
        %add3A_736 = arith.addi %mul3A_475, %add3A_735 : i32
        %get3A_737 = arith.constant 0 : i32
        %get3A_738 = arith.constant 0 : i32
        %get3A_739 = tpu.memref_slice %arg7[%scan3A_404, %get3A_737, %get3A_738] : memref<2x320x64xf32, #tpu.memory_space<vmem>> -> memref<1x320x64xf32, #tpu.memory_space<vmem>>
        %get3A_740 = tpu.memref_squeeze %get3A_739 : memref<1x320x64xf32, #tpu.memory_space<vmem>> -> memref<320x64xf32, #tpu.memory_space<vmem>>
        %get3A_741 = arith.index_cast %add3A_736 : i32 to index
        %get3A_742 = arith.constant 16 : index
        %get3A_743 = tpu.vector_load %get3A_740[%get3A_741, %get3A_742] {strides = array<i32>} : memref<320x64xf32, #tpu.memory_space<vmem>>, vector<16xf32>,
        %add3A_744 = arith.constant 7 : i32
        %add3A_745 = arith.addi %mul3A_475, %add3A_744 : i32
        %get3A_746 = arith.constant 0 : i32
        %get3A_747 = arith.constant 0 : i32
        %get3A_748 = tpu.memref_slice %arg7[%scan3A_404, %get3A_746, %get3A_747] : memref<2x320x64xf32, #tpu.memory_space<vmem>> -> memref<1x320x64xf32, #tpu.memory_space<vmem>>
        %get3A_749 = tpu.memref_squeeze %get3A_748 : memref<1x320x64xf32, #tpu.memory_space<vmem>> -> memref<320x64xf32, #tpu.memory_space<vmem>>
        %get3A_750 = arith.index_cast %add3A_745 : i32 to index
        %get3A_751 = arith.constant 16 : index
        %get3A_752 = tpu.vector_load %get3A_749[%get3A_750, %get3A_751] {strides = array<i32>} : memref<320x64xf32, #tpu.memory_space<vmem>>, vector<16xf32>,
        %add3A_753 = arith.constant 8 : i32
        %add3A_754 = arith.addi %mul3A_475, %add3A_753 : i32
        %get3A_755 = arith.constant 0 : i32
        %get3A_756 = arith.constant 0 : i32
        %get3A_757 = tpu.memref_slice %arg7[%scan3A_404, %get3A_755, %get3A_756] : memref<2x320x64xf32, #tpu.memory_space<vmem>> -> memref<1x320x64xf32, #tpu.memory_space<vmem>>
        %get3A_758 = tpu.memref_squeeze %get3A_757 : memref<1x320x64xf32, #tpu.memory_space<vmem>> -> memref<320x64xf32, #tpu.memory_space<vmem>>
        %get3A_759 = arith.index_cast %add3A_754 : i32 to index
        %get3A_760 = arith.constant 16 : index
        %get3A_761 = tpu.vector_load %get3A_758[%get3A_759, %get3A_760] {strides = array<i32>} : memref<320x64xf32, #tpu.memory_space<vmem>>, vector<16xf32>,
        %add3A_762 = arith.constant 9 : i32
        %add3A_763 = arith.addi %mul3A_475, %add3A_762 : i32
        %get3A_764 = arith.constant 0 : i32
        %get3A_765 = arith.constant 0 : i32
        %get3A_766 = tpu.memref_slice %arg7[%scan3A_404, %get3A_764, %get3A_765] : memref<2x320x64xf32, #tpu.memory_space<vmem>> -> memref<1x320x64xf32, #tpu.memory_space<vmem>>
        %get3A_767 = tpu.memref_squeeze %get3A_766 : memref<1x320x64xf32, #tpu.memory_space<vmem>> -> memref<320x64xf32, #tpu.memory_space<vmem>>
        %get3A_768 = arith.index_cast %add3A_763 : i32 to index
        %get3A_769 = arith.constant 16 : index
        %get3A_770 = tpu.vector_load %get3A_767[%get3A_768, %get3A_769] {strides = array<i32>} : memref<320x64xf32, #tpu.memory_space<vmem>>, vector<16xf32>,
        %add3A_771 = arith.constant 10 : i32
        %add3A_772 = arith.addi %mul3A_475, %add3A_771 : i32
        %get3A_773 = arith.constant 0 : i32
        %get3A_774 = arith.constant 0 : i32
        %get3A_775 = tpu.memref_slice %arg7[%scan3A_404, %get3A_773, %get3A_774] : memref<2x320x64xf32, #tpu.memory_space<vmem>> -> memref<1x320x64xf32, #tpu.memory_space<vmem>>
        %get3A_776 = tpu.memref_squeeze %get3A_775 : memref<1x320x64xf32, #tpu.memory_space<vmem>> -> memref<320x64xf32, #tpu.memory_space<vmem>>
        %get3A_777 = arith.index_cast %add3A_772 : i32 to index
        %get3A_778 = arith.constant 16 : index
        %get3A_779 = tpu.vector_load %get3A_776[%get3A_777, %get3A_778] {strides = array<i32>} : memref<320x64xf32, #tpu.memory_space<vmem>>, vector<16xf32>,
        %add3A_780 = arith.constant 11 : i32
        %add3A_781 = arith.addi %mul3A_475, %add3A_780 : i32
        %get3A_782 = arith.constant 0 : i32
        %get3A_783 = arith.constant 0 : i32
        %get3A_784 = tpu.memref_slice %arg7[%scan3A_404, %get3A_782, %get3A_783] : memref<2x320x64xf32, #tpu.memory_space<vmem>> -> memref<1x320x64xf32, #tpu.memory_space<vmem>>
        %get3A_785 = tpu.memref_squeeze %get3A_784 : memref<1x320x64xf32, #tpu.memory_space<vmem>> -> memref<320x64xf32, #tpu.memory_space<vmem>>
        %get3A_786 = arith.index_cast %add3A_781 : i32 to index
        %get3A_787 = arith.constant 16 : index
        %get3A_788 = tpu.vector_load %get3A_785[%get3A_786, %get3A_787] {strides = array<i32>} : memref<320x64xf32, #tpu.memory_space<vmem>>, vector<16xf32>,
        %add3A_789 = arith.constant 12 : i32
        %add3A_790 = arith.addi %mul3A_475, %add3A_789 : i32
        %get3A_791 = arith.constant 0 : i32
        %get3A_792 = arith.constant 0 : i32
        %get3A_793 = tpu.memref_slice %arg7[%scan3A_404, %get3A_791, %get3A_792] : memref<2x320x64xf32, #tpu.memory_space<vmem>> -> memref<1x320x64xf32, #tpu.memory_space<vmem>>
        %get3A_794 = tpu.memref_squeeze %get3A_793 : memref<1x320x64xf32, #tpu.memory_space<vmem>> -> memref<320x64xf32, #tpu.memory_space<vmem>>
        %get3A_795 = arith.index_cast %add3A_790 : i32 to index
        %get3A_796 = arith.constant 16 : index
        %get3A_797 = tpu.vector_load %get3A_794[%get3A_795, %get3A_796] {strides = array<i32>} : memref<320x64xf32, #tpu.memory_space<vmem>>, vector<16xf32>,
        %add3A_798 = arith.constant 13 : i32
        %add3A_799 = arith.addi %mul3A_475, %add3A_798 : i32
        %get3A_800 = arith.constant 0 : i32
        %get3A_801 = arith.constant 0 : i32
        %get3A_802 = tpu.memref_slice %arg7[%scan3A_404, %get3A_800, %get3A_801] : memref<2x320x64xf32, #tpu.memory_space<vmem>> -> memref<1x320x64xf32, #tpu.memory_space<vmem>>
        %get3A_803 = tpu.memref_squeeze %get3A_802 : memref<1x320x64xf32, #tpu.memory_space<vmem>> -> memref<320x64xf32, #tpu.memory_space<vmem>>
        %get3A_804 = arith.index_cast %add3A_799 : i32 to index
        %get3A_805 = arith.constant 16 : index
        %get3A_806 = tpu.vector_load %get3A_803[%get3A_804, %get3A_805] {strides = array<i32>} : memref<320x64xf32, #tpu.memory_space<vmem>>, vector<16xf32>,
        %add3A_807 = arith.constant 14 : i32
        %add3A_808 = arith.addi %mul3A_475, %add3A_807 : i32
        %get3A_809 = arith.constant 0 : i32
        %get3A_810 = arith.constant 0 : i32
        %get3A_811 = tpu.memref_slice %arg7[%scan3A_404, %get3A_809, %get3A_810] : memref<2x320x64xf32, #tpu.memory_space<vmem>> -> memref<1x320x64xf32, #tpu.memory_space<vmem>>
        %get3A_812 = tpu.memref_squeeze %get3A_811 : memref<1x320x64xf32, #tpu.memory_space<vmem>> -> memref<320x64xf32, #tpu.memory_space<vmem>>
        %get3A_813 = arith.index_cast %add3A_808 : i32 to index
        %get3A_814 = arith.constant 16 : index
        %get3A_815 = tpu.vector_load %get3A_812[%get3A_813, %get3A_814] {strides = array<i32>} : memref<320x64xf32, #tpu.memory_space<vmem>>, vector<16xf32>,
        %add3A_816 = arith.constant 15 : i32
        %add3A_817 = arith.addi %mul3A_475, %add3A_816 : i32
        %get3A_818 = arith.constant 0 : i32
        %get3A_819 = arith.constant 0 : i32
        %get3A_820 = tpu.memref_slice %arg7[%scan3A_404, %get3A_818, %get3A_819] : memref<2x320x64xf32, #tpu.memory_space<vmem>> -> memref<1x320x64xf32, #tpu.memory_space<vmem>>
        %get3A_821 = tpu.memref_squeeze %get3A_820 : memref<1x320x64xf32, #tpu.memory_space<vmem>> -> memref<320x64xf32, #tpu.memory_space<vmem>>
        %get3A_822 = arith.index_cast %add3A_817 : i32 to index
        %get3A_823 = arith.constant 16 : index
        %get3A_824 = tpu.vector_load %get3A_821[%get3A_822, %get3A_823] {strides = array<i32>} : memref<320x64xf32, #tpu.memory_space<vmem>>, vector<16xf32>,
        %add3A_825 = arith.constant 16 : i32
        %add3A_826 = arith.addi %mul3A_475, %add3A_825 : i32
        %get3A_827 = arith.constant 0 : i32
        %get3A_828 = arith.constant 0 : i32
        %get3A_829 = tpu.memref_slice %arg7[%scan3A_404, %get3A_827, %get3A_828] : memref<2x320x64xf32, #tpu.memory_space<vmem>> -> memref<1x320x64xf32, #tpu.memory_space<vmem>>
        %get3A_830 = tpu.memref_squeeze %get3A_829 : memref<1x320x64xf32, #tpu.memory_space<vmem>> -> memref<320x64xf32, #tpu.memory_space<vmem>>
        %get3A_831 = arith.index_cast %add3A_826 : i32 to index
        %get3A_832 = arith.constant 16 : index
        %get3A_833 = tpu.vector_load %get3A_830[%get3A_831, %get3A_832] {strides = array<i32>} : memref<320x64xf32, #tpu.memory_space<vmem>>, vector<16xf32>,
        %add3A_834 = arith.constant 17 : i32
        %add3A_835 = arith.addi %mul3A_475, %add3A_834 : i32
        %get3A_836 = arith.constant 0 : i32
        %get3A_837 = arith.constant 0 : i32
        %get3A_838 = tpu.memref_slice %arg7[%scan3A_404, %get3A_836, %get3A_837] : memref<2x320x64xf32, #tpu.memory_space<vmem>> -> memref<1x320x64xf32, #tpu.memory_space<vmem>>
        %get3A_839 = tpu.memref_squeeze %get3A_838 : memref<1x320x64xf32, #tpu.memory_space<vmem>> -> memref<320x64xf32, #tpu.memory_space<vmem>>
        %get3A_840 = arith.index_cast %add3A_835 : i32 to index
        %get3A_841 = arith.constant 16 : index
        %get3A_842 = tpu.vector_load %get3A_839[%get3A_840, %get3A_841] {strides = array<i32>} : memref<320x64xf32, #tpu.memory_space<vmem>>, vector<16xf32>,
        %add3A_843 = arith.constant 18 : i32
        %add3A_844 = arith.addi %mul3A_475, %add3A_843 : i32
        %get3A_845 = arith.constant 0 : i32
        %get3A_846 = arith.constant 0 : i32
        %get3A_847 = tpu.memref_slice %arg7[%scan3A_404, %get3A_845, %get3A_846] : memref<2x320x64xf32, #tpu.memory_space<vmem>> -> memref<1x320x64xf32, #tpu.memory_space<vmem>>
        %get3A_848 = tpu.memref_squeeze %get3A_847 : memref<1x320x64xf32, #tpu.memory_space<vmem>> -> memref<320x64xf32, #tpu.memory_space<vmem>>
        %get3A_849 = arith.index_cast %add3A_844 : i32 to index
        %get3A_850 = arith.constant 16 : index
        %get3A_851 = tpu.vector_load %get3A_848[%get3A_849, %get3A_850] {strides = array<i32>} : memref<320x64xf32, #tpu.memory_space<vmem>>, vector<16xf32>,
        %add3A_852 = arith.constant 19 : i32
        %add3A_853 = arith.addi %mul3A_475, %add3A_852 : i32
        %get3A_854 = arith.constant 0 : i32
        %get3A_855 = arith.constant 0 : i32
        %get3A_856 = tpu.memref_slice %arg7[%scan3A_404, %get3A_854, %get3A_855] : memref<2x320x64xf32, #tpu.memory_space<vmem>> -> memref<1x320x64xf32, #tpu.memory_space<vmem>>
        %get3A_857 = tpu.memref_squeeze %get3A_856 : memref<1x320x64xf32, #tpu.memory_space<vmem>> -> memref<320x64xf32, #tpu.memory_space<vmem>>
        %get3A_858 = arith.index_cast %add3A_853 : i32 to index
        %get3A_859 = arith.constant 16 : index
        %get3A_860 = tpu.vector_load %get3A_857[%get3A_858, %get3A_859] {strides = array<i32>} : memref<320x64xf32, #tpu.memory_space<vmem>>, vector<16xf32>,
        %add3A_861 = arith.addf %get3A_689, %get3A_698 : vector<16xf32>
        %add3A_862 = arith.addf %get3A_707, %get3A_716 : vector<16xf32>
        %add3A_863 = arith.addf %get3A_725, %get3A_734 : vector<16xf32>
        %add3A_864 = arith.addf %get3A_743, %get3A_752 : vector<16xf32>
        %add3A_865 = arith.addf %get3A_761, %get3A_770 : vector<16xf32>
        %add3A_866 = arith.addf %get3A_779, %get3A_788 : vector<16xf32>
        %add3A_867 = arith.addf %get3A_797, %get3A_806 : vector<16xf32>
        %add3A_868 = arith.addf %get3A_815, %get3A_824 : vector<16xf32>
        %add3A_869 = arith.addf %get3A_833, %get3A_842 : vector<16xf32>
        %add3A_870 = arith.addf %get3A_851, %get3A_860 : vector<16xf32>
        %add3A_871 = arith.addf %add3A_861, %add3A_862 : vector<16xf32>
        %add3A_872 = arith.addf %add3A_863, %add3A_864 : vector<16xf32>
        %add3A_873 = arith.addf %add3A_865, %add3A_866 : vector<16xf32>
        %add3A_874 = arith.addf %add3A_867, %add3A_868 : vector<16xf32>
        %add3A_875 = arith.addf %add3A_869, %add3A_870 : vector<16xf32>
        %add3A_876 = arith.addf %add3A_871, %add3A_872 : vector<16xf32>
        %add3A_877 = arith.addf %add3A_873, %add3A_874 : vector<16xf32>
        %add3A_878 = arith.addf %add3A_876, %add3A_877 : vector<16xf32>
        %add3A_879 = arith.addf %add3A_878, %add3A_875 : vector<16xf32>
        %mul3A_880 = vector.broadcast %scan3A_405 : f32 to vector<16xf32>
        %mul3A_881 = arith.mulf %add3A_879, %mul3A_880 : vector<16xf32>
        %mul3A_882 = arith.constant 16 : i32
        %mul3A_883 = arith.muli %mul3A_285, %mul3A_882 : i32
        %add3A_884 = arith.addi %mul3A_883, %scan3A_473 : i32
        %swap3A_885 = arith.index_cast %add3A_884 : i32 to index
        %swap3A_886 = arith.constant 16 : index
        %swap3A_887 = tpu.vector_load %arg8[%swap3A_885, %swap3A_886] {strides = array<i32>} : memref<512x64xf32, #tpu.memory_space<vmem>>, vector<16xf32>,
        tpu.vector_store %arg8[%swap3A_885, %swap3A_886], %mul3A_881 {strides = array<i32>} : memref<512x64xf32, #tpu.memory_space<vmem>>, vector<16xf32>,
        %add3A_888 = arith.constant 0 : i32
        %add3A_889 = arith.addi %mul3A_475, %add3A_888 : i32
        %get3A_890 = arith.constant 0 : i32
        %get3A_891 = arith.constant 0 : i32
        %get3A_892 = tpu.memref_slice %arg7[%scan3A_404, %get3A_890, %get3A_891] : memref<2x320x64xf32, #tpu.memory_space<vmem>> -> memref<1x320x64xf32, #tpu.memory_space<vmem>>
        %get3A_893 = tpu.memref_squeeze %get3A_892 : memref<1x320x64xf32, #tpu.memory_space<vmem>> -> memref<320x64xf32, #tpu.memory_space<vmem>>
        %get3A_894 = arith.index_cast %add3A_889 : i32 to index
        %get3A_895 = arith.constant 32 : index
        %get3A_896 = tpu.vector_load %get3A_893[%get3A_894, %get3A_895] {strides = array<i32>} : memref<320x64xf32, #tpu.memory_space<vmem>>, vector<16xf32>,
        %add3A_897 = arith.constant 1 : i32
        %add3A_898 = arith.addi %mul3A_475, %add3A_897 : i32
        %get3A_899 = arith.constant 0 : i32
        %get3A_900 = arith.constant 0 : i32
        %get3A_901 = tpu.memref_slice %arg7[%scan3A_404, %get3A_899, %get3A_900] : memref<2x320x64xf32, #tpu.memory_space<vmem>> -> memref<1x320x64xf32, #tpu.memory_space<vmem>>
        %get3A_902 = tpu.memref_squeeze %get3A_901 : memref<1x320x64xf32, #tpu.memory_space<vmem>> -> memref<320x64xf32, #tpu.memory_space<vmem>>
        %get3A_903 = arith.index_cast %add3A_898 : i32 to index
        %get3A_904 = arith.constant 32 : index
        %get3A_905 = tpu.vector_load %get3A_902[%get3A_903, %get3A_904] {strides = array<i32>} : memref<320x64xf32, #tpu.memory_space<vmem>>, vector<16xf32>,
        %add3A_906 = arith.constant 2 : i32
        %add3A_907 = arith.addi %mul3A_475, %add3A_906 : i32
        %get3A_908 = arith.constant 0 : i32
        %get3A_909 = arith.constant 0 : i32
        %get3A_910 = tpu.memref_slice %arg7[%scan3A_404, %get3A_908, %get3A_909] : memref<2x320x64xf32, #tpu.memory_space<vmem>> -> memref<1x320x64xf32, #tpu.memory_space<vmem>>
        %get3A_911 = tpu.memref_squeeze %get3A_910 : memref<1x320x64xf32, #tpu.memory_space<vmem>> -> memref<320x64xf32, #tpu.memory_space<vmem>>
        %get3A_912 = arith.index_cast %add3A_907 : i32 to index
        %get3A_913 = arith.constant 32 : index
        %get3A_914 = tpu.vector_load %get3A_911[%get3A_912, %get3A_913] {strides = array<i32>} : memref<320x64xf32, #tpu.memory_space<vmem>>, vector<16xf32>,
        %add3A_915 = arith.constant 3 : i32
        %add3A_916 = arith.addi %mul3A_475, %add3A_915 : i32
        %get3A_917 = arith.constant 0 : i32
        %get3A_918 = arith.constant 0 : i32
        %get3A_919 = tpu.memref_slice %arg7[%scan3A_404, %get3A_917, %get3A_918] : memref<2x320x64xf32, #tpu.memory_space<vmem>> -> memref<1x320x64xf32, #tpu.memory_space<vmem>>
        %get3A_920 = tpu.memref_squeeze %get3A_919 : memref<1x320x64xf32, #tpu.memory_space<vmem>> -> memref<320x64xf32, #tpu.memory_space<vmem>>
        %get3A_921 = arith.index_cast %add3A_916 : i32 to index
        %get3A_922 = arith.constant 32 : index
        %get3A_923 = tpu.vector_load %get3A_920[%get3A_921, %get3A_922] {strides = array<i32>} : memref<320x64xf32, #tpu.memory_space<vmem>>, vector<16xf32>,
        %add3A_924 = arith.constant 4 : i32
        %add3A_925 = arith.addi %mul3A_475, %add3A_924 : i32
        %get3A_926 = arith.constant 0 : i32
        %get3A_927 = arith.constant 0 : i32
        %get3A_928 = tpu.memref_slice %arg7[%scan3A_404, %get3A_926, %get3A_927] : memref<2x320x64xf32, #tpu.memory_space<vmem>> -> memref<1x320x64xf32, #tpu.memory_space<vmem>>
        %get3A_929 = tpu.memref_squeeze %get3A_928 : memref<1x320x64xf32, #tpu.memory_space<vmem>> -> memref<320x64xf32, #tpu.memory_space<vmem>>
        %get3A_930 = arith.index_cast %add3A_925 : i32 to index
        %get3A_931 = arith.constant 32 : index
        %get3A_932 = tpu.vector_load %get3A_929[%get3A_930, %get3A_931] {strides = array<i32>} : memref<320x64xf32, #tpu.memory_space<vmem>>, vector<16xf32>,
        %add3A_933 = arith.constant 5 : i32
        %add3A_934 = arith.addi %mul3A_475, %add3A_933 : i32
        %get3A_935 = arith.constant 0 : i32
        %get3A_936 = arith.constant 0 : i32
        %get3A_937 = tpu.memref_slice %arg7[%scan3A_404, %get3A_935, %get3A_936] : memref<2x320x64xf32, #tpu.memory_space<vmem>> -> memref<1x320x64xf32, #tpu.memory_space<vmem>>
        %get3A_938 = tpu.memref_squeeze %get3A_937 : memref<1x320x64xf32, #tpu.memory_space<vmem>> -> memref<320x64xf32, #tpu.memory_space<vmem>>
        %get3A_939 = arith.index_cast %add3A_934 : i32 to index
        %get3A_940 = arith.constant 32 : index
        %get3A_941 = tpu.vector_load %get3A_938[%get3A_939, %get3A_940] {strides = array<i32>} : memref<320x64xf32, #tpu.memory_space<vmem>>, vector<16xf32>,
        %add3A_942 = arith.constant 6 : i32
        %add3A_943 = arith.addi %mul3A_475, %add3A_942 : i32
        %get3A_944 = arith.constant 0 : i32
        %get3A_945 = arith.constant 0 : i32
        %get3A_946 = tpu.memref_slice %arg7[%scan3A_404, %get3A_944, %get3A_945] : memref<2x320x64xf32, #tpu.memory_space<vmem>> -> memref<1x320x64xf32, #tpu.memory_space<vmem>>
        %get3A_947 = tpu.memref_squeeze %get3A_946 : memref<1x320x64xf32, #tpu.memory_space<vmem>> -> memref<320x64xf32, #tpu.memory_space<vmem>>
        %get3A_948 = arith.index_cast %add3A_943 : i32 to index
        %get3A_949 = arith.constant 32 : index
        %get3A_950 = tpu.vector_load %get3A_947[%get3A_948, %get3A_949] {strides = array<i32>} : memref<320x64xf32, #tpu.memory_space<vmem>>, vector<16xf32>,
        %add3A_951 = arith.constant 7 : i32
        %add3A_952 = arith.addi %mul3A_475, %add3A_951 : i32
        %get3A_953 = arith.constant 0 : i32
        %get3A_954 = arith.constant 0 : i32
        %get3A_955 = tpu.memref_slice %arg7[%scan3A_404, %get3A_953, %get3A_954] : memref<2x320x64xf32, #tpu.memory_space<vmem>> -> memref<1x320x64xf32, #tpu.memory_space<vmem>>
        %get3A_956 = tpu.memref_squeeze %get3A_955 : memref<1x320x64xf32, #tpu.memory_space<vmem>> -> memref<320x64xf32, #tpu.memory_space<vmem>>
        %get3A_957 = arith.index_cast %add3A_952 : i32 to index
        %get3A_958 = arith.constant 32 : index
        %get3A_959 = tpu.vector_load %get3A_956[%get3A_957, %get3A_958] {strides = array<i32>} : memref<320x64xf32, #tpu.memory_space<vmem>>, vector<16xf32>,
        %add3A_960 = arith.constant 8 : i32
        %add3A_961 = arith.addi %mul3A_475, %add3A_960 : i32
        %get3A_962 = arith.constant 0 : i32
        %get3A_963 = arith.constant 0 : i32
        %get3A_964 = tpu.memref_slice %arg7[%scan3A_404, %get3A_962, %get3A_963] : memref<2x320x64xf32, #tpu.memory_space<vmem>> -> memref<1x320x64xf32, #tpu.memory_space<vmem>>
        %get3A_965 = tpu.memref_squeeze %get3A_964 : memref<1x320x64xf32, #tpu.memory_space<vmem>> -> memref<320x64xf32, #tpu.memory_space<vmem>>
        %get3A_966 = arith.index_cast %add3A_961 : i32 to index
        %get3A_967 = arith.constant 32 : index
        %get3A_968 = tpu.vector_load %get3A_965[%get3A_966, %get3A_967] {strides = array<i32>} : memref<320x64xf32, #tpu.memory_space<vmem>>, vector<16xf32>,
        %add3A_969 = arith.constant 9 : i32
        %add3A_970 = arith.addi %mul3A_475, %add3A_969 : i32
        %get3A_971 = arith.constant 0 : i32
        %get3A_972 = arith.constant 0 : i32
        %get3A_973 = tpu.memref_slice %arg7[%scan3A_404, %get3A_971, %get3A_972] : memref<2x320x64xf32, #tpu.memory_space<vmem>> -> memref<1x320x64xf32, #tpu.memory_space<vmem>>
        %get3A_974 = tpu.memref_squeeze %get3A_973 : memref<1x320x64xf32, #tpu.memory_space<vmem>> -> memref<320x64xf32, #tpu.memory_space<vmem>>
        %get3A_975 = arith.index_cast %add3A_970 : i32 to index
        %get3A_976 = arith.constant 32 : index
        %get3A_977 = tpu.vector_load %get3A_974[%get3A_975, %get3A_976] {strides = array<i32>} : memref<320x64xf32, #tpu.memory_space<vmem>>, vector<16xf32>,
        %add3A_978 = arith.constant 10 : i32
        %add3A_979 = arith.addi %mul3A_475, %add3A_978 : i32
        %get3A_980 = arith.constant 0 : i32
        %get3A_981 = arith.constant 0 : i32
        %get3A_982 = tpu.memref_slice %arg7[%scan3A_404, %get3A_980, %get3A_981] : memref<2x320x64xf32, #tpu.memory_space<vmem>> -> memref<1x320x64xf32, #tpu.memory_space<vmem>>
        %get3A_983 = tpu.memref_squeeze %get3A_982 : memref<1x320x64xf32, #tpu.memory_space<vmem>> -> memref<320x64xf32, #tpu.memory_space<vmem>>
        %get3A_984 = arith.index_cast %add3A_979 : i32 to index
        %get3A_985 = arith.constant 32 : index
        %get3A_986 = tpu.vector_load %get3A_983[%get3A_984, %get3A_985] {strides = array<i32>} : memref<320x64xf32, #tpu.memory_space<vmem>>, vector<16xf32>,
        %add3A_987 = arith.constant 11 : i32
        %add3A_988 = arith.addi %mul3A_475, %add3A_987 : i32
        %get3A_989 = arith.constant 0 : i32
        %get3A_990 = arith.constant 0 : i32
        %get3A_991 = tpu.memref_slice %arg7[%scan3A_404, %get3A_989, %get3A_990] : memref<2x320x64xf32, #tpu.memory_space<vmem>> -> memref<1x320x64xf32, #tpu.memory_space<vmem>>
        %get3A_992 = tpu.memref_squeeze %get3A_991 : memref<1x320x64xf32, #tpu.memory_space<vmem>> -> memref<320x64xf32, #tpu.memory_space<vmem>>
        %get3A_993 = arith.index_cast %add3A_988 : i32 to index
        %get3A_994 = arith.constant 32 : index
        %get3A_995 = tpu.vector_load %get3A_992[%get3A_993, %get3A_994] {strides = array<i32>} : memref<320x64xf32, #tpu.memory_space<vmem>>, vector<16xf32>,
        %add3A_996 = arith.constant 12 : i32
        %add3A_997 = arith.addi %mul3A_475, %add3A_996 : i32
        %get3A_998 = arith.constant 0 : i32
        %get3A_999 = arith.constant 0 : i32
        %get3A_1000 = tpu.memref_slice %arg7[%scan3A_404, %get3A_998, %get3A_999] : memref<2x320x64xf32, #tpu.memory_space<vmem>> -> memref<1x320x64xf32, #tpu.memory_space<vmem>>
        %get3A_1001 = tpu.memref_squeeze %get3A_1000 : memref<1x320x64xf32, #tpu.memory_space<vmem>> -> memref<320x64xf32, #tpu.memory_space<vmem>>
        %get3A_1002 = arith.index_cast %add3A_997 : i32 to index
        %get3A_1003 = arith.constant 32 : index
        %get3A_1004 = tpu.vector_load %get3A_1001[%get3A_1002, %get3A_1003] {strides = array<i32>} : memref<320x64xf32, #tpu.memory_space<vmem>>, vector<16xf32>,
        %add3A_1005 = arith.constant 13 : i32
        %add3A_1006 = arith.addi %mul3A_475, %add3A_1005 : i32
        %get3A_1007 = arith.constant 0 : i32
        %get3A_1008 = arith.constant 0 : i32
        %get3A_1009 = tpu.memref_slice %arg7[%scan3A_404, %get3A_1007, %get3A_1008] : memref<2x320x64xf32, #tpu.memory_space<vmem>> -> memref<1x320x64xf32, #tpu.memory_space<vmem>>
        %get3A_1010 = tpu.memref_squeeze %get3A_1009 : memref<1x320x64xf32, #tpu.memory_space<vmem>> -> memref<320x64xf32, #tpu.memory_space<vmem>>
        %get3A_1011 = arith.index_cast %add3A_1006 : i32 to index
        %get3A_1012 = arith.constant 32 : index
        %get3A_1013 = tpu.vector_load %get3A_1010[%get3A_1011, %get3A_1012] {strides = array<i32>} : memref<320x64xf32, #tpu.memory_space<vmem>>, vector<16xf32>,
        %add3A_1014 = arith.constant 14 : i32
        %add3A_1015 = arith.addi %mul3A_475, %add3A_1014 : i32
        %get3A_1016 = arith.constant 0 : i32
        %get3A_1017 = arith.constant 0 : i32
        %get3A_1018 = tpu.memref_slice %arg7[%scan3A_404, %get3A_1016, %get3A_1017] : memref<2x320x64xf32, #tpu.memory_space<vmem>> -> memref<1x320x64xf32, #tpu.memory_space<vmem>>
        %get3A_1019 = tpu.memref_squeeze %get3A_1018 : memref<1x320x64xf32, #tpu.memory_space<vmem>> -> memref<320x64xf32, #tpu.memory_space<vmem>>
        %get3A_1020 = arith.index_cast %add3A_1015 : i32 to index
        %get3A_1021 = arith.constant 32 : index
        %get3A_1022 = tpu.vector_load %get3A_1019[%get3A_1020, %get3A_1021] {strides = array<i32>} : memref<320x64xf32, #tpu.memory_space<vmem>>, vector<16xf32>,
        %add3A_1023 = arith.constant 15 : i32
        %add3A_1024 = arith.addi %mul3A_475, %add3A_1023 : i32
        %get3A_1025 = arith.constant 0 : i32
        %get3A_1026 = arith.constant 0 : i32
        %get3A_1027 = tpu.memref_slice %arg7[%scan3A_404, %get3A_1025, %get3A_1026] : memref<2x320x64xf32, #tpu.memory_space<vmem>> -> memref<1x320x64xf32, #tpu.memory_space<vmem>>
        %get3A_1028 = tpu.memref_squeeze %get3A_1027 : memref<1x320x64xf32, #tpu.memory_space<vmem>> -> memref<320x64xf32, #tpu.memory_space<vmem>>
        %get3A_1029 = arith.index_cast %add3A_1024 : i32 to index
        %get3A_1030 = arith.constant 32 : index
        %get3A_1031 = tpu.vector_load %get3A_1028[%get3A_1029, %get3A_1030] {strides = array<i32>} : memref<320x64xf32, #tpu.memory_space<vmem>>, vector<16xf32>,
        %add3A_1032 = arith.constant 16 : i32
        %add3A_1033 = arith.addi %mul3A_475, %add3A_1032 : i32
        %get3A_1034 = arith.constant 0 : i32
        %get3A_1035 = arith.constant 0 : i32
        %get3A_1036 = tpu.memref_slice %arg7[%scan3A_404, %get3A_1034, %get3A_1035] : memref<2x320x64xf32, #tpu.memory_space<vmem>> -> memref<1x320x64xf32, #tpu.memory_space<vmem>>
        %get3A_1037 = tpu.memref_squeeze %get3A_1036 : memref<1x320x64xf32, #tpu.memory_space<vmem>> -> memref<320x64xf32, #tpu.memory_space<vmem>>
        %get3A_1038 = arith.index_cast %add3A_1033 : i32 to index
        %get3A_1039 = arith.constant 32 : index
        %get3A_1040 = tpu.vector_load %get3A_1037[%get3A_1038, %get3A_1039] {strides = array<i32>} : memref<320x64xf32, #tpu.memory_space<vmem>>, vector<16xf32>,
        %add3A_1041 = arith.constant 17 : i32
        %add3A_1042 = arith.addi %mul3A_475, %add3A_1041 : i32
        %get3A_1043 = arith.constant 0 : i32
        %get3A_1044 = arith.constant 0 : i32
        %get3A_1045 = tpu.memref_slice %arg7[%scan3A_404, %get3A_1043, %get3A_1044] : memref<2x320x64xf32, #tpu.memory_space<vmem>> -> memref<1x320x64xf32, #tpu.memory_space<vmem>>
        %get3A_1046 = tpu.memref_squeeze %get3A_1045 : memref<1x320x64xf32, #tpu.memory_space<vmem>> -> memref<320x64xf32, #tpu.memory_space<vmem>>
        %get3A_1047 = arith.index_cast %add3A_1042 : i32 to index
        %get3A_1048 = arith.constant 32 : index
        %get3A_1049 = tpu.vector_load %get3A_1046[%get3A_1047, %get3A_1048] {strides = array<i32>} : memref<320x64xf32, #tpu.memory_space<vmem>>, vector<16xf32>,
        %add3A_1050 = arith.constant 18 : i32
        %add3A_1051 = arith.addi %mul3A_475, %add3A_1050 : i32
        %get3A_1052 = arith.constant 0 : i32
        %get3A_1053 = arith.constant 0 : i32
        %get3A_1054 = tpu.memref_slice %arg7[%scan3A_404, %get3A_1052, %get3A_1053] : memref<2x320x64xf32, #tpu.memory_space<vmem>> -> memref<1x320x64xf32, #tpu.memory_space<vmem>>
        %get3A_1055 = tpu.memref_squeeze %get3A_1054 : memref<1x320x64xf32, #tpu.memory_space<vmem>> -> memref<320x64xf32, #tpu.memory_space<vmem>>
        %get3A_1056 = arith.index_cast %add3A_1051 : i32 to index
        %get3A_1057 = arith.constant 32 : index
        %get3A_1058 = tpu.vector_load %get3A_1055[%get3A_1056, %get3A_1057] {strides = array<i32>} : memref<320x64xf32, #tpu.memory_space<vmem>>, vector<16xf32>,
        %add3A_1059 = arith.constant 19 : i32
        %add3A_1060 = arith.addi %mul3A_475, %add3A_1059 : i32
        %get3A_1061 = arith.constant 0 : i32
        %get3A_1062 = arith.constant 0 : i32
        %get3A_1063 = tpu.memref_slice %arg7[%scan3A_404, %get3A_1061, %get3A_1062] : memref<2x320x64xf32, #tpu.memory_space<vmem>> -> memref<1x320x64xf32, #tpu.memory_space<vmem>>
        %get3A_1064 = tpu.memref_squeeze %get3A_1063 : memref<1x320x64xf32, #tpu.memory_space<vmem>> -> memref<320x64xf32, #tpu.memory_space<vmem>>
        %get3A_1065 = arith.index_cast %add3A_1060 : i32 to index
        %get3A_1066 = arith.constant 32 : index
        %get3A_1067 = tpu.vector_load %get3A_1064[%get3A_1065, %get3A_1066] {strides = array<i32>} : memref<320x64xf32, #tpu.memory_space<vmem>>, vector<16xf32>,
        %add3A_1068 = arith.addf %get3A_896, %get3A_905 : vector<16xf32>
        %add3A_1069 = arith.addf %get3A_914, %get3A_923 : vector<16xf32>
        %add3A_1070 = arith.addf %get3A_932, %get3A_941 : vector<16xf32>
        %add3A_1071 = arith.addf %get3A_950, %get3A_959 : vector<16xf32>
        %add3A_1072 = arith.addf %get3A_968, %get3A_977 : vector<16xf32>
        %add3A_1073 = arith.addf %get3A_986, %get3A_995 : vector<16xf32>
        %add3A_1074 = arith.addf %get3A_1004, %get3A_1013 : vector<16xf32>
        %add3A_1075 = arith.addf %get3A_1022, %get3A_1031 : vector<16xf32>
        %add3A_1076 = arith.addf %get3A_1040, %get3A_1049 : vector<16xf32>
        %add3A_1077 = arith.addf %get3A_1058, %get3A_1067 : vector<16xf32>
        %add3A_1078 = arith.addf %add3A_1068, %add3A_1069 : vector<16xf32>
        %add3A_1079 = arith.addf %add3A_1070, %add3A_1071 : vector<16xf32>
        %add3A_1080 = arith.addf %add3A_1072, %add3A_1073 : vector<16xf32>
        %add3A_1081 = arith.addf %add3A_1074, %add3A_1075 : vector<16xf32>
        %add3A_1082 = arith.addf %add3A_1076, %add3A_1077 : vector<16xf32>
        %add3A_1083 = arith.addf %add3A_1078, %add3A_1079 : vector<16xf32>
        %add3A_1084 = arith.addf %add3A_1080, %add3A_1081 : vector<16xf32>
        %add3A_1085 = arith.addf %add3A_1083, %add3A_1084 : vector<16xf32>
        %add3A_1086 = arith.addf %add3A_1085, %add3A_1082 : vector<16xf32>
        %mul3A_1087 = vector.broadcast %scan3A_405 : f32 to vector<16xf32>
        %mul3A_1088 = arith.mulf %add3A_1086, %mul3A_1087 : vector<16xf32>
        %mul3A_1089 = arith.constant 16 : i32
        %mul3A_1090 = arith.muli %mul3A_285, %mul3A_1089 : i32
        %add3A_1091 = arith.addi %mul3A_1090, %scan3A_473 : i32
        %swap3A_1092 = arith.index_cast %add3A_1091 : i32 to index
        %swap3A_1093 = arith.constant 32 : index
        %swap3A_1094 = tpu.vector_load %arg8[%swap3A_1092, %swap3A_1093] {strides = array<i32>} : memref<512x64xf32, #tpu.memory_space<vmem>>, vector<16xf32>,
        tpu.vector_store %arg8[%swap3A_1092, %swap3A_1093], %mul3A_1088 {strides = array<i32>} : memref<512x64xf32, #tpu.memory_space<vmem>>, vector<16xf32>,
        %add3A_1095 = arith.constant 0 : i32
        %add3A_1096 = arith.addi %mul3A_475, %add3A_1095 : i32
        %get3A_1097 = arith.constant 0 : i32
        %get3A_1098 = arith.constant 0 : i32
        %get3A_1099 = tpu.memref_slice %arg7[%scan3A_404, %get3A_1097, %get3A_1098] : memref<2x320x64xf32, #tpu.memory_space<vmem>> -> memref<1x320x64xf32, #tpu.memory_space<vmem>>
        %get3A_1100 = tpu.memref_squeeze %get3A_1099 : memref<1x320x64xf32, #tpu.memory_space<vmem>> -> memref<320x64xf32, #tpu.memory_space<vmem>>
        %get3A_1101 = arith.index_cast %add3A_1096 : i32 to index
        %get3A_1102 = arith.constant 48 : index
        %get3A_1103 = tpu.vector_load %get3A_1100[%get3A_1101, %get3A_1102] {strides = array<i32>} : memref<320x64xf32, #tpu.memory_space<vmem>>, vector<16xf32>,
        %add3A_1104 = arith.constant 1 : i32
        %add3A_1105 = arith.addi %mul3A_475, %add3A_1104 : i32
        %get3A_1106 = arith.constant 0 : i32
        %get3A_1107 = arith.constant 0 : i32
        %get3A_1108 = tpu.memref_slice %arg7[%scan3A_404, %get3A_1106, %get3A_1107] : memref<2x320x64xf32, #tpu.memory_space<vmem>> -> memref<1x320x64xf32, #tpu.memory_space<vmem>>
        %get3A_1109 = tpu.memref_squeeze %get3A_1108 : memref<1x320x64xf32, #tpu.memory_space<vmem>> -> memref<320x64xf32, #tpu.memory_space<vmem>>
        %get3A_1110 = arith.index_cast %add3A_1105 : i32 to index
        %get3A_1111 = arith.constant 48 : index
        %get3A_1112 = tpu.vector_load %get3A_1109[%get3A_1110, %get3A_1111] {strides = array<i32>} : memref<320x64xf32, #tpu.memory_space<vmem>>, vector<16xf32>,
        %add3A_1113 = arith.constant 2 : i32
        %add3A_1114 = arith.addi %mul3A_475, %add3A_1113 : i32
        %get3A_1115 = arith.constant 0 : i32
        %get3A_1116 = arith.constant 0 : i32
        %get3A_1117 = tpu.memref_slice %arg7[%scan3A_404, %get3A_1115, %get3A_1116] : memref<2x320x64xf32, #tpu.memory_space<vmem>> -> memref<1x320x64xf32, #tpu.memory_space<vmem>>
        %get3A_1118 = tpu.memref_squeeze %get3A_1117 : memref<1x320x64xf32, #tpu.memory_space<vmem>> -> memref<320x64xf32, #tpu.memory_space<vmem>>
        %get3A_1119 = arith.index_cast %add3A_1114 : i32 to index
        %get3A_1120 = arith.constant 48 : index
        %get3A_1121 = tpu.vector_load %get3A_1118[%get3A_1119, %get3A_1120] {strides = array<i32>} : memref<320x64xf32, #tpu.memory_space<vmem>>, vector<16xf32>,
        %add3A_1122 = arith.constant 3 : i32
        %add3A_1123 = arith.addi %mul3A_475, %add3A_1122 : i32
        %get3A_1124 = arith.constant 0 : i32
        %get3A_1125 = arith.constant 0 : i32
        %get3A_1126 = tpu.memref_slice %arg7[%scan3A_404, %get3A_1124, %get3A_1125] : memref<2x320x64xf32, #tpu.memory_space<vmem>> -> memref<1x320x64xf32, #tpu.memory_space<vmem>>
        %get3A_1127 = tpu.memref_squeeze %get3A_1126 : memref<1x320x64xf32, #tpu.memory_space<vmem>> -> memref<320x64xf32, #tpu.memory_space<vmem>>
        %get3A_1128 = arith.index_cast %add3A_1123 : i32 to index
        %get3A_1129 = arith.constant 48 : index
        %get3A_1130 = tpu.vector_load %get3A_1127[%get3A_1128, %get3A_1129] {strides = array<i32>} : memref<320x64xf32, #tpu.memory_space<vmem>>, vector<16xf32>,
        %add3A_1131 = arith.constant 4 : i32
        %add3A_1132 = arith.addi %mul3A_475, %add3A_1131 : i32
        %get3A_1133 = arith.constant 0 : i32
        %get3A_1134 = arith.constant 0 : i32
        %get3A_1135 = tpu.memref_slice %arg7[%scan3A_404, %get3A_1133, %get3A_1134] : memref<2x320x64xf32, #tpu.memory_space<vmem>> -> memref<1x320x64xf32, #tpu.memory_space<vmem>>
        %get3A_1136 = tpu.memref_squeeze %get3A_1135 : memref<1x320x64xf32, #tpu.memory_space<vmem>> -> memref<320x64xf32, #tpu.memory_space<vmem>>
        %get3A_1137 = arith.index_cast %add3A_1132 : i32 to index
        %get3A_1138 = arith.constant 48 : index
        %get3A_1139 = tpu.vector_load %get3A_1136[%get3A_1137, %get3A_1138] {strides = array<i32>} : memref<320x64xf32, #tpu.memory_space<vmem>>, vector<16xf32>,
        %add3A_1140 = arith.constant 5 : i32
        %add3A_1141 = arith.addi %mul3A_475, %add3A_1140 : i32
        %get3A_1142 = arith.constant 0 : i32
        %get3A_1143 = arith.constant 0 : i32
        %get3A_1144 = tpu.memref_slice %arg7[%scan3A_404, %get3A_1142, %get3A_1143] : memref<2x320x64xf32, #tpu.memory_space<vmem>> -> memref<1x320x64xf32, #tpu.memory_space<vmem>>
        %get3A_1145 = tpu.memref_squeeze %get3A_1144 : memref<1x320x64xf32, #tpu.memory_space<vmem>> -> memref<320x64xf32, #tpu.memory_space<vmem>>
        %get3A_1146 = arith.index_cast %add3A_1141 : i32 to index
        %get3A_1147 = arith.constant 48 : index
        %get3A_1148 = tpu.vector_load %get3A_1145[%get3A_1146, %get3A_1147] {strides = array<i32>} : memref<320x64xf32, #tpu.memory_space<vmem>>, vector<16xf32>,
        %add3A_1149 = arith.constant 6 : i32
        %add3A_1150 = arith.addi %mul3A_475, %add3A_1149 : i32
        %get3A_1151 = arith.constant 0 : i32
        %get3A_1152 = arith.constant 0 : i32
        %get3A_1153 = tpu.memref_slice %arg7[%scan3A_404, %get3A_1151, %get3A_1152] : memref<2x320x64xf32, #tpu.memory_space<vmem>> -> memref<1x320x64xf32, #tpu.memory_space<vmem>>
        %get3A_1154 = tpu.memref_squeeze %get3A_1153 : memref<1x320x64xf32, #tpu.memory_space<vmem>> -> memref<320x64xf32, #tpu.memory_space<vmem>>
        %get3A_1155 = arith.index_cast %add3A_1150 : i32 to index
        %get3A_1156 = arith.constant 48 : index
        %get3A_1157 = tpu.vector_load %get3A_1154[%get3A_1155, %get3A_1156] {strides = array<i32>} : memref<320x64xf32, #tpu.memory_space<vmem>>, vector<16xf32>,
        %add3A_1158 = arith.constant 7 : i32
        %add3A_1159 = arith.addi %mul3A_475, %add3A_1158 : i32
        %get3A_1160 = arith.constant 0 : i32
        %get3A_1161 = arith.constant 0 : i32
        %get3A_1162 = tpu.memref_slice %arg7[%scan3A_404, %get3A_1160, %get3A_1161] : memref<2x320x64xf32, #tpu.memory_space<vmem>> -> memref<1x320x64xf32, #tpu.memory_space<vmem>>
        %get3A_1163 = tpu.memref_squeeze %get3A_1162 : memref<1x320x64xf32, #tpu.memory_space<vmem>> -> memref<320x64xf32, #tpu.memory_space<vmem>>
        %get3A_1164 = arith.index_cast %add3A_1159 : i32 to index
        %get3A_1165 = arith.constant 48 : index
        %get3A_1166 = tpu.vector_load %get3A_1163[%get3A_1164, %get3A_1165] {strides = array<i32>} : memref<320x64xf32, #tpu.memory_space<vmem>>, vector<16xf32>,
        %add3A_1167 = arith.constant 8 : i32
        %add3A_1168 = arith.addi %mul3A_475, %add3A_1167 : i32
        %get3A_1169 = arith.constant 0 : i32
        %get3A_1170 = arith.constant 0 : i32
        %get3A_1171 = tpu.memref_slice %arg7[%scan3A_404, %get3A_1169, %get3A_1170] : memref<2x320x64xf32, #tpu.memory_space<vmem>> -> memref<1x320x64xf32, #tpu.memory_space<vmem>>
        %get3A_1172 = tpu.memref_squeeze %get3A_1171 : memref<1x320x64xf32, #tpu.memory_space<vmem>> -> memref<320x64xf32, #tpu.memory_space<vmem>>
        %get3A_1173 = arith.index_cast %add3A_1168 : i32 to index
        %get3A_1174 = arith.constant 48 : index
        %get3A_1175 = tpu.vector_load %get3A_1172[%get3A_1173, %get3A_1174] {strides = array<i32>} : memref<320x64xf32, #tpu.memory_space<vmem>>, vector<16xf32>,
        %add3A_1176 = arith.constant 9 : i32
        %add3A_1177 = arith.addi %mul3A_475, %add3A_1176 : i32
        %get3A_1178 = arith.constant 0 : i32
        %get3A_1179 = arith.constant 0 : i32
        %get3A_1180 = tpu.memref_slice %arg7[%scan3A_404, %get3A_1178, %get3A_1179] : memref<2x320x64xf32, #tpu.memory_space<vmem>> -> memref<1x320x64xf32, #tpu.memory_space<vmem>>
        %get3A_1181 = tpu.memref_squeeze %get3A_1180 : memref<1x320x64xf32, #tpu.memory_space<vmem>> -> memref<320x64xf32, #tpu.memory_space<vmem>>
        %get3A_1182 = arith.index_cast %add3A_1177 : i32 to index
        %get3A_1183 = arith.constant 48 : index
        %get3A_1184 = tpu.vector_load %get3A_1181[%get3A_1182, %get3A_1183] {strides = array<i32>} : memref<320x64xf32, #tpu.memory_space<vmem>>, vector<16xf32>,
        %add3A_1185 = arith.constant 10 : i32
        %add3A_1186 = arith.addi %mul3A_475, %add3A_1185 : i32
        %get3A_1187 = arith.constant 0 : i32
        %get3A_1188 = arith.constant 0 : i32
        %get3A_1189 = tpu.memref_slice %arg7[%scan3A_404, %get3A_1187, %get3A_1188] : memref<2x320x64xf32, #tpu.memory_space<vmem>> -> memref<1x320x64xf32, #tpu.memory_space<vmem>>
        %get3A_1190 = tpu.memref_squeeze %get3A_1189 : memref<1x320x64xf32, #tpu.memory_space<vmem>> -> memref<320x64xf32, #tpu.memory_space<vmem>>
        %get3A_1191 = arith.index_cast %add3A_1186 : i32 to index
        %get3A_1192 = arith.constant 48 : index
        %get3A_1193 = tpu.vector_load %get3A_1190[%get3A_1191, %get3A_1192] {strides = array<i32>} : memref<320x64xf32, #tpu.memory_space<vmem>>, vector<16xf32>,
        %add3A_1194 = arith.constant 11 : i32
        %add3A_1195 = arith.addi %mul3A_475, %add3A_1194 : i32
        %get3A_1196 = arith.constant 0 : i32
        %get3A_1197 = arith.constant 0 : i32
        %get3A_1198 = tpu.memref_slice %arg7[%scan3A_404, %get3A_1196, %get3A_1197] : memref<2x320x64xf32, #tpu.memory_space<vmem>> -> memref<1x320x64xf32, #tpu.memory_space<vmem>>
        %get3A_1199 = tpu.memref_squeeze %get3A_1198 : memref<1x320x64xf32, #tpu.memory_space<vmem>> -> memref<320x64xf32, #tpu.memory_space<vmem>>
        %get3A_1200 = arith.index_cast %add3A_1195 : i32 to index
        %get3A_1201 = arith.constant 48 : index
        %get3A_1202 = tpu.vector_load %get3A_1199[%get3A_1200, %get3A_1201] {strides = array<i32>} : memref<320x64xf32, #tpu.memory_space<vmem>>, vector<16xf32>,
        %add3A_1203 = arith.constant 12 : i32
        %add3A_1204 = arith.addi %mul3A_475, %add3A_1203 : i32
        %get3A_1205 = arith.constant 0 : i32
        %get3A_1206 = arith.constant 0 : i32
        %get3A_1207 = tpu.memref_slice %arg7[%scan3A_404, %get3A_1205, %get3A_1206] : memref<2x320x64xf32, #tpu.memory_space<vmem>> -> memref<1x320x64xf32, #tpu.memory_space<vmem>>
        %get3A_1208 = tpu.memref_squeeze %get3A_1207 : memref<1x320x64xf32, #tpu.memory_space<vmem>> -> memref<320x64xf32, #tpu.memory_space<vmem>>
        %get3A_1209 = arith.index_cast %add3A_1204 : i32 to index
        %get3A_1210 = arith.constant 48 : index
        %get3A_1211 = tpu.vector_load %get3A_1208[%get3A_1209, %get3A_1210] {strides = array<i32>} : memref<320x64xf32, #tpu.memory_space<vmem>>, vector<16xf32>,
        %add3A_1212 = arith.constant 13 : i32
        %add3A_1213 = arith.addi %mul3A_475, %add3A_1212 : i32
        %get3A_1214 = arith.constant 0 : i32
        %get3A_1215 = arith.constant 0 : i32
        %get3A_1216 = tpu.memref_slice %arg7[%scan3A_404, %get3A_1214, %get3A_1215] : memref<2x320x64xf32, #tpu.memory_space<vmem>> -> memref<1x320x64xf32, #tpu.memory_space<vmem>>
        %get3A_1217 = tpu.memref_squeeze %get3A_1216 : memref<1x320x64xf32, #tpu.memory_space<vmem>> -> memref<320x64xf32, #tpu.memory_space<vmem>>
        %get3A_1218 = arith.index_cast %add3A_1213 : i32 to index
        %get3A_1219 = arith.constant 48 : index
        %get3A_1220 = tpu.vector_load %get3A_1217[%get3A_1218, %get3A_1219] {strides = array<i32>} : memref<320x64xf32, #tpu.memory_space<vmem>>, vector<16xf32>,
        %add3A_1221 = arith.constant 14 : i32
        %add3A_1222 = arith.addi %mul3A_475, %add3A_1221 : i32
        %get3A_1223 = arith.constant 0 : i32
        %get3A_1224 = arith.constant 0 : i32
        %get3A_1225 = tpu.memref_slice %arg7[%scan3A_404, %get3A_1223, %get3A_1224] : memref<2x320x64xf32, #tpu.memory_space<vmem>> -> memref<1x320x64xf32, #tpu.memory_space<vmem>>
        %get3A_1226 = tpu.memref_squeeze %get3A_1225 : memref<1x320x64xf32, #tpu.memory_space<vmem>> -> memref<320x64xf32, #tpu.memory_space<vmem>>
        %get3A_1227 = arith.index_cast %add3A_1222 : i32 to index
        %get3A_1228 = arith.constant 48 : index
        %get3A_1229 = tpu.vector_load %get3A_1226[%get3A_1227, %get3A_1228] {strides = array<i32>} : memref<320x64xf32, #tpu.memory_space<vmem>>, vector<16xf32>,
        %add3A_1230 = arith.constant 15 : i32
        %add3A_1231 = arith.addi %mul3A_475, %add3A_1230 : i32
        %get3A_1232 = arith.constant 0 : i32
        %get3A_1233 = arith.constant 0 : i32
        %get3A_1234 = tpu.memref_slice %arg7[%scan3A_404, %get3A_1232, %get3A_1233] : memref<2x320x64xf32, #tpu.memory_space<vmem>> -> memref<1x320x64xf32, #tpu.memory_space<vmem>>
        %get3A_1235 = tpu.memref_squeeze %get3A_1234 : memref<1x320x64xf32, #tpu.memory_space<vmem>> -> memref<320x64xf32, #tpu.memory_space<vmem>>
        %get3A_1236 = arith.index_cast %add3A_1231 : i32 to index
        %get3A_1237 = arith.constant 48 : index
        %get3A_1238 = tpu.vector_load %get3A_1235[%get3A_1236, %get3A_1237] {strides = array<i32>} : memref<320x64xf32, #tpu.memory_space<vmem>>, vector<16xf32>,
        %add3A_1239 = arith.constant 16 : i32
        %add3A_1240 = arith.addi %mul3A_475, %add3A_1239 : i32
        %get3A_1241 = arith.constant 0 : i32
        %get3A_1242 = arith.constant 0 : i32
        %get3A_1243 = tpu.memref_slice %arg7[%scan3A_404, %get3A_1241, %get3A_1242] : memref<2x320x64xf32, #tpu.memory_space<vmem>> -> memref<1x320x64xf32, #tpu.memory_space<vmem>>
        %get3A_1244 = tpu.memref_squeeze %get3A_1243 : memref<1x320x64xf32, #tpu.memory_space<vmem>> -> memref<320x64xf32, #tpu.memory_space<vmem>>
        %get3A_1245 = arith.index_cast %add3A_1240 : i32 to index
        %get3A_1246 = arith.constant 48 : index
        %get3A_1247 = tpu.vector_load %get3A_1244[%get3A_1245, %get3A_1246] {strides = array<i32>} : memref<320x64xf32, #tpu.memory_space<vmem>>, vector<16xf32>,
        %add3A_1248 = arith.constant 17 : i32
        %add3A_1249 = arith.addi %mul3A_475, %add3A_1248 : i32
        %get3A_1250 = arith.constant 0 : i32
        %get3A_1251 = arith.constant 0 : i32
        %get3A_1252 = tpu.memref_slice %arg7[%scan3A_404, %get3A_1250, %get3A_1251] : memref<2x320x64xf32, #tpu.memory_space<vmem>> -> memref<1x320x64xf32, #tpu.memory_space<vmem>>
        %get3A_1253 = tpu.memref_squeeze %get3A_1252 : memref<1x320x64xf32, #tpu.memory_space<vmem>> -> memref<320x64xf32, #tpu.memory_space<vmem>>
        %get3A_1254 = arith.index_cast %add3A_1249 : i32 to index
        %get3A_1255 = arith.constant 48 : index
        %get3A_1256 = tpu.vector_load %get3A_1253[%get3A_1254, %get3A_1255] {strides = array<i32>} : memref<320x64xf32, #tpu.memory_space<vmem>>, vector<16xf32>,
        %add3A_1257 = arith.constant 18 : i32
        %add3A_1258 = arith.addi %mul3A_475, %add3A_1257 : i32
        %get3A_1259 = arith.constant 0 : i32
        %get3A_1260 = arith.constant 0 : i32
        %get3A_1261 = tpu.memref_slice %arg7[%scan3A_404, %get3A_1259, %get3A_1260] : memref<2x320x64xf32, #tpu.memory_space<vmem>> -> memref<1x320x64xf32, #tpu.memory_space<vmem>>
        %get3A_1262 = tpu.memref_squeeze %get3A_1261 : memref<1x320x64xf32, #tpu.memory_space<vmem>> -> memref<320x64xf32, #tpu.memory_space<vmem>>
        %get3A_1263 = arith.index_cast %add3A_1258 : i32 to index
        %get3A_1264 = arith.constant 48 : index
        %get3A_1265 = tpu.vector_load %get3A_1262[%get3A_1263, %get3A_1264] {strides = array<i32>} : memref<320x64xf32, #tpu.memory_space<vmem>>, vector<16xf32>,
        %add3A_1266 = arith.constant 19 : i32
        %add3A_1267 = arith.addi %mul3A_475, %add3A_1266 : i32
        %get3A_1268 = arith.constant 0 : i32
        %get3A_1269 = arith.constant 0 : i32
        %get3A_1270 = tpu.memref_slice %arg7[%scan3A_404, %get3A_1268, %get3A_1269] : memref<2x320x64xf32, #tpu.memory_space<vmem>> -> memref<1x320x64xf32, #tpu.memory_space<vmem>>
        %get3A_1271 = tpu.memref_squeeze %get3A_1270 : memref<1x320x64xf32, #tpu.memory_space<vmem>> -> memref<320x64xf32, #tpu.memory_space<vmem>>
        %get3A_1272 = arith.index_cast %add3A_1267 : i32 to index
        %get3A_1273 = arith.constant 48 : index
        %get3A_1274 = tpu.vector_load %get3A_1271[%get3A_1272, %get3A_1273] {strides = array<i32>} : memref<320x64xf32, #tpu.memory_space<vmem>>, vector<16xf32>,
        %add3A_1275 = arith.addf %get3A_1103, %get3A_1112 : vector<16xf32>
        %add3A_1276 = arith.addf %get3A_1121, %get3A_1130 : vector<16xf32>
        %add3A_1277 = arith.addf %get3A_1139, %get3A_1148 : vector<16xf32>
        %add3A_1278 = arith.addf %get3A_1157, %get3A_1166 : vector<16xf32>
        %add3A_1279 = arith.addf %get3A_1175, %get3A_1184 : vector<16xf32>
        %add3A_1280 = arith.addf %get3A_1193, %get3A_1202 : vector<16xf32>
        %add3A_1281 = arith.addf %get3A_1211, %get3A_1220 : vector<16xf32>
        %add3A_1282 = arith.addf %get3A_1229, %get3A_1238 : vector<16xf32>
        %add3A_1283 = arith.addf %get3A_1247, %get3A_1256 : vector<16xf32>
        %add3A_1284 = arith.addf %get3A_1265, %get3A_1274 : vector<16xf32>
        %add3A_1285 = arith.addf %add3A_1275, %add3A_1276 : vector<16xf32>
        %add3A_1286 = arith.addf %add3A_1277, %add3A_1278 : vector<16xf32>
        %add3A_1287 = arith.addf %add3A_1279, %add3A_1280 : vector<16xf32>
        %add3A_1288 = arith.addf %add3A_1281, %add3A_1282 : vector<16xf32>
        %add3A_1289 = arith.addf %add3A_1283, %add3A_1284 : vector<16xf32>
        %add3A_1290 = arith.addf %add3A_1285, %add3A_1286 : vector<16xf32>
        %add3A_1291 = arith.addf %add3A_1287, %add3A_1288 : vector<16xf32>
        %add3A_1292 = arith.addf %add3A_1290, %add3A_1291 : vector<16xf32>
        %add3A_1293 = arith.addf %add3A_1292, %add3A_1289 : vector<16xf32>
        %mul3A_1294 = vector.broadcast %scan3A_405 : f32 to vector<16xf32>
        %mul3A_1295 = arith.mulf %add3A_1293, %mul3A_1294 : vector<16xf32>
        %mul3A_1296 = arith.constant 16 : i32
        %mul3A_1297 = arith.muli %mul3A_285, %mul3A_1296 : i32
        %add3A_1298 = arith.addi %mul3A_1297, %scan3A_473 : i32
        %swap3A_1299 = arith.index_cast %add3A_1298 : i32 to index
        %swap3A_1300 = arith.constant 48 : index
        %swap3A_1301 = tpu.vector_load %arg8[%swap3A_1299, %swap3A_1300] {strides = array<i32>} : memref<512x64xf32, #tpu.memory_space<vmem>>, vector<16xf32>,
        tpu.vector_store %arg8[%swap3A_1299, %swap3A_1300], %mul3A_1295 {strides = array<i32>} : memref<512x64xf32, #tpu.memory_space<vmem>>, vector<16xf32>,
      }
      %scan3A_410 = arith.constant 16 : i32
      %lt3A = arith.constant 15 : i32
      %lt3A_411 = arith.cmpi slt, %scan3A_283, %lt3A : i32
      %convert_element_type3A = arith.extui %lt3A_411 : i1 to i32
      %cond3A = arith.constant 0 : i32
      %cond3A_412 = arith.cmpi ne, %convert_element_type3A, %cond3A : i32
      scf.if %cond3A_412 {
        %add3A_473 = arith.constant 2 : i32
        %add3A_474 = arith.addi %mul3A_285, %add3A_473 : i32
        %mul3A_475 = arith.constant 320 : i32
        %mul3A_476 = arith.muli %add3A_474, %mul3A_475 : i32
        %add3A_477 = arith.constant 0 : i32
        %add3A_478 = arith.addi %mul3A_476, %add3A_477 : i32
        %dma_start3A_479 = arith.constant 0 : i32
        %dma_start3A_480 = arith.constant 0 : i32
        %dma_start3A_481 = arith.constant 0 : i32
        %dma_start3A_482 = tpu.memref_slice %arg7[%dma_start3A_479, %dma_start3A_480, %dma_start3A_481] : memref<2x320x64xf32, #tpu.memory_space<vmem>> -> memref<1x64x64xf32, #tpu.memory_space<vmem>>
        %dma_start3A_483 = tpu.memref_squeeze %dma_start3A_482 : memref<1x64x64xf32, #tpu.memory_space<vmem>> -> memref<64x64xf32, #tpu.memory_space<vmem>>
        %dma_start3A_484 = tpu.memref_slice %arg6[%add3A_478] : memref<10240xi32, #tpu.memory_space<vmem>> -> memref<64xi32, #tpu.memory_space<vmem>>
        %dma_start3A_485 = arith.constant 0 : i32
        %dma_start3A_486 = arith.constant 0 : i32
        %dma_start3A_487 = tpu.memref_slice %arg3[%dma_start3A_485, %dma_start3A_486] : memref<1003520x64xf32, #tpu.memory_space<hbm>> -> memref<1003520x64xf32, #tpu.memory_space<hbm>>
        tpu.enqueue_indirect_dma source(%dma_start3A_487 : memref<1003520x64xf32, #tpu.memory_space<hbm>>) target(%dma_start3A_483 : memref<64x64xf32, #tpu.memory_space<vmem>>) offsets(%dma_start3A_484 : memref<64xi32, #tpu.memory_space<vmem>>) semaphore(%arg9 : memref<!tpu.dma_semaphore, #tpu.memory_space<semaphore_mem>>)
        %mul3A_488 = arith.constant 320 : i32
        %mul3A_489 = arith.muli %add3A_474, %mul3A_488 : i32
        %add3A_490 = arith.constant 64 : i32
        %add3A_491 = arith.addi %mul3A_489, %add3A_490 : i32
        %dma_start3A_492 = arith.constant 0 : i32
        %dma_start3A_493 = arith.constant 64 : i32
        %dma_start3A_494 = arith.constant 0 : i32
        %dma_start3A_495 = tpu.memref_slice %arg7[%dma_start3A_492, %dma_start3A_493, %dma_start3A_494] : memref<2x320x64xf32, #tpu.memory_space<vmem>> -> memref<1x64x64xf32, #tpu.memory_space<vmem>>
        %dma_start3A_496 = tpu.memref_squeeze %dma_start3A_495 : memref<1x64x64xf32, #tpu.memory_space<vmem>> -> memref<64x64xf32, #tpu.memory_space<vmem>>
        %dma_start3A_497 = tpu.memref_slice %arg6[%add3A_491] : memref<10240xi32, #tpu.memory_space<vmem>> -> memref<64xi32, #tpu.memory_space<vmem>>
        %dma_start3A_498 = arith.constant 0 : i32
        %dma_start3A_499 = arith.constant 0 : i32
        %dma_start3A_500 = tpu.memref_slice %arg3[%dma_start3A_498, %dma_start3A_499] : memref<1003520x64xf32, #tpu.memory_space<hbm>> -> memref<1003520x64xf32, #tpu.memory_space<hbm>>
        tpu.enqueue_indirect_dma source(%dma_start3A_500 : memref<1003520x64xf32, #tpu.memory_space<hbm>>) target(%dma_start3A_496 : memref<64x64xf32, #tpu.memory_space<vmem>>) offsets(%dma_start3A_497 : memref<64xi32, #tpu.memory_space<vmem>>) semaphore(%arg9 : memref<!tpu.dma_semaphore, #tpu.memory_space<semaphore_mem>>)
        %mul3A_501 = arith.constant 320 : i32
        %mul3A_502 = arith.muli %add3A_474, %mul3A_501 : i32
        %add3A_503 = arith.constant 128 : i32
        %add3A_504 = arith.addi %mul3A_502, %add3A_503 : i32
        %dma_start3A_505 = arith.constant 0 : i32
        %dma_start3A_506 = arith.constant 128 : i32
        %dma_start3A_507 = arith.constant 0 : i32
        %dma_start3A_508 = tpu.memref_slice %arg7[%dma_start3A_505, %dma_start3A_506, %dma_start3A_507] : memref<2x320x64xf32, #tpu.memory_space<vmem>> -> memref<1x64x64xf32, #tpu.memory_space<vmem>>
        %dma_start3A_509 = tpu.memref_squeeze %dma_start3A_508 : memref<1x64x64xf32, #tpu.memory_space<vmem>> -> memref<64x64xf32, #tpu.memory_space<vmem>>
        %dma_start3A_510 = tpu.memref_slice %arg6[%add3A_504] : memref<10240xi32, #tpu.memory_space<vmem>> -> memref<64xi32, #tpu.memory_space<vmem>>
        %dma_start3A_511 = arith.constant 0 : i32
        %dma_start3A_512 = arith.constant 0 : i32
        %dma_start3A_513 = tpu.memref_slice %arg3[%dma_start3A_511, %dma_start3A_512] : memref<1003520x64xf32, #tpu.memory_space<hbm>> -> memref<1003520x64xf32, #tpu.memory_space<hbm>>
        tpu.enqueue_indirect_dma source(%dma_start3A_513 : memref<1003520x64xf32, #tpu.memory_space<hbm>>) target(%dma_start3A_509 : memref<64x64xf32, #tpu.memory_space<vmem>>) offsets(%dma_start3A_510 : memref<64xi32, #tpu.memory_space<vmem>>) semaphore(%arg9 : memref<!tpu.dma_semaphore, #tpu.memory_space<semaphore_mem>>)
        %mul3A_514 = arith.constant 320 : i32
        %mul3A_515 = arith.muli %add3A_474, %mul3A_514 : i32
        %add3A_516 = arith.constant 192 : i32
        %add3A_517 = arith.addi %mul3A_515, %add3A_516 : i32
        %dma_start3A_518 = arith.constant 0 : i32
        %dma_start3A_519 = arith.constant 192 : i32
        %dma_start3A_520 = arith.constant 0 : i32
        %dma_start3A_521 = tpu.memref_slice %arg7[%dma_start3A_518, %dma_start3A_519, %dma_start3A_520] : memref<2x320x64xf32, #tpu.memory_space<vmem>> -> memref<1x64x64xf32, #tpu.memory_space<vmem>>
        %dma_start3A_522 = tpu.memref_squeeze %dma_start3A_521 : memref<1x64x64xf32, #tpu.memory_space<vmem>> -> memref<64x64xf32, #tpu.memory_space<vmem>>
        %dma_start3A_523 = tpu.memref_slice %arg6[%add3A_517] : memref<10240xi32, #tpu.memory_space<vmem>> -> memref<64xi32, #tpu.memory_space<vmem>>
        %dma_start3A_524 = arith.constant 0 : i32
        %dma_start3A_525 = arith.constant 0 : i32
        %dma_start3A_526 = tpu.memref_slice %arg3[%dma_start3A_524, %dma_start3A_525] : memref<1003520x64xf32, #tpu.memory_space<hbm>> -> memref<1003520x64xf32, #tpu.memory_space<hbm>>
        tpu.enqueue_indirect_dma source(%dma_start3A_526 : memref<1003520x64xf32, #tpu.memory_space<hbm>>) target(%dma_start3A_522 : memref<64x64xf32, #tpu.memory_space<vmem>>) offsets(%dma_start3A_523 : memref<64xi32, #tpu.memory_space<vmem>>) semaphore(%arg9 : memref<!tpu.dma_semaphore, #tpu.memory_space<semaphore_mem>>)
        %mul3A_527 = arith.constant 320 : i32
        %mul3A_528 = arith.muli %add3A_474, %mul3A_527 : i32
        %add3A_529 = arith.constant 256 : i32
        %add3A_530 = arith.addi %mul3A_528, %add3A_529 : i32
        %dma_start3A_531 = arith.constant 0 : i32
        %dma_start3A_532 = arith.constant 256 : i32
        %dma_start3A_533 = arith.constant 0 : i32
        %dma_start3A_534 = tpu.memref_slice %arg7[%dma_start3A_531, %dma_start3A_532, %dma_start3A_533] : memref<2x320x64xf32, #tpu.memory_space<vmem>> -> memref<1x64x64xf32, #tpu.memory_space<vmem>>
        %dma_start3A_535 = tpu.memref_squeeze %dma_start3A_534 : memref<1x64x64xf32, #tpu.memory_space<vmem>> -> memref<64x64xf32, #tpu.memory_space<vmem>>
        %dma_start3A_536 = tpu.memref_slice %arg6[%add3A_530] : memref<10240xi32, #tpu.memory_space<vmem>> -> memref<64xi32, #tpu.memory_space<vmem>>
        %dma_start3A_537 = arith.constant 0 : i32
        %dma_start3A_538 = arith.constant 0 : i32
        %dma_start3A_539 = tpu.memref_slice %arg3[%dma_start3A_537, %dma_start3A_538] : memref<1003520x64xf32, #tpu.memory_space<hbm>> -> memref<1003520x64xf32, #tpu.memory_space<hbm>>
        tpu.enqueue_indirect_dma source(%dma_start3A_539 : memref<1003520x64xf32, #tpu.memory_space<hbm>>) target(%dma_start3A_535 : memref<64x64xf32, #tpu.memory_space<vmem>>) offsets(%dma_start3A_536 : memref<64xi32, #tpu.memory_space<vmem>>) semaphore(%arg9 : memref<!tpu.dma_semaphore, #tpu.memory_space<semaphore_mem>>)
      } else {
      }
      %dma_wait3A_413 = arith.constant 1 : i32
      %dma_wait3A_414 = arith.constant 0 : i32
      %dma_wait3A_415 = arith.constant 0 : i32
      %dma_wait3A_416 = tpu.memref_slice %arg7[%dma_wait3A_413, %dma_wait3A_414, %dma_wait3A_415] : memref<2x320x64xf32, #tpu.memory_space<vmem>> -> memref<1x64x64xf32, #tpu.memory_space<vmem>>
      %dma_wait3A_417 = tpu.memref_squeeze %dma_wait3A_416 : memref<1x64x64xf32, #tpu.memory_space<vmem>> -> memref<64x64xf32, #tpu.memory_space<vmem>>
      %dma_wait3A_418 = arith.constant 0 : i32
      %dma_wait3A_419 = tpu.memref_slice %arg6[%dma_wait3A_418] : memref<10240xi32, #tpu.memory_space<vmem>> -> memref<64xi32, #tpu.memory_space<vmem>>
      %dma_wait3A_420 = arith.constant 0 : i32
      %dma_wait3A_421 = arith.constant 0 : i32
      %dma_wait3A_422 = tpu.memref_slice %arg3[%dma_wait3A_420, %dma_wait3A_421] : memref<1003520x64xf32, #tpu.memory_space<hbm>> -> memref<1003520x64xf32, #tpu.memory_space<hbm>>
      tpu.wait_indirect_dma semaphore(%arg10 : memref<!tpu.dma_semaphore, #tpu.memory_space<semaphore_mem>>) src(%dma_wait3A_422 : memref<1003520x64xf32, #tpu.memory_space<hbm>>) dst(%dma_wait3A_417 : memref<64x64xf32, #tpu.memory_space<vmem>>)
      %dma_wait3A_423 = arith.constant 1 : i32
      %dma_wait3A_424 = arith.constant 64 : i32
      %dma_wait3A_425 = arith.constant 0 : i32
      %dma_wait3A_426 = tpu.memref_slice %arg7[%dma_wait3A_423, %dma_wait3A_424, %dma_wait3A_425] : memref<2x320x64xf32, #tpu.memory_space<vmem>> -> memref<1x64x64xf32, #tpu.memory_space<vmem>>
      %dma_wait3A_427 = tpu.memref_squeeze %dma_wait3A_426 : memref<1x64x64xf32, #tpu.memory_space<vmem>> -> memref<64x64xf32, #tpu.memory_space<vmem>>
      %dma_wait3A_428 = arith.constant 0 : i32
      %dma_wait3A_429 = tpu.memref_slice %arg6[%dma_wait3A_428] : memref<10240xi32, #tpu.memory_space<vmem>> -> memref<64xi32, #tpu.memory_space<vmem>>
      %dma_wait3A_430 = arith.constant 0 : i32
      %dma_wait3A_431 = arith.constant 0 : i32
      %dma_wait3A_432 = tpu.memref_slice %arg3[%dma_wait3A_430, %dma_wait3A_431] : memref<1003520x64xf32, #tpu.memory_space<hbm>> -> memref<1003520x64xf32, #tpu.memory_space<hbm>>
      tpu.wait_indirect_dma semaphore(%arg10 : memref<!tpu.dma_semaphore, #tpu.memory_space<semaphore_mem>>) src(%dma_wait3A_432 : memref<1003520x64xf32, #tpu.memory_space<hbm>>) dst(%dma_wait3A_427 : memref<64x64xf32, #tpu.memory_space<vmem>>)
      %dma_wait3A_433 = arith.constant 1 : i32
      %dma_wait3A_434 = arith.constant 128 : i32
      %dma_wait3A_435 = arith.constant 0 : i32
      %dma_wait3A_436 = tpu.memref_slice %arg7[%dma_wait3A_433, %dma_wait3A_434, %dma_wait3A_435] : memref<2x320x64xf32, #tpu.memory_space<vmem>> -> memref<1x64x64xf32, #tpu.memory_space<vmem>>
      %dma_wait3A_437 = tpu.memref_squeeze %dma_wait3A_436 : memref<1x64x64xf32, #tpu.memory_space<vmem>> -> memref<64x64xf32, #tpu.memory_space<vmem>>
      %dma_wait3A_438 = arith.constant 0 : i32
      %dma_wait3A_439 = tpu.memref_slice %arg6[%dma_wait3A_438] : memref<10240xi32, #tpu.memory_space<vmem>> -> memref<64xi32, #tpu.memory_space<vmem>>
      %dma_wait3A_440 = arith.constant 0 : i32
      %dma_wait3A_441 = arith.constant 0 : i32
      %dma_wait3A_442 = tpu.memref_slice %arg3[%dma_wait3A_440, %dma_wait3A_441] : memref<1003520x64xf32, #tpu.memory_space<hbm>> -> memref<1003520x64xf32, #tpu.memory_space<hbm>>
      tpu.wait_indirect_dma semaphore(%arg10 : memref<!tpu.dma_semaphore, #tpu.memory_space<semaphore_mem>>) src(%dma_wait3A_442 : memref<1003520x64xf32, #tpu.memory_space<hbm>>) dst(%dma_wait3A_437 : memref<64x64xf32, #tpu.memory_space<vmem>>)
      %dma_wait3A_443 = arith.constant 1 : i32
      %dma_wait3A_444 = arith.constant 192 : i32
      %dma_wait3A_445 = arith.constant 0 : i32
      %dma_wait3A_446 = tpu.memref_slice %arg7[%dma_wait3A_443, %dma_wait3A_444, %dma_wait3A_445] : memref<2x320x64xf32, #tpu.memory_space<vmem>> -> memref<1x64x64xf32, #tpu.memory_space<vmem>>
      %dma_wait3A_447 = tpu.memref_squeeze %dma_wait3A_446 : memref<1x64x64xf32, #tpu.memory_space<vmem>> -> memref<64x64xf32, #tpu.memory_space<vmem>>
      %dma_wait3A_448 = arith.constant 0 : i32
      %dma_wait3A_449 = tpu.memref_slice %arg6[%dma_wait3A_448] : memref<10240xi32, #tpu.memory_space<vmem>> -> memref<64xi32, #tpu.memory_space<vmem>>
      %dma_wait3A_450 = arith.constant 0 : i32
      %dma_wait3A_451 = arith.constant 0 : i32
      %dma_wait3A_452 = tpu.memref_slice %arg3[%dma_wait3A_450, %dma_wait3A_451] : memref<1003520x64xf32, #tpu.memory_space<hbm>> -> memref<1003520x64xf32, #tpu.memory_space<hbm>>
      tpu.wait_indirect_dma semaphore(%arg10 : memref<!tpu.dma_semaphore, #tpu.memory_space<semaphore_mem>>) src(%dma_wait3A_452 : memref<1003520x64xf32, #tpu.memory_space<hbm>>) dst(%dma_wait3A_447 : memref<64x64xf32, #tpu.memory_space<vmem>>)
      %dma_wait3A_453 = arith.constant 1 : i32
      %dma_wait3A_454 = arith.constant 256 : i32
      %dma_wait3A_455 = arith.constant 0 : i32
      %dma_wait3A_456 = tpu.memref_slice %arg7[%dma_wait3A_453, %dma_wait3A_454, %dma_wait3A_455] : memref<2x320x64xf32, #tpu.memory_space<vmem>> -> memref<1x64x64xf32, #tpu.memory_space<vmem>>
      %dma_wait3A_457 = tpu.memref_squeeze %dma_wait3A_456 : memref<1x64x64xf32, #tpu.memory_space<vmem>> -> memref<64x64xf32, #tpu.memory_space<vmem>>
      %dma_wait3A_458 = arith.constant 0 : i32
      %dma_wait3A_459 = tpu.memref_slice %arg6[%dma_wait3A_458] : memref<10240xi32, #tpu.memory_space<vmem>> -> memref<64xi32, #tpu.memory_space<vmem>>
      %dma_wait3A_460 = arith.constant 0 : i32
      %dma_wait3A_461 = arith.constant 0 : i32
      %dma_wait3A_462 = tpu.memref_slice %arg3[%dma_wait3A_460, %dma_wait3A_461] : memref<1003520x64xf32, #tpu.memory_space<hbm>> -> memref<1003520x64xf32, #tpu.memory_space<hbm>>
      tpu.wait_indirect_dma semaphore(%arg10 : memref<!tpu.dma_semaphore, #tpu.memory_space<semaphore_mem>>) src(%dma_wait3A_462 : memref<1003520x64xf32, #tpu.memory_space<hbm>>) dst(%dma_wait3A_457 : memref<64x64xf32, #tpu.memory_space<vmem>>)
      %add3A_463 = arith.constant 1 : i32
      %add3A_464 = arith.addi %mul3A_285, %add3A_463 : i32
      %scan3A_465 = arith.constant 0 : i32
      %scan3A_466 = arith.constant 1 : i32
      %scan3A_467 = arith.constant 5.000000e-02 : f32
      %scan3A_468 = arith.constant 0 : i32
      %scan3A_469 = arith.constant 16 : i32
      %scan3A_470 = arith.addi %scan3A_468, %scan3A_469 : i32
      %scan3A_471 = arith.constant 1 : i32
      scf.for %scan3A_473 = %scan3A_468 to %scan3A_470 step %scan3A_471  : i32 {
        %mul3A_474 = arith.constant 20 : i32
        %mul3A_475 = arith.muli %scan3A_473, %mul3A_474 : i32
        %add3A_476 = arith.constant 0 : i32
        %add3A_477 = arith.addi %mul3A_475, %add3A_476 : i32
        %get3A = arith.constant 0 : i32
        %get3A_478 = arith.constant 0 : i32
        %get3A_479 = tpu.memref_slice %arg7[%scan3A_466, %get3A, %get3A_478] : memref<2x320x64xf32, #tpu.memory_space<vmem>> -> memref<1x320x64xf32, #tpu.memory_space<vmem>>
        %get3A_480 = tpu.memref_squeeze %get3A_479 : memref<1x320x64xf32, #tpu.memory_space<vmem>> -> memref<320x64xf32, #tpu.memory_space<vmem>>
        %get3A_481 = arith.index_cast %add3A_477 : i32 to index
        %get3A_482 = arith.constant 0 : index
        %get3A_483 = tpu.vector_load %get3A_480[%get3A_481, %get3A_482] {strides = array<i32>} : memref<320x64xf32, #tpu.memory_space<vmem>>, vector<16xf32>,
        %add3A_484 = arith.constant 1 : i32
        %add3A_485 = arith.addi %mul3A_475, %add3A_484 : i32
        %get3A_486 = arith.constant 0 : i32
        %get3A_487 = arith.constant 0 : i32
        %get3A_488 = tpu.memref_slice %arg7[%scan3A_466, %get3A_486, %get3A_487] : memref<2x320x64xf32, #tpu.memory_space<vmem>> -> memref<1x320x64xf32, #tpu.memory_space<vmem>>
        %get3A_489 = tpu.memref_squeeze %get3A_488 : memref<1x320x64xf32, #tpu.memory_space<vmem>> -> memref<320x64xf32, #tpu.memory_space<vmem>>
        %get3A_490 = arith.index_cast %add3A_485 : i32 to index
        %get3A_491 = arith.constant 0 : index
        %get3A_492 = tpu.vector_load %get3A_489[%get3A_490, %get3A_491] {strides = array<i32>} : memref<320x64xf32, #tpu.memory_space<vmem>>, vector<16xf32>,
        %add3A_493 = arith.constant 2 : i32
        %add3A_494 = arith.addi %mul3A_475, %add3A_493 : i32
        %get3A_495 = arith.constant 0 : i32
        %get3A_496 = arith.constant 0 : i32
        %get3A_497 = tpu.memref_slice %arg7[%scan3A_466, %get3A_495, %get3A_496] : memref<2x320x64xf32, #tpu.memory_space<vmem>> -> memref<1x320x64xf32, #tpu.memory_space<vmem>>
        %get3A_498 = tpu.memref_squeeze %get3A_497 : memref<1x320x64xf32, #tpu.memory_space<vmem>> -> memref<320x64xf32, #tpu.memory_space<vmem>>
        %get3A_499 = arith.index_cast %add3A_494 : i32 to index
        %get3A_500 = arith.constant 0 : index
        %get3A_501 = tpu.vector_load %get3A_498[%get3A_499, %get3A_500] {strides = array<i32>} : memref<320x64xf32, #tpu.memory_space<vmem>>, vector<16xf32>,
        %add3A_502 = arith.constant 3 : i32
        %add3A_503 = arith.addi %mul3A_475, %add3A_502 : i32
        %get3A_504 = arith.constant 0 : i32
        %get3A_505 = arith.constant 0 : i32
        %get3A_506 = tpu.memref_slice %arg7[%scan3A_466, %get3A_504, %get3A_505] : memref<2x320x64xf32, #tpu.memory_space<vmem>> -> memref<1x320x64xf32, #tpu.memory_space<vmem>>
        %get3A_507 = tpu.memref_squeeze %get3A_506 : memref<1x320x64xf32, #tpu.memory_space<vmem>> -> memref<320x64xf32, #tpu.memory_space<vmem>>
        %get3A_508 = arith.index_cast %add3A_503 : i32 to index
        %get3A_509 = arith.constant 0 : index
        %get3A_510 = tpu.vector_load %get3A_507[%get3A_508, %get3A_509] {strides = array<i32>} : memref<320x64xf32, #tpu.memory_space<vmem>>, vector<16xf32>,
        %add3A_511 = arith.constant 4 : i32
        %add3A_512 = arith.addi %mul3A_475, %add3A_511 : i32
        %get3A_513 = arith.constant 0 : i32
        %get3A_514 = arith.constant 0 : i32
        %get3A_515 = tpu.memref_slice %arg7[%scan3A_466, %get3A_513, %get3A_514] : memref<2x320x64xf32, #tpu.memory_space<vmem>> -> memref<1x320x64xf32, #tpu.memory_space<vmem>>
        %get3A_516 = tpu.memref_squeeze %get3A_515 : memref<1x320x64xf32, #tpu.memory_space<vmem>> -> memref<320x64xf32, #tpu.memory_space<vmem>>
        %get3A_517 = arith.index_cast %add3A_512 : i32 to index
        %get3A_518 = arith.constant 0 : index
        %get3A_519 = tpu.vector_load %get3A_516[%get3A_517, %get3A_518] {strides = array<i32>} : memref<320x64xf32, #tpu.memory_space<vmem>>, vector<16xf32>,
        %add3A_520 = arith.constant 5 : i32
        %add3A_521 = arith.addi %mul3A_475, %add3A_520 : i32
        %get3A_522 = arith.constant 0 : i32
        %get3A_523 = arith.constant 0 : i32
        %get3A_524 = tpu.memref_slice %arg7[%scan3A_466, %get3A_522, %get3A_523] : memref<2x320x64xf32, #tpu.memory_space<vmem>> -> memref<1x320x64xf32, #tpu.memory_space<vmem>>
        %get3A_525 = tpu.memref_squeeze %get3A_524 : memref<1x320x64xf32, #tpu.memory_space<vmem>> -> memref<320x64xf32, #tpu.memory_space<vmem>>
        %get3A_526 = arith.index_cast %add3A_521 : i32 to index
        %get3A_527 = arith.constant 0 : index
        %get3A_528 = tpu.vector_load %get3A_525[%get3A_526, %get3A_527] {strides = array<i32>} : memref<320x64xf32, #tpu.memory_space<vmem>>, vector<16xf32>,
        %add3A_529 = arith.constant 6 : i32
        %add3A_530 = arith.addi %mul3A_475, %add3A_529 : i32
        %get3A_531 = arith.constant 0 : i32
        %get3A_532 = arith.constant 0 : i32
        %get3A_533 = tpu.memref_slice %arg7[%scan3A_466, %get3A_531, %get3A_532] : memref<2x320x64xf32, #tpu.memory_space<vmem>> -> memref<1x320x64xf32, #tpu.memory_space<vmem>>
        %get3A_534 = tpu.memref_squeeze %get3A_533 : memref<1x320x64xf32, #tpu.memory_space<vmem>> -> memref<320x64xf32, #tpu.memory_space<vmem>>
        %get3A_535 = arith.index_cast %add3A_530 : i32 to index
        %get3A_536 = arith.constant 0 : index
        %get3A_537 = tpu.vector_load %get3A_534[%get3A_535, %get3A_536] {strides = array<i32>} : memref<320x64xf32, #tpu.memory_space<vmem>>, vector<16xf32>,
        %add3A_538 = arith.constant 7 : i32
        %add3A_539 = arith.addi %mul3A_475, %add3A_538 : i32
        %get3A_540 = arith.constant 0 : i32
        %get3A_541 = arith.constant 0 : i32
        %get3A_542 = tpu.memref_slice %arg7[%scan3A_466, %get3A_540, %get3A_541] : memref<2x320x64xf32, #tpu.memory_space<vmem>> -> memref<1x320x64xf32, #tpu.memory_space<vmem>>
        %get3A_543 = tpu.memref_squeeze %get3A_542 : memref<1x320x64xf32, #tpu.memory_space<vmem>> -> memref<320x64xf32, #tpu.memory_space<vmem>>
        %get3A_544 = arith.index_cast %add3A_539 : i32 to index
        %get3A_545 = arith.constant 0 : index
        %get3A_546 = tpu.vector_load %get3A_543[%get3A_544, %get3A_545] {strides = array<i32>} : memref<320x64xf32, #tpu.memory_space<vmem>>, vector<16xf32>,
        %add3A_547 = arith.constant 8 : i32
        %add3A_548 = arith.addi %mul3A_475, %add3A_547 : i32
        %get3A_549 = arith.constant 0 : i32
        %get3A_550 = arith.constant 0 : i32
        %get3A_551 = tpu.memref_slice %arg7[%scan3A_466, %get3A_549, %get3A_550] : memref<2x320x64xf32, #tpu.memory_space<vmem>> -> memref<1x320x64xf32, #tpu.memory_space<vmem>>
        %get3A_552 = tpu.memref_squeeze %get3A_551 : memref<1x320x64xf32, #tpu.memory_space<vmem>> -> memref<320x64xf32, #tpu.memory_space<vmem>>
        %get3A_553 = arith.index_cast %add3A_548 : i32 to index
        %get3A_554 = arith.constant 0 : index
        %get3A_555 = tpu.vector_load %get3A_552[%get3A_553, %get3A_554] {strides = array<i32>} : memref<320x64xf32, #tpu.memory_space<vmem>>, vector<16xf32>,
        %add3A_556 = arith.constant 9 : i32
        %add3A_557 = arith.addi %mul3A_475, %add3A_556 : i32
        %get3A_558 = arith.constant 0 : i32
        %get3A_559 = arith.constant 0 : i32
        %get3A_560 = tpu.memref_slice %arg7[%scan3A_466, %get3A_558, %get3A_559] : memref<2x320x64xf32, #tpu.memory_space<vmem>> -> memref<1x320x64xf32, #tpu.memory_space<vmem>>
        %get3A_561 = tpu.memref_squeeze %get3A_560 : memref<1x320x64xf32, #tpu.memory_space<vmem>> -> memref<320x64xf32, #tpu.memory_space<vmem>>
        %get3A_562 = arith.index_cast %add3A_557 : i32 to index
        %get3A_563 = arith.constant 0 : index
        %get3A_564 = tpu.vector_load %get3A_561[%get3A_562, %get3A_563] {strides = array<i32>} : memref<320x64xf32, #tpu.memory_space<vmem>>, vector<16xf32>,
        %add3A_565 = arith.constant 10 : i32
        %add3A_566 = arith.addi %mul3A_475, %add3A_565 : i32
        %get3A_567 = arith.constant 0 : i32
        %get3A_568 = arith.constant 0 : i32
        %get3A_569 = tpu.memref_slice %arg7[%scan3A_466, %get3A_567, %get3A_568] : memref<2x320x64xf32, #tpu.memory_space<vmem>> -> memref<1x320x64xf32, #tpu.memory_space<vmem>>
        %get3A_570 = tpu.memref_squeeze %get3A_569 : memref<1x320x64xf32, #tpu.memory_space<vmem>> -> memref<320x64xf32, #tpu.memory_space<vmem>>
        %get3A_571 = arith.index_cast %add3A_566 : i32 to index
        %get3A_572 = arith.constant 0 : index
        %get3A_573 = tpu.vector_load %get3A_570[%get3A_571, %get3A_572] {strides = array<i32>} : memref<320x64xf32, #tpu.memory_space<vmem>>, vector<16xf32>,
        %add3A_574 = arith.constant 11 : i32
        %add3A_575 = arith.addi %mul3A_475, %add3A_574 : i32
        %get3A_576 = arith.constant 0 : i32
        %get3A_577 = arith.constant 0 : i32
        %get3A_578 = tpu.memref_slice %arg7[%scan3A_466, %get3A_576, %get3A_577] : memref<2x320x64xf32, #tpu.memory_space<vmem>> -> memref<1x320x64xf32, #tpu.memory_space<vmem>>
        %get3A_579 = tpu.memref_squeeze %get3A_578 : memref<1x320x64xf32, #tpu.memory_space<vmem>> -> memref<320x64xf32, #tpu.memory_space<vmem>>
        %get3A_580 = arith.index_cast %add3A_575 : i32 to index
        %get3A_581 = arith.constant 0 : index
        %get3A_582 = tpu.vector_load %get3A_579[%get3A_580, %get3A_581] {strides = array<i32>} : memref<320x64xf32, #tpu.memory_space<vmem>>, vector<16xf32>,
        %add3A_583 = arith.constant 12 : i32
        %add3A_584 = arith.addi %mul3A_475, %add3A_583 : i32
        %get3A_585 = arith.constant 0 : i32
        %get3A_586 = arith.constant 0 : i32
        %get3A_587 = tpu.memref_slice %arg7[%scan3A_466, %get3A_585, %get3A_586] : memref<2x320x64xf32, #tpu.memory_space<vmem>> -> memref<1x320x64xf32, #tpu.memory_space<vmem>>
        %get3A_588 = tpu.memref_squeeze %get3A_587 : memref<1x320x64xf32, #tpu.memory_space<vmem>> -> memref<320x64xf32, #tpu.memory_space<vmem>>
        %get3A_589 = arith.index_cast %add3A_584 : i32 to index
        %get3A_590 = arith.constant 0 : index
        %get3A_591 = tpu.vector_load %get3A_588[%get3A_589, %get3A_590] {strides = array<i32>} : memref<320x64xf32, #tpu.memory_space<vmem>>, vector<16xf32>,
        %add3A_592 = arith.constant 13 : i32
        %add3A_593 = arith.addi %mul3A_475, %add3A_592 : i32
        %get3A_594 = arith.constant 0 : i32
        %get3A_595 = arith.constant 0 : i32
        %get3A_596 = tpu.memref_slice %arg7[%scan3A_466, %get3A_594, %get3A_595] : memref<2x320x64xf32, #tpu.memory_space<vmem>> -> memref<1x320x64xf32, #tpu.memory_space<vmem>>
        %get3A_597 = tpu.memref_squeeze %get3A_596 : memref<1x320x64xf32, #tpu.memory_space<vmem>> -> memref<320x64xf32, #tpu.memory_space<vmem>>
        %get3A_598 = arith.index_cast %add3A_593 : i32 to index
        %get3A_599 = arith.constant 0 : index
        %get3A_600 = tpu.vector_load %get3A_597[%get3A_598, %get3A_599] {strides = array<i32>} : memref<320x64xf32, #tpu.memory_space<vmem>>, vector<16xf32>,
        %add3A_601 = arith.constant 14 : i32
        %add3A_602 = arith.addi %mul3A_475, %add3A_601 : i32
        %get3A_603 = arith.constant 0 : i32
        %get3A_604 = arith.constant 0 : i32
        %get3A_605 = tpu.memref_slice %arg7[%scan3A_466, %get3A_603, %get3A_604] : memref<2x320x64xf32, #tpu.memory_space<vmem>> -> memref<1x320x64xf32, #tpu.memory_space<vmem>>
        %get3A_606 = tpu.memref_squeeze %get3A_605 : memref<1x320x64xf32, #tpu.memory_space<vmem>> -> memref<320x64xf32, #tpu.memory_space<vmem>>
        %get3A_607 = arith.index_cast %add3A_602 : i32 to index
        %get3A_608 = arith.constant 0 : index
        %get3A_609 = tpu.vector_load %get3A_606[%get3A_607, %get3A_608] {strides = array<i32>} : memref<320x64xf32, #tpu.memory_space<vmem>>, vector<16xf32>,
        %add3A_610 = arith.constant 15 : i32
        %add3A_611 = arith.addi %mul3A_475, %add3A_610 : i32
        %get3A_612 = arith.constant 0 : i32
        %get3A_613 = arith.constant 0 : i32
        %get3A_614 = tpu.memref_slice %arg7[%scan3A_466, %get3A_612, %get3A_613] : memref<2x320x64xf32, #tpu.memory_space<vmem>> -> memref<1x320x64xf32, #tpu.memory_space<vmem>>
        %get3A_615 = tpu.memref_squeeze %get3A_614 : memref<1x320x64xf32, #tpu.memory_space<vmem>> -> memref<320x64xf32, #tpu.memory_space<vmem>>
        %get3A_616 = arith.index_cast %add3A_611 : i32 to index
        %get3A_617 = arith.constant 0 : index
        %get3A_618 = tpu.vector_load %get3A_615[%get3A_616, %get3A_617] {strides = array<i32>} : memref<320x64xf32, #tpu.memory_space<vmem>>, vector<16xf32>,
        %add3A_619 = arith.constant 16 : i32
        %add3A_620 = arith.addi %mul3A_475, %add3A_619 : i32
        %get3A_621 = arith.constant 0 : i32
        %get3A_622 = arith.constant 0 : i32
        %get3A_623 = tpu.memref_slice %arg7[%scan3A_466, %get3A_621, %get3A_622] : memref<2x320x64xf32, #tpu.memory_space<vmem>> -> memref<1x320x64xf32, #tpu.memory_space<vmem>>
        %get3A_624 = tpu.memref_squeeze %get3A_623 : memref<1x320x64xf32, #tpu.memory_space<vmem>> -> memref<320x64xf32, #tpu.memory_space<vmem>>
        %get3A_625 = arith.index_cast %add3A_620 : i32 to index
        %get3A_626 = arith.constant 0 : index
        %get3A_627 = tpu.vector_load %get3A_624[%get3A_625, %get3A_626] {strides = array<i32>} : memref<320x64xf32, #tpu.memory_space<vmem>>, vector<16xf32>,
        %add3A_628 = arith.constant 17 : i32
        %add3A_629 = arith.addi %mul3A_475, %add3A_628 : i32
        %get3A_630 = arith.constant 0 : i32
        %get3A_631 = arith.constant 0 : i32
        %get3A_632 = tpu.memref_slice %arg7[%scan3A_466, %get3A_630, %get3A_631] : memref<2x320x64xf32, #tpu.memory_space<vmem>> -> memref<1x320x64xf32, #tpu.memory_space<vmem>>
        %get3A_633 = tpu.memref_squeeze %get3A_632 : memref<1x320x64xf32, #tpu.memory_space<vmem>> -> memref<320x64xf32, #tpu.memory_space<vmem>>
        %get3A_634 = arith.index_cast %add3A_629 : i32 to index
        %get3A_635 = arith.constant 0 : index
        %get3A_636 = tpu.vector_load %get3A_633[%get3A_634, %get3A_635] {strides = array<i32>} : memref<320x64xf32, #tpu.memory_space<vmem>>, vector<16xf32>,
        %add3A_637 = arith.constant 18 : i32
        %add3A_638 = arith.addi %mul3A_475, %add3A_637 : i32
        %get3A_639 = arith.constant 0 : i32
        %get3A_640 = arith.constant 0 : i32
        %get3A_641 = tpu.memref_slice %arg7[%scan3A_466, %get3A_639, %get3A_640] : memref<2x320x64xf32, #tpu.memory_space<vmem>> -> memref<1x320x64xf32, #tpu.memory_space<vmem>>
        %get3A_642 = tpu.memref_squeeze %get3A_641 : memref<1x320x64xf32, #tpu.memory_space<vmem>> -> memref<320x64xf32, #tpu.memory_space<vmem>>
        %get3A_643 = arith.index_cast %add3A_638 : i32 to index
        %get3A_644 = arith.constant 0 : index
        %get3A_645 = tpu.vector_load %get3A_642[%get3A_643, %get3A_644] {strides = array<i32>} : memref<320x64xf32, #tpu.memory_space<vmem>>, vector<16xf32>,
        %add3A_646 = arith.constant 19 : i32
        %add3A_647 = arith.addi %mul3A_475, %add3A_646 : i32
        %get3A_648 = arith.constant 0 : i32
        %get3A_649 = arith.constant 0 : i32
        %get3A_650 = tpu.memref_slice %arg7[%scan3A_466, %get3A_648, %get3A_649] : memref<2x320x64xf32, #tpu.memory_space<vmem>> -> memref<1x320x64xf32, #tpu.memory_space<vmem>>
        %get3A_651 = tpu.memref_squeeze %get3A_650 : memref<1x320x64xf32, #tpu.memory_space<vmem>> -> memref<320x64xf32, #tpu.memory_space<vmem>>
        %get3A_652 = arith.index_cast %add3A_647 : i32 to index
        %get3A_653 = arith.constant 0 : index
        %get3A_654 = tpu.vector_load %get3A_651[%get3A_652, %get3A_653] {strides = array<i32>} : memref<320x64xf32, #tpu.memory_space<vmem>>, vector<16xf32>,
        %add3A_655 = arith.addf %get3A_483, %get3A_492 : vector<16xf32>
        %add3A_656 = arith.addf %get3A_501, %get3A_510 : vector<16xf32>
        %add3A_657 = arith.addf %get3A_519, %get3A_528 : vector<16xf32>
        %add3A_658 = arith.addf %get3A_537, %get3A_546 : vector<16xf32>
        %add3A_659 = arith.addf %get3A_555, %get3A_564 : vector<16xf32>
        %add3A_660 = arith.addf %get3A_573, %get3A_582 : vector<16xf32>
        %add3A_661 = arith.addf %get3A_591, %get3A_600 : vector<16xf32>
        %add3A_662 = arith.addf %get3A_609, %get3A_618 : vector<16xf32>
        %add3A_663 = arith.addf %get3A_627, %get3A_636 : vector<16xf32>
        %add3A_664 = arith.addf %get3A_645, %get3A_654 : vector<16xf32>
        %add3A_665 = arith.addf %add3A_655, %add3A_656 : vector<16xf32>
        %add3A_666 = arith.addf %add3A_657, %add3A_658 : vector<16xf32>
        %add3A_667 = arith.addf %add3A_659, %add3A_660 : vector<16xf32>
        %add3A_668 = arith.addf %add3A_661, %add3A_662 : vector<16xf32>
        %add3A_669 = arith.addf %add3A_663, %add3A_664 : vector<16xf32>
        %add3A_670 = arith.addf %add3A_665, %add3A_666 : vector<16xf32>
        %add3A_671 = arith.addf %add3A_667, %add3A_668 : vector<16xf32>
        %add3A_672 = arith.addf %add3A_670, %add3A_671 : vector<16xf32>
        %add3A_673 = arith.addf %add3A_672, %add3A_669 : vector<16xf32>
        %mul3A_674 = vector.broadcast %scan3A_467 : f32 to vector<16xf32>
        %mul3A_675 = arith.mulf %add3A_673, %mul3A_674 : vector<16xf32>
        %mul3A_676 = arith.constant 16 : i32
        %mul3A_677 = arith.muli %add3A_464, %mul3A_676 : i32
        %add3A_678 = arith.addi %mul3A_677, %scan3A_473 : i32
        %swap3A = arith.index_cast %add3A_678 : i32 to index
        %swap3A_679 = arith.constant 0 : index
        %swap3A_680 = tpu.vector_load %arg8[%swap3A, %swap3A_679] {strides = array<i32>} : memref<512x64xf32, #tpu.memory_space<vmem>>, vector<16xf32>,
        tpu.vector_store %arg8[%swap3A, %swap3A_679], %mul3A_675 {strides = array<i32>} : memref<512x64xf32, #tpu.memory_space<vmem>>, vector<16xf32>,
        %add3A_681 = arith.constant 0 : i32
        %add3A_682 = arith.addi %mul3A_475, %add3A_681 : i32
        %get3A_683 = arith.constant 0 : i32
        %get3A_684 = arith.constant 0 : i32
        %get3A_685 = tpu.memref_slice %arg7[%scan3A_466, %get3A_683, %get3A_684] : memref<2x320x64xf32, #tpu.memory_space<vmem>> -> memref<1x320x64xf32, #tpu.memory_space<vmem>>
        %get3A_686 = tpu.memref_squeeze %get3A_685 : memref<1x320x64xf32, #tpu.memory_space<vmem>> -> memref<320x64xf32, #tpu.memory_space<vmem>>
        %get3A_687 = arith.index_cast %add3A_682 : i32 to index
        %get3A_688 = arith.constant 16 : index
        %get3A_689 = tpu.vector_load %get3A_686[%get3A_687, %get3A_688] {strides = array<i32>} : memref<320x64xf32, #tpu.memory_space<vmem>>, vector<16xf32>,
        %add3A_690 = arith.constant 1 : i32
        %add3A_691 = arith.addi %mul3A_475, %add3A_690 : i32
        %get3A_692 = arith.constant 0 : i32
        %get3A_693 = arith.constant 0 : i32
        %get3A_694 = tpu.memref_slice %arg7[%scan3A_466, %get3A_692, %get3A_693] : memref<2x320x64xf32, #tpu.memory_space<vmem>> -> memref<1x320x64xf32, #tpu.memory_space<vmem>>
        %get3A_695 = tpu.memref_squeeze %get3A_694 : memref<1x320x64xf32, #tpu.memory_space<vmem>> -> memref<320x64xf32, #tpu.memory_space<vmem>>
        %get3A_696 = arith.index_cast %add3A_691 : i32 to index
        %get3A_697 = arith.constant 16 : index
        %get3A_698 = tpu.vector_load %get3A_695[%get3A_696, %get3A_697] {strides = array<i32>} : memref<320x64xf32, #tpu.memory_space<vmem>>, vector<16xf32>,
        %add3A_699 = arith.constant 2 : i32
        %add3A_700 = arith.addi %mul3A_475, %add3A_699 : i32
        %get3A_701 = arith.constant 0 : i32
        %get3A_702 = arith.constant 0 : i32
        %get3A_703 = tpu.memref_slice %arg7[%scan3A_466, %get3A_701, %get3A_702] : memref<2x320x64xf32, #tpu.memory_space<vmem>> -> memref<1x320x64xf32, #tpu.memory_space<vmem>>
        %get3A_704 = tpu.memref_squeeze %get3A_703 : memref<1x320x64xf32, #tpu.memory_space<vmem>> -> memref<320x64xf32, #tpu.memory_space<vmem>>
        %get3A_705 = arith.index_cast %add3A_700 : i32 to index
        %get3A_706 = arith.constant 16 : index
        %get3A_707 = tpu.vector_load %get3A_704[%get3A_705, %get3A_706] {strides = array<i32>} : memref<320x64xf32, #tpu.memory_space<vmem>>, vector<16xf32>,
        %add3A_708 = arith.constant 3 : i32
        %add3A_709 = arith.addi %mul3A_475, %add3A_708 : i32
        %get3A_710 = arith.constant 0 : i32
        %get3A_711 = arith.constant 0 : i32
        %get3A_712 = tpu.memref_slice %arg7[%scan3A_466, %get3A_710, %get3A_711] : memref<2x320x64xf32, #tpu.memory_space<vmem>> -> memref<1x320x64xf32, #tpu.memory_space<vmem>>
        %get3A_713 = tpu.memref_squeeze %get3A_712 : memref<1x320x64xf32, #tpu.memory_space<vmem>> -> memref<320x64xf32, #tpu.memory_space<vmem>>
        %get3A_714 = arith.index_cast %add3A_709 : i32 to index
        %get3A_715 = arith.constant 16 : index
        %get3A_716 = tpu.vector_load %get3A_713[%get3A_714, %get3A_715] {strides = array<i32>} : memref<320x64xf32, #tpu.memory_space<vmem>>, vector<16xf32>,
        %add3A_717 = arith.constant 4 : i32
        %add3A_718 = arith.addi %mul3A_475, %add3A_717 : i32
        %get3A_719 = arith.constant 0 : i32
        %get3A_720 = arith.constant 0 : i32
        %get3A_721 = tpu.memref_slice %arg7[%scan3A_466, %get3A_719, %get3A_720] : memref<2x320x64xf32, #tpu.memory_space<vmem>> -> memref<1x320x64xf32, #tpu.memory_space<vmem>>
        %get3A_722 = tpu.memref_squeeze %get3A_721 : memref<1x320x64xf32, #tpu.memory_space<vmem>> -> memref<320x64xf32, #tpu.memory_space<vmem>>
        %get3A_723 = arith.index_cast %add3A_718 : i32 to index
        %get3A_724 = arith.constant 16 : index
        %get3A_725 = tpu.vector_load %get3A_722[%get3A_723, %get3A_724] {strides = array<i32>} : memref<320x64xf32, #tpu.memory_space<vmem>>, vector<16xf32>,
        %add3A_726 = arith.constant 5 : i32
        %add3A_727 = arith.addi %mul3A_475, %add3A_726 : i32
        %get3A_728 = arith.constant 0 : i32
        %get3A_729 = arith.constant 0 : i32
        %get3A_730 = tpu.memref_slice %arg7[%scan3A_466, %get3A_728, %get3A_729] : memref<2x320x64xf32, #tpu.memory_space<vmem>> -> memref<1x320x64xf32, #tpu.memory_space<vmem>>
        %get3A_731 = tpu.memref_squeeze %get3A_730 : memref<1x320x64xf32, #tpu.memory_space<vmem>> -> memref<320x64xf32, #tpu.memory_space<vmem>>
        %get3A_732 = arith.index_cast %add3A_727 : i32 to index
        %get3A_733 = arith.constant 16 : index
        %get3A_734 = tpu.vector_load %get3A_731[%get3A_732, %get3A_733] {strides = array<i32>} : memref<320x64xf32, #tpu.memory_space<vmem>>, vector<16xf32>,
        %add3A_735 = arith.constant 6 : i32
        %add3A_736 = arith.addi %mul3A_475, %add3A_735 : i32
        %get3A_737 = arith.constant 0 : i32
        %get3A_738 = arith.constant 0 : i32
        %get3A_739 = tpu.memref_slice %arg7[%scan3A_466, %get3A_737, %get3A_738] : memref<2x320x64xf32, #tpu.memory_space<vmem>> -> memref<1x320x64xf32, #tpu.memory_space<vmem>>
        %get3A_740 = tpu.memref_squeeze %get3A_739 : memref<1x320x64xf32, #tpu.memory_space<vmem>> -> memref<320x64xf32, #tpu.memory_space<vmem>>
        %get3A_741 = arith.index_cast %add3A_736 : i32 to index
        %get3A_742 = arith.constant 16 : index
        %get3A_743 = tpu.vector_load %get3A_740[%get3A_741, %get3A_742] {strides = array<i32>} : memref<320x64xf32, #tpu.memory_space<vmem>>, vector<16xf32>,
        %add3A_744 = arith.constant 7 : i32
        %add3A_745 = arith.addi %mul3A_475, %add3A_744 : i32
        %get3A_746 = arith.constant 0 : i32
        %get3A_747 = arith.constant 0 : i32
        %get3A_748 = tpu.memref_slice %arg7[%scan3A_466, %get3A_746, %get3A_747] : memref<2x320x64xf32, #tpu.memory_space<vmem>> -> memref<1x320x64xf32, #tpu.memory_space<vmem>>
        %get3A_749 = tpu.memref_squeeze %get3A_748 : memref<1x320x64xf32, #tpu.memory_space<vmem>> -> memref<320x64xf32, #tpu.memory_space<vmem>>
        %get3A_750 = arith.index_cast %add3A_745 : i32 to index
        %get3A_751 = arith.constant 16 : index
        %get3A_752 = tpu.vector_load %get3A_749[%get3A_750, %get3A_751] {strides = array<i32>} : memref<320x64xf32, #tpu.memory_space<vmem>>, vector<16xf32>,
        %add3A_753 = arith.constant 8 : i32
        %add3A_754 = arith.addi %mul3A_475, %add3A_753 : i32
        %get3A_755 = arith.constant 0 : i32
        %get3A_756 = arith.constant 0 : i32
        %get3A_757 = tpu.memref_slice %arg7[%scan3A_466, %get3A_755, %get3A_756] : memref<2x320x64xf32, #tpu.memory_space<vmem>> -> memref<1x320x64xf32, #tpu.memory_space<vmem>>
        %get3A_758 = tpu.memref_squeeze %get3A_757 : memref<1x320x64xf32, #tpu.memory_space<vmem>> -> memref<320x64xf32, #tpu.memory_space<vmem>>
        %get3A_759 = arith.index_cast %add3A_754 : i32 to index
        %get3A_760 = arith.constant 16 : index
        %get3A_761 = tpu.vector_load %get3A_758[%get3A_759, %get3A_760] {strides = array<i32>} : memref<320x64xf32, #tpu.memory_space<vmem>>, vector<16xf32>,
        %add3A_762 = arith.constant 9 : i32
        %add3A_763 = arith.addi %mul3A_475, %add3A_762 : i32
        %get3A_764 = arith.constant 0 : i32
        %get3A_765 = arith.constant 0 : i32
        %get3A_766 = tpu.memref_slice %arg7[%scan3A_466, %get3A_764, %get3A_765] : memref<2x320x64xf32, #tpu.memory_space<vmem>> -> memref<1x320x64xf32, #tpu.memory_space<vmem>>
        %get3A_767 = tpu.memref_squeeze %get3A_766 : memref<1x320x64xf32, #tpu.memory_space<vmem>> -> memref<320x64xf32, #tpu.memory_space<vmem>>
        %get3A_768 = arith.index_cast %add3A_763 : i32 to index
        %get3A_769 = arith.constant 16 : index
        %get3A_770 = tpu.vector_load %get3A_767[%get3A_768, %get3A_769] {strides = array<i32>} : memref<320x64xf32, #tpu.memory_space<vmem>>, vector<16xf32>,
        %add3A_771 = arith.constant 10 : i32
        %add3A_772 = arith.addi %mul3A_475, %add3A_771 : i32
        %get3A_773 = arith.constant 0 : i32
        %get3A_774 = arith.constant 0 : i32
        %get3A_775 = tpu.memref_slice %arg7[%scan3A_466, %get3A_773, %get3A_774] : memref<2x320x64xf32, #tpu.memory_space<vmem>> -> memref<1x320x64xf32, #tpu.memory_space<vmem>>
        %get3A_776 = tpu.memref_squeeze %get3A_775 : memref<1x320x64xf32, #tpu.memory_space<vmem>> -> memref<320x64xf32, #tpu.memory_space<vmem>>
        %get3A_777 = arith.index_cast %add3A_772 : i32 to index
        %get3A_778 = arith.constant 16 : index
        %get3A_779 = tpu.vector_load %get3A_776[%get3A_777, %get3A_778] {strides = array<i32>} : memref<320x64xf32, #tpu.memory_space<vmem>>, vector<16xf32>,
        %add3A_780 = arith.constant 11 : i32
        %add3A_781 = arith.addi %mul3A_475, %add3A_780 : i32
        %get3A_782 = arith.constant 0 : i32
        %get3A_783 = arith.constant 0 : i32
        %get3A_784 = tpu.memref_slice %arg7[%scan3A_466, %get3A_782, %get3A_783] : memref<2x320x64xf32, #tpu.memory_space<vmem>> -> memref<1x320x64xf32, #tpu.memory_space<vmem>>
        %get3A_785 = tpu.memref_squeeze %get3A_784 : memref<1x320x64xf32, #tpu.memory_space<vmem>> -> memref<320x64xf32, #tpu.memory_space<vmem>>
        %get3A_786 = arith.index_cast %add3A_781 : i32 to index
        %get3A_787 = arith.constant 16 : index
        %get3A_788 = tpu.vector_load %get3A_785[%get3A_786, %get3A_787] {strides = array<i32>} : memref<320x64xf32, #tpu.memory_space<vmem>>, vector<16xf32>,
        %add3A_789 = arith.constant 12 : i32
        %add3A_790 = arith.addi %mul3A_475, %add3A_789 : i32
        %get3A_791 = arith.constant 0 : i32
        %get3A_792 = arith.constant 0 : i32
        %get3A_793 = tpu.memref_slice %arg7[%scan3A_466, %get3A_791, %get3A_792] : memref<2x320x64xf32, #tpu.memory_space<vmem>> -> memref<1x320x64xf32, #tpu.memory_space<vmem>>
        %get3A_794 = tpu.memref_squeeze %get3A_793 : memref<1x320x64xf32, #tpu.memory_space<vmem>> -> memref<320x64xf32, #tpu.memory_space<vmem>>
        %get3A_795 = arith.index_cast %add3A_790 : i32 to index
        %get3A_796 = arith.constant 16 : index
        %get3A_797 = tpu.vector_load %get3A_794[%get3A_795, %get3A_796] {strides = array<i32>} : memref<320x64xf32, #tpu.memory_space<vmem>>, vector<16xf32>,
        %add3A_798 = arith.constant 13 : i32
        %add3A_799 = arith.addi %mul3A_475, %add3A_798 : i32
        %get3A_800 = arith.constant 0 : i32
        %get3A_801 = arith.constant 0 : i32
        %get3A_802 = tpu.memref_slice %arg7[%scan3A_466, %get3A_800, %get3A_801] : memref<2x320x64xf32, #tpu.memory_space<vmem>> -> memref<1x320x64xf32, #tpu.memory_space<vmem>>
        %get3A_803 = tpu.memref_squeeze %get3A_802 : memref<1x320x64xf32, #tpu.memory_space<vmem>> -> memref<320x64xf32, #tpu.memory_space<vmem>>
        %get3A_804 = arith.index_cast %add3A_799 : i32 to index
        %get3A_805 = arith.constant 16 : index
        %get3A_806 = tpu.vector_load %get3A_803[%get3A_804, %get3A_805] {strides = array<i32>} : memref<320x64xf32, #tpu.memory_space<vmem>>, vector<16xf32>,
        %add3A_807 = arith.constant 14 : i32
        %add3A_808 = arith.addi %mul3A_475, %add3A_807 : i32
        %get3A_809 = arith.constant 0 : i32
        %get3A_810 = arith.constant 0 : i32
        %get3A_811 = tpu.memref_slice %arg7[%scan3A_466, %get3A_809, %get3A_810] : memref<2x320x64xf32, #tpu.memory_space<vmem>> -> memref<1x320x64xf32, #tpu.memory_space<vmem>>
        %get3A_812 = tpu.memref_squeeze %get3A_811 : memref<1x320x64xf32, #tpu.memory_space<vmem>> -> memref<320x64xf32, #tpu.memory_space<vmem>>
        %get3A_813 = arith.index_cast %add3A_808 : i32 to index
        %get3A_814 = arith.constant 16 : index
        %get3A_815 = tpu.vector_load %get3A_812[%get3A_813, %get3A_814] {strides = array<i32>} : memref<320x64xf32, #tpu.memory_space<vmem>>, vector<16xf32>,
        %add3A_816 = arith.constant 15 : i32
        %add3A_817 = arith.addi %mul3A_475, %add3A_816 : i32
        %get3A_818 = arith.constant 0 : i32
        %get3A_819 = arith.constant 0 : i32
        %get3A_820 = tpu.memref_slice %arg7[%scan3A_466, %get3A_818, %get3A_819] : memref<2x320x64xf32, #tpu.memory_space<vmem>> -> memref<1x320x64xf32, #tpu.memory_space<vmem>>
        %get3A_821 = tpu.memref_squeeze %get3A_820 : memref<1x320x64xf32, #tpu.memory_space<vmem>> -> memref<320x64xf32, #tpu.memory_space<vmem>>
        %get3A_822 = arith.index_cast %add3A_817 : i32 to index
        %get3A_823 = arith.constant 16 : index
        %get3A_824 = tpu.vector_load %get3A_821[%get3A_822, %get3A_823] {strides = array<i32>} : memref<320x64xf32, #tpu.memory_space<vmem>>, vector<16xf32>,
        %add3A_825 = arith.constant 16 : i32
        %add3A_826 = arith.addi %mul3A_475, %add3A_825 : i32
        %get3A_827 = arith.constant 0 : i32
        %get3A_828 = arith.constant 0 : i32
        %get3A_829 = tpu.memref_slice %arg7[%scan3A_466, %get3A_827, %get3A_828] : memref<2x320x64xf32, #tpu.memory_space<vmem>> -> memref<1x320x64xf32, #tpu.memory_space<vmem>>
        %get3A_830 = tpu.memref_squeeze %get3A_829 : memref<1x320x64xf32, #tpu.memory_space<vmem>> -> memref<320x64xf32, #tpu.memory_space<vmem>>
        %get3A_831 = arith.index_cast %add3A_826 : i32 to index
        %get3A_832 = arith.constant 16 : index
        %get3A_833 = tpu.vector_load %get3A_830[%get3A_831, %get3A_832] {strides = array<i32>} : memref<320x64xf32, #tpu.memory_space<vmem>>, vector<16xf32>,
        %add3A_834 = arith.constant 17 : i32
        %add3A_835 = arith.addi %mul3A_475, %add3A_834 : i32
        %get3A_836 = arith.constant 0 : i32
        %get3A_837 = arith.constant 0 : i32
        %get3A_838 = tpu.memref_slice %arg7[%scan3A_466, %get3A_836, %get3A_837] : memref<2x320x64xf32, #tpu.memory_space<vmem>> -> memref<1x320x64xf32, #tpu.memory_space<vmem>>
        %get3A_839 = tpu.memref_squeeze %get3A_838 : memref<1x320x64xf32, #tpu.memory_space<vmem>> -> memref<320x64xf32, #tpu.memory_space<vmem>>
        %get3A_840 = arith.index_cast %add3A_835 : i32 to index
        %get3A_841 = arith.constant 16 : index
        %get3A_842 = tpu.vector_load %get3A_839[%get3A_840, %get3A_841] {strides = array<i32>} : memref<320x64xf32, #tpu.memory_space<vmem>>, vector<16xf32>,
        %add3A_843 = arith.constant 18 : i32
        %add3A_844 = arith.addi %mul3A_475, %add3A_843 : i32
        %get3A_845 = arith.constant 0 : i32
        %get3A_846 = arith.constant 0 : i32
        %get3A_847 = tpu.memref_slice %arg7[%scan3A_466, %get3A_845, %get3A_846] : memref<2x320x64xf32, #tpu.memory_space<vmem>> -> memref<1x320x64xf32, #tpu.memory_space<vmem>>
        %get3A_848 = tpu.memref_squeeze %get3A_847 : memref<1x320x64xf32, #tpu.memory_space<vmem>> -> memref<320x64xf32, #tpu.memory_space<vmem>>
        %get3A_849 = arith.index_cast %add3A_844 : i32 to index
        %get3A_850 = arith.constant 16 : index
        %get3A_851 = tpu.vector_load %get3A_848[%get3A_849, %get3A_850] {strides = array<i32>} : memref<320x64xf32, #tpu.memory_space<vmem>>, vector<16xf32>,
        %add3A_852 = arith.constant 19 : i32
        %add3A_853 = arith.addi %mul3A_475, %add3A_852 : i32
        %get3A_854 = arith.constant 0 : i32
        %get3A_855 = arith.constant 0 : i32
        %get3A_856 = tpu.memref_slice %arg7[%scan3A_466, %get3A_854, %get3A_855] : memref<2x320x64xf32, #tpu.memory_space<vmem>> -> memref<1x320x64xf32, #tpu.memory_space<vmem>>
        %get3A_857 = tpu.memref_squeeze %get3A_856 : memref<1x320x64xf32, #tpu.memory_space<vmem>> -> memref<320x64xf32, #tpu.memory_space<vmem>>
        %get3A_858 = arith.index_cast %add3A_853 : i32 to index
        %get3A_859 = arith.constant 16 : index
        %get3A_860 = tpu.vector_load %get3A_857[%get3A_858, %get3A_859] {strides = array<i32>} : memref<320x64xf32, #tpu.memory_space<vmem>>, vector<16xf32>,
        %add3A_861 = arith.addf %get3A_689, %get3A_698 : vector<16xf32>
        %add3A_862 = arith.addf %get3A_707, %get3A_716 : vector<16xf32>
        %add3A_863 = arith.addf %get3A_725, %get3A_734 : vector<16xf32>
        %add3A_864 = arith.addf %get3A_743, %get3A_752 : vector<16xf32>
        %add3A_865 = arith.addf %get3A_761, %get3A_770 : vector<16xf32>
        %add3A_866 = arith.addf %get3A_779, %get3A_788 : vector<16xf32>
        %add3A_867 = arith.addf %get3A_797, %get3A_806 : vector<16xf32>
        %add3A_868 = arith.addf %get3A_815, %get3A_824 : vector<16xf32>
        %add3A_869 = arith.addf %get3A_833, %get3A_842 : vector<16xf32>
        %add3A_870 = arith.addf %get3A_851, %get3A_860 : vector<16xf32>
        %add3A_871 = arith.addf %add3A_861, %add3A_862 : vector<16xf32>
        %add3A_872 = arith.addf %add3A_863, %add3A_864 : vector<16xf32>
        %add3A_873 = arith.addf %add3A_865, %add3A_866 : vector<16xf32>
        %add3A_874 = arith.addf %add3A_867, %add3A_868 : vector<16xf32>
        %add3A_875 = arith.addf %add3A_869, %add3A_870 : vector<16xf32>
        %add3A_876 = arith.addf %add3A_871, %add3A_872 : vector<16xf32>
        %add3A_877 = arith.addf %add3A_873, %add3A_874 : vector<16xf32>
        %add3A_878 = arith.addf %add3A_876, %add3A_877 : vector<16xf32>
        %add3A_879 = arith.addf %add3A_878, %add3A_875 : vector<16xf32>
        %mul3A_880 = vector.broadcast %scan3A_467 : f32 to vector<16xf32>
        %mul3A_881 = arith.mulf %add3A_879, %mul3A_880 : vector<16xf32>
        %mul3A_882 = arith.constant 16 : i32
        %mul3A_883 = arith.muli %add3A_464, %mul3A_882 : i32
        %add3A_884 = arith.addi %mul3A_883, %scan3A_473 : i32
        %swap3A_885 = arith.index_cast %add3A_884 : i32 to index
        %swap3A_886 = arith.constant 16 : index
        %swap3A_887 = tpu.vector_load %arg8[%swap3A_885, %swap3A_886] {strides = array<i32>} : memref<512x64xf32, #tpu.memory_space<vmem>>, vector<16xf32>,
        tpu.vector_store %arg8[%swap3A_885, %swap3A_886], %mul3A_881 {strides = array<i32>} : memref<512x64xf32, #tpu.memory_space<vmem>>, vector<16xf32>,
        %add3A_888 = arith.constant 0 : i32
        %add3A_889 = arith.addi %mul3A_475, %add3A_888 : i32
        %get3A_890 = arith.constant 0 : i32
        %get3A_891 = arith.constant 0 : i32
        %get3A_892 = tpu.memref_slice %arg7[%scan3A_466, %get3A_890, %get3A_891] : memref<2x320x64xf32, #tpu.memory_space<vmem>> -> memref<1x320x64xf32, #tpu.memory_space<vmem>>
        %get3A_893 = tpu.memref_squeeze %get3A_892 : memref<1x320x64xf32, #tpu.memory_space<vmem>> -> memref<320x64xf32, #tpu.memory_space<vmem>>
        %get3A_894 = arith.index_cast %add3A_889 : i32 to index
        %get3A_895 = arith.constant 32 : index
        %get3A_896 = tpu.vector_load %get3A_893[%get3A_894, %get3A_895] {strides = array<i32>} : memref<320x64xf32, #tpu.memory_space<vmem>>, vector<16xf32>,
        %add3A_897 = arith.constant 1 : i32
        %add3A_898 = arith.addi %mul3A_475, %add3A_897 : i32
        %get3A_899 = arith.constant 0 : i32
        %get3A_900 = arith.constant 0 : i32
        %get3A_901 = tpu.memref_slice %arg7[%scan3A_466, %get3A_899, %get3A_900] : memref<2x320x64xf32, #tpu.memory_space<vmem>> -> memref<1x320x64xf32, #tpu.memory_space<vmem>>
        %get3A_902 = tpu.memref_squeeze %get3A_901 : memref<1x320x64xf32, #tpu.memory_space<vmem>> -> memref<320x64xf32, #tpu.memory_space<vmem>>
        %get3A_903 = arith.index_cast %add3A_898 : i32 to index
        %get3A_904 = arith.constant 32 : index
        %get3A_905 = tpu.vector_load %get3A_902[%get3A_903, %get3A_904] {strides = array<i32>} : memref<320x64xf32, #tpu.memory_space<vmem>>, vector<16xf32>,
        %add3A_906 = arith.constant 2 : i32
        %add3A_907 = arith.addi %mul3A_475, %add3A_906 : i32
        %get3A_908 = arith.constant 0 : i32
        %get3A_909 = arith.constant 0 : i32
        %get3A_910 = tpu.memref_slice %arg7[%scan3A_466, %get3A_908, %get3A_909] : memref<2x320x64xf32, #tpu.memory_space<vmem>> -> memref<1x320x64xf32, #tpu.memory_space<vmem>>
        %get3A_911 = tpu.memref_squeeze %get3A_910 : memref<1x320x64xf32, #tpu.memory_space<vmem>> -> memref<320x64xf32, #tpu.memory_space<vmem>>
        %get3A_912 = arith.index_cast %add3A_907 : i32 to index
        %get3A_913 = arith.constant 32 : index
        %get3A_914 = tpu.vector_load %get3A_911[%get3A_912, %get3A_913] {strides = array<i32>} : memref<320x64xf32, #tpu.memory_space<vmem>>, vector<16xf32>,
        %add3A_915 = arith.constant 3 : i32
        %add3A_916 = arith.addi %mul3A_475, %add3A_915 : i32
        %get3A_917 = arith.constant 0 : i32
        %get3A_918 = arith.constant 0 : i32
        %get3A_919 = tpu.memref_slice %arg7[%scan3A_466, %get3A_917, %get3A_918] : memref<2x320x64xf32, #tpu.memory_space<vmem>> -> memref<1x320x64xf32, #tpu.memory_space<vmem>>
        %get3A_920 = tpu.memref_squeeze %get3A_919 : memref<1x320x64xf32, #tpu.memory_space<vmem>> -> memref<320x64xf32, #tpu.memory_space<vmem>>
        %get3A_921 = arith.index_cast %add3A_916 : i32 to index
        %get3A_922 = arith.constant 32 : index
        %get3A_923 = tpu.vector_load %get3A_920[%get3A_921, %get3A_922] {strides = array<i32>} : memref<320x64xf32, #tpu.memory_space<vmem>>, vector<16xf32>,
        %add3A_924 = arith.constant 4 : i32
        %add3A_925 = arith.addi %mul3A_475, %add3A_924 : i32
        %get3A_926 = arith.constant 0 : i32
        %get3A_927 = arith.constant 0 : i32
        %get3A_928 = tpu.memref_slice %arg7[%scan3A_466, %get3A_926, %get3A_927] : memref<2x320x64xf32, #tpu.memory_space<vmem>> -> memref<1x320x64xf32, #tpu.memory_space<vmem>>
        %get3A_929 = tpu.memref_squeeze %get3A_928 : memref<1x320x64xf32, #tpu.memory_space<vmem>> -> memref<320x64xf32, #tpu.memory_space<vmem>>
        %get3A_930 = arith.index_cast %add3A_925 : i32 to index
        %get3A_931 = arith.constant 32 : index
        %get3A_932 = tpu.vector_load %get3A_929[%get3A_930, %get3A_931] {strides = array<i32>} : memref<320x64xf32, #tpu.memory_space<vmem>>, vector<16xf32>,
        %add3A_933 = arith.constant 5 : i32
        %add3A_934 = arith.addi %mul3A_475, %add3A_933 : i32
        %get3A_935 = arith.constant 0 : i32
        %get3A_936 = arith.constant 0 : i32
        %get3A_937 = tpu.memref_slice %arg7[%scan3A_466, %get3A_935, %get3A_936] : memref<2x320x64xf32, #tpu.memory_space<vmem>> -> memref<1x320x64xf32, #tpu.memory_space<vmem>>
        %get3A_938 = tpu.memref_squeeze %get3A_937 : memref<1x320x64xf32, #tpu.memory_space<vmem>> -> memref<320x64xf32, #tpu.memory_space<vmem>>
        %get3A_939 = arith.index_cast %add3A_934 : i32 to index
        %get3A_940 = arith.constant 32 : index
        %get3A_941 = tpu.vector_load %get3A_938[%get3A_939, %get3A_940] {strides = array<i32>} : memref<320x64xf32, #tpu.memory_space<vmem>>, vector<16xf32>,
        %add3A_942 = arith.constant 6 : i32
        %add3A_943 = arith.addi %mul3A_475, %add3A_942 : i32
        %get3A_944 = arith.constant 0 : i32
        %get3A_945 = arith.constant 0 : i32
        %get3A_946 = tpu.memref_slice %arg7[%scan3A_466, %get3A_944, %get3A_945] : memref<2x320x64xf32, #tpu.memory_space<vmem>> -> memref<1x320x64xf32, #tpu.memory_space<vmem>>
        %get3A_947 = tpu.memref_squeeze %get3A_946 : memref<1x320x64xf32, #tpu.memory_space<vmem>> -> memref<320x64xf32, #tpu.memory_space<vmem>>
        %get3A_948 = arith.index_cast %add3A_943 : i32 to index
        %get3A_949 = arith.constant 32 : index
        %get3A_950 = tpu.vector_load %get3A_947[%get3A_948, %get3A_949] {strides = array<i32>} : memref<320x64xf32, #tpu.memory_space<vmem>>, vector<16xf32>,
        %add3A_951 = arith.constant 7 : i32
        %add3A_952 = arith.addi %mul3A_475, %add3A_951 : i32
        %get3A_953 = arith.constant 0 : i32
        %get3A_954 = arith.constant 0 : i32
        %get3A_955 = tpu.memref_slice %arg7[%scan3A_466, %get3A_953, %get3A_954] : memref<2x320x64xf32, #tpu.memory_space<vmem>> -> memref<1x320x64xf32, #tpu.memory_space<vmem>>
        %get3A_956 = tpu.memref_squeeze %get3A_955 : memref<1x320x64xf32, #tpu.memory_space<vmem>> -> memref<320x64xf32, #tpu.memory_space<vmem>>
        %get3A_957 = arith.index_cast %add3A_952 : i32 to index
        %get3A_958 = arith.constant 32 : index
        %get3A_959 = tpu.vector_load %get3A_956[%get3A_957, %get3A_958] {strides = array<i32>} : memref<320x64xf32, #tpu.memory_space<vmem>>, vector<16xf32>,
        %add3A_960 = arith.constant 8 : i32
        %add3A_961 = arith.addi %mul3A_475, %add3A_960 : i32
        %get3A_962 = arith.constant 0 : i32
        %get3A_963 = arith.constant 0 : i32
        %get3A_964 = tpu.memref_slice %arg7[%scan3A_466, %get3A_962, %get3A_963] : memref<2x320x64xf32, #tpu.memory_space<vmem>> -> memref<1x320x64xf32, #tpu.memory_space<vmem>>
        %get3A_965 = tpu.memref_squeeze %get3A_964 : memref<1x320x64xf32, #tpu.memory_space<vmem>> -> memref<320x64xf32, #tpu.memory_space<vmem>>
        %get3A_966 = arith.index_cast %add3A_961 : i32 to index
        %get3A_967 = arith.constant 32 : index
        %get3A_968 = tpu.vector_load %get3A_965[%get3A_966, %get3A_967] {strides = array<i32>} : memref<320x64xf32, #tpu.memory_space<vmem>>, vector<16xf32>,
        %add3A_969 = arith.constant 9 : i32
        %add3A_970 = arith.addi %mul3A_475, %add3A_969 : i32
        %get3A_971 = arith.constant 0 : i32
        %get3A_972 = arith.constant 0 : i32
        %get3A_973 = tpu.memref_slice %arg7[%scan3A_466, %get3A_971, %get3A_972] : memref<2x320x64xf32, #tpu.memory_space<vmem>> -> memref<1x320x64xf32, #tpu.memory_space<vmem>>
        %get3A_974 = tpu.memref_squeeze %get3A_973 : memref<1x320x64xf32, #tpu.memory_space<vmem>> -> memref<320x64xf32, #tpu.memory_space<vmem>>
        %get3A_975 = arith.index_cast %add3A_970 : i32 to index
        %get3A_976 = arith.constant 32 : index
        %get3A_977 = tpu.vector_load %get3A_974[%get3A_975, %get3A_976] {strides = array<i32>} : memref<320x64xf32, #tpu.memory_space<vmem>>, vector<16xf32>,
        %add3A_978 = arith.constant 10 : i32
        %add3A_979 = arith.addi %mul3A_475, %add3A_978 : i32
        %get3A_980 = arith.constant 0 : i32
        %get3A_981 = arith.constant 0 : i32
        %get3A_982 = tpu.memref_slice %arg7[%scan3A_466, %get3A_980, %get3A_981] : memref<2x320x64xf32, #tpu.memory_space<vmem>> -> memref<1x320x64xf32, #tpu.memory_space<vmem>>
        %get3A_983 = tpu.memref_squeeze %get3A_982 : memref<1x320x64xf32, #tpu.memory_space<vmem>> -> memref<320x64xf32, #tpu.memory_space<vmem>>
        %get3A_984 = arith.index_cast %add3A_979 : i32 to index
        %get3A_985 = arith.constant 32 : index
        %get3A_986 = tpu.vector_load %get3A_983[%get3A_984, %get3A_985] {strides = array<i32>} : memref<320x64xf32, #tpu.memory_space<vmem>>, vector<16xf32>,
        %add3A_987 = arith.constant 11 : i32
        %add3A_988 = arith.addi %mul3A_475, %add3A_987 : i32
        %get3A_989 = arith.constant 0 : i32
        %get3A_990 = arith.constant 0 : i32
        %get3A_991 = tpu.memref_slice %arg7[%scan3A_466, %get3A_989, %get3A_990] : memref<2x320x64xf32, #tpu.memory_space<vmem>> -> memref<1x320x64xf32, #tpu.memory_space<vmem>>
        %get3A_992 = tpu.memref_squeeze %get3A_991 : memref<1x320x64xf32, #tpu.memory_space<vmem>> -> memref<320x64xf32, #tpu.memory_space<vmem>>
        %get3A_993 = arith.index_cast %add3A_988 : i32 to index
        %get3A_994 = arith.constant 32 : index
        %get3A_995 = tpu.vector_load %get3A_992[%get3A_993, %get3A_994] {strides = array<i32>} : memref<320x64xf32, #tpu.memory_space<vmem>>, vector<16xf32>,
        %add3A_996 = arith.constant 12 : i32
        %add3A_997 = arith.addi %mul3A_475, %add3A_996 : i32
        %get3A_998 = arith.constant 0 : i32
        %get3A_999 = arith.constant 0 : i32
        %get3A_1000 = tpu.memref_slice %arg7[%scan3A_466, %get3A_998, %get3A_999] : memref<2x320x64xf32, #tpu.memory_space<vmem>> -> memref<1x320x64xf32, #tpu.memory_space<vmem>>
        %get3A_1001 = tpu.memref_squeeze %get3A_1000 : memref<1x320x64xf32, #tpu.memory_space<vmem>> -> memref<320x64xf32, #tpu.memory_space<vmem>>
        %get3A_1002 = arith.index_cast %add3A_997 : i32 to index
        %get3A_1003 = arith.constant 32 : index
        %get3A_1004 = tpu.vector_load %get3A_1001[%get3A_1002, %get3A_1003] {strides = array<i32>} : memref<320x64xf32, #tpu.memory_space<vmem>>, vector<16xf32>,
        %add3A_1005 = arith.constant 13 : i32
        %add3A_1006 = arith.addi %mul3A_475, %add3A_1005 : i32
        %get3A_1007 = arith.constant 0 : i32
        %get3A_1008 = arith.constant 0 : i32
        %get3A_1009 = tpu.memref_slice %arg7[%scan3A_466, %get3A_1007, %get3A_1008] : memref<2x320x64xf32, #tpu.memory_space<vmem>> -> memref<1x320x64xf32, #tpu.memory_space<vmem>>
        %get3A_1010 = tpu.memref_squeeze %get3A_1009 : memref<1x320x64xf32, #tpu.memory_space<vmem>> -> memref<320x64xf32, #tpu.memory_space<vmem>>
        %get3A_1011 = arith.index_cast %add3A_1006 : i32 to index
        %get3A_1012 = arith.constant 32 : index
        %get3A_1013 = tpu.vector_load %get3A_1010[%get3A_1011, %get3A_1012] {strides = array<i32>} : memref<320x64xf32, #tpu.memory_space<vmem>>, vector<16xf32>,
        %add3A_1014 = arith.constant 14 : i32
        %add3A_1015 = arith.addi %mul3A_475, %add3A_1014 : i32
        %get3A_1016 = arith.constant 0 : i32
        %get3A_1017 = arith.constant 0 : i32
        %get3A_1018 = tpu.memref_slice %arg7[%scan3A_466, %get3A_1016, %get3A_1017] : memref<2x320x64xf32, #tpu.memory_space<vmem>> -> memref<1x320x64xf32, #tpu.memory_space<vmem>>
        %get3A_1019 = tpu.memref_squeeze %get3A_1018 : memref<1x320x64xf32, #tpu.memory_space<vmem>> -> memref<320x64xf32, #tpu.memory_space<vmem>>
        %get3A_1020 = arith.index_cast %add3A_1015 : i32 to index
        %get3A_1021 = arith.constant 32 : index
        %get3A_1022 = tpu.vector_load %get3A_1019[%get3A_1020, %get3A_1021] {strides = array<i32>} : memref<320x64xf32, #tpu.memory_space<vmem>>, vector<16xf32>,
        %add3A_1023 = arith.constant 15 : i32
        %add3A_1024 = arith.addi %mul3A_475, %add3A_1023 : i32
        %get3A_1025 = arith.constant 0 : i32
        %get3A_1026 = arith.constant 0 : i32
        %get3A_1027 = tpu.memref_slice %arg7[%scan3A_466, %get3A_1025, %get3A_1026] : memref<2x320x64xf32, #tpu.memory_space<vmem>> -> memref<1x320x64xf32, #tpu.memory_space<vmem>>
        %get3A_1028 = tpu.memref_squeeze %get3A_1027 : memref<1x320x64xf32, #tpu.memory_space<vmem>> -> memref<320x64xf32, #tpu.memory_space<vmem>>
        %get3A_1029 = arith.index_cast %add3A_1024 : i32 to index
        %get3A_1030 = arith.constant 32 : index
        %get3A_1031 = tpu.vector_load %get3A_1028[%get3A_1029, %get3A_1030] {strides = array<i32>} : memref<320x64xf32, #tpu.memory_space<vmem>>, vector<16xf32>,
        %add3A_1032 = arith.constant 16 : i32
        %add3A_1033 = arith.addi %mul3A_475, %add3A_1032 : i32
        %get3A_1034 = arith.constant 0 : i32
        %get3A_1035 = arith.constant 0 : i32
        %get3A_1036 = tpu.memref_slice %arg7[%scan3A_466, %get3A_1034, %get3A_1035] : memref<2x320x64xf32, #tpu.memory_space<vmem>> -> memref<1x320x64xf32, #tpu.memory_space<vmem>>
        %get3A_1037 = tpu.memref_squeeze %get3A_1036 : memref<1x320x64xf32, #tpu.memory_space<vmem>> -> memref<320x64xf32, #tpu.memory_space<vmem>>
        %get3A_1038 = arith.index_cast %add3A_1033 : i32 to index
        %get3A_1039 = arith.constant 32 : index
        %get3A_1040 = tpu.vector_load %get3A_1037[%get3A_1038, %get3A_1039] {strides = array<i32>} : memref<320x64xf32, #tpu.memory_space<vmem>>, vector<16xf32>,
        %add3A_1041 = arith.constant 17 : i32
        %add3A_1042 = arith.addi %mul3A_475, %add3A_1041 : i32
        %get3A_1043 = arith.constant 0 : i32
        %get3A_1044 = arith.constant 0 : i32
        %get3A_1045 = tpu.memref_slice %arg7[%scan3A_466, %get3A_1043, %get3A_1044] : memref<2x320x64xf32, #tpu.memory_space<vmem>> -> memref<1x320x64xf32, #tpu.memory_space<vmem>>
        %get3A_1046 = tpu.memref_squeeze %get3A_1045 : memref<1x320x64xf32, #tpu.memory_space<vmem>> -> memref<320x64xf32, #tpu.memory_space<vmem>>
        %get3A_1047 = arith.index_cast %add3A_1042 : i32 to index
        %get3A_1048 = arith.constant 32 : index
        %get3A_1049 = tpu.vector_load %get3A_1046[%get3A_1047, %get3A_1048] {strides = array<i32>} : memref<320x64xf32, #tpu.memory_space<vmem>>, vector<16xf32>,
        %add3A_1050 = arith.constant 18 : i32
        %add3A_1051 = arith.addi %mul3A_475, %add3A_1050 : i32
        %get3A_1052 = arith.constant 0 : i32
        %get3A_1053 = arith.constant 0 : i32
        %get3A_1054 = tpu.memref_slice %arg7[%scan3A_466, %get3A_1052, %get3A_1053] : memref<2x320x64xf32, #tpu.memory_space<vmem>> -> memref<1x320x64xf32, #tpu.memory_space<vmem>>
        %get3A_1055 = tpu.memref_squeeze %get3A_1054 : memref<1x320x64xf32, #tpu.memory_space<vmem>> -> memref<320x64xf32, #tpu.memory_space<vmem>>
        %get3A_1056 = arith.index_cast %add3A_1051 : i32 to index
        %get3A_1057 = arith.constant 32 : index
        %get3A_1058 = tpu.vector_load %get3A_1055[%get3A_1056, %get3A_1057] {strides = array<i32>} : memref<320x64xf32, #tpu.memory_space<vmem>>, vector<16xf32>,
        %add3A_1059 = arith.constant 19 : i32
        %add3A_1060 = arith.addi %mul3A_475, %add3A_1059 : i32
        %get3A_1061 = arith.constant 0 : i32
        %get3A_1062 = arith.constant 0 : i32
        %get3A_1063 = tpu.memref_slice %arg7[%scan3A_466, %get3A_1061, %get3A_1062] : memref<2x320x64xf32, #tpu.memory_space<vmem>> -> memref<1x320x64xf32, #tpu.memory_space<vmem>>
        %get3A_1064 = tpu.memref_squeeze %get3A_1063 : memref<1x320x64xf32, #tpu.memory_space<vmem>> -> memref<320x64xf32, #tpu.memory_space<vmem>>
        %get3A_1065 = arith.index_cast %add3A_1060 : i32 to index
        %get3A_1066 = arith.constant 32 : index
        %get3A_1067 = tpu.vector_load %get3A_1064[%get3A_1065, %get3A_1066] {strides = array<i32>} : memref<320x64xf32, #tpu.memory_space<vmem>>, vector<16xf32>,
        %add3A_1068 = arith.addf %get3A_896, %get3A_905 : vector<16xf32>
        %add3A_1069 = arith.addf %get3A_914, %get3A_923 : vector<16xf32>
        %add3A_1070 = arith.addf %get3A_932, %get3A_941 : vector<16xf32>
        %add3A_1071 = arith.addf %get3A_950, %get3A_959 : vector<16xf32>
        %add3A_1072 = arith.addf %get3A_968, %get3A_977 : vector<16xf32>
        %add3A_1073 = arith.addf %get3A_986, %get3A_995 : vector<16xf32>
        %add3A_1074 = arith.addf %get3A_1004, %get3A_1013 : vector<16xf32>
        %add3A_1075 = arith.addf %get3A_1022, %get3A_1031 : vector<16xf32>
        %add3A_1076 = arith.addf %get3A_1040, %get3A_1049 : vector<16xf32>
        %add3A_1077 = arith.addf %get3A_1058, %get3A_1067 : vector<16xf32>
        %add3A_1078 = arith.addf %add3A_1068, %add3A_1069 : vector<16xf32>
        %add3A_1079 = arith.addf %add3A_1070, %add3A_1071 : vector<16xf32>
        %add3A_1080 = arith.addf %add3A_1072, %add3A_1073 : vector<16xf32>
        %add3A_1081 = arith.addf %add3A_1074, %add3A_1075 : vector<16xf32>
        %add3A_1082 = arith.addf %add3A_1076, %add3A_1077 : vector<16xf32>
        %add3A_1083 = arith.addf %add3A_1078, %add3A_1079 : vector<16xf32>
        %add3A_1084 = arith.addf %add3A_1080, %add3A_1081 : vector<16xf32>
        %add3A_1085 = arith.addf %add3A_1083, %add3A_1084 : vector<16xf32>
        %add3A_1086 = arith.addf %add3A_1085, %add3A_1082 : vector<16xf32>
        %mul3A_1087 = vector.broadcast %scan3A_467 : f32 to vector<16xf32>
        %mul3A_1088 = arith.mulf %add3A_1086, %mul3A_1087 : vector<16xf32>
        %mul3A_1089 = arith.constant 16 : i32
        %mul3A_1090 = arith.muli %add3A_464, %mul3A_1089 : i32
        %add3A_1091 = arith.addi %mul3A_1090, %scan3A_473 : i32
        %swap3A_1092 = arith.index_cast %add3A_1091 : i32 to index
        %swap3A_1093 = arith.constant 32 : index
        %swap3A_1094 = tpu.vector_load %arg8[%swap3A_1092, %swap3A_1093] {strides = array<i32>} : memref<512x64xf32, #tpu.memory_space<vmem>>, vector<16xf32>,
        tpu.vector_store %arg8[%swap3A_1092, %swap3A_1093], %mul3A_1088 {strides = array<i32>} : memref<512x64xf32, #tpu.memory_space<vmem>>, vector<16xf32>,
        %add3A_1095 = arith.constant 0 : i32
        %add3A_1096 = arith.addi %mul3A_475, %add3A_1095 : i32
        %get3A_1097 = arith.constant 0 : i32
        %get3A_1098 = arith.constant 0 : i32
        %get3A_1099 = tpu.memref_slice %arg7[%scan3A_466, %get3A_1097, %get3A_1098] : memref<2x320x64xf32, #tpu.memory_space<vmem>> -> memref<1x320x64xf32, #tpu.memory_space<vmem>>
        %get3A_1100 = tpu.memref_squeeze %get3A_1099 : memref<1x320x64xf32, #tpu.memory_space<vmem>> -> memref<320x64xf32, #tpu.memory_space<vmem>>
        %get3A_1101 = arith.index_cast %add3A_1096 : i32 to index
        %get3A_1102 = arith.constant 48 : index
        %get3A_1103 = tpu.vector_load %get3A_1100[%get3A_1101, %get3A_1102] {strides = array<i32>} : memref<320x64xf32, #tpu.memory_space<vmem>>, vector<16xf32>,
        %add3A_1104 = arith.constant 1 : i32
        %add3A_1105 = arith.addi %mul3A_475, %add3A_1104 : i32
        %get3A_1106 = arith.constant 0 : i32
        %get3A_1107 = arith.constant 0 : i32
        %get3A_1108 = tpu.memref_slice %arg7[%scan3A_466, %get3A_1106, %get3A_1107] : memref<2x320x64xf32, #tpu.memory_space<vmem>> -> memref<1x320x64xf32, #tpu.memory_space<vmem>>
        %get3A_1109 = tpu.memref_squeeze %get3A_1108 : memref<1x320x64xf32, #tpu.memory_space<vmem>> -> memref<320x64xf32, #tpu.memory_space<vmem>>
        %get3A_1110 = arith.index_cast %add3A_1105 : i32 to index
        %get3A_1111 = arith.constant 48 : index
        %get3A_1112 = tpu.vector_load %get3A_1109[%get3A_1110, %get3A_1111] {strides = array<i32>} : memref<320x64xf32, #tpu.memory_space<vmem>>, vector<16xf32>,
        %add3A_1113 = arith.constant 2 : i32
        %add3A_1114 = arith.addi %mul3A_475, %add3A_1113 : i32
        %get3A_1115 = arith.constant 0 : i32
        %get3A_1116 = arith.constant 0 : i32
        %get3A_1117 = tpu.memref_slice %arg7[%scan3A_466, %get3A_1115, %get3A_1116] : memref<2x320x64xf32, #tpu.memory_space<vmem>> -> memref<1x320x64xf32, #tpu.memory_space<vmem>>
        %get3A_1118 = tpu.memref_squeeze %get3A_1117 : memref<1x320x64xf32, #tpu.memory_space<vmem>> -> memref<320x64xf32, #tpu.memory_space<vmem>>
        %get3A_1119 = arith.index_cast %add3A_1114 : i32 to index
        %get3A_1120 = arith.constant 48 : index
        %get3A_1121 = tpu.vector_load %get3A_1118[%get3A_1119, %get3A_1120] {strides = array<i32>} : memref<320x64xf32, #tpu.memory_space<vmem>>, vector<16xf32>,
        %add3A_1122 = arith.constant 3 : i32
        %add3A_1123 = arith.addi %mul3A_475, %add3A_1122 : i32
        %get3A_1124 = arith.constant 0 : i32
        %get3A_1125 = arith.constant 0 : i32
        %get3A_1126 = tpu.memref_slice %arg7[%scan3A_466, %get3A_1124, %get3A_1125] : memref<2x320x64xf32, #tpu.memory_space<vmem>> -> memref<1x320x64xf32, #tpu.memory_space<vmem>>
        %get3A_1127 = tpu.memref_squeeze %get3A_1126 : memref<1x320x64xf32, #tpu.memory_space<vmem>> -> memref<320x64xf32, #tpu.memory_space<vmem>>
        %get3A_1128 = arith.index_cast %add3A_1123 : i32 to index
        %get3A_1129 = arith.constant 48 : index
        %get3A_1130 = tpu.vector_load %get3A_1127[%get3A_1128, %get3A_1129] {strides = array<i32>} : memref<320x64xf32, #tpu.memory_space<vmem>>, vector<16xf32>,
        %add3A_1131 = arith.constant 4 : i32
        %add3A_1132 = arith.addi %mul3A_475, %add3A_1131 : i32
        %get3A_1133 = arith.constant 0 : i32
        %get3A_1134 = arith.constant 0 : i32
        %get3A_1135 = tpu.memref_slice %arg7[%scan3A_466, %get3A_1133, %get3A_1134] : memref<2x320x64xf32, #tpu.memory_space<vmem>> -> memref<1x320x64xf32, #tpu.memory_space<vmem>>
        %get3A_1136 = tpu.memref_squeeze %get3A_1135 : memref<1x320x64xf32, #tpu.memory_space<vmem>> -> memref<320x64xf32, #tpu.memory_space<vmem>>
        %get3A_1137 = arith.index_cast %add3A_1132 : i32 to index
        %get3A_1138 = arith.constant 48 : index
        %get3A_1139 = tpu.vector_load %get3A_1136[%get3A_1137, %get3A_1138] {strides = array<i32>} : memref<320x64xf32, #tpu.memory_space<vmem>>, vector<16xf32>,
        %add3A_1140 = arith.constant 5 : i32
        %add3A_1141 = arith.addi %mul3A_475, %add3A_1140 : i32
        %get3A_1142 = arith.constant 0 : i32
        %get3A_1143 = arith.constant 0 : i32
        %get3A_1144 = tpu.memref_slice %arg7[%scan3A_466, %get3A_1142, %get3A_1143] : memref<2x320x64xf32, #tpu.memory_space<vmem>> -> memref<1x320x64xf32, #tpu.memory_space<vmem>>
        %get3A_1145 = tpu.memref_squeeze %get3A_1144 : memref<1x320x64xf32, #tpu.memory_space<vmem>> -> memref<320x64xf32, #tpu.memory_space<vmem>>
        %get3A_1146 = arith.index_cast %add3A_1141 : i32 to index
        %get3A_1147 = arith.constant 48 : index
        %get3A_1148 = tpu.vector_load %get3A_1145[%get3A_1146, %get3A_1147] {strides = array<i32>} : memref<320x64xf32, #tpu.memory_space<vmem>>, vector<16xf32>,
        %add3A_1149 = arith.constant 6 : i32
        %add3A_1150 = arith.addi %mul3A_475, %add3A_1149 : i32
        %get3A_1151 = arith.constant 0 : i32
        %get3A_1152 = arith.constant 0 : i32
        %get3A_1153 = tpu.memref_slice %arg7[%scan3A_466, %get3A_1151, %get3A_1152] : memref<2x320x64xf32, #tpu.memory_space<vmem>> -> memref<1x320x64xf32, #tpu.memory_space<vmem>>
        %get3A_1154 = tpu.memref_squeeze %get3A_1153 : memref<1x320x64xf32, #tpu.memory_space<vmem>> -> memref<320x64xf32, #tpu.memory_space<vmem>>
        %get3A_1155 = arith.index_cast %add3A_1150 : i32 to index
        %get3A_1156 = arith.constant 48 : index
        %get3A_1157 = tpu.vector_load %get3A_1154[%get3A_1155, %get3A_1156] {strides = array<i32>} : memref<320x64xf32, #tpu.memory_space<vmem>>, vector<16xf32>,
        %add3A_1158 = arith.constant 7 : i32
        %add3A_1159 = arith.addi %mul3A_475, %add3A_1158 : i32
        %get3A_1160 = arith.constant 0 : i32
        %get3A_1161 = arith.constant 0 : i32
        %get3A_1162 = tpu.memref_slice %arg7[%scan3A_466, %get3A_1160, %get3A_1161] : memref<2x320x64xf32, #tpu.memory_space<vmem>> -> memref<1x320x64xf32, #tpu.memory_space<vmem>>
        %get3A_1163 = tpu.memref_squeeze %get3A_1162 : memref<1x320x64xf32, #tpu.memory_space<vmem>> -> memref<320x64xf32, #tpu.memory_space<vmem>>
        %get3A_1164 = arith.index_cast %add3A_1159 : i32 to index
        %get3A_1165 = arith.constant 48 : index
        %get3A_1166 = tpu.vector_load %get3A_1163[%get3A_1164, %get3A_1165] {strides = array<i32>} : memref<320x64xf32, #tpu.memory_space<vmem>>, vector<16xf32>,
        %add3A_1167 = arith.constant 8 : i32
        %add3A_1168 = arith.addi %mul3A_475, %add3A_1167 : i32
        %get3A_1169 = arith.constant 0 : i32
        %get3A_1170 = arith.constant 0 : i32
        %get3A_1171 = tpu.memref_slice %arg7[%scan3A_466, %get3A_1169, %get3A_1170] : memref<2x320x64xf32, #tpu.memory_space<vmem>> -> memref<1x320x64xf32, #tpu.memory_space<vmem>>
        %get3A_1172 = tpu.memref_squeeze %get3A_1171 : memref<1x320x64xf32, #tpu.memory_space<vmem>> -> memref<320x64xf32, #tpu.memory_space<vmem>>
        %get3A_1173 = arith.index_cast %add3A_1168 : i32 to index
        %get3A_1174 = arith.constant 48 : index
        %get3A_1175 = tpu.vector_load %get3A_1172[%get3A_1173, %get3A_1174] {strides = array<i32>} : memref<320x64xf32, #tpu.memory_space<vmem>>, vector<16xf32>,
        %add3A_1176 = arith.constant 9 : i32
        %add3A_1177 = arith.addi %mul3A_475, %add3A_1176 : i32
        %get3A_1178 = arith.constant 0 : i32
        %get3A_1179 = arith.constant 0 : i32
        %get3A_1180 = tpu.memref_slice %arg7[%scan3A_466, %get3A_1178, %get3A_1179] : memref<2x320x64xf32, #tpu.memory_space<vmem>> -> memref<1x320x64xf32, #tpu.memory_space<vmem>>
        %get3A_1181 = tpu.memref_squeeze %get3A_1180 : memref<1x320x64xf32, #tpu.memory_space<vmem>> -> memref<320x64xf32, #tpu.memory_space<vmem>>
        %get3A_1182 = arith.index_cast %add3A_1177 : i32 to index
        %get3A_1183 = arith.constant 48 : index
        %get3A_1184 = tpu.vector_load %get3A_1181[%get3A_1182, %get3A_1183] {strides = array<i32>} : memref<320x64xf32, #tpu.memory_space<vmem>>, vector<16xf32>,
        %add3A_1185 = arith.constant 10 : i32
        %add3A_1186 = arith.addi %mul3A_475, %add3A_1185 : i32
        %get3A_1187 = arith.constant 0 : i32
        %get3A_1188 = arith.constant 0 : i32
        %get3A_1189 = tpu.memref_slice %arg7[%scan3A_466, %get3A_1187, %get3A_1188] : memref<2x320x64xf32, #tpu.memory_space<vmem>> -> memref<1x320x64xf32, #tpu.memory_space<vmem>>
        %get3A_1190 = tpu.memref_squeeze %get3A_1189 : memref<1x320x64xf32, #tpu.memory_space<vmem>> -> memref<320x64xf32, #tpu.memory_space<vmem>>
        %get3A_1191 = arith.index_cast %add3A_1186 : i32 to index
        %get3A_1192 = arith.constant 48 : index
        %get3A_1193 = tpu.vector_load %get3A_1190[%get3A_1191, %get3A_1192] {strides = array<i32>} : memref<320x64xf32, #tpu.memory_space<vmem>>, vector<16xf32>,
        %add3A_1194 = arith.constant 11 : i32
        %add3A_1195 = arith.addi %mul3A_475, %add3A_1194 : i32
        %get3A_1196 = arith.constant 0 : i32
        %get3A_1197 = arith.constant 0 : i32
        %get3A_1198 = tpu.memref_slice %arg7[%scan3A_466, %get3A_1196, %get3A_1197] : memref<2x320x64xf32, #tpu.memory_space<vmem>> -> memref<1x320x64xf32, #tpu.memory_space<vmem>>
        %get3A_1199 = tpu.memref_squeeze %get3A_1198 : memref<1x320x64xf32, #tpu.memory_space<vmem>> -> memref<320x64xf32, #tpu.memory_space<vmem>>
        %get3A_1200 = arith.index_cast %add3A_1195 : i32 to index
        %get3A_1201 = arith.constant 48 : index
        %get3A_1202 = tpu.vector_load %get3A_1199[%get3A_1200, %get3A_1201] {strides = array<i32>} : memref<320x64xf32, #tpu.memory_space<vmem>>, vector<16xf32>,
        %add3A_1203 = arith.constant 12 : i32
        %add3A_1204 = arith.addi %mul3A_475, %add3A_1203 : i32
        %get3A_1205 = arith.constant 0 : i32
        %get3A_1206 = arith.constant 0 : i32
        %get3A_1207 = tpu.memref_slice %arg7[%scan3A_466, %get3A_1205, %get3A_1206] : memref<2x320x64xf32, #tpu.memory_space<vmem>> -> memref<1x320x64xf32, #tpu.memory_space<vmem>>
        %get3A_1208 = tpu.memref_squeeze %get3A_1207 : memref<1x320x64xf32, #tpu.memory_space<vmem>> -> memref<320x64xf32, #tpu.memory_space<vmem>>
        %get3A_1209 = arith.index_cast %add3A_1204 : i32 to index
        %get3A_1210 = arith.constant 48 : index
        %get3A_1211 = tpu.vector_load %get3A_1208[%get3A_1209, %get3A_1210] {strides = array<i32>} : memref<320x64xf32, #tpu.memory_space<vmem>>, vector<16xf32>,
        %add3A_1212 = arith.constant 13 : i32
        %add3A_1213 = arith.addi %mul3A_475, %add3A_1212 : i32
        %get3A_1214 = arith.constant 0 : i32
        %get3A_1215 = arith.constant 0 : i32
        %get3A_1216 = tpu.memref_slice %arg7[%scan3A_466, %get3A_1214, %get3A_1215] : memref<2x320x64xf32, #tpu.memory_space<vmem>> -> memref<1x320x64xf32, #tpu.memory_space<vmem>>
        %get3A_1217 = tpu.memref_squeeze %get3A_1216 : memref<1x320x64xf32, #tpu.memory_space<vmem>> -> memref<320x64xf32, #tpu.memory_space<vmem>>
        %get3A_1218 = arith.index_cast %add3A_1213 : i32 to index
        %get3A_1219 = arith.constant 48 : index
        %get3A_1220 = tpu.vector_load %get3A_1217[%get3A_1218, %get3A_1219] {strides = array<i32>} : memref<320x64xf32, #tpu.memory_space<vmem>>, vector<16xf32>,
        %add3A_1221 = arith.constant 14 : i32
        %add3A_1222 = arith.addi %mul3A_475, %add3A_1221 : i32
        %get3A_1223 = arith.constant 0 : i32
        %get3A_1224 = arith.constant 0 : i32
        %get3A_1225 = tpu.memref_slice %arg7[%scan3A_466, %get3A_1223, %get3A_1224] : memref<2x320x64xf32, #tpu.memory_space<vmem>> -> memref<1x320x64xf32, #tpu.memory_space<vmem>>
        %get3A_1226 = tpu.memref_squeeze %get3A_1225 : memref<1x320x64xf32, #tpu.memory_space<vmem>> -> memref<320x64xf32, #tpu.memory_space<vmem>>
        %get3A_1227 = arith.index_cast %add3A_1222 : i32 to index
        %get3A_1228 = arith.constant 48 : index
        %get3A_1229 = tpu.vector_load %get3A_1226[%get3A_1227, %get3A_1228] {strides = array<i32>} : memref<320x64xf32, #tpu.memory_space<vmem>>, vector<16xf32>,
        %add3A_1230 = arith.constant 15 : i32
        %add3A_1231 = arith.addi %mul3A_475, %add3A_1230 : i32
        %get3A_1232 = arith.constant 0 : i32
        %get3A_1233 = arith.constant 0 : i32
        %get3A_1234 = tpu.memref_slice %arg7[%scan3A_466, %get3A_1232, %get3A_1233] : memref<2x320x64xf32, #tpu.memory_space<vmem>> -> memref<1x320x64xf32, #tpu.memory_space<vmem>>
        %get3A_1235 = tpu.memref_squeeze %get3A_1234 : memref<1x320x64xf32, #tpu.memory_space<vmem>> -> memref<320x64xf32, #tpu.memory_space<vmem>>
        %get3A_1236 = arith.index_cast %add3A_1231 : i32 to index
        %get3A_1237 = arith.constant 48 : index
        %get3A_1238 = tpu.vector_load %get3A_1235[%get3A_1236, %get3A_1237] {strides = array<i32>} : memref<320x64xf32, #tpu.memory_space<vmem>>, vector<16xf32>,
        %add3A_1239 = arith.constant 16 : i32
        %add3A_1240 = arith.addi %mul3A_475, %add3A_1239 : i32
        %get3A_1241 = arith.constant 0 : i32
        %get3A_1242 = arith.constant 0 : i32
        %get3A_1243 = tpu.memref_slice %arg7[%scan3A_466, %get3A_1241, %get3A_1242] : memref<2x320x64xf32, #tpu.memory_space<vmem>> -> memref<1x320x64xf32, #tpu.memory_space<vmem>>
        %get3A_1244 = tpu.memref_squeeze %get3A_1243 : memref<1x320x64xf32, #tpu.memory_space<vmem>> -> memref<320x64xf32, #tpu.memory_space<vmem>>
        %get3A_1245 = arith.index_cast %add3A_1240 : i32 to index
        %get3A_1246 = arith.constant 48 : index
        %get3A_1247 = tpu.vector_load %get3A_1244[%get3A_1245, %get3A_1246] {strides = array<i32>} : memref<320x64xf32, #tpu.memory_space<vmem>>, vector<16xf32>,
        %add3A_1248 = arith.constant 17 : i32
        %add3A_1249 = arith.addi %mul3A_475, %add3A_1248 : i32
        %get3A_1250 = arith.constant 0 : i32
        %get3A_1251 = arith.constant 0 : i32
        %get3A_1252 = tpu.memref_slice %arg7[%scan3A_466, %get3A_1250, %get3A_1251] : memref<2x320x64xf32, #tpu.memory_space<vmem>> -> memref<1x320x64xf32, #tpu.memory_space<vmem>>
        %get3A_1253 = tpu.memref_squeeze %get3A_1252 : memref<1x320x64xf32, #tpu.memory_space<vmem>> -> memref<320x64xf32, #tpu.memory_space<vmem>>
        %get3A_1254 = arith.index_cast %add3A_1249 : i32 to index
        %get3A_1255 = arith.constant 48 : index
        %get3A_1256 = tpu.vector_load %get3A_1253[%get3A_1254, %get3A_1255] {strides = array<i32>} : memref<320x64xf32, #tpu.memory_space<vmem>>, vector<16xf32>,
        %add3A_1257 = arith.constant 18 : i32
        %add3A_1258 = arith.addi %mul3A_475, %add3A_1257 : i32
        %get3A_1259 = arith.constant 0 : i32
        %get3A_1260 = arith.constant 0 : i32
        %get3A_1261 = tpu.memref_slice %arg7[%scan3A_466, %get3A_1259, %get3A_1260] : memref<2x320x64xf32, #tpu.memory_space<vmem>> -> memref<1x320x64xf32, #tpu.memory_space<vmem>>
        %get3A_1262 = tpu.memref_squeeze %get3A_1261 : memref<1x320x64xf32, #tpu.memory_space<vmem>> -> memref<320x64xf32, #tpu.memory_space<vmem>>
        %get3A_1263 = arith.index_cast %add3A_1258 : i32 to index
        %get3A_1264 = arith.constant 48 : index
        %get3A_1265 = tpu.vector_load %get3A_1262[%get3A_1263, %get3A_1264] {strides = array<i32>} : memref<320x64xf32, #tpu.memory_space<vmem>>, vector<16xf32>,
        %add3A_1266 = arith.constant 19 : i32
        %add3A_1267 = arith.addi %mul3A_475, %add3A_1266 : i32
        %get3A_1268 = arith.constant 0 : i32
        %get3A_1269 = arith.constant 0 : i32
        %get3A_1270 = tpu.memref_slice %arg7[%scan3A_466, %get3A_1268, %get3A_1269] : memref<2x320x64xf32, #tpu.memory_space<vmem>> -> memref<1x320x64xf32, #tpu.memory_space<vmem>>
        %get3A_1271 = tpu.memref_squeeze %get3A_1270 : memref<1x320x64xf32, #tpu.memory_space<vmem>> -> memref<320x64xf32, #tpu.memory_space<vmem>>
        %get3A_1272 = arith.index_cast %add3A_1267 : i32 to index
        %get3A_1273 = arith.constant 48 : index
        %get3A_1274 = tpu.vector_load %get3A_1271[%get3A_1272, %get3A_1273] {strides = array<i32>} : memref<320x64xf32, #tpu.memory_space<vmem>>, vector<16xf32>,
        %add3A_1275 = arith.addf %get3A_1103, %get3A_1112 : vector<16xf32>
        %add3A_1276 = arith.addf %get3A_1121, %get3A_1130 : vector<16xf32>
        %add3A_1277 = arith.addf %get3A_1139, %get3A_1148 : vector<16xf32>
        %add3A_1278 = arith.addf %get3A_1157, %get3A_1166 : vector<16xf32>
        %add3A_1279 = arith.addf %get3A_1175, %get3A_1184 : vector<16xf32>
        %add3A_1280 = arith.addf %get3A_1193, %get3A_1202 : vector<16xf32>
        %add3A_1281 = arith.addf %get3A_1211, %get3A_1220 : vector<16xf32>
        %add3A_1282 = arith.addf %get3A_1229, %get3A_1238 : vector<16xf32>
        %add3A_1283 = arith.addf %get3A_1247, %get3A_1256 : vector<16xf32>
        %add3A_1284 = arith.addf %get3A_1265, %get3A_1274 : vector<16xf32>
        %add3A_1285 = arith.addf %add3A_1275, %add3A_1276 : vector<16xf32>
        %add3A_1286 = arith.addf %add3A_1277, %add3A_1278 : vector<16xf32>
        %add3A_1287 = arith.addf %add3A_1279, %add3A_1280 : vector<16xf32>
        %add3A_1288 = arith.addf %add3A_1281, %add3A_1282 : vector<16xf32>
        %add3A_1289 = arith.addf %add3A_1283, %add3A_1284 : vector<16xf32>
        %add3A_1290 = arith.addf %add3A_1285, %add3A_1286 : vector<16xf32>
        %add3A_1291 = arith.addf %add3A_1287, %add3A_1288 : vector<16xf32>
        %add3A_1292 = arith.addf %add3A_1290, %add3A_1291 : vector<16xf32>
        %add3A_1293 = arith.addf %add3A_1292, %add3A_1289 : vector<16xf32>
        %mul3A_1294 = vector.broadcast %scan3A_467 : f32 to vector<16xf32>
        %mul3A_1295 = arith.mulf %add3A_1293, %mul3A_1294 : vector<16xf32>
        %mul3A_1296 = arith.constant 16 : i32
        %mul3A_1297 = arith.muli %add3A_464, %mul3A_1296 : i32
        %add3A_1298 = arith.addi %mul3A_1297, %scan3A_473 : i32
        %swap3A_1299 = arith.index_cast %add3A_1298 : i32 to index
        %swap3A_1300 = arith.constant 48 : index
        %swap3A_1301 = tpu.vector_load %arg8[%swap3A_1299, %swap3A_1300] {strides = array<i32>} : memref<512x64xf32, #tpu.memory_space<vmem>>, vector<16xf32>,
        tpu.vector_store %arg8[%swap3A_1299, %swap3A_1300], %mul3A_1295 {strides = array<i32>} : memref<512x64xf32, #tpu.memory_space<vmem>>, vector<16xf32>,
      }
      %scan3A_472 = arith.constant 16 : i32
    }
    %scan3A_280 = arith.constant 15 : i32
    %mul3A_281 = arith.constant 512 : i32
    %mul3A_282 = arith.muli %add3A, %mul3A_281 : i32
    "tpu.region"() ({
      %run_scoped3A = tpu.sem_alloc : memref<!tpu.dma_semaphore, #tpu.memory_space<semaphore_mem>>
      %dma_start3A_283 = arith.constant 0 : i32
      %dma_start3A_284 = tpu.memref_slice %arg4[%mul3A_282, %dma_start3A_283] : memref<16384x64xf32, #tpu.memory_space<hbm>> -> memref<512x64xf32, #tpu.memory_space<hbm>>
      %dma_start3A_285 = arith.constant 0 : i32
      %dma_start3A_286 = tpu.memref_slice %arg4[%mul3A_282, %dma_start3A_285] : memref<16384x64xf32, #tpu.memory_space<hbm>> -> memref<512x64xf32, #tpu.memory_space<hbm>>
      tpu.enqueue_dma source(%arg8 : memref<512x64xf32, #tpu.memory_space<vmem>>) target(%dma_start3A_286 : memref<512x64xf32, #tpu.memory_space<hbm>>) target_semaphore(%run_scoped3A : memref<!tpu.dma_semaphore, #tpu.memory_space<semaphore_mem>>)
      %dma_wait3A_287 = arith.constant 0 : i32
      %dma_wait3A_288 = tpu.memref_slice %arg4[%mul3A_282, %dma_wait3A_287] : memref<16384x64xf32, #tpu.memory_space<hbm>> -> memref<512x64xf32, #tpu.memory_space<hbm>>
      %dma_wait3A_289 = arith.constant 0 : i32
      %dma_wait3A_290 = tpu.memref_slice %arg4[%mul3A_282, %dma_wait3A_289] : memref<16384x64xf32, #tpu.memory_space<hbm>> -> memref<512x64xf32, #tpu.memory_space<hbm>>
      tpu.wait_dma2 semaphore(%run_scoped3A : memref<!tpu.dma_semaphore, #tpu.memory_space<semaphore_mem>>) src(%arg8 : memref<512x64xf32, #tpu.memory_space<vmem>>) dst(%dma_wait3A_290 : memref<512x64xf32, #tpu.memory_space<hbm>>)
      tpu.yield
    }) : () -> ()
    return
  }
}

module attributes {stable_mosaic.version = 14 : i64} {
  func.func @_t_body(%arg0: i32, %arg1: memref<64x4096xf32, #tpu.memory_space<vmem>>, %arg2: memref<2048x128xf32, #tpu.memory_space<vmem>>) attributes {dimension_semantics = [#tpu.dimension_semantics<arbitrary>], iteration_bounds = array<i64: 245>, scalar_prefetch = 0 : i64, scratch_operands = 0 : i64, tpu.core_type = #tpu.core_type<tc>, window_params = [{transform_indices = @transform_0, window_bounds = array<i64: 64, 4096>}, {transform_indices = @transform_1, window_bounds = array<i64: 2048, 128>}]} {
    %get3A = arith.constant 0 : index
    %get3A_0 = arith.constant 0 : index
    %get3A_1 = vector.load %arg1[%get3A, %get3A_0] : memref<64x4096xf32, #tpu.memory_space<vmem>>, vector<64x4096xf32>
    %convert_element_type3A = arith.truncf %get3A_1 : vector<64x4096xf32> to vector<64x4096xbf16>
    %slice3A = vector.extract_strided_slice %convert_element_type3A {offsets = [0, 0], sizes = [64, 2048], strides = [1, 1]} : vector<64x4096xbf16> to vector<64x2048xbf16>
    %slice3A_2 = vector.extract_strided_slice %convert_element_type3A {offsets = [0, 2048], sizes = [64, 2048], strides = [1, 1]} : vector<64x4096xbf16> to vector<64x2048xbf16>
    %concatenate3A = tpu.concatenate %slice3A, %slice3A_2 in 0 : vector<64x2048xbf16>, vector<64x2048xbf16> -> vector<128x2048xbf16>
    %iota3A = tpu.iota {dimensions = array<i32: 0>} : vector<128x128xi32>
    %iota3A_3 = tpu.iota {dimensions = array<i32: 1>} : vector<128x128xi32>
    %eq3A = arith.cmpi eq, %iota3A, %iota3A_3 : vector<128x128xi32>
    %convert_element_type3A_4 = arith.extui %eq3A : vector<128x128xi1> to vector<128x128xi32>
    %convert_element_type3A_5 = arith.sitofp %convert_element_type3A_4 : vector<128x128xi32> to vector<128x128xf32>
    %convert_element_type3A_6 = arith.truncf %convert_element_type3A_5 : vector<128x128xf32> to vector<128x128xbf16>
    %dot_general3A = arith.constant dense<0.000000e+00> : vector<2048x128xf32>
    %dot_general3A_7 = tpu.matmul %concatenate3A, %convert_element_type3A_6, %dot_general3A {dimension_numbers = #tpu.dot_dimension_numbers<[0], [0], [1], [1], [0, 1, 1, 1], [], []>, transpose_lhs_hint = false} : vector<128x2048xbf16>, vector<128x128xbf16>, vector<2048x128xf32> -> vector<2048x128xf32>
    %swap3A = arith.constant 0 : index
    %swap3A_8 = arith.constant 0 : index
    %swap3A_9 = vector.load %arg2[%swap3A, %swap3A_8] : memref<2048x128xf32, #tpu.memory_space<vmem>>, vector<2048x128xf32>
    tpu.vector_store %arg2[%swap3A, %swap3A_8], %dot_general3A_7 {strides = array<i32>} : memref<2048x128xf32, #tpu.memory_space<vmem>>, vector<2048x128xf32>,
    return
  }
  func.func @transform_0(%arg0: i32) -> (i32, i32) {
    %c0_i32 = arith.constant 0 : i32
    %c0_i32_0 = arith.constant 0 : i32
    return %c0_i32, %arg0 : i32, i32
  }
  func.func @transform_1(%arg0: i32) -> (i32, i32) {
    %c0_i32 = arith.constant 0 : i32
    %c0_i32_0 = arith.constant 0 : i32
    return %arg0, %c0_i32 : i32, i32
  }
}

</mosaic_0001>

<sc_bundles>
// kernel: kernel.4.cloned.1.call-start
scs
__scs_entry_jumppad:
0x0: {  	(pc) =	sbr.rel $0x88, $3  }
0x1: {  	(tag) =	ssettag $0x0;
	lr =	simm.s32 $0x1  }
0x2: {  	[smem:$0x3F9F] =	sst lr;
	_ =	strace $0xD0000000  }
0x3: {  	_ = 	snop  }
0x4: {  	_ = 	snop  }
0x5: {  	_ = 	snop  }
0x6: {  	_ = 	snop  }
0x7: {  	_ = 	snop  }
__scs_overlays_trampoline_lowered:
0x8: {  	[smem:$0x3FAE] =	sst s0  }
0x9: {  	[smem:$0x3FAF] =	sst s1  }
0xa: {  	[smem:$0x3FB0] =	sst s2  }
0xb: {  	[smem:$0x3FB1] =	sst s3  }
0xc: {  	[smem:$0x3FB2] =	sst s4  }
0xd: {  	[smem:$0x3FB3] =	sst s5  }
0xe: {  	[smem:$0x3FB4] =	sst s6  }
0xf: {  	[smem:$0x3FB5] =	sst s7  }
0x10: {  	[smem:$0x3FB6] =	sst s8  }
0x11: {  	[smem:$0x3FB7] =	sst s9;
	s0 =	simm.s32 @!p0 $0x0  }
0x12: {  	s1 =	sld [smem:$0x3F9D];
	s0 =	simm.s32 @p0 $0x1  }
0x13: {  	[smem:$0x3FB8] =	sst s0;
	s0 =	simm.s32 @!p1 $0x0  }
0x14: {  	s2 =	sld [smem:$0x3F9C];
	s0 =	simm.s32 @p1 $0x1  }
0x15: {  	[smem:$0x3FB9] =	sst s0;
	s0 =	simm.s32 @!p2 $0x0  }
0x16: {  	s3 =	sld [smem:$0x3FDB];
	s0 =	simm.s32 @p2 $0x1  }
0x17: {  	s4 =	simm.s32 $0x1BF5;
	[smem:$0x3FBB] =	sst s0  }
0x18: {  	s0 =	sld [smem:$0x3F9E];
	_ =	swait.ge [sflag:s4], $0x0  }
0x19: {  	s7 =	sld [smem:$0x3F9F]  }
0x1a: {  	s8 =	sadd.s32 $0xFFFFE003, lr  }
0x1b: {  	s9 =	sadd.s32 $0xFFFFFEF7, lr;
	s5 =	simm.s32 $0xFFFFFFFF;
	p2 =	slt.u32 s8, $0xFFFFF086  }
0x1c: {  	p1 =	slt.u32 s9, $0xF7A;
	s5 =	simm.s32 @!p2 $0x0  }
0x1d: {  	s5 =	simm.s32 @p1 $0x1;
	p0 =	seq.s32 s7, s2  }
0x1e: {  	s7 =	smul.u32 @!p0 $0xF7A, s2;
	p2 =	seq.s32 @!p0 s5, $0x0  }
0x1f: {  	s9 =	smul.u32 $0xF7A, s1;
	s8 =	simm.s32 @!p0 $0x1BF5;
	p2 =	por !p2, p0  }
0x20: {  	[sflag:s8] =	ssyncset.s32 @!p0 $0xFFFFF086;
	s6 =	sadd.s32 @!p0 s3, s7;
	s7 =	simm.s32 @!p0 $0x108  }
0x21: {  	s3 =	sadd.s32 s3, s9;
	s6 =	sadd.s32 @!p0 $0x88, s6;
	s7 =	simm.s32 @p2 $0x1082  }
0x22: {  	[simem:s7], [sflag:s8] =	dma.local @!p0 [hbm:s6], $0xF7A  }
0x23: {  	s9 =	sor.u32 $0xD0000000, s2;
	s6 =	simm.s32 $0x108;
	_ =	swait.ge @!p0 [sflag:s8], $0x0  }
0x24: {  	s3 =	sadd.s32 $0x88, s3;
	s6 =	simm.s32 @!p1 $0x1082;
	[sflag:s4] =	ssyncset.s32 $0xFFFFF086  }
0x25: {  	[simem:s6], [sflag:s4] =	dma.local [hbm:s3], $0xF7A  }
0x26: {  	[smem:$0x3F9F] =	sst s1;
	(tag) =	ssettag s2;
	_ =	strace s9  }
0x27: {  	s1 =	sld [smem:$0x3FAF]  }
0x28: {  	s2 =	sld [smem:$0x3FB0]  }
0x29: {  	s4 =	sld [smem:$0x3FB2]  }
0x2a: {  	p0 =	seq.s32 s5, $0x0;
	s5 =	sld [smem:$0x3FB3]  }
0x2b: {  	s6 =	sld [smem:$0x3FB4]  }
0x2c: {  	s7 =	sld [smem:$0x3FB5]  }
0x2d: {  	s3 =	simm.s32 $0x108;
	s8 =	sld [smem:$0x3FB6]  }
0x2e: {  	s3 =	simm.s32 @!p0 $0x1082;
	s9 =	sld [smem:$0x3FB7]  }
0x2f: {  	lr =	sadd.s32 s0, s3;
	s0 =	sld [smem:$0x3FAE]  }
0x30: {  	s3 =	sld [smem:$0x3FB1]  }
0x31: {  	[smem:$0x3FBA] =	sst s10  }
0x32: {  	s10 =	sld [smem:$0x3FB8];
	_ =	sdelay $0x3  }
0x33: {  	p0 =	seq.s32 s10, $0x1;
	s10 =	sld [smem:$0x3FBA];
	_ =	sdelay $0x3  }
0x34: {  	[smem:$0x3FBA] =	sst s10  }
0x35: {  	s10 =	sld [smem:$0x3FB9];
	_ =	sdelay $0x3  }
0x36: {  	p1 =	seq.s32 s10, $0x1;
	s10 =	sld [smem:$0x3FBA];
	_ =	sdelay $0x3  }
0x37: {  	[smem:$0x3FBA] =	sst s10  }
0x38: {  	s10 =	sld [smem:$0x3FBB]  }
0x39: {  	_ = 	snop;
	(pc) =	sbr.ind lr, $3  }
0x3a: {  	_ = 	snop  }
0x3b: {  	_ = 	snop  }
0x3c: {  	p2 =	seq.s32 s10, $0x1;
	s10 =	sld [smem:$0x3FBA]  }
0x3d: {  	_ =	shalt  }
0x3e: {  	_ =	shalt  }
0x3f: {  	_ =	shalt  }
0x40: {  	_ =	shalt  }
0x41: {  	_ =	shalt  }
0x42: {  	_ =	shalt  }
0x43: {  	_ =	shalt  }
0x44: {  	_ =	shalt  }
0x45: {  	_ =	shalt  }
0x46: {  	_ =	shalt  }
0x47: {  	_ =	shalt  }
0x48: {  	_ =	shalt  }
0x49: {  	_ =	shalt  }
0x4a: {  	_ =	shalt  }
0x4b: {  	_ =	shalt  }
0x4c: {  	_ =	shalt  }
0x4d: {  	_ =	shalt  }
0x4e: {  	_ =	shalt  }
0x4f: {  	_ =	shalt  }
0x50: {  	_ =	shalt  }
0x51: {  	_ =	shalt  }
0x52: {  	_ =	shalt  }
0x53: {  	_ =	shalt  }
0x54: {  	_ =	shalt  }
0x55: {  	_ =	shalt  }
0x56: {  	_ =	shalt  }
0x57: {  	_ =	shalt  }
0x58: {  	_ =	shalt  }
0x59: {  	_ =	shalt  }
0x5a: {  	_ =	shalt  }
0x5b: {  	_ =	shalt  }
0x5c: {  	_ =	shalt  }
0x5d: {  	_ =	shalt  }
0x5e: {  	_ =	shalt  }
0x5f: {  	_ =	shalt  }
0x60: {  	_ =	shalt  }
0x61: {  	_ =	shalt  }
0x62: {  	_ =	shalt  }
0x63: {  	_ =	shalt  }
0x64: {  	_ =	shalt  }
0x65: {  	_ =	shalt  }
0x66: {  	_ =	shalt  }
0x67: {  	_ =	shalt  }
0x68: {  	_ =	shalt  }
0x69: {  	_ =	shalt  }
0x6a: {  	_ =	shalt  }
0x6b: {  	_ =	shalt  }
0x6c: {  	_ =	shalt  }
0x6d: {  	_ =	shalt  }
0x6e: {  	_ =	shalt  }
0x6f: {  	_ =	shalt  }
0x70: {  	_ =	shalt  }
0x71: {  	_ =	shalt  }
0x72: {  	_ =	shalt  }
0x73: {  	_ =	shalt  }
0x74: {  	_ =	shalt  }
0x75: {  	_ =	shalt  }
0x76: {  	_ =	shalt  }
0x77: {  	_ =	shalt  }
0x78: {  	_ =	shalt  }
0x79: {  	_ =	shalt  }
0x7a: {  	_ =	shalt  }
0x7b: {  	_ =	shalt  }
0x7c: {  	_ =	shalt  }
0x7d: {  	_ =	shalt  }
0x7e: {  	_ =	shalt  }
0x7f: {  	_ =	shalt  }
0x80: {  	_ =	shalt  }
0x81: {  	_ =	shalt  }
0x82: {  	_ =	shalt  }
0x83: {  	_ =	shalt  }
0x84: {  	_ =	shalt  }
0x85: {  	_ =	shalt  }
0x86: {  	_ =	shalt  }
0x87: {  	_ =	shalt  }
.Lfunc_end0:
.L_simem_size_0:
called_computation_lowered:
.L_overlay_start_0:
0x88: {  	s2 =	sld [smem:$0x3FD9]  }
0x89: {  	s3 =	sld [smem:$0x3FFE];
	_ =	sdelay $0x1  }
0x8a: {  	s1 =	srdreg.scid  }
0x8b: {  	s0 =	sand.u32 $0x1, s1  }
0x8c: {  	s17 =	sshll.u32 s0, $0xA;
	s2 =	sadd.s32 s3, s2  }
0x8d: {  	s2 =	sadd.s32 s2, s17  }
0x8e: {  	[smem:$0x3FC6] =	sst s2  }
0x8f: {  	_ = 	snop  }
0x90: {  	s2 =	sld [smem:$0x3FD0];
	(tm) =	ssettm $0x1  }
0x91: {  	s18 =	sld [smem:$0x3FFB];
	_ =	sdelay $0x3  }
0x92: {  	_ =	strace s18  }
0x93: {  	s3 =	sld [smem:$0x3FFC];
	_ =	sdelay $0x3  }
0x94: {  	_ =	strace s3  }
0x95: {  	s3 =	sld [smem:$0x3FFD];
	_ =	sdelay $0x3  }
0x96: {  	_ =	strace s3  }
0x97: {  	_ =	strace $0x8FFFFFFF  }
0x98: {  	s19 =	sld [smem:$0x3FDB];
	_ =	sdelay $0x1  }
0x99: {  	s4 =	simm.s32 $_scs_section_size  }
0x9a: {  	s5 =	simm.s32 $_size__tile_overlayer_lowered;
	s6 =	simm.s32 $_tile_overlayer_lowered  }
0x9b: {  	s22 =	simm.s32 $0x1BFF;
	s21 =	sshll.u32 s6, $0x1;
	s3 =	sadd.s32 s4, s19  }
0x9c: {  	s7 =	simm.s32 $0x0;
	s20 =	sshll.u32 s5, $0x1;
	s5 =	sadd.s32 s21, s3  }
0x9d: {  	[timem:s7], [sflag:s22] =	dma.local [hbm:s5], s20  }
0x9e: {  	_ =	swait.ge [sflag:s22], s20  }
0x9f: {  	s4 =	ssub.s32 $0x0, s20;
	[sflag:s22] =	ssyncset.done $0x0  }
0xa0: {  	[sflag:s22] =	ssyncadd.s32 s4;
	_ =	sdelay $0x1  }
0xa1: {  	s23 =	simm.s32 $0x1B8B  }
0xa2: {  	_ =	swait.ge [sflag:s23], $0x1  }
0xa3: {  	[sflag:s23] =	ssyncset.done $0x0  }
0xa4: {  	s25 =	simm.s32 $0x1B8E;
	s24 =	sld [smem:$0x3FFE];
	[sflag:s23] =	ssyncadd.s32 $0xFFFFFFFF  }
0xa5: {  	s26 =	simm.s32 $execute0_lowered;
	[smem:$0x3FD2] =	sst s25  }
0xa6: {  	s5 =	sshll.u32 s26, $0x1;
	_ =	strace $0x80000046;
	[dreg:$0x1] =	wrdreg $0xFFFFFFFF  }
0xa7: {  	s28 =	simm.s32 $_size_execute0_lowered;
	s3 =	sadd.s32 s3, s5;
	[dreg:$0x0] =	wrdreg $0x0  }
0xa8: {  	s5 =	sshll.u32 s28, $0x1;
	[dreg:$0x2] =	wrdreg s3  }
0xa9: {  	[dreg:$0x3] =	wrdreg s5  }
0xaa: {  	[dreg:$0x4] =	wrdreg $0xC0  }
0xab: {  	_ =	task [dreg:s7], $0x5FFFF  }
0xac: {  	[dreg:$0x1] =	wrdreg $0xFFFFFFFF  }
0xad: {  	[dreg:$0x0] =	wrdreg $0x60  }
0xae: {  	[dreg:$0x2] =	wrdreg s24  }
0xaf: {  	[dreg:$0x3] =	wrdreg s2  }
0xb0: {  	[dreg:$0x4] =	wrdreg $0x9  }
0xb1: {  	_ =	task.clear_ibuf [dreg:s7], $0x5FFFF;
	_ =	strace $0x90000046  }
0xb2: {  	s29 =	simm.s32 $0x9;
	_ =	strace $0x80000048  }
0xb3: {  	_ =	swait.ge [sflag:s29], $0x1  }
0xb4: {  	[sflag:s29] =	ssyncadd.s32 $0xFFFFFFFF  }
0xb5: {  	_ =	strace $0x90000048  }
0xb6: {  	_ =	sfence  }
0xb7: {  	s30 =	sld [smem:$0x0];
	_ =	sdelay $0x2  }
0xb8: {  	s31 =	sshll.u32 s1, $0xD;
	s1 =	sshrl.u32 s1, $0x2  }
0xb9: {  	s3 =	sand.u32 $0x4000, s31;
	s1 =	sadd.s32 s1, s30  }
0xba: {  	s0 =	sor.u32 s3, s0;
	s1 =	sshll.u32 s1, $0x11  }
0xbb: {  	s0 =	sor.u32 s1, s0  }
0xbc: {  	s0 =	sadd.s32 $0x8F2B, s0  }
0xbd: {  	[sflag:s0] =	ssyncadd.remote.s32 $0x1  }
0xbe: {  	_ =	sfence.sel $0xFFFF  }
0xbf: {  	[dreg:$0x0] =	wrdreg $0xFFFFFFFF;
	(pc) =	sbr.abs _section_cstart, $3  }
0xc0: {  	[dreg:$0x1] =	wrdreg $0xFFFFFFFF  }
0xc1: {  	_ =	task.clear_ibuf [dreg:s7], $0x2FFFF;
	_ =	strace $0x9FFFFFFF  }
0xc2: {  	(tm) =	ssettm $0x7FFFFFFF  }
0xc3: {  	_ =	shalt  }
tec
execute0_lowered:
.L_overlay_start_1:
0x0: {  	(tag) =	ssettag $0x1  }
0x1: {  	s0 =	srdreg.scid;
	s1 =	rddreg [dreg:$0x0]  }
0x2: {  	s2 =	stileid.u32;
	s5 =	rddreg [dreg:$0x1]  }
0x3: {  	s9 =	simm.s32 $0x3;
	s10 =	simm.s32 $0x2800;
	s11 =	simm.s32 $0x40  }
0x4: {  	s12 =	simm.s32 $0x5000;
	s14 =	simm.s32 $0x6000;
	s16 =	simm.s32 $0x7000  }
0x5: {  	s18 =	simm.s32 $0x8000;
	s20 =	simm.s32 $0x9000;
	s22 =	simm.s32 $0xA000  }
0x6: {  	s24 =	simm.s32 $0xB000;
	s26 =	simm.s32 $0xC000;
	s29 =	simm.s32 $0xD000  }
0x7: {  	s31 =	simm.s32 $0xE000;
	s13 =	simm.s32 $0x2B40;
	s15 =	simm.s32 $0x2B80  }
0x8: {  	s17 =	simm.s32 $0x2;
	s19 =	simm.s32 $0xF000;
	s21 =	simm.s32 $0x0  }
0x9: {  	s0 =	sand.u32 $0x1, s0;
	s3 =	sshll.u32 s2, $0xA;
	s2 =	simm.s32 $0x0  }
0xa: {  	s4 =	sshll.u32 s0, $0x9;
	[smem:$0x7FF] =	sst s2;
	s0 =	ssub.s32 $0x2, s0  }
0xb: {  	s4 =	sor.u32 s4, s3;
	_ =	strace $0x80000047;
	s7 =	sshrl.u32 s0, $0x1  }
0xc: {  	s3 =	sshrl.u32 s4, $0x3;
	s0 =	ssub.s32 s0, s7;
	s30 =	sshll.u32 s4, $0x3  }
0xd: {  	v0 =	vlaneseq.u32;
	s6 =	sadd.s32 s3, s1;
	s3 =	sadd.s32 $0xA400, s1;
	s5 =	sadd.s32 s5, s30  }
0xe: {  	v0 =	vmul.u32 $0x14, v0;
	s1 =	simm.s32 $0x1;
	s4 =	sadd.s32 $0x400, s6;
	s6 =	smax.u32 s0, $0x1  }
.LBB2_1:
0xf: {  	s0 =	simm.s32 $0x200;
	s7 =	simm.s32 $0x4000  }
0x10: {  	[tilespmem:s2], [sflag:$0x3] =	stream.strided.gather [hbm4b:s4+s0], $0x2800, s7, s0, $0x38;
	[tilespmem:$0x17000] =	vst v63  }
0x11: {  	s25 =	sand.u32 $0x1F, s2;
	s28 =	simm.s32 $0x0;
	_ =	swait.ge [sflag:s9], $0x2800  }
0x12: {  	s7 =	sand.u32 $0x3FFFFE00, s28;
	s23 =	sshll.u32 s25, $0x4;
	[sflag:s9] =	ssyncset.done $0x0  }
0x13: {  	s7 =	sor.u32 s23, s7;
	[sflag:s9] =	ssyncadd.s32 $0xFFFFD800  }
0x14: {  	v1 =	vld [tilespmem:s7+$0x0];
	_ =	sdelay $0x2  }
0x15: {  	s30 =	smul.u32 $0x140, s25;
	_ =	sdelay $0x1  }
0x16: {  	s7 =	sadd.s32 $0x0, s30;
	v2 =	vshll.u32 v1, $0x1  }
0x17: {  	v3 =	vand.u32 $0xFFFFF000, v1;
	v4 =	vshrl.u32 v1, $0xB;
	v1 =	vadd.s32 s7, v0;
	_ =	sdelay $0x1  }
0x18: {  	s0 =	simm.s32 $0x1;
	v2 =	vand.u32 $0xFFE, v2  }
0x19: {  	s25 =	simm.s32 $0x10;
	s23 =	sand.u32 $0x1F, s0;
	s7 =	simm.s32 $0x2;
	v2 =	vor.u32 v3, v2;
	v3 =	vand.u32 $0x1, v4  }
.LBB2_2:
0x1a: {  	p0 =	sne.s32 s7, $0x27F;
	s25 =	sand.u32 $0x3FFFFE00, s25;
	s28 =	sshll.u32 s23, $0x4;
	v2 =	vor.u32 v3, v2  }
0x1b: {  	s25 =	sor.u32 s28, s25;
	[tilespmem:v1+s10+$0x0] =	vst.idx.msk $0xffff, v2  }
0x1c: {  	v2 =	vld [tilespmem:s25+$0x0]  }
0x1d: {  	s23 =	smul.u32 $0x140, s23  }
0x1e: {  	s25 =	sshrl.u32 s0, $0x5;
	s0 =	smov.u32 s7  }
.Ltmp0:
0x1f: {  	s23 =	sadd.s32 s25, s23;
	(pc) =	sbr.rel @p0 .LBB2_2-.Ltmp0, $4  }
0x20: {  	v1 =	vadd.s32 s23, v0  }
0x21: {  	v3 =	vshll.u32 v2, $0x1  }
0x22: {  	v4 =	vand.u32 $0xFFFFF000, v2;
	v5 =	vshrl.u32 v2, $0xB;
	v3 =	vand.u32 $0xFFE, v3  }
0x23: {  	s7 =	sadd.s32 $0x1, s7;
	s25 =	sshll.u32 s0, $0x4;
	s23 =	sand.u32 $0x1F, s0;
	v2 =	vor.u32 v4, v3;
	v3 =	vand.u32 $0x1, v5  }
0x24: {  	_ =	sdelay $0x2  }
0x25: {  	s7 =	sand.u32 $0x3FFFFE00, s25;
	s8 =	sshll.u32 s23, $0x4;
	v2 =	vor.u32 v3, v2  }
0x26: {  	s7 =	sor.u32 s8, s7;
	[tilespmem:v1+s10+$0x0] =	vst.idx.msk $0xffff, v2  }
0x27: {  	v1 =	vld [tilespmem:s7+$0x0]  }
0x28: {  	s23 =	smul.u32 $0x140, s23  }
0x29: {  	s0 =	sshrl.u32 s0, $0x5  }
0x2a: {  	s0 =	sadd.s32 s0, s23  }
0x2b: {  	v2 =	vadd.s32 s0, v0  }
0x2c: {  	v3 =	vshll.u32 v1, $0x1  }
0x2d: {  	v4 =	vand.u32 $0xFFFFF000, v1;
	v1 =	vshrl.u32 v1, $0xB;
	v3 =	vand.u32 $0xFFE, v3  }
0x2e: {  	v1 =	vand.u32 $0x1, v1;
	v3 =	vor.u32 v4, v3  }
0x2f: {  	v1 =	vor.u32 v1, v3  }
0x30: {  	[tilespmem:v2+s10+$0x0] =	vst.idx.msk $0xffff, v1  }
0x31: {  	[tilespmem:s12], [sflag:$0x1] =	stream.indirect.gather [hbm4b:s3+s11], $0x40, s10, s11, $0xb8;
	[tilespmem:$0x17000] =	vst v63  }
0x32: {  	s25 =	simm.s32 $0x2840  }
0x33: {  	[tilespmem:s14], [sflag:$0x1] =	stream.indirect.gather [hbm4b:s3+s11], $0x40, s25, s11, $0xb8;
	[tilespmem:$0x17000] =	vst v63  }
0x34: {  	s28 =	simm.s32 $0x2880  }
0x35: {  	[tilespmem:s16], [sflag:$0x1] =	stream.indirect.gather [hbm4b:s3+s11], $0x40, s28, s11, $0xb8;
	[tilespmem:$0x17000] =	vst v63  }
0x36: {  	s30 =	simm.s32 $0x28C0  }
0x37: {  	[tilespmem:s18], [sflag:$0x1] =	stream.indirect.gather [hbm4b:s3+s11], $0x40, s30, s11, $0xb8;
	[tilespmem:$0x17000] =	vst v63  }
0x38: {  	s7 =	simm.s32 $0x2900  }
0x39: {  	[tilespmem:s20], [sflag:$0x1] =	stream.indirect.gather [hbm4b:s3+s11], $0x40, s7, s11, $0xb8;
	[tilespmem:$0x17000] =	vst v63  }
0x3a: {  	s8 =	simm.s32 $0x2940  }
0x3b: {  	[tilespmem:s22], [sflag:$0x2] =	stream.indirect.gather [hbm4b:s3+s11], $0x40, s8, s11, $0xb8;
	[tilespmem:$0x17000] =	vst v63  }
0x3c: {  	s23 =	simm.s32 $0x2980  }
0x3d: {  	[tilespmem:s24], [sflag:$0x2] =	stream.indirect.gather [hbm4b:s3+s11], $0x40, s23, s11, $0xb8;
	[tilespmem:$0x17000] =	vst v63  }
0x3e: {  	s25 =	simm.s32 $0x29C0  }
0x3f: {  	[tilespmem:s26], [sflag:$0x2] =	stream.indirect.gather [hbm4b:s3+s11], $0x40, s25, s11, $0xb8;
	[tilespmem:$0x17000] =	vst v63  }
0x40: {  	s28 =	simm.s32 $0x2A00  }
0x41: {  	[tilespmem:s29], [sflag:$0x2] =	stream.indirect.gather [hbm4b:s3+s11], $0x40, s28, s11, $0xb8;
	[tilespmem:$0x17000] =	vst v63  }
0x42: {  	s30 =	simm.s32 $0x2A40  }
0x43: {  	[tilespmem:s31], [sflag:$0x2] =	stream.indirect.gather [hbm4b:s3+s11], $0x40, s30, s11, $0xb8;
	[tilespmem:$0x17000] =	vst v63  }
0x44: {  	_ =	swait.ge [sflag:s1], $0x1000  }
0x45: {  	[sflag:s1] =	ssyncset.done $0x0  }
0x46: {  	[sflag:s1] =	ssyncadd.s32 $0xFFFFF000  }
0x47: {  	_ =	swait.ge [sflag:s1], $0x1000  }
0x48: {  	[sflag:s1] =	ssyncset.done $0x0  }
0x49: {  	[sflag:s1] =	ssyncadd.s32 $0xFFFFF000  }
0x4a: {  	_ =	swait.ge [sflag:s1], $0x1000  }
0x4b: {  	[sflag:s1] =	ssyncset.done $0x0  }
0x4c: {  	[sflag:s1] =	ssyncadd.s32 $0xFFFFF000  }
0x4d: {  	_ =	swait.ge [sflag:s1], $0x1000  }
0x4e: {  	[sflag:s1] =	ssyncset.done $0x0  }
0x4f: {  	[sflag:s1] =	ssyncadd.s32 $0xFFFFF000  }
0x50: {  	_ =	swait.ge [sflag:s1], $0x1000  }
0x51: {  	[sflag:s1] =	ssyncset.done $0x0  }
0x52: {  	s0 =	simm.s32 $0x5280;
	s23 =	simm.s32 $0x0;
	[sflag:s1] =	ssyncadd.s32 $0xFFFFF000  }
.LBB2_4:
0x53: {  	v1 =	vld [tilespmem:s0+$0xFFFFFD80]  }
0x54: {  	v2 =	vld [tilespmem:s0+$0xFFFFFDC0]  }
0x55: {  	v3 =	vld [tilespmem:s0+$0xFFFFFE00]  }
0x56: {  	v4 =	vld [tilespmem:s0+$0xFFFFFE40]  }
0x57: {  	v5 =	vld [tilespmem:s0+$0xFFFFFE80]  }
0x58: {  	v6 =	vld [tilespmem:s0+$0xFFFFFEC0]  }
0x59: {  	v7 =	vld [tilespmem:s0+$0xFFFFFF00]  }
0x5a: {  	v8 =	vld [tilespmem:s0+$0xFFFFFF40]  }
0x5b: {  	v9 =	vld [tilespmem:s0+$0xFFFFFF80]  }
0x5c: {  	v10 =	vld [tilespmem:s0+$0xFFFFFFC0]  }
0x5d: {  	v11 =	vld [tilespmem:s0+$0x0]  }
0x5e: {  	v12 =	vld [tilespmem:s0+$0x40]  }
0x5f: {  	v13 =	vld [tilespmem:s0+$0x80]  }
0x60: {  	v14 =	vld [tilespmem:s0+$0xC0]  }
0x61: {  	v15 =	vld [tilespmem:s0+$0x100]  }
0x62: {  	v16 =	vld [tilespmem:s0+$0x140]  }
0x63: {  	v17 =	vld [tilespmem:s0+$0x180]  }
0x64: {  	v18 =	vld [tilespmem:s0+$0x1C0];
	v1 =	vadd.f32 v2, v1;
	v2 =	vadd.f32 v4, v3  }
0x65: {  	v19 =	vld [tilespmem:s0+$0x200];
	v23 =	vadd.f32 v6, v5;
	v24 =	vadd.f32 v8, v7  }
0x66: {  	v3 =	vld [tilespmem:s0+$0x240];
	v25 =	vadd.f32 v10, v9;
	v26 =	vadd.f32 v12, v11  }
0x67: {  	v27 =	vadd.f32 v14, v13;
	v28 =	vadd.f32 v16, v15  }
0x68: {  	v1 =	vadd.f32 v2, v1;
	v2 =	vadd.f32 v24, v23  }
0x69: {  	v29 =	vadd.f32 v26, v25;
	v30 =	vadd.f32 v28, v27  }
0x6a: {  	v31 =	vadd.f32 v18, v17;
	v1 =	vadd.f32 v2, v1  }
0x6b: {  	v2 =	vadd.f32 v30, v29;
	v3 =	vadd.f32 v3, v19;
	_ =	sdelay $0x1  }
0x6c: {  	v1 =	vadd.f32 v2, v1;
	v3 =	vadd.f32 v3, v31;
	_ =	sdelay $0x1  }
0x6d: {  	v1 =	vadd.f32 v3, v1;
	_ =	sdelay $0x1  }
0x6e: {  	v1 =	vmul.f32 $5.000000070e-02, v1  }
0x6f: {  	s7 =	sshra.s32 s23, $0x2  }
0x70: {  	[tilespmem:s7+$0xF000] =	vst v1  }
0x71: {  	v1 =	vld [tilespmem:s0+$0xFFFFFD90]  }
0x72: {  	v2 =	vld [tilespmem:s0+$0xFFFFFDD0]  }
0x73: {  	v3 =	vld [tilespmem:s0+$0xFFFFFE10]  }
0x74: {  	v32 =	vld [tilespmem:s0+$0xFFFFFE50]  }
0x75: {  	v33 =	vld [tilespmem:s0+$0xFFFFFE90]  }
0x76: {  	v34 =	vld [tilespmem:s0+$0xFFFFFED0]  }
0x77: {  	v35 =	vld [tilespmem:s0+$0xFFFFFF10]  }
0x78: {  	v36 =	vld [tilespmem:s0+$0xFFFFFF50]  }
0x79: {  	v37 =	vld [tilespmem:s0+$0xFFFFFF90]  }
0x7a: {  	v38 =	vld [tilespmem:s0+$0xFFFFFFD0]  }
0x7b: {  	v39 =	vld [tilespmem:s0+$0x10]  }
0x7c: {  	v40 =	vld [tilespmem:s0+$0x50]  }
0x7d: {  	v41 =	vld [tilespmem:s0+$0x90]  }
0x7e: {  	v42 =	vld [tilespmem:s0+$0xD0]  }
0x7f: {  	v43 =	vld [tilespmem:s0+$0x110]  }
0x80: {  	v44 =	vld [tilespmem:s0+$0x150]  }
0x81: {  	v45 =	vld [tilespmem:s0+$0x190]  }
0x82: {  	v46 =	vld [tilespmem:s0+$0x1D0];
	v1 =	vadd.f32 v2, v1;
	v2 =	vadd.f32 v32, v3  }
0x83: {  	v47 =	vld [tilespmem:s0+$0x210];
	v48 =	vadd.f32 v34, v33;
	v49 =	vadd.f32 v36, v35  }
0x84: {  	v3 =	vld [tilespmem:s0+$0x250];
	v50 =	vadd.f32 v38, v37;
	v51 =	vadd.f32 v40, v39  }
0x85: {  	v52 =	vadd.f32 v42, v41;
	v53 =	vadd.f32 v44, v43  }
0x86: {  	v1 =	vadd.f32 v2, v1;
	v2 =	vadd.f32 v49, v48  }
0x87: {  	v54 =	vadd.f32 v51, v50;
	v55 =	vadd.f32 v53, v52  }
0x88: {  	v56 =	vadd.f32 v46, v45;
	v1 =	vadd.f32 v2, v1  }
0x89: {  	v2 =	vadd.f32 v55, v54;
	v3 =	vadd.f32 v3, v47;
	_ =	sdelay $0x1  }
0x8a: {  	v1 =	vadd.f32 v2, v1;
	v3 =	vadd.f32 v3, v56;
	_ =	sdelay $0x1  }
0x8b: {  	v1 =	vadd.f32 v3, v1;
	_ =	sdelay $0x1  }
0x8c: {  	v1 =	vmul.f32 $5.000000070e-02, v1;
	_ =	sdelay $0x1  }
0x8d: {  	[tilespmem:s7+$0xF010] =	vst v1  }
0x8e: {  	v1 =	vld [tilespmem:s0+$0xFFFFFDA0]  }
0x8f: {  	v2 =	vld [tilespmem:s0+$0xFFFFFDE0]  }
0x90: {  	v3 =	vld [tilespmem:s0+$0xFFFFFE20]  }
0x91: {  	v57 =	vld [tilespmem:s0+$0xFFFFFE60]  }
0x92: {  	v58 =	vld [tilespmem:s0+$0xFFFFFEA0]  }
0x93: {  	v59 =	vld [tilespmem:s0+$0xFFFFFEE0]  }
0x94: {  	v60 =	vld [tilespmem:s0+$0xFFFFFF20]  }
0x95: {  	v61 =	vld [tilespmem:s0+$0xFFFFFF60]  }
0x96: {  	v62 =	vld [tilespmem:s0+$0xFFFFFFA0]  }
0x97: {  	v63 =	vld [tilespmem:s0+$0xFFFFFFE0]  }
0x98: {  	v21 =	vld [tilespmem:s0+$0x20]  }
0x99: {  	v22 =	vld [tilespmem:s0+$0x60]  }
0x9a: {  	v23 =	vld [tilespmem:s0+$0xA0]  }
0x9b: {  	v24 =	vld [tilespmem:s0+$0xE0]  }
0x9c: {  	v25 =	vld [tilespmem:s0+$0x120]  }
0x9d: {  	v26 =	vld [tilespmem:s0+$0x160]  }
0x9e: {  	v27 =	vld [tilespmem:s0+$0x1A0]  }
0x9f: {  	v28 =	vld [tilespmem:s0+$0x1E0];
	v1 =	vadd.f32 v2, v1;
	v2 =	vadd.f32 v57, v3  }
0xa0: {  	v29 =	vld [tilespmem:s0+$0x220];
	v30 =	vadd.f32 v59, v58;
	v31 =	vadd.f32 v61, v60  }
0xa1: {  	v3 =	vld [tilespmem:s0+$0x260];
	v32 =	vadd.f32 v63, v62;
	v33 =	vadd.f32 v22, v21  }
0xa2: {  	v34 =	vadd.f32 v24, v23;
	v35 =	vadd.f32 v26, v25  }
0xa3: {  	v1 =	vadd.f32 v2, v1;
	v2 =	vadd.f32 v31, v30  }
0xa4: {  	v36 =	vadd.f32 v33, v32;
	v37 =	vadd.f32 v35, v34  }
0xa5: {  	v38 =	vadd.f32 v28, v27;
	v1 =	vadd.f32 v2, v1  }
0xa6: {  	v2 =	vadd.f32 v37, v36;
	v3 =	vadd.f32 v3, v29;
	_ =	sdelay $0x1  }
0xa7: {  	v1 =	vadd.f32 v2, v1;
	v3 =	vadd.f32 v3, v38;
	_ =	sdelay $0x1  }
0xa8: {  	v1 =	vadd.f32 v3, v1;
	_ =	sdelay $0x1  }
0xa9: {  	v1 =	vmul.f32 $5.000000070e-02, v1;
	_ =	sdelay $0x1  }
0xaa: {  	[tilespmem:s7+$0xF020] =	vst v1  }
0xab: {  	v1 =	vld [tilespmem:s0+$0xFFFFFDB0]  }
0xac: {  	v2 =	vld [tilespmem:s0+$0xFFFFFDF0]  }
0xad: {  	v3 =	vld [tilespmem:s0+$0xFFFFFE30]  }
0xae: {  	v39 =	vld [tilespmem:s0+$0xFFFFFE70]  }
0xaf: {  	v40 =	vld [tilespmem:s0+$0xFFFFFEB0]  }
0xb0: {  	v41 =	vld [tilespmem:s0+$0xFFFFFEF0]  }
0xb1: {  	v42 =	vld [tilespmem:s0+$0xFFFFFF30]  }
0xb2: {  	v43 =	vld [tilespmem:s0+$0xFFFFFF70]  }
0xb3: {  	v44 =	vld [tilespmem:s0+$0xFFFFFFB0]  }
0xb4: {  	v45 =	vld [tilespmem:s0+$0xFFFFFFF0]  }
0xb5: {  	v46 =	vld [tilespmem:s0+$0x30]  }
0xb6: {  	v47 =	vld [tilespmem:s0+$0x70]  }
0xb7: {  	v48 =	vld [tilespmem:s0+$0xB0]  }
0xb8: {  	v49 =	vld [tilespmem:s0+$0xF0]  }
0xb9: {  	v50 =	vld [tilespmem:s0+$0x130]  }
0xba: {  	v51 =	vld [tilespmem:s0+$0x170]  }
0xbb: {  	v52 =	vld [tilespmem:s0+$0x1B0]  }
0xbc: {  	v53 =	vld [tilespmem:s0+$0x1F0];
	v1 =	vadd.f32 v2, v1;
	v2 =	vadd.f32 v39, v3  }
0xbd: {  	v54 =	vld [tilespmem:s0+$0x230];
	v55 =	vadd.f32 v41, v40;
	v56 =	vadd.f32 v43, v42  }
0xbe: {  	v3 =	vld [tilespmem:s0+$0x270];
	v57 =	vadd.f32 v45, v44;
	v58 =	vadd.f32 v47, v46  }
0xbf: {  	v59 =	vadd.f32 v49, v48;
	v60 =	vadd.f32 v51, v50  }
0xc0: {  	v1 =	vadd.f32 v2, v1;
	v2 =	vadd.f32 v56, v55  }
0xc1: {  	v61 =	vadd.f32 v58, v57;
	v62 =	vadd.f32 v60, v59  }
0xc2: {  	v63 =	vadd.f32 v53, v52;
	v1 =	vadd.f32 v2, v1  }
0xc3: {  	v2 =	vadd.f32 v62, v61;
	v3 =	vadd.f32 v3, v54;
	_ =	sdelay $0x1  }
0xc4: {  	v1 =	vadd.f32 v2, v1;
	v3 =	vadd.f32 v3, v63  }
0xc5: {  	p0 =	sne.s32 s23, $0xF00  }
.Ltmp1:
0xc6: {  	v1 =	vadd.f32 v3, v1;
	(pc) =	sbr.rel @p0 .LBB2_4-.Ltmp1, $3  }
0xc7: {  	_ = 	snop  }
0xc8: {  	v1 =	vmul.f32 $5.000000070e-02, v1;
	_ =	sdelay $0x1  }
0xc9: {  	s23 =	sadd.s32 $0x100, s23;
	s0 =	sadd.s32 $0x500, s0;
	[tilespmem:s7+$0xF030] =	vst v1  }
0xca: {  	s0 =	simm.s32 $0x2A80  }
0xcb: {  	[tilespmem:s12], [sflag:$0x1] =	stream.indirect.gather [hbm4b:s3+s11], $0x40, s0, s11, $0xb8;
	[tilespmem:$0x17000] =	vst v63  }
0xcc: {  	s28 =	simm.s32 $0x2AC0  }
0xcd: {  	[tilespmem:s14], [sflag:$0x1] =	stream.indirect.gather [hbm4b:s3+s11], $0x40, s28, s11, $0xb8;
	[tilespmem:$0x17000] =	vst v63  }
0xce: {  	s30 =	simm.s32 $0x2B00  }
0xcf: {  	[tilespmem:s16], [sflag:$0x1] =	stream.indirect.gather [hbm4b:s3+s11], $0x40, s30, s11, $0xb8;
	[tilespmem:$0x17000] =	vst v63  }
0xd0: {  	_ = 	snop  }
0xd1: {  	[tilespmem:s18], [sflag:$0x1] =	stream.indirect.gather [hbm4b:s3+s11], $0x40, s13, s11, $0xb8;
	[tilespmem:$0x17000] =	vst v63  }
0xd2: {  	_ = 	snop  }
0xd3: {  	[tilespmem:s20], [sflag:$0x1] =	stream.indirect.gather [hbm4b:s3+s11], $0x40, s15, s11, $0xb8;
	[tilespmem:$0x17000] =	vst v63  }
0xd4: {  	_ =	swait.ge [sflag:s17], $0x1000  }
0xd5: {  	[sflag:s17] =	ssyncset.done $0x0  }
0xd6: {  	[sflag:s17] =	ssyncadd.s32 $0xFFFFF000  }
0xd7: {  	_ =	swait.ge [sflag:s17], $0x1000  }
0xd8: {  	[sflag:s17] =	ssyncset.done $0x0  }
0xd9: {  	[sflag:s17] =	ssyncadd.s32 $0xFFFFF000  }
0xda: {  	_ =	swait.ge [sflag:s17], $0x1000  }
0xdb: {  	[sflag:s17] =	ssyncset.done $0x0  }
0xdc: {  	[sflag:s17] =	ssyncadd.s32 $0xFFFFF000  }
0xdd: {  	_ =	swait.ge [sflag:s17], $0x1000  }
0xde: {  	[sflag:s17] =	ssyncset.done $0x0  }
0xdf: {  	[sflag:s17] =	ssyncadd.s32 $0xFFFFF000  }
0xe0: {  	_ =	swait.ge [sflag:s17], $0x1000  }
0xe1: {  	[sflag:s17] =	ssyncset.done $0x0  }
0xe2: {  	s23 =	simm.s32 $0xF430;
	s0 =	simm.s32 $0x0;
	[sflag:s17] =	ssyncadd.s32 $0xFFFFF000  }
.LBB2_6:
0xe3: {  	s25 =	sshra.s32 s0, $0x2  }
0xe4: {  	v1 =	vld [tilespmem:s25+$0xA000]  }
0xe5: {  	v2 =	vld [tilespmem:s25+$0xA040]  }
0xe6: {  	v3 =	vld [tilespmem:s25+$0xA080]  }
0xe7: {  	v4 =	vld [tilespmem:s25+$0xA0C0]  }
0xe8: {  	v5 =	vld [tilespmem:s25+$0xA100]  }
0xe9: {  	v6 =	vld [tilespmem:s25+$0xA140]  }
0xea: {  	v7 =	vld [tilespmem:s25+$0xA180]  }
0xeb: {  	v8 =	vld [tilespmem:s25+$0xA1C0]  }
0xec: {  	v9 =	vld [tilespmem:s25+$0xA200]  }
0xed: {  	v10 =	vld [tilespmem:s25+$0xA240]  }
0xee: {  	v11 =	vld [tilespmem:s25+$0xA280]  }
0xef: {  	v12 =	vld [tilespmem:s25+$0xA2C0]  }
0xf0: {  	v13 =	vld [tilespmem:s25+$0xA300]  }
0xf1: {  	v14 =	vld [tilespmem:s25+$0xA340]  }
0xf2: {  	v15 =	vld [tilespmem:s25+$0xA380]  }
0xf3: {  	v16 =	vld [tilespmem:s25+$0xA3C0]  }
0xf4: {  	v17 =	vld [tilespmem:s25+$0xA400]  }
0xf5: {  	v18 =	vld [tilespmem:s25+$0xA440];
	v1 =	vadd.f32 v2, v1;
	v2 =	vadd.f32 v4, v3  }
0xf6: {  	v19 =	vld [tilespmem:s25+$0xA480];
	v23 =	vadd.f32 v6, v5;
	v24 =	vadd.f32 v8, v7  }
0xf7: {  	v3 =	vld [tilespmem:s25+$0xA4C0];
	v25 =	vadd.f32 v10, v9;
	v26 =	vadd.f32 v12, v11  }
0xf8: {  	v27 =	vadd.f32 v14, v13;
	v28 =	vadd.f32 v16, v15  }
0xf9: {  	v1 =	vadd.f32 v2, v1;
	v2 =	vadd.f32 v24, v23  }
0xfa: {  	v29 =	vadd.f32 v26, v25;
	v30 =	vadd.f32 v28, v27  }
0xfb: {  	v31 =	vadd.f32 v18, v17;
	v1 =	vadd.f32 v2, v1  }
0xfc: {  	v2 =	vadd.f32 v30, v29;
	v3 =	vadd.f32 v3, v19;
	_ =	sdelay $0x1  }
0xfd: {  	v1 =	vadd.f32 v2, v1;
	v3 =	vadd.f32 v3, v31;
	_ =	sdelay $0x1  }
0xfe: {  	v1 =	vadd.f32 v3, v1;
	_ =	sdelay $0x1  }
0xff: {  	v1 =	vmul.f32 $5.000000070e-02, v1;
	_ =	sdelay $0x1  }
0x100: {  	[tilespmem:s23+$0xFFFFFFD0] =	vst v1  }
0x101: {  	v1 =	vld [tilespmem:s25+$0xA010]  }
0x102: {  	v2 =	vld [tilespmem:s25+$0xA050]  }
0x103: {  	v3 =	vld [tilespmem:s25+$0xA090]  }
0x104: {  	v32 =	vld [tilespmem:s25+$0xA0D0]  }
0x105: {  	v33 =	vld [tilespmem:s25+$0xA110]  }
0x106: {  	v34 =	vld [tilespmem:s25+$0xA150]  }
0x107: {  	v35 =	vld [tilespmem:s25+$0xA190]  }
0x108: {  	v36 =	vld [tilespmem:s25+$0xA1D0]  }
0x109: {  	v37 =	vld [tilespmem:s25+$0xA210]  }
0x10a: {  	v38 =	vld [tilespmem:s25+$0xA250]  }
0x10b: {  	v39 =	vld [tilespmem:s25+$0xA290]  }
0x10c: {  	v40 =	vld [tilespmem:s25+$0xA2D0]  }
0x10d: {  	v41 =	vld [tilespmem:s25+$0xA310]  }
0x10e: {  	v42 =	vld [tilespmem:s25+$0xA350]  }
0x10f: {  	v43 =	vld [tilespmem:s25+$0xA390]  }
0x110: {  	v44 =	vld [tilespmem:s25+$0xA3D0]  }
0x111: {  	v45 =	vld [tilespmem:s25+$0xA410]  }
0x112: {  	v46 =	vld [tilespmem:s25+$0xA450];
	v1 =	vadd.f32 v2, v1;
	v2 =	vadd.f32 v32, v3  }
0x113: {  	v47 =	vld [tilespmem:s25+$0xA490];
	v48 =	vadd.f32 v34, v33;
	v49 =	vadd.f32 v36, v35  }
0x114: {  	v3 =	vld [tilespmem:s25+$0xA4D0];
	v50 =	vadd.f32 v38, v37;
	v51 =	vadd.f32 v40, v39  }
0x115: {  	v52 =	vadd.f32 v42, v41;
	v53 =	vadd.f32 v44, v43  }
0x116: {  	v1 =	vadd.f32 v2, v1;
	v2 =	vadd.f32 v49, v48  }
0x117: {  	v54 =	vadd.f32 v51, v50;
	v55 =	vadd.f32 v53, v52  }
0x118: {  	v56 =	vadd.f32 v46, v45;
	v1 =	vadd.f32 v2, v1  }
0x119: {  	v2 =	vadd.f32 v55, v54;
	v3 =	vadd.f32 v3, v47;
	_ =	sdelay $0x1  }
0x11a: {  	v1 =	vadd.f32 v2, v1;
	v3 =	vadd.f32 v3, v56;
	_ =	sdelay $0x1  }
0x11b: {  	v1 =	vadd.f32 v3, v1;
	_ =	sdelay $0x1  }
0x11c: {  	v1 =	vmul.f32 $5.000000070e-02, v1;
	_ =	sdelay $0x1  }
0x11d: {  	[tilespmem:s23+$0xFFFFFFE0] =	vst v1  }
0x11e: {  	v1 =	vld [tilespmem:s25+$0xA020]  }
0x11f: {  	v2 =	vld [tilespmem:s25+$0xA060]  }
0x120: {  	v3 =	vld [tilespmem:s25+$0xA0A0]  }
0x121: {  	v57 =	vld [tilespmem:s25+$0xA0E0]  }
0x122: {  	v58 =	vld [tilespmem:s25+$0xA120]  }
0x123: {  	v59 =	vld [tilespmem:s25+$0xA160]  }
0x124: {  	v60 =	vld [tilespmem:s25+$0xA1A0]  }
0x125: {  	v61 =	vld [tilespmem:s25+$0xA1E0]  }
0x126: {  	v62 =	vld [tilespmem:s25+$0xA220]  }
0x127: {  	v63 =	vld [tilespmem:s25+$0xA260]  }
0x128: {  	v21 =	vld [tilespmem:s25+$0xA2A0]  }
0x129: {  	v22 =	vld [tilespmem:s25+$0xA2E0]  }
0x12a: {  	v23 =	vld [tilespmem:s25+$0xA320]  }
0x12b: {  	v24 =	vld [tilespmem:s25+$0xA360]  }
0x12c: {  	v25 =	vld [tilespmem:s25+$0xA3A0]  }
0x12d: {  	v26 =	vld [tilespmem:s25+$0xA3E0]  }
0x12e: {  	v27 =	vld [tilespmem:s25+$0xA420]  }
0x12f: {  	v28 =	vld [tilespmem:s25+$0xA460];
	v1 =	vadd.f32 v2, v1;
	v2 =	vadd.f32 v57, v3  }
0x130: {  	v29 =	vld [tilespmem:s25+$0xA4A0];
	v30 =	vadd.f32 v59, v58;
	v31 =	vadd.f32 v61, v60  }
0x131: {  	v3 =	vld [tilespmem:s25+$0xA4E0];
	v32 =	vadd.f32 v63, v62;
	v33 =	vadd.f32 v22, v21  }
0x132: {  	v34 =	vadd.f32 v24, v23;
	v35 =	vadd.f32 v26, v25  }
0x133: {  	v1 =	vadd.f32 v2, v1;
	v2 =	vadd.f32 v31, v30  }
0x134: {  	v36 =	vadd.f32 v33, v32;
	v37 =	vadd.f32 v35, v34  }
0x135: {  	v38 =	vadd.f32 v28, v27;
	v1 =	vadd.f32 v2, v1  }
0x136: {  	v2 =	vadd.f32 v37, v36;
	v3 =	vadd.f32 v3, v29;
	_ =	sdelay $0x1  }
0x137: {  	v1 =	vadd.f32 v2, v1;
	v3 =	vadd.f32 v3, v38;
	_ =	sdelay $0x1  }
0x138: {  	v1 =	vadd.f32 v3, v1;
	_ =	sdelay $0x1  }
0x139: {  	v1 =	vmul.f32 $5.000000070e-02, v1;
	_ =	sdelay $0x1  }
0x13a: {  	[tilespmem:s23+$0xFFFFFFF0] =	vst v1  }
0x13b: {  	v1 =	vld [tilespmem:s25+$0xA030]  }
0x13c: {  	v2 =	vld [tilespmem:s25+$0xA070]  }
0x13d: {  	v3 =	vld [tilespmem:s25+$0xA0B0]  }
0x13e: {  	v39 =	vld [tilespmem:s25+$0xA0F0]  }
0x13f: {  	v40 =	vld [tilespmem:s25+$0xA130]  }
0x140: {  	v41 =	vld [tilespmem:s25+$0xA170]  }
0x141: {  	v42 =	vld [tilespmem:s25+$0xA1B0]  }
0x142: {  	v43 =	vld [tilespmem:s25+$0xA1F0]  }
0x143: {  	v44 =	vld [tilespmem:s25+$0xA230]  }
0x144: {  	v45 =	vld [tilespmem:s25+$0xA270]  }
0x145: {  	v46 =	vld [tilespmem:s25+$0xA2B0]  }
0x146: {  	v47 =	vld [tilespmem:s25+$0xA2F0]  }
0x147: {  	v48 =	vld [tilespmem:s25+$0xA330]  }
0x148: {  	v49 =	vld [tilespmem:s25+$0xA370]  }
0x149: {  	v50 =	vld [tilespmem:s25+$0xA3B0]  }
0x14a: {  	v51 =	vld [tilespmem:s25+$0xA3F0]  }
0x14b: {  	v52 =	vld [tilespmem:s25+$0xA430]  }
0x14c: {  	v53 =	vld [tilespmem:s25+$0xA470];
	v1 =	vadd.f32 v2, v1;
	v2 =	vadd.f32 v39, v3  }
0x14d: {  	v54 =	vld [tilespmem:s25+$0xA4B0];
	v55 =	vadd.f32 v41, v40;
	v56 =	vadd.f32 v43, v42  }
0x14e: {  	v3 =	vld [tilespmem:s25+$0xA4F0];
	v57 =	vadd.f32 v45, v44;
	v58 =	vadd.f32 v47, v46  }
0x14f: {  	v59 =	vadd.f32 v49, v48;
	v60 =	vadd.f32 v51, v50  }
0x150: {  	v1 =	vadd.f32 v2, v1;
	v2 =	vadd.f32 v56, v55  }
0x151: {  	v61 =	vadd.f32 v58, v57;
	v62 =	vadd.f32 v60, v59  }
0x152: {  	v63 =	vadd.f32 v53, v52;
	v1 =	vadd.f32 v2, v1  }
0x153: {  	v2 =	vadd.f32 v62, v61;
	v3 =	vadd.f32 v3, v54;
	_ =	sdelay $0x1  }
0x154: {  	v1 =	vadd.f32 v2, v1;
	v3 =	vadd.f32 v3, v63  }
0x155: {  	p0 =	sne.s32 s0, $0x12C00  }
.Ltmp2:
0x156: {  	v1 =	vadd.f32 v3, v1;
	(pc) =	sbr.rel @p0 .LBB2_6-.Ltmp2, $3  }
0x157: {  	_ = 	snop  }
0x158: {  	v1 =	vmul.f32 $5.000000070e-02, v1;
	_ =	sdelay $0x1  }
0x159: {  	s0 =	sadd.s32 $0x1400, s0;
	[tilespmem:s23+$0x0] =	vst v1;
	s23 =	sadd.s32 $0x40, s23  }
0x15a: {  	s23 =	simm.s32 $0x1;
	s25 =	simm.s32 $0xF830;
	s28 =	simm.s32 $0xFC30  }
.LBB2_8:
0x15b: {  	s0 =	sshllo.u32 s23, $0x1  }
0x15c: {  	s0 =	smul.u32 $0x500, s0;
	_ =	sdelay $0x1  }
0x15d: {  	s0 =	sshra.s32 s0, $0x2  }
0x15e: {  	s7 =	sadd.s32 $0x2800, s0  }
0x15f: {  	[tilespmem:s22], [sflag:$0x2] =	stream.indirect.gather [hbm4b:s3+s11], $0x40, s7, s11, $0xb8;
	[tilespmem:$0x17000] =	vst v63  }
0x160: {  	s8 =	sadd.s32 $0x2840, s0  }
0x161: {  	[tilespmem:s24], [sflag:$0x2] =	stream.indirect.gather [hbm4b:s3+s11], $0x40, s8, s11, $0xb8;
	[tilespmem:$0x17000] =	vst v63  }
0x162: {  	s8 =	sadd.s32 $0x2880, s0  }
0x163: {  	[tilespmem:s26], [sflag:$0x2] =	stream.indirect.gather [hbm4b:s3+s11], $0x40, s8, s11, $0xb8;
	[tilespmem:$0x17000] =	vst v63  }
0x164: {  	s8 =	sadd.s32 $0x28C0, s0  }
0x165: {  	[tilespmem:s29], [sflag:$0x2] =	stream.indirect.gather [hbm4b:s3+s11], $0x40, s8, s11, $0xb8;
	[tilespmem:$0x17000] =	vst v63  }
0x166: {  	s0 =	sadd.s32 $0x2900, s0  }
0x167: {  	[tilespmem:s31], [sflag:$0x2] =	stream.indirect.gather [hbm4b:s3+s11], $0x40, s0, s11, $0xb8;
	[tilespmem:$0x17000] =	vst v63  }
0x168: {  	_ =	swait.ge [sflag:s1], $0x1000  }
0x169: {  	[sflag:s1] =	ssyncset.done $0x0  }
0x16a: {  	[sflag:s1] =	ssyncadd.s32 $0xFFFFF000  }
0x16b: {  	_ =	swait.ge [sflag:s1], $0x1000  }
0x16c: {  	[sflag:s1] =	ssyncset.done $0x0  }
0x16d: {  	[sflag:s1] =	ssyncadd.s32 $0xFFFFF000  }
0x16e: {  	_ =	swait.ge [sflag:s1], $0x1000  }
0x16f: {  	[sflag:s1] =	ssyncset.done $0x0  }
0x170: {  	[sflag:s1] =	ssyncadd.s32 $0xFFFFF000  }
0x171: {  	_ =	swait.ge [sflag:s1], $0x1000  }
0x172: {  	[sflag:s1] =	ssyncset.done $0x0  }
0x173: {  	[sflag:s1] =	ssyncadd.s32 $0xFFFFF000  }
0x174: {  	_ =	swait.ge [sflag:s1], $0x1000  }
0x175: {  	[sflag:s1] =	ssyncset.done $0x0  }
0x176: {  	s30 =	simm.s32 $0x0;
	v1 =	vmov s25;
	s0 =	simm.s32 $0x5280;
	[sflag:s1] =	ssyncadd.s32 $0xFFFFF000  }
.LBB2_9:
0x177: {  	v2 =	vld [tilespmem:s0+$0xFFFFFD80]  }
0x178: {  	v3 =	vld [tilespmem:s0+$0xFFFFFDC0]  }
0x179: {  	v4 =	vld [tilespmem:s0+$0xFFFFFE00]  }
0x17a: {  	v5 =	vld [tilespmem:s0+$0xFFFFFE40]  }
0x17b: {  	v6 =	vld [tilespmem:s0+$0xFFFFFE80]  }
0x17c: {  	v7 =	vld [tilespmem:s0+$0xFFFFFEC0]  }
0x17d: {  	v8 =	vld [tilespmem:s0+$0xFFFFFF00]  }
0x17e: {  	v9 =	vld [tilespmem:s0+$0xFFFFFF40]  }
0x17f: {  	v10 =	vld [tilespmem:s0+$0xFFFFFF80]  }
0x180: {  	v11 =	vld [tilespmem:s0+$0xFFFFFFC0]  }
0x181: {  	v12 =	vld [tilespmem:s0+$0x0]  }
0x182: {  	v13 =	vld [tilespmem:s0+$0x40]  }
0x183: {  	v14 =	vld [tilespmem:s0+$0x80]  }
0x184: {  	v15 =	vld [tilespmem:s0+$0xC0]  }
0x185: {  	v16 =	vld [tilespmem:s0+$0x100]  }
0x186: {  	v17 =	vld [tilespmem:s0+$0x140]  }
0x187: {  	v18 =	vld [tilespmem:s0+$0x180]  }
0x188: {  	v19 =	vld [tilespmem:s0+$0x1C0]  }
0x189: {  	v20 =	vld [tilespmem:s0+$0x200];
	v2 =	vadd.f32 v3, v2;
	v3 =	vadd.f32 v5, v4  }
0x18a: {  	v53 =	vld [tilespmem:s0+$0x240];
	v54 =	vadd.f32 v7, v6;
	v55 =	vadd.f32 v9, v8  }
0x18b: {  	v56 =	vadd.f32 v11, v10;
	v57 =	vadd.f32 v13, v12  }
0x18c: {  	v58 =	vadd.f32 v15, v14;
	v59 =	vadd.f32 v17, v16  }
0x18d: {  	v2 =	vadd.f32 v3, v2;
	v3 =	vadd.f32 v55, v54  }
0x18e: {  	v60 =	vadd.f32 v57, v56;
	v61 =	vadd.f32 v59, v58  }
0x18f: {  	v62 =	vadd.f32 v19, v18;
	v4 =	vadd.f32 v53, v20  }
0x190: {  	v2 =	vadd.f32 v3, v2;
	v3 =	vadd.f32 v61, v60;
	_ =	sdelay $0x1  }
0x191: {  	v4 =	vadd.f32 v4, v62;
	v2 =	vadd.f32 v3, v2;
	_ =	sdelay $0x1  }
0x192: {  	v2 =	vadd.f32 v4, v2;
	_ =	sdelay $0x1  }
0x193: {  	v2 =	vmul.f32 $5.000000070e-02, v2  }
0x194: {  	s7 =	sshra.s32 s30, $0x2  }
0x195: {  	[tilespmem:v1+s7+$0xFFFFFFD0 ss:$0x1] =	vst.idx.msk $0xffff, v2  }
0x196: {  	v2 =	vld [tilespmem:s0+$0xFFFFFD90]  }
0x197: {  	v3 =	vld [tilespmem:s0+$0xFFFFFDD0]  }
0x198: {  	v63 =	vld [tilespmem:s0+$0xFFFFFE10]  }
0x199: {  	v24 =	vld [tilespmem:s0+$0xFFFFFE50]  }
0x19a: {  	v25 =	vld [tilespmem:s0+$0xFFFFFE90]  }
0x19b: {  	v26 =	vld [tilespmem:s0+$0xFFFFFED0]  }
0x19c: {  	v27 =	vld [tilespmem:s0+$0xFFFFFF10]  }
0x19d: {  	v28 =	vld [tilespmem:s0+$0xFFFFFF50]  }
0x19e: {  	v29 =	vld [tilespmem:s0+$0xFFFFFF90]  }
0x19f: {  	v30 =	vld [tilespmem:s0+$0xFFFFFFD0]  }
0x1a0: {  	v31 =	vld [tilespmem:s0+$0x10]  }
0x1a1: {  	v32 =	vld [tilespmem:s0+$0x50]  }
0x1a2: {  	v33 =	vld [tilespmem:s0+$0x90]  }
0x1a3: {  	v34 =	vld [tilespmem:s0+$0xD0]  }
0x1a4: {  	v35 =	vld [tilespmem:s0+$0x110]  }
0x1a5: {  	v36 =	vld [tilespmem:s0+$0x150]  }
0x1a6: {  	v37 =	vld [tilespmem:s0+$0x190]  }
0x1a7: {  	v38 =	vld [tilespmem:s0+$0x1D0]  }
0x1a8: {  	v39 =	vld [tilespmem:s0+$0x210];
	v2 =	vadd.f32 v3, v2;
	v3 =	vadd.f32 v24, v63  }
0x1a9: {  	v40 =	vld [tilespmem:s0+$0x250];
	v41 =	vadd.f32 v26, v25;
	v42 =	vadd.f32 v28, v27  }
0x1aa: {  	v43 =	vadd.f32 v30, v29;
	v44 =	vadd.f32 v32, v31  }
0x1ab: {  	v45 =	vadd.f32 v34, v33;
	v46 =	vadd.f32 v36, v35  }
0x1ac: {  	v2 =	vadd.f32 v3, v2;
	v3 =	vadd.f32 v42, v41  }
0x1ad: {  	v47 =	vadd.f32 v44, v43;
	v48 =	vadd.f32 v46, v45  }
0x1ae: {  	v49 =	vadd.f32 v38, v37;
	v4 =	vadd.f32 v40, v39  }
0x1af: {  	v2 =	vadd.f32 v3, v2;
	v3 =	vadd.f32 v48, v47;
	_ =	sdelay $0x1  }
0x1b0: {  	v4 =	vadd.f32 v4, v49;
	v2 =	vadd.f32 v3, v2;
	_ =	sdelay $0x1  }
0x1b1: {  	v2 =	vadd.f32 v4, v2;
	_ =	sdelay $0x1  }
0x1b2: {  	v2 =	vmul.f32 $5.000000070e-02, v2;
	_ =	sdelay $0x1  }
0x1b3: {  	[tilespmem:v1+s7+$0xFFFFFFE0 ss:$0x1] =	vst.idx.msk $0xffff, v2  }
0x1b4: {  	v2 =	vld [tilespmem:s0+$0xFFFFFDA0]  }
0x1b5: {  	v3 =	vld [tilespmem:s0+$0xFFFFFDE0]  }
0x1b6: {  	v50 =	vld [tilespmem:s0+$0xFFFFFE20]  }
0x1b7: {  	v51 =	vld [tilespmem:s0+$0xFFFFFE60]  }
0x1b8: {  	v52 =	vld [tilespmem:s0+$0xFFFFFEA0]  }
0x1b9: {  	v53 =	vld [tilespmem:s0+$0xFFFFFEE0]  }
0x1ba: {  	v54 =	vld [tilespmem:s0+$0xFFFFFF20]  }
0x1bb: {  	v55 =	vld [tilespmem:s0+$0xFFFFFF60]  }
0x1bc: {  	v56 =	vld [tilespmem:s0+$0xFFFFFFA0]  }
0x1bd: {  	v57 =	vld [tilespmem:s0+$0xFFFFFFE0]  }
0x1be: {  	v58 =	vld [tilespmem:s0+$0x20]  }
0x1bf: {  	v59 =	vld [tilespmem:s0+$0x60]  }
0x1c0: {  	v60 =	vld [tilespmem:s0+$0xA0]  }
0x1c1: {  	v61 =	vld [tilespmem:s0+$0xE0]  }
0x1c2: {  	v62 =	vld [tilespmem:s0+$0x120]  }
0x1c3: {  	v63 =	vld [tilespmem:s0+$0x160]  }
0x1c4: {  	v24 =	vld [tilespmem:s0+$0x1A0]  }
0x1c5: {  	v25 =	vld [tilespmem:s0+$0x1E0]  }
0x1c6: {  	v26 =	vld [tilespmem:s0+$0x220];
	v2 =	vadd.f32 v3, v2;
	v3 =	vadd.f32 v51, v50  }
0x1c7: {  	v27 =	vld [tilespmem:s0+$0x260];
	v28 =	vadd.f32 v53, v52;
	v29 =	vadd.f32 v55, v54  }
0x1c8: {  	v30 =	vadd.f32 v57, v56;
	v31 =	vadd.f32 v59, v58  }
0x1c9: {  	v32 =	vadd.f32 v61, v60;
	v33 =	vadd.f32 v63, v62  }
0x1ca: {  	v2 =	vadd.f32 v3, v2;
	v3 =	vadd.f32 v29, v28  }
0x1cb: {  	v34 =	vadd.f32 v31, v30;
	v35 =	vadd.f32 v33, v32  }
0x1cc: {  	v36 =	vadd.f32 v25, v24;
	v4 =	vadd.f32 v27, v26  }
0x1cd: {  	v2 =	vadd.f32 v3, v2;
	v3 =	vadd.f32 v35, v34;
	_ =	sdelay $0x1  }
0x1ce: {  	v4 =	vadd.f32 v4, v36;
	v2 =	vadd.f32 v3, v2;
	_ =	sdelay $0x1  }
0x1cf: {  	v2 =	vadd.f32 v4, v2;
	_ =	sdelay $0x1  }
0x1d0: {  	v2 =	vmul.f32 $5.000000070e-02, v2;
	_ =	sdelay $0x1  }
0x1d1: {  	[tilespmem:v1+s7+$0xFFFFFFF0 ss:$0x1] =	vst.idx.msk $0xffff, v2  }
0x1d2: {  	v2 =	vld [tilespmem:s0+$0xFFFFFDB0]  }
0x1d3: {  	v3 =	vld [tilespmem:s0+$0xFFFFFDF0]  }
0x1d4: {  	v37 =	vld [tilespmem:s0+$0xFFFFFE30]  }
0x1d5: {  	v38 =	vld [tilespmem:s0+$0xFFFFFE70]  }
0x1d6: {  	v39 =	vld [tilespmem:s0+$0xFFFFFEB0]  }
0x1d7: {  	v40 =	vld [tilespmem:s0+$0xFFFFFEF0]  }
0x1d8: {  	v41 =	vld [tilespmem:s0+$0xFFFFFF30]  }
0x1d9: {  	v42 =	vld [tilespmem:s0+$0xFFFFFF70]  }
0x1da: {  	v43 =	vld [tilespmem:s0+$0xFFFFFFB0]  }
0x1db: {  	v44 =	vld [tilespmem:s0+$0xFFFFFFF0]  }
0x1dc: {  	v45 =	vld [tilespmem:s0+$0x30]  }
0x1dd: {  	v46 =	vld [tilespmem:s0+$0x70]  }
0x1de: {  	v47 =	vld [tilespmem:s0+$0xB0]  }
0x1df: {  	v48 =	vld [tilespmem:s0+$0xF0]  }
0x1e0: {  	v49 =	vld [tilespmem:s0+$0x130]  }
0x1e1: {  	v50 =	vld [tilespmem:s0+$0x170]  }
0x1e2: {  	v51 =	vld [tilespmem:s0+$0x1B0]  }
0x1e3: {  	v52 =	vld [tilespmem:s0+$0x1F0]  }
0x1e4: {  	v53 =	vld [tilespmem:s0+$0x230];
	v2 =	vadd.f32 v3, v2;
	v3 =	vadd.f32 v38, v37  }
0x1e5: {  	v54 =	vld [tilespmem:s0+$0x270];
	v55 =	vadd.f32 v40, v39;
	v56 =	vadd.f32 v42, v41  }
0x1e6: {  	v57 =	vadd.f32 v44, v43;
	v58 =	vadd.f32 v46, v45  }
0x1e7: {  	v59 =	vadd.f32 v48, v47;
	v60 =	vadd.f32 v50, v49  }
0x1e8: {  	v2 =	vadd.f32 v3, v2;
	v3 =	vadd.f32 v56, v55  }
0x1e9: {  	v61 =	vadd.f32 v58, v57;
	v62 =	vadd.f32 v60, v59  }
0x1ea: {  	v63 =	vadd.f32 v52, v51;
	v4 =	vadd.f32 v54, v53  }
0x1eb: {  	v2 =	vadd.f32 v3, v2;
	v3 =	vadd.f32 v62, v61;
	_ =	sdelay $0x1  }
0x1ec: {  	v4 =	vadd.f32 v4, v63;
	v2 =	vadd.f32 v3, v2  }
0x1ed: {  	p0 =	sne.s32 s30, $0xF00  }
.Ltmp3:
0x1ee: {  	v2 =	vadd.f32 v4, v2;
	(pc) =	sbr.rel @p0 .LBB2_9-.Ltmp3, $3  }
0x1ef: {  	_ = 	snop  }
0x1f0: {  	v2 =	vmul.f32 $5.000000070e-02, v2;
	_ =	sdelay $0x1  }
0x1f1: {  	s30 =	sadd.s32 $0x100, s30;
	s0 =	sadd.s32 $0x500, s0;
	[tilespmem:v1+s7+$0x0 ss:$0x1] =	vst.idx.msk $0xffff, v2  }
0x1f2: {  	p0 =	seq.s32 s23, $0xF  }
0x1f3: {  	s0 =	smul.u32 @!p0 $0xA00, s23;
	_ =	sdelay $0x1  }
0x1f4: {  	s0 =	sshra.s32 @!p0 s0, $0x2  }
0x1f5: {  	s30 =	simm.s32 @!p0 $0x40;
	s8 =	simm.s32 @!p0 $0x5000;
	s7 =	sadd.s32 @!p0 $0x2A80, s0  }
0x1f6: {  	[tilespmem:s8], [sflag:$0x1] =	stream.indirect.gather @!p0 [hbm4b:s3+s30], $0x40, s7, s30, $0xb8;
	[tilespmem:$0x17000] =	vst v63  }
0x1f7: {  	s7 =	sadd.s32 @!p0 $0x2AC0, s0;
	s8 =	simm.s32 @!p0 $0x6000  }
0x1f8: {  	[tilespmem:s8], [sflag:$0x1] =	stream.indirect.gather @!p0 [hbm4b:s3+s30], $0x40, s7, s30, $0xb8;
	[tilespmem:$0x17000] =	vst v63  }
0x1f9: {  	s7 =	sadd.s32 @!p0 $0x2B00, s0;
	s8 =	simm.s32 @!p0 $0x7000  }
0x1fa: {  	[tilespmem:s8], [sflag:$0x1] =	stream.indirect.gather @!p0 [hbm4b:s3+s30], $0x40, s7, s30, $0xb8;
	[tilespmem:$0x17000] =	vst v63  }
0x1fb: {  	s7 =	sadd.s32 @!p0 $0x2B40, s0;
	s8 =	simm.s32 @!p0 $0x8000  }
0x1fc: {  	[tilespmem:s8], [sflag:$0x1] =	stream.indirect.gather @!p0 [hbm4b:s3+s30], $0x40, s7, s30, $0xb8;
	[tilespmem:$0x17000] =	vst v63  }
0x1fd: {  	s0 =	sadd.s32 @!p0 $0x2B80, s0;
	s7 =	simm.s32 @!p0 $0x9000  }
0x1fe: {  	[tilespmem:s7], [sflag:$0x1] =	stream.indirect.gather @!p0 [hbm4b:s3+s30], $0x40, s0, s30, $0xb8;
	[tilespmem:$0x17000] =	vst v63  }
0x1ff: {  	_ =	swait.ge [sflag:s17], $0x1000  }
0x200: {  	[sflag:s17] =	ssyncset.done $0x0  }
0x201: {  	[sflag:s17] =	ssyncadd.s32 $0xFFFFF000  }
0x202: {  	_ =	swait.ge [sflag:s17], $0x1000  }
0x203: {  	[sflag:s17] =	ssyncset.done $0x0  }
0x204: {  	[sflag:s17] =	ssyncadd.s32 $0xFFFFF000  }
0x205: {  	_ =	swait.ge [sflag:s17], $0x1000  }
0x206: {  	[sflag:s17] =	ssyncset.done $0x0  }
0x207: {  	[sflag:s17] =	ssyncadd.s32 $0xFFFFF000  }
0x208: {  	_ =	swait.ge [sflag:s17], $0x1000  }
0x209: {  	[sflag:s17] =	ssyncset.done $0x0  }
0x20a: {  	[sflag:s17] =	ssyncadd.s32 $0xFFFFF000  }
0x20b: {  	_ =	swait.ge [sflag:s17], $0x1000  }
0x20c: {  	[sflag:s17] =	ssyncset.done $0x0  }
0x20d: {  	s0 =	simm.s32 $0x0;
	s30 =	smov.u32 s28;
	[sflag:s17] =	ssyncadd.s32 $0xFFFFF000  }
.LBB2_11:
0x20e: {  	s7 =	sshra.s32 s0, $0x2  }
0x20f: {  	v1 =	vld [tilespmem:s7+$0xA000]  }
0x210: {  	v2 =	vld [tilespmem:s7+$0xA040]  }
0x211: {  	v3 =	vld [tilespmem:s7+$0xA080]  }
0x212: {  	v4 =	vld [tilespmem:s7+$0xA0C0]  }
0x213: {  	v5 =	vld [tilespmem:s7+$0xA100]  }
0x214: {  	v6 =	vld [tilespmem:s7+$0xA140]  }
0x215: {  	v7 =	vld [tilespmem:s7+$0xA180]  }
0x216: {  	v8 =	vld [tilespmem:s7+$0xA1C0]  }
0x217: {  	v9 =	vld [tilespmem:s7+$0xA200]  }
0x218: {  	v10 =	vld [tilespmem:s7+$0xA240]  }
0x219: {  	v11 =	vld [tilespmem:s7+$0xA280]  }
0x21a: {  	v12 =	vld [tilespmem:s7+$0xA2C0]  }
0x21b: {  	v13 =	vld [tilespmem:s7+$0xA300]  }
0x21c: {  	v14 =	vld [tilespmem:s7+$0xA340]  }
0x21d: {  	v15 =	vld [tilespmem:s7+$0xA380]  }
0x21e: {  	v16 =	vld [tilespmem:s7+$0xA3C0]  }
0x21f: {  	v17 =	vld [tilespmem:s7+$0xA400]  }
0x220: {  	v18 =	vld [tilespmem:s7+$0xA440];
	v1 =	vadd.f32 v2, v1;
	v2 =	vadd.f32 v4, v3  }
0x221: {  	v19 =	vld [tilespmem:s7+$0xA480];
	v23 =	vadd.f32 v6, v5;
	v24 =	vadd.f32 v8, v7  }
0x222: {  	v3 =	vld [tilespmem:s7+$0xA4C0];
	v25 =	vadd.f32 v10, v9;
	v26 =	vadd.f32 v12, v11  }
0x223: {  	v27 =	vadd.f32 v14, v13;
	v28 =	vadd.f32 v16, v15  }
0x224: {  	v1 =	vadd.f32 v2, v1;
	v2 =	vadd.f32 v24, v23  }
0x225: {  	v29 =	vadd.f32 v26, v25;
	v30 =	vadd.f32 v28, v27  }
0x226: {  	v31 =	vadd.f32 v18, v17;
	v1 =	vadd.f32 v2, v1  }
0x227: {  	v2 =	vadd.f32 v30, v29;
	v3 =	vadd.f32 v3, v19;
	_ =	sdelay $0x1  }
0x228: {  	v1 =	vadd.f32 v2, v1;
	v3 =	vadd.f32 v3, v31;
	_ =	sdelay $0x1  }
0x229: {  	v1 =	vadd.f32 v3, v1;
	_ =	sdelay $0x1  }
0x22a: {  	v1 =	vmul.f32 $5.000000070e-02, v1;
	_ =	sdelay $0x1  }
0x22b: {  	[tilespmem:s30+$0xFFFFFFD0] =	vst v1  }
0x22c: {  	v1 =	vld [tilespmem:s7+$0xA010]  }
0x22d: {  	v2 =	vld [tilespmem:s7+$0xA050]  }
0x22e: {  	v3 =	vld [tilespmem:s7+$0xA090]  }
0x22f: {  	v32 =	vld [tilespmem:s7+$0xA0D0]  }
0x230: {  	v33 =	vld [tilespmem:s7+$0xA110]  }
0x231: {  	v34 =	vld [tilespmem:s7+$0xA150]  }
0x232: {  	v35 =	vld [tilespmem:s7+$0xA190]  }
0x233: {  	v36 =	vld [tilespmem:s7+$0xA1D0]  }
0x234: {  	v37 =	vld [tilespmem:s7+$0xA210]  }
0x235: {  	v38 =	vld [tilespmem:s7+$0xA250]  }
0x236: {  	v39 =	vld [tilespmem:s7+$0xA290]  }
0x237: {  	v40 =	vld [tilespmem:s7+$0xA2D0]  }
0x238: {  	v41 =	vld [tilespmem:s7+$0xA310]  }
0x239: {  	v42 =	vld [tilespmem:s7+$0xA350]  }
0x23a: {  	v43 =	vld [tilespmem:s7+$0xA390]  }
0x23b: {  	v44 =	vld [tilespmem:s7+$0xA3D0]  }
0x23c: {  	v45 =	vld [tilespmem:s7+$0xA410]  }
0x23d: {  	v46 =	vld [tilespmem:s7+$0xA450];
	v1 =	vadd.f32 v2, v1;
	v2 =	vadd.f32 v32, v3  }
0x23e: {  	v47 =	vld [tilespmem:s7+$0xA490];
	v48 =	vadd.f32 v34, v33;
	v49 =	vadd.f32 v36, v35  }
0x23f: {  	v3 =	vld [tilespmem:s7+$0xA4D0];
	v50 =	vadd.f32 v38, v37;
	v51 =	vadd.f32 v40, v39  }
0x240: {  	v52 =	vadd.f32 v42, v41;
	v53 =	vadd.f32 v44, v43  }
0x241: {  	v1 =	vadd.f32 v2, v1;
	v2 =	vadd.f32 v49, v48  }
0x242: {  	v54 =	vadd.f32 v51, v50;
	v55 =	vadd.f32 v53, v52  }
0x243: {  	v56 =	vadd.f32 v46, v45;
	v1 =	vadd.f32 v2, v1  }
0x244: {  	v2 =	vadd.f32 v55, v54;
	v3 =	vadd.f32 v3, v47;
	_ =	sdelay $0x1  }
0x245: {  	v1 =	vadd.f32 v2, v1;
	v3 =	vadd.f32 v3, v56;
	_ =	sdelay $0x1  }
0x246: {  	v1 =	vadd.f32 v3, v1;
	_ =	sdelay $0x1  }
0x247: {  	v1 =	vmul.f32 $5.000000070e-02, v1;
	_ =	sdelay $0x1  }
0x248: {  	[tilespmem:s30+$0xFFFFFFE0] =	vst v1  }
0x249: {  	v1 =	vld [tilespmem:s7+$0xA020]  }
0x24a: {  	v2 =	vld [tilespmem:s7+$0xA060]  }
0x24b: {  	v3 =	vld [tilespmem:s7+$0xA0A0]  }
0x24c: {  	v57 =	vld [tilespmem:s7+$0xA0E0]  }
0x24d: {  	v58 =	vld [tilespmem:s7+$0xA120]  }
0x24e: {  	v59 =	vld [tilespmem:s7+$0xA160]  }
0x24f: {  	v60 =	vld [tilespmem:s7+$0xA1A0]  }
0x250: {  	v61 =	vld [tilespmem:s7+$0xA1E0]  }
0x251: {  	v62 =	vld [tilespmem:s7+$0xA220]  }
0x252: {  	v63 =	vld [tilespmem:s7+$0xA260]  }
0x253: {  	v21 =	vld [tilespmem:s7+$0xA2A0]  }
0x254: {  	v22 =	vld [tilespmem:s7+$0xA2E0]  }
0x255: {  	v23 =	vld [tilespmem:s7+$0xA320]  }
0x256: {  	v24 =	vld [tilespmem:s7+$0xA360]  }
0x257: {  	v25 =	vld [tilespmem:s7+$0xA3A0]  }
0x258: {  	v26 =	vld [tilespmem:s7+$0xA3E0]  }
0x259: {  	v27 =	vld [tilespmem:s7+$0xA420]  }
0x25a: {  	v28 =	vld [tilespmem:s7+$0xA460];
	v1 =	vadd.f32 v2, v1;
	v2 =	vadd.f32 v57, v3  }
0x25b: {  	v29 =	vld [tilespmem:s7+$0xA4A0];
	v30 =	vadd.f32 v59, v58;
	v31 =	vadd.f32 v61, v60  }
0x25c: {  	v3 =	vld [tilespmem:s7+$0xA4E0];
	v32 =	vadd.f32 v63, v62;
	v33 =	vadd.f32 v22, v21  }
0x25d: {  	v34 =	vadd.f32 v24, v23;
	v35 =	vadd.f32 v26, v25  }
0x25e: {  	v1 =	vadd.f32 v2, v1;
	v2 =	vadd.f32 v31, v30  }
0x25f: {  	v36 =	vadd.f32 v33, v32;
	v37 =	vadd.f32 v35, v34  }
0x260: {  	v38 =	vadd.f32 v28, v27;
	v1 =	vadd.f32 v2, v1  }
0x261: {  	v2 =	vadd.f32 v37, v36;
	v3 =	vadd.f32 v3, v29;
	_ =	sdelay $0x1  }
0x262: {  	v1 =	vadd.f32 v2, v1;
	v3 =	vadd.f32 v3, v38;
	_ =	sdelay $0x1  }
0x263: {  	v1 =	vadd.f32 v3, v1;
	_ =	sdelay $0x1  }
0x264: {  	v1 =	vmul.f32 $5.000000070e-02, v1;
	_ =	sdelay $0x1  }
0x265: {  	[tilespmem:s30+$0xFFFFFFF0] =	vst v1  }
0x266: {  	v1 =	vld [tilespmem:s7+$0xA030]  }
0x267: {  	v2 =	vld [tilespmem:s7+$0xA070]  }
0x268: {  	v3 =	vld [tilespmem:s7+$0xA0B0]  }
0x269: {  	v39 =	vld [tilespmem:s7+$0xA0F0]  }
0x26a: {  	v40 =	vld [tilespmem:s7+$0xA130]  }
0x26b: {  	v41 =	vld [tilespmem:s7+$0xA170]  }
0x26c: {  	v42 =	vld [tilespmem:s7+$0xA1B0]  }
0x26d: {  	v43 =	vld [tilespmem:s7+$0xA1F0]  }
0x26e: {  	v44 =	vld [tilespmem:s7+$0xA230]  }
0x26f: {  	v45 =	vld [tilespmem:s7+$0xA270]  }
0x270: {  	v46 =	vld [tilespmem:s7+$0xA2B0]  }
0x271: {  	v47 =	vld [tilespmem:s7+$0xA2F0]  }
0x272: {  	v48 =	vld [tilespmem:s7+$0xA330]  }
0x273: {  	v49 =	vld [tilespmem:s7+$0xA370]  }
0x274: {  	v50 =	vld [tilespmem:s7+$0xA3B0]  }
0x275: {  	v51 =	vld [tilespmem:s7+$0xA3F0]  }
0x276: {  	v52 =	vld [tilespmem:s7+$0xA430]  }
0x277: {  	v53 =	vld [tilespmem:s7+$0xA470];
	v1 =	vadd.f32 v2, v1;
	v2 =	vadd.f32 v39, v3  }
0x278: {  	v54 =	vld [tilespmem:s7+$0xA4B0];
	v55 =	vadd.f32 v41, v40;
	v56 =	vadd.f32 v43, v42  }
0x279: {  	v3 =	vld [tilespmem:s7+$0xA4F0];
	v57 =	vadd.f32 v45, v44;
	v58 =	vadd.f32 v47, v46  }
0x27a: {  	v59 =	vadd.f32 v49, v48;
	v60 =	vadd.f32 v51, v50  }
0x27b: {  	v1 =	vadd.f32 v2, v1;
	v2 =	vadd.f32 v56, v55  }
0x27c: {  	v61 =	vadd.f32 v58, v57;
	v62 =	vadd.f32 v60, v59  }
0x27d: {  	v63 =	vadd.f32 v53, v52;
	v1 =	vadd.f32 v2, v1  }
0x27e: {  	v2 =	vadd.f32 v62, v61;
	v3 =	vadd.f32 v3, v54;
	_ =	sdelay $0x1  }
0x27f: {  	v1 =	vadd.f32 v2, v1;
	v3 =	vadd.f32 v3, v63  }
0x280: {  	p0 =	sne.s32 s0, $0x12C00  }
.Ltmp4:
0x281: {  	v1 =	vadd.f32 v3, v1;
	(pc) =	sbr.rel @p0 .LBB2_11-.Ltmp4, $3  }
0x282: {  	_ = 	snop  }
0x283: {  	v1 =	vmul.f32 $5.000000070e-02, v1;
	_ =	sdelay $0x1  }
0x284: {  	s0 =	sadd.s32 $0x1400, s0;
	[tilespmem:s30+$0x0] =	vst v1;
	s30 =	sadd.s32 $0x40, s30  }
0x285: {  	s23 =	sadd.s32 $0x1, s23  }
0x286: {  	p0 =	sne.s32 s23, $0x10  }
.Ltmp5:
0x287: {  	_ = 	snop;
	(pc) =	sbr.rel @p0 .LBB2_8-.Ltmp5, $2  }
0x288: {  	_ =	sdelay $0x2  }
0x289: {  	s25 =	sadd.s32 $0x800, s25;
	s28 =	sadd.s32 $0x800, s28  }
0x28a: {  	s21 =	sadd.s32 $0x1, s21  }
0x28b: {  	p0 =	sne.s32 s21, s6  }
.Ltmp6:
0x28c: {  	_ = 	snop;
	(pc) =	sbr.rel @p0 .LBB2_1-.Ltmp6, $4  }
0x28d: {  	[hbm4b:s5+s2] =	stream.linear.scatter [tilespmem:s19], [sflag:$0x3], $0x8000, $0x38;
	[tilespmem:$0x17000] =	vst v63  }
0x28e: {  	_ =	swait.ge [sflag:s9], $0x8000  }
0x28f: {  	[sflag:s9] =	ssyncset.done $0x0  }
0x290: {  	[sflag:s9] =	ssyncadd.s32 $0xFFFF8000  }
0x291: {  	_ =	sfence.sel $0x180000  }
0x292: {  	[bflag:$0x0] =	sbarrier.arrive $0xFFFF  }
0x293: {  	_ =	strace $0x90000047  }
0x294: {  	s0 =	stileid.u32;
	[bflag:$0x2] =	sbarrier.arrive $0xFFFF  }
0x295: {  	p0 =	sne.s32 s0, $0x0;
	s0 =	rddreg [dreg:$0x2]  }
0x296: {  	s0 =	sadd.s32 @!p0 $0x100000, s0  }
0x297: {  	[sflag:s0] =	ssyncadd.tile.s32 @!p0 $0x1;
	_ =	shalt  }
.Lfunc_end2:
_tile_overlayer_lowered:
.L_overlay_start_2:
0x298: {  	(tag) =	ssettag $0x2  }
0x299: {  	s0 =	rddreg [dreg:$0x0];
	s2 =	stileid.u32  }
0x29a: {  	s1 =	rddreg [dreg:$0x1];
	p0 =	sne.s32 s2, $0x0  }
0x29b: {  	s3 =	rddreg [dreg:$0x2];
	[bflag:$0x3] =	sbarrier.arrive $0xFFFF;
	s2 =	simm.s32 @!p0 $0x1C03  }
0x29c: {  	[timem:s3], [sflag:s2] =	dma.local @!p0 [hbm:s0], s1  }
0x29d: {  	s0 =	simm.s32 @!p0 $0x3  }
0x29e: {  	_ =	swait.ge @!p0 [sflag:s0], s1  }
0x29f: {  	s1 =	ssub.s32 @!p0 $0x0, s1;
	[sflag:s0] =	ssyncset.done @!p0 $0x0  }
0x2a0: {  	[sflag:s0] =	ssyncadd.s32 @!p0 s1  }
0x2a1: {  	[bflag:$0x3] =	sbarrier.arrive $0xFFFF  }
0x2a2: {  	_ =	shalt  }

</sc_bundles>
